<compile_context>
chip_gen: v7x
topology: tpu7x:2x2x1
jax: 0.10.2.dev20260603
libtpu: 0.0.44.dev20260713+nightly
codegen_flags: <defaults>
</compile_context>

<pallas_src>
import functools

import jax
import jax.numpy as jnp
from jax import lax
from jax.experimental import pallas as pl
from jax.experimental.pallas import tpu as pltpu
from jax.experimental.pallas import tpu_sc as plsc

B, C, H, W, K = 4, 96, 384, 384, 256
HW = H * W
S = K + 1
NLANE = 16
CPT = C // 8
CH_PAR = 6
CG = CPT // CH_PAR
ROWS = 8
P = ROWS * W
NCHUNK = HW // P
VPR = W // NLANE
BREG = NLANE * S
BINS_W = -(-(CG * BREG) // 128) * 128

_mesh = plsc.VectorSubcoreMesh(core_axis_name="c", subcore_axis_name="s")


@functools.partial(
    pl.kernel,
    mesh=_mesh,
    out_type=jax.ShapeDtypeStruct((B * C * K,), jnp.float32),
    scratch_types=(
        [pltpu.VMEM((P,), jnp.int32) for _ in range(2)]
        + [pltpu.VMEM((CH_PAR, ROWS, W), jnp.float32) for _ in range(2)]
        + [pltpu.VMEM((BINS_W,), jnp.float32) for _ in range(CH_PAR)]
        + [pltpu.VMEM((CPT * K,), jnp.float32)]
        + [pltpu.SemaphoreType.DMA for _ in range(2)]
    ),
    compiler_params=pltpu.CompilerParams(needs_layout_passes=False),
)
def _seg_max_kernel(x_hbm, idx_hbm, out_hbm, *refs):
    idx_bufs = refs[0:2]
    data_bufs = refs[2:4]
    bins = refs[4:4 + CH_PAR]
    res_v = refs[4 + CH_PAR]
    sems = refs[5 + CH_PAR:7 + CH_PAR]

    wid = lax.axis_index("s") * 2 + lax.axis_index("c")
    b = wid // 8
    c0 = (wid % 8) * CPT

    neg = jnp.full((NLANE,), -jnp.inf, jnp.float32)

    def init_body(i, _):
        for q in range(CH_PAR):
            bins[q][pl.ds(i * NLANE, NLANE)] = neg
        return 0

    lax.fori_loop(0, BINS_W // NLANE, init_body, 0)

    def copies(st, cg, ch):
        return [
            pltpu.make_async_copy(
                idx_hbm.at[pl.ds(b * HW + ch * P, P)], idx_bufs[st], sems[st]),
            pltpu.make_async_copy(
                x_hbm.at[b, pl.ds(c0 + cg * CH_PAR, CH_PAR),
                         pl.ds(ch * ROWS, ROWS), :],
                data_bufs[st], sems[st]),
        ]

    def start(st, cg, ch):
        for d in copies(st, cg, ch):
            d.start()

    def wait(st, cg, ch):
        for d in copies(st, cg, ch):
            d.wait()

    def compute(st, cg):
        coff = cg * BREG
        dbuf = data_bufs[st]
        ibuf = idx_bufs[st]

        def row_body(r, _):
            for u in range(VPR):
                o = u * NLANE
                vidx = ibuf[pl.ds(r * W + o, NLANE)]
                if coff:
                    vidx = vidx + coff
                vdat = [dbuf[q, r, pl.ds(o, NLANE)] for q in range(CH_PAR)]
                cur = [plsc.load_gather(bins[q], [vidx])
                       for q in range(CH_PAR)]
                for q in range(CH_PAR):
                    plsc.store_scatter(bins[q], [vidx],
                                       jnp.maximum(cur[q], vdat[q]))
            return 0

        lax.fori_loop(0, ROWS, row_body, 0)

    start(0, 0, 0)

    def chunk_body(i, _):
        start(1, 1, i)
        wait(0, 0, i)
        compute(0, 0)

        @pl.when(i + 1 < NCHUNK)
        def _():
            start(0, 0, i + 1)

        wait(1, 1, i)
        compute(1, 1)
        return 0

    lax.fori_loop(0, NCHUNK, chunk_body, 0)

    lane_iota = lax.iota(jnp.int32, NLANE)

    def red_j(j, _):
        for cg in range(CG):
            for q in range(CH_PAR):
                g = cg * BREG + j * NLANE + lane_iota
                acc = plsc.load_gather(bins[q], [g])
                for l in range(1, NLANE):
                    acc = jnp.maximum(acc, plsc.load_gather(bins[q], [g + l * S]))
                cl = cg * CH_PAR + q
                res_v[pl.ds(cl * K + j * NLANE, NLANE)] = acc
        return 0

    lax.fori_loop(0, K // NLANE, red_j, 0)
    pltpu.sync_copy(res_v, out_hbm.at[pl.ds((b * C + c0) * K, CPT * K)])


def kernel(input_features_in, label_mask, device=0):
    lab = label_mask.reshape(B, H, W)
    row = jnp.arange(H, dtype=jnp.int32)[:, None]
    col = jnp.arange(W, dtype=jnp.int32)[None, :]
    border = (row == 0) | (row == H - 1) | (col == 0) | (col == W - 1)
    lab = jnp.where(border[None], K, lab).reshape(B, HW)
    lane = (jnp.arange(HW, dtype=jnp.int32) % NLANE) * S
    idx = (lab + lane[None]).reshape(B * HW)
    return _seg_max_kernel(input_features_in, idx).reshape(B, C, K)

# --- scband reference (transcript-rebuilt; emitter-appended) ---
"""Pipeline reference for scband-superfeatures-79903571575311 (READ-ONLY COPY).

The authoritative reference and input builder live on the scoring server;
editing this copy changes nothing except your own understanding.
"""

import jax, jax.numpy as jnp
import numpy as np

B, C, H, W, K = 4, 96, 384, 384, 256

def setup_inputs(seed: int = 0) -> dict:
    key = jax.random.key(seed)
    k1, k2 = jax.random.split(key)
    x = jax.random.normal(k1, (B, C, H, W), dtype=jnp.float32)
    label_mask = jax.random.randint(k2, (B, 1, H, W), 0, K, dtype=jnp.int32)
    return {"input_features_in": x, "label_mask": label_mask, "device": 0}

def reference(input_features_in, label_mask, device=0):
    b, c = input_features_in.shape[:2]
    # expand mask across channel dim (torch .expand)
    mask_e = jnp.broadcast_to(label_mask, (b, c) + label_mask.shape[2:])
    # crop border [1:-1, 1:-1] and flatten spatial dims -> [B, C, L]
    data = input_features_in[:, :, 1:-1, 1:-1].reshape(b, c, -1)
    ids = mask_e[:, :, 1:-1, 1:-1].reshape(b, c, -1)
    # scatter_max along dim=2: offset segment ids per (b, c) slice
    offsets = (jnp.arange(b * c, dtype=ids.dtype) * K).reshape(b, c, 1)
    seg = (ids + offsets).reshape(-1)
    flat = data.reshape(-1)
    out = jax.ops.segment_max(flat, seg, num_segments=b * c * K)
    return out.reshape(b, c, K)

if __name__ == "__main__":
    import jax
    _d = setup_inputs()
    print(jax.jit(kernel)(*tuple(_d.values())))

</pallas_src>

<mosaic_0001>
#map = affine_map<(d0, d1) -> (0, 0, 0, 0)>
#map1 = affine_map<(d0, d1) -> (0)>
module attributes {stable_mosaic.version = 14 : i64} {
  func.func @_seg_max_kernel(%arg0: i32, %arg1: i32, %arg2: memref<4x96x384x384xf32, #tpu.memory_space<hbm>>, %arg3: memref<589824xi32, #tpu.memory_space<hbm>>, %arg4: memref<98304xf32, #tpu.memory_space<hbm>>, %arg5: memref<3072xi32, #tpu.memory_space<vmem>>, %arg6: memref<3072xi32, #tpu.memory_space<vmem>>, %arg7: memref<6x8x384xf32, #tpu.memory_space<vmem>>, %arg8: memref<6x8x384xf32, #tpu.memory_space<vmem>>, %arg9: memref<8320xf32, #tpu.memory_space<vmem>>, %arg10: memref<8320xf32, #tpu.memory_space<vmem>>, %arg11: memref<8320xf32, #tpu.memory_space<vmem>>, %arg12: memref<8320xf32, #tpu.memory_space<vmem>>, %arg13: memref<8320xf32, #tpu.memory_space<vmem>>, %arg14: memref<8320xf32, #tpu.memory_space<vmem>>, %arg15: memref<3072xf32, #tpu.memory_space<vmem>>, %arg16: memref<!tpu.dma_semaphore, #tpu.memory_space<semaphore_mem>>, %arg17: memref<!tpu.dma_semaphore, #tpu.memory_space<semaphore_mem>>) attributes {dimension_semantics = [#tpu.dimension_semantics<core_parallel>, #tpu.dimension_semantics<subcore_parallel>], iteration_bounds = array<i64: 2, 16>, scalar_prefetch = 0 : i64, scratch_operands = 13 : i64, tpu.core_type = #tpu.core_type<sc_vector_subcore>, window_params = [{transform_indices = #map}, {transform_indices = #map1}, {transform_indices = #map1}]} {
    %mul3A = arith.constant 2 : i32
    %mul3A_0 = arith.muli %arg1, %mul3A : i32
    %add3A = arith.addi %mul3A_0, %arg0 : i32
    %jit3A = arith.constant 8 : i32
    %div3A = arith.divsi %add3A, %jit3A : i32
    %sign3A = arith.constant 0 : i32
    %sign3A_1 = arith.cmpi sgt, %add3A, %sign3A : i32
    %sign3A_2 = arith.extui %sign3A_1 : i1 to i32
    %sign3A_3 = arith.constant 0 : i32
    %sign3A_4 = arith.cmpi slt, %add3A, %sign3A_3 : i32
    %sign3A_5 = arith.extui %sign3A_4 : i1 to i32
    %sign3A_6 = arith.subi %sign3A_2, %sign3A_5 : i32
    %sign3A_7 = arith.constant 0 : i32
    %sign3A_8 = arith.cmpi sgt, %jit3A, %sign3A_7 : i32
    %sign3A_9 = arith.extui %sign3A_8 : i1 to i32
    %sign3A_10 = arith.constant 0 : i32
    %sign3A_11 = arith.cmpi slt, %jit3A, %sign3A_10 : i32
    %sign3A_12 = arith.extui %sign3A_11 : i1 to i32
    %sign3A_13 = arith.subi %sign3A_9, %sign3A_12 : i32
    %ne3A = arith.cmpi ne, %sign3A_6, %sign3A_13 : i32
    %rem3A = arith.remsi %add3A, %jit3A : i32
    %ne3A_14 = arith.constant 0 : i32
    %ne3A_15 = arith.cmpi ne, %rem3A, %ne3A_14 : i32
    %and3A = arith.andi %ne3A, %ne3A_15 : i1
    %sub3A = arith.constant 1 : i32
    %sub3A_16 = arith.subi %div3A, %sub3A : i32
    %select_n3A = arith.select %and3A, %sub3A_16, %div3A : i32
    %jit3A_17 = arith.constant 8 : i32
    %eq3A = arith.constant 0 : i32
    %eq3A_18 = arith.cmpi eq, %jit3A_17, %eq3A : i32
    %jit3A_19 = arith.constant 1 : i32
    %select_n3A_20 = arith.select %eq3A_18, %jit3A_19, %jit3A_17 : i32
    %rem3A_21 = arith.remsi %add3A, %select_n3A_20 : i32
    %ne3A_22 = arith.constant 0 : i32
    %ne3A_23 = arith.cmpi ne, %rem3A_21, %ne3A_22 : i32
    %lt3A = arith.constant 0 : i32
    %lt3A_24 = arith.cmpi slt, %rem3A_21, %lt3A : i32
    %lt3A_25 = arith.constant 0 : i32
    %lt3A_26 = arith.cmpi slt, %select_n3A_20, %lt3A_25 : i32
    %ne3A_27 = arith.xori %lt3A_24, %lt3A_26 : i1
    %and3A_28 = arith.andi %ne3A_27, %ne3A_23 : i1
    %add3A_29 = arith.addi %rem3A_21, %select_n3A_20 : i32
    %select_n3A_30 = arith.select %and3A_28, %add3A_29, %rem3A_21 : i32
    %mul3A_31 = arith.constant 12 : i32
    %mul3A_32 = arith.muli %select_n3A_30, %mul3A_31 : i32
    %broadcast_in_dim3A = arith.constant 0xFF800000 : f32
    %broadcast_in_dim3A_33 = vector.broadcast %broadcast_in_dim3A : f32 to vector<16xf32>
    %scan3A = arith.constant 0 : i32
    %scan3A_34 = arith.constant 0 : i32
    %scan3A_35 = arith.constant 520 : i32
    %scan3A_36 = arith.addi %scan3A_34, %scan3A_35 : i32
    %scan3A_37 = arith.constant 1 : i32
    %scan3A_38 = scf.for %scan3A_74 = %scan3A_34 to %scan3A_36 step %scan3A_37 iter_args(%scan3A_75 = %scan3A) -> (i32)  : i32 {
      %mul3A_76 = arith.constant 16 : i32
      %mul3A_77 = arith.muli %scan3A_74, %mul3A_76 : i32
      %swap3A = arith.index_cast %mul3A_77 : i32 to index
      %swap3A_78 = tpu.vector_load %arg9[%swap3A] {strides = array<i32>} : memref<8320xf32, #tpu.memory_space<vmem>>, vector<16xf32>,
      tpu.vector_store %arg9[%swap3A], %broadcast_in_dim3A_33 {strides = array<i32>} : memref<8320xf32, #tpu.memory_space<vmem>>, vector<16xf32>,
      %mul3A_79 = arith.constant 16 : i32
      %mul3A_80 = arith.muli %scan3A_74, %mul3A_79 : i32
      %swap3A_81 = arith.index_cast %mul3A_80 : i32 to index
      %swap3A_82 = tpu.vector_load %arg10[%swap3A_81] {strides = array<i32>} : memref<8320xf32, #tpu.memory_space<vmem>>, vector<16xf32>,
      tpu.vector_store %arg10[%swap3A_81], %broadcast_in_dim3A_33 {strides = array<i32>} : memref<8320xf32, #tpu.memory_space<vmem>>, vector<16xf32>,
      %mul3A_83 = arith.constant 16 : i32
      %mul3A_84 = arith.muli %scan3A_74, %mul3A_83 : i32
      %swap3A_85 = arith.index_cast %mul3A_84 : i32 to index
      %swap3A_86 = tpu.vector_load %arg11[%swap3A_85] {strides = array<i32>} : memref<8320xf32, #tpu.memory_space<vmem>>, vector<16xf32>,
      tpu.vector_store %arg11[%swap3A_85], %broadcast_in_dim3A_33 {strides = array<i32>} : memref<8320xf32, #tpu.memory_space<vmem>>, vector<16xf32>,
      %mul3A_87 = arith.constant 16 : i32
      %mul3A_88 = arith.muli %scan3A_74, %mul3A_87 : i32
      %swap3A_89 = arith.index_cast %mul3A_88 : i32 to index
      %swap3A_90 = tpu.vector_load %arg12[%swap3A_89] {strides = array<i32>} : memref<8320xf32, #tpu.memory_space<vmem>>, vector<16xf32>,
      tpu.vector_store %arg12[%swap3A_89], %broadcast_in_dim3A_33 {strides = array<i32>} : memref<8320xf32, #tpu.memory_space<vmem>>, vector<16xf32>,
      %mul3A_91 = arith.constant 16 : i32
      %mul3A_92 = arith.muli %scan3A_74, %mul3A_91 : i32
      %swap3A_93 = arith.index_cast %mul3A_92 : i32 to index
      %swap3A_94 = tpu.vector_load %arg13[%swap3A_93] {strides = array<i32>} : memref<8320xf32, #tpu.memory_space<vmem>>, vector<16xf32>,
      tpu.vector_store %arg13[%swap3A_93], %broadcast_in_dim3A_33 {strides = array<i32>} : memref<8320xf32, #tpu.memory_space<vmem>>, vector<16xf32>,
      %mul3A_95 = arith.constant 16 : i32
      %mul3A_96 = arith.muli %scan3A_74, %mul3A_95 : i32
      %swap3A_97 = arith.index_cast %mul3A_96 : i32 to index
      %swap3A_98 = tpu.vector_load %arg14[%swap3A_97] {strides = array<i32>} : memref<8320xf32, #tpu.memory_space<vmem>>, vector<16xf32>,
      tpu.vector_store %arg14[%swap3A_97], %broadcast_in_dim3A_33 {strides = array<i32>} : memref<8320xf32, #tpu.memory_space<vmem>>, vector<16xf32>,
      %scan3A_99 = arith.constant 0 : i32
      scf.yield %scan3A_99 : i32
    }
    %scan3A_39 = arith.constant 520 : i32
    %mul3A_40 = arith.constant 147456 : i32
    %mul3A_41 = arith.muli %select_n3A, %mul3A_40 : i32
    %add3A_42 = arith.constant 0 : i32
    %add3A_43 = arith.addi %mul3A_41, %add3A_42 : i32
    %add3A_44 = arith.constant 0 : i32
    %add3A_45 = arith.addi %mul3A_32, %add3A_44 : i32
    %dma_start3A = tpu.memref_slice %arg3[%add3A_43] : memref<589824xi32, #tpu.memory_space<hbm>> -> memref<3072xi32, #tpu.memory_space<hbm>>
    %dma_start3A_46 = tpu.memref_slice %arg3[%add3A_43] : memref<589824xi32, #tpu.memory_space<hbm>> -> memref<3072xi32, #tpu.memory_space<hbm>>
    tpu.enqueue_dma source(%dma_start3A_46 : memref<3072xi32, #tpu.memory_space<hbm>>) target(%arg5 : memref<3072xi32, #tpu.memory_space<vmem>>) target_semaphore(%arg16 : memref<!tpu.dma_semaphore, #tpu.memory_space<semaphore_mem>>)
    %dma_start3A_47 = arith.constant 0 : i32
    %dma_start3A_48 = arith.constant 0 : i32
    %dma_start3A_49 = tpu.memref_slice %arg2[%select_n3A, %add3A_45, %dma_start3A_47, %dma_start3A_48] : memref<4x96x384x384xf32, #tpu.memory_space<hbm>> -> memref<1x6x8x384xf32, #tpu.memory_space<hbm>>
    %dma_start3A_50 = tpu.memref_squeeze %dma_start3A_49 : memref<1x6x8x384xf32, #tpu.memory_space<hbm>> -> memref<6x8x384xf32, #tpu.memory_space<hbm>>
    %dma_start3A_51 = arith.constant 0 : i32
    %dma_start3A_52 = arith.constant 0 : i32
    %dma_start3A_53 = tpu.memref_slice %arg2[%select_n3A, %add3A_45, %dma_start3A_51, %dma_start3A_52] : memref<4x96x384x384xf32, #tpu.memory_space<hbm>> -> memref<1x6x8x384xf32, #tpu.memory_space<hbm>>
    %dma_start3A_54 = tpu.memref_squeeze %dma_start3A_53 : memref<1x6x8x384xf32, #tpu.memory_space<hbm>> -> memref<6x8x384xf32, #tpu.memory_space<hbm>>
    tpu.enqueue_dma source(%dma_start3A_54 : memref<6x8x384xf32, #tpu.memory_space<hbm>>) target(%arg7 : memref<6x8x384xf32, #tpu.memory_space<vmem>>) target_semaphore(%arg16 : memref<!tpu.dma_semaphore, #tpu.memory_space<semaphore_mem>>)
    %scan3A_55 = arith.constant 0 : i32
    %scan3A_56 = arith.constant 0 : i32
    %scan3A_57 = arith.constant 48 : i32
    %scan3A_58 = arith.addi %scan3A_56, %scan3A_57 : i32
    %scan3A_59 = arith.constant 1 : i32
    %scan3A_60 = scf.for %scan3A_74 = %scan3A_56 to %scan3A_58 step %scan3A_59 iter_args(%scan3A_75 = %scan3A_55) -> (i32)  : i32 {
      %mul3A_76 = arith.constant 147456 : i32
      %mul3A_77 = arith.muli %select_n3A, %mul3A_76 : i32
      %mul3A_78 = arith.constant 3072 : i32
      %mul3A_79 = arith.muli %scan3A_74, %mul3A_78 : i32
      %add3A_80 = arith.addi %mul3A_77, %mul3A_79 : i32
      %add3A_81 = arith.constant 6 : i32
      %add3A_82 = arith.addi %mul3A_32, %add3A_81 : i32
      %mul3A_83 = arith.constant 8 : i32
      %mul3A_84 = arith.muli %scan3A_74, %mul3A_83 : i32
      %dma_start3A_85 = tpu.memref_slice %arg3[%add3A_80] : memref<589824xi32, #tpu.memory_space<hbm>> -> memref<3072xi32, #tpu.memory_space<hbm>>
      %dma_start3A_86 = tpu.memref_slice %arg3[%add3A_80] : memref<589824xi32, #tpu.memory_space<hbm>> -> memref<3072xi32, #tpu.memory_space<hbm>>
      tpu.enqueue_dma source(%dma_start3A_86 : memref<3072xi32, #tpu.memory_space<hbm>>) target(%arg6 : memref<3072xi32, #tpu.memory_space<vmem>>) target_semaphore(%arg17 : memref<!tpu.dma_semaphore, #tpu.memory_space<semaphore_mem>>)
      %dma_start3A_87 = arith.constant 0 : i32
      %dma_start3A_88 = tpu.memref_slice %arg2[%select_n3A, %add3A_82, %mul3A_84, %dma_start3A_87] : memref<4x96x384x384xf32, #tpu.memory_space<hbm>> -> memref<1x6x8x384xf32, #tpu.memory_space<hbm>>
      %dma_start3A_89 = tpu.memref_squeeze %dma_start3A_88 : memref<1x6x8x384xf32, #tpu.memory_space<hbm>> -> memref<6x8x384xf32, #tpu.memory_space<hbm>>
      %dma_start3A_90 = arith.constant 0 : i32
      %dma_start3A_91 = tpu.memref_slice %arg2[%select_n3A, %add3A_82, %mul3A_84, %dma_start3A_90] : memref<4x96x384x384xf32, #tpu.memory_space<hbm>> -> memref<1x6x8x384xf32, #tpu.memory_space<hbm>>
      %dma_start3A_92 = tpu.memref_squeeze %dma_start3A_91 : memref<1x6x8x384xf32, #tpu.memory_space<hbm>> -> memref<6x8x384xf32, #tpu.memory_space<hbm>>
      tpu.enqueue_dma source(%dma_start3A_92 : memref<6x8x384xf32, #tpu.memory_space<hbm>>) target(%arg8 : memref<6x8x384xf32, #tpu.memory_space<vmem>>) target_semaphore(%arg17 : memref<!tpu.dma_semaphore, #tpu.memory_space<semaphore_mem>>)
      %mul3A_93 = arith.constant 147456 : i32
      %mul3A_94 = arith.muli %select_n3A, %mul3A_93 : i32
      %mul3A_95 = arith.constant 3072 : i32
      %mul3A_96 = arith.muli %scan3A_74, %mul3A_95 : i32
      %add3A_97 = arith.addi %mul3A_94, %mul3A_96 : i32
      %add3A_98 = arith.constant 0 : i32
      %add3A_99 = arith.addi %mul3A_32, %add3A_98 : i32
      %mul3A_100 = arith.constant 8 : i32
      %mul3A_101 = arith.muli %scan3A_74, %mul3A_100 : i32
      %dma_wait3A = tpu.memref_slice %arg3[%add3A_97] : memref<589824xi32, #tpu.memory_space<hbm>> -> memref<3072xi32, #tpu.memory_space<hbm>>
      %dma_wait3A_102 = tpu.memref_slice %arg3[%add3A_97] : memref<589824xi32, #tpu.memory_space<hbm>> -> memref<3072xi32, #tpu.memory_space<hbm>>
      tpu.wait_dma2 semaphore(%arg16 : memref<!tpu.dma_semaphore, #tpu.memory_space<semaphore_mem>>) src(%dma_wait3A_102 : memref<3072xi32, #tpu.memory_space<hbm>>) dst(%arg5 : memref<3072xi32, #tpu.memory_space<vmem>>)
      %dma_wait3A_103 = arith.constant 0 : i32
      %dma_wait3A_104 = tpu.memref_slice %arg2[%select_n3A, %add3A_99, %mul3A_101, %dma_wait3A_103] : memref<4x96x384x384xf32, #tpu.memory_space<hbm>> -> memref<1x6x8x384xf32, #tpu.memory_space<hbm>>
      %dma_wait3A_105 = tpu.memref_squeeze %dma_wait3A_104 : memref<1x6x8x384xf32, #tpu.memory_space<hbm>> -> memref<6x8x384xf32, #tpu.memory_space<hbm>>
      %dma_wait3A_106 = arith.constant 0 : i32
      %dma_wait3A_107 = tpu.memref_slice %arg2[%select_n3A, %add3A_99, %mul3A_101, %dma_wait3A_106] : memref<4x96x384x384xf32, #tpu.memory_space<hbm>> -> memref<1x6x8x384xf32, #tpu.memory_space<hbm>>
      %dma_wait3A_108 = tpu.memref_squeeze %dma_wait3A_107 : memref<1x6x8x384xf32, #tpu.memory_space<hbm>> -> memref<6x8x384xf32, #tpu.memory_space<hbm>>
      tpu.wait_dma2 semaphore(%arg16 : memref<!tpu.dma_semaphore, #tpu.memory_space<semaphore_mem>>) src(%dma_wait3A_108 : memref<6x8x384xf32, #tpu.memory_space<hbm>>) dst(%arg7 : memref<6x8x384xf32, #tpu.memory_space<vmem>>)
      %scan3A_109 = arith.constant 0 : i32
      %scan3A_110 = arith.constant 0 : i32
      %scan3A_111 = arith.constant 8 : i32
      %scan3A_112 = arith.addi %scan3A_110, %scan3A_111 : i32
      %scan3A_113 = arith.constant 1 : i32
      %scan3A_114 = scf.for %scan3A_146 = %scan3A_110 to %scan3A_112 step %scan3A_113 iter_args(%scan3A_147 = %scan3A_109) -> (i32)  : i32 {
        %mul3A_148 = arith.constant 384 : i32
        %mul3A_149 = arith.muli %scan3A_146, %mul3A_148 : i32
        %add3A_150 = arith.constant 0 : i32
        %add3A_151 = arith.addi %mul3A_149, %add3A_150 : i32
        %get3A = arith.index_cast %add3A_151 : i32 to index
        %get3A_152 = tpu.vector_load %arg5[%get3A] {strides = array<i32>} : memref<3072xi32, #tpu.memory_space<vmem>>, vector<16xi32>,
        %get3A_153 = arith.constant 0 : i32
        %get3A_154 = arith.index_cast %get3A_153 : i32 to index
        %get3A_155 = arith.index_cast %scan3A_146 : i32 to index
        %get3A_156 = arith.constant 0 : index
        %get3A_157 = tpu.vector_load %arg7[%get3A_154, %get3A_155, %get3A_156] {strides = array<i32>} : memref<6x8x384xf32, #tpu.memory_space<vmem>>, vector<16xf32>,
        %get3A_158 = arith.constant 1 : i32
        %get3A_159 = arith.index_cast %get3A_158 : i32 to index
        %get3A_160 = arith.index_cast %scan3A_146 : i32 to index
        %get3A_161 = arith.constant 0 : index
        %get3A_162 = tpu.vector_load %arg7[%get3A_159, %get3A_160, %get3A_161] {strides = array<i32>} : memref<6x8x384xf32, #tpu.memory_space<vmem>>, vector<16xf32>,
        %get3A_163 = arith.constant 2 : i32
        %get3A_164 = arith.index_cast %get3A_163 : i32 to index
        %get3A_165 = arith.index_cast %scan3A_146 : i32 to index
        %get3A_166 = arith.constant 0 : index
        %get3A_167 = tpu.vector_load %arg7[%get3A_164, %get3A_165, %get3A_166] {strides = array<i32>} : memref<6x8x384xf32, #tpu.memory_space<vmem>>, vector<16xf32>,
        %get3A_168 = arith.constant 3 : i32
        %get3A_169 = arith.index_cast %get3A_168 : i32 to index
        %get3A_170 = arith.index_cast %scan3A_146 : i32 to index
        %get3A_171 = arith.constant 0 : index
        %get3A_172 = tpu.vector_load %arg7[%get3A_169, %get3A_170, %get3A_171] {strides = array<i32>} : memref<6x8x384xf32, #tpu.memory_space<vmem>>, vector<16xf32>,
        %get3A_173 = arith.constant 4 : i32
        %get3A_174 = arith.index_cast %get3A_173 : i32 to index
        %get3A_175 = arith.index_cast %scan3A_146 : i32 to index
        %get3A_176 = arith.constant 0 : index
        %get3A_177 = tpu.vector_load %arg7[%get3A_174, %get3A_175, %get3A_176] {strides = array<i32>} : memref<6x8x384xf32, #tpu.memory_space<vmem>>, vector<16xf32>,
        %get3A_178 = arith.constant 5 : i32
        %get3A_179 = arith.index_cast %get3A_178 : i32 to index
        %get3A_180 = arith.index_cast %scan3A_146 : i32 to index
        %get3A_181 = arith.constant 0 : index
        %get3A_182 = tpu.vector_load %arg7[%get3A_179, %get3A_180, %get3A_181] {strides = array<i32>} : memref<6x8x384xf32, #tpu.memory_space<vmem>>, vector<16xf32>,
        %gather3A = tpu.vector_load_idx %arg9[%get3A_152] : memref<8320xf32, #tpu.memory_space<vmem>>[vector<16xi32>], vector<16xf32>,
        %gather3A_183 = tpu.vector_load_idx %arg10[%get3A_152] : memref<8320xf32, #tpu.memory_space<vmem>>[vector<16xi32>], vector<16xf32>,
        %gather3A_184 = tpu.vector_load_idx %arg11[%get3A_152] : memref<8320xf32, #tpu.memory_space<vmem>>[vector<16xi32>], vector<16xf32>,
        %gather3A_185 = tpu.vector_load_idx %arg12[%get3A_152] : memref<8320xf32, #tpu.memory_space<vmem>>[vector<16xi32>], vector<16xf32>,
        %gather3A_186 = tpu.vector_load_idx %arg13[%get3A_152] : memref<8320xf32, #tpu.memory_space<vmem>>[vector<16xi32>], vector<16xf32>,
        %gather3A_187 = tpu.vector_load_idx %arg14[%get3A_152] : memref<8320xf32, #tpu.memory_space<vmem>>[vector<16xi32>], vector<16xf32>,
        %max3A = arith.maximumf %gather3A, %get3A_157 : vector<16xf32>
        tpu.vector_store_idx %arg9[%get3A_152], %max3A : memref<8320xf32, #tpu.memory_space<vmem>>[vector<16xi32>], vector<16xf32>,
        %max3A_188 = arith.maximumf %gather3A_183, %get3A_162 : vector<16xf32>
        tpu.vector_store_idx %arg10[%get3A_152], %max3A_188 : memref<8320xf32, #tpu.memory_space<vmem>>[vector<16xi32>], vector<16xf32>,
        %max3A_189 = arith.maximumf %gather3A_184, %get3A_167 : vector<16xf32>
        tpu.vector_store_idx %arg11[%get3A_152], %max3A_189 : memref<8320xf32, #tpu.memory_space<vmem>>[vector<16xi32>], vector<16xf32>,
        %max3A_190 = arith.maximumf %gather3A_185, %get3A_172 : vector<16xf32>
        tpu.vector_store_idx %arg12[%get3A_152], %max3A_190 : memref<8320xf32, #tpu.memory_space<vmem>>[vector<16xi32>], vector<16xf32>,
        %max3A_191 = arith.maximumf %gather3A_186, %get3A_177 : vector<16xf32>
        tpu.vector_store_idx %arg13[%get3A_152], %max3A_191 : memref<8320xf32, #tpu.memory_space<vmem>>[vector<16xi32>], vector<16xf32>,
        %max3A_192 = arith.maximumf %gather3A_187, %get3A_182 : vector<16xf32>
        tpu.vector_store_idx %arg14[%get3A_152], %max3A_192 : memref<8320xf32, #tpu.memory_space<vmem>>[vector<16xi32>], vector<16xf32>,
        %mul3A_193 = arith.constant 384 : i32
        %mul3A_194 = arith.muli %scan3A_146, %mul3A_193 : i32
        %add3A_195 = arith.constant 16 : i32
        %add3A_196 = arith.addi %mul3A_194, %add3A_195 : i32
        %get3A_197 = arith.index_cast %add3A_196 : i32 to index
        %get3A_198 = tpu.vector_load %arg5[%get3A_197] {strides = array<i32>} : memref<3072xi32, #tpu.memory_space<vmem>>, vector<16xi32>,
        %get3A_199 = arith.constant 0 : i32
        %get3A_200 = arith.index_cast %get3A_199 : i32 to index
        %get3A_201 = arith.index_cast %scan3A_146 : i32 to index
        %get3A_202 = arith.constant 16 : index
        %get3A_203 = tpu.vector_load %arg7[%get3A_200, %get3A_201, %get3A_202] {strides = array<i32>} : memref<6x8x384xf32, #tpu.memory_space<vmem>>, vector<16xf32>,
        %get3A_204 = arith.constant 1 : i32
        %get3A_205 = arith.index_cast %get3A_204 : i32 to index
        %get3A_206 = arith.index_cast %scan3A_146 : i32 to index
        %get3A_207 = arith.constant 16 : index
        %get3A_208 = tpu.vector_load %arg7[%get3A_205, %get3A_206, %get3A_207] {strides = array<i32>} : memref<6x8x384xf32, #tpu.memory_space<vmem>>, vector<16xf32>,
        %get3A_209 = arith.constant 2 : i32
        %get3A_210 = arith.index_cast %get3A_209 : i32 to index
        %get3A_211 = arith.index_cast %scan3A_146 : i32 to index
        %get3A_212 = arith.constant 16 : index
        %get3A_213 = tpu.vector_load %arg7[%get3A_210, %get3A_211, %get3A_212] {strides = array<i32>} : memref<6x8x384xf32, #tpu.memory_space<vmem>>, vector<16xf32>,
        %get3A_214 = arith.constant 3 : i32
        %get3A_215 = arith.index_cast %get3A_214 : i32 to index
        %get3A_216 = arith.index_cast %scan3A_146 : i32 to index
        %get3A_217 = arith.constant 16 : index
        %get3A_218 = tpu.vector_load %arg7[%get3A_215, %get3A_216, %get3A_217] {strides = array<i32>} : memref<6x8x384xf32, #tpu.memory_space<vmem>>, vector<16xf32>,
        %get3A_219 = arith.constant 4 : i32
        %get3A_220 = arith.index_cast %get3A_219 : i32 to index
        %get3A_221 = arith.index_cast %scan3A_146 : i32 to index
        %get3A_222 = arith.constant 16 : index
        %get3A_223 = tpu.vector_load %arg7[%get3A_220, %get3A_221, %get3A_222] {strides = array<i32>} : memref<6x8x384xf32, #tpu.memory_space<vmem>>, vector<16xf32>,
        %get3A_224 = arith.constant 5 : i32
        %get3A_225 = arith.index_cast %get3A_224 : i32 to index
        %get3A_226 = arith.index_cast %scan3A_146 : i32 to index
        %get3A_227 = arith.constant 16 : index
        %get3A_228 = tpu.vector_load %arg7[%get3A_225, %get3A_226, %get3A_227] {strides = array<i32>} : memref<6x8x384xf32, #tpu.memory_space<vmem>>, vector<16xf32>,
        %gather3A_229 = tpu.vector_load_idx %arg9[%get3A_198] : memref<8320xf32, #tpu.memory_space<vmem>>[vector<16xi32>], vector<16xf32>,
        %gather3A_230 = tpu.vector_load_idx %arg10[%get3A_198] : memref<8320xf32, #tpu.memory_space<vmem>>[vector<16xi32>], vector<16xf32>,
        %gather3A_231 = tpu.vector_load_idx %arg11[%get3A_198] : memref<8320xf32, #tpu.memory_space<vmem>>[vector<16xi32>], vector<16xf32>,
        %gather3A_232 = tpu.vector_load_idx %arg12[%get3A_198] : memref<8320xf32, #tpu.memory_space<vmem>>[vector<16xi32>], vector<16xf32>,
        %gather3A_233 = tpu.vector_load_idx %arg13[%get3A_198] : memref<8320xf32, #tpu.memory_space<vmem>>[vector<16xi32>], vector<16xf32>,
        %gather3A_234 = tpu.vector_load_idx %arg14[%get3A_198] : memref<8320xf32, #tpu.memory_space<vmem>>[vector<16xi32>], vector<16xf32>,
        %max3A_235 = arith.maximumf %gather3A_229, %get3A_203 : vector<16xf32>
        tpu.vector_store_idx %arg9[%get3A_198], %max3A_235 : memref<8320xf32, #tpu.memory_space<vmem>>[vector<16xi32>], vector<16xf32>,
        %max3A_236 = arith.maximumf %gather3A_230, %get3A_208 : vector<16xf32>
        tpu.vector_store_idx %arg10[%get3A_198], %max3A_236 : memref<8320xf32, #tpu.memory_space<vmem>>[vector<16xi32>], vector<16xf32>,
        %max3A_237 = arith.maximumf %gather3A_231, %get3A_213 : vector<16xf32>
        tpu.vector_store_idx %arg11[%get3A_198], %max3A_237 : memref<8320xf32, #tpu.memory_space<vmem>>[vector<16xi32>], vector<16xf32>,
        %max3A_238 = arith.maximumf %gather3A_232, %get3A_218 : vector<16xf32>
        tpu.vector_store_idx %arg12[%get3A_198], %max3A_238 : memref<8320xf32, #tpu.memory_space<vmem>>[vector<16xi32>], vector<16xf32>,
        %max3A_239 = arith.maximumf %gather3A_233, %get3A_223 : vector<16xf32>
        tpu.vector_store_idx %arg13[%get3A_198], %max3A_239 : memref<8320xf32, #tpu.memory_space<vmem>>[vector<16xi32>], vector<16xf32>,
        %max3A_240 = arith.maximumf %gather3A_234, %get3A_228 : vector<16xf32>
        tpu.vector_store_idx %arg14[%get3A_198], %max3A_240 : memref<8320xf32, #tpu.memory_space<vmem>>[vector<16xi32>], vector<16xf32>,
        %mul3A_241 = arith.constant 384 : i32
        %mul3A_242 = arith.muli %scan3A_146, %mul3A_241 : i32
        %add3A_243 = arith.constant 32 : i32
        %add3A_244 = arith.addi %mul3A_242, %add3A_243 : i32
        %get3A_245 = arith.index_cast %add3A_244 : i32 to index
        %get3A_246 = tpu.vector_load %arg5[%get3A_245] {strides = array<i32>} : memref<3072xi32, #tpu.memory_space<vmem>>, vector<16xi32>,
        %get3A_247 = arith.constant 0 : i32
        %get3A_248 = arith.index_cast %get3A_247 : i32 to index
        %get3A_249 = arith.index_cast %scan3A_146 : i32 to index
        %get3A_250 = arith.constant 32 : index
        %get3A_251 = tpu.vector_load %arg7[%get3A_248, %get3A_249, %get3A_250] {strides = array<i32>} : memref<6x8x384xf32, #tpu.memory_space<vmem>>, vector<16xf32>,
        %get3A_252 = arith.constant 1 : i32
        %get3A_253 = arith.index_cast %get3A_252 : i32 to index
        %get3A_254 = arith.index_cast %scan3A_146 : i32 to index
        %get3A_255 = arith.constant 32 : index
        %get3A_256 = tpu.vector_load %arg7[%get3A_253, %get3A_254, %get3A_255] {strides = array<i32>} : memref<6x8x384xf32, #tpu.memory_space<vmem>>, vector<16xf32>,
        %get3A_257 = arith.constant 2 : i32
        %get3A_258 = arith.index_cast %get3A_257 : i32 to index
        %get3A_259 = arith.index_cast %scan3A_146 : i32 to index
        %get3A_260 = arith.constant 32 : index
        %get3A_261 = tpu.vector_load %arg7[%get3A_258, %get3A_259, %get3A_260] {strides = array<i32>} : memref<6x8x384xf32, #tpu.memory_space<vmem>>, vector<16xf32>,
        %get3A_262 = arith.constant 3 : i32
        %get3A_263 = arith.index_cast %get3A_262 : i32 to index
        %get3A_264 = arith.index_cast %scan3A_146 : i32 to index
        %get3A_265 = arith.constant 32 : index
        %get3A_266 = tpu.vector_load %arg7[%get3A_263, %get3A_264, %get3A_265] {strides = array<i32>} : memref<6x8x384xf32, #tpu.memory_space<vmem>>, vector<16xf32>,
        %get3A_267 = arith.constant 4 : i32
        %get3A_268 = arith.index_cast %get3A_267 : i32 to index
        %get3A_269 = arith.index_cast %scan3A_146 : i32 to index
        %get3A_270 = arith.constant 32 : index
        %get3A_271 = tpu.vector_load %arg7[%get3A_268, %get3A_269, %get3A_270] {strides = array<i32>} : memref<6x8x384xf32, #tpu.memory_space<vmem>>, vector<16xf32>,
        %get3A_272 = arith.constant 5 : i32
        %get3A_273 = arith.index_cast %get3A_272 : i32 to index
        %get3A_274 = arith.index_cast %scan3A_146 : i32 to index
        %get3A_275 = arith.constant 32 : index
        %get3A_276 = tpu.vector_load %arg7[%get3A_273, %get3A_274, %get3A_275] {strides = array<i32>} : memref<6x8x384xf32, #tpu.memory_space<vmem>>, vector<16xf32>,
        %gather3A_277 = tpu.vector_load_idx %arg9[%get3A_246] : memref<8320xf32, #tpu.memory_space<vmem>>[vector<16xi32>], vector<16xf32>,
        %gather3A_278 = tpu.vector_load_idx %arg10[%get3A_246] : memref<8320xf32, #tpu.memory_space<vmem>>[vector<16xi32>], vector<16xf32>,
        %gather3A_279 = tpu.vector_load_idx %arg11[%get3A_246] : memref<8320xf32, #tpu.memory_space<vmem>>[vector<16xi32>], vector<16xf32>,
        %gather3A_280 = tpu.vector_load_idx %arg12[%get3A_246] : memref<8320xf32, #tpu.memory_space<vmem>>[vector<16xi32>], vector<16xf32>,
        %gather3A_281 = tpu.vector_load_idx %arg13[%get3A_246] : memref<8320xf32, #tpu.memory_space<vmem>>[vector<16xi32>], vector<16xf32>,
        %gather3A_282 = tpu.vector_load_idx %arg14[%get3A_246] : memref<8320xf32, #tpu.memory_space<vmem>>[vector<16xi32>], vector<16xf32>,
        %max3A_283 = arith.maximumf %gather3A_277, %get3A_251 : vector<16xf32>
        tpu.vector_store_idx %arg9[%get3A_246], %max3A_283 : memref<8320xf32, #tpu.memory_space<vmem>>[vector<16xi32>], vector<16xf32>,
        %max3A_284 = arith.maximumf %gather3A_278, %get3A_256 : vector<16xf32>
        tpu.vector_store_idx %arg10[%get3A_246], %max3A_284 : memref<8320xf32, #tpu.memory_space<vmem>>[vector<16xi32>], vector<16xf32>,
        %max3A_285 = arith.maximumf %gather3A_279, %get3A_261 : vector<16xf32>
        tpu.vector_store_idx %arg11[%get3A_246], %max3A_285 : memref<8320xf32, #tpu.memory_space<vmem>>[vector<16xi32>], vector<16xf32>,
        %max3A_286 = arith.maximumf %gather3A_280, %get3A_266 : vector<16xf32>
        tpu.vector_store_idx %arg12[%get3A_246], %max3A_286 : memref<8320xf32, #tpu.memory_space<vmem>>[vector<16xi32>], vector<16xf32>,
        %max3A_287 = arith.maximumf %gather3A_281, %get3A_271 : vector<16xf32>
        tpu.vector_store_idx %arg13[%get3A_246], %max3A_287 : memref<8320xf32, #tpu.memory_space<vmem>>[vector<16xi32>], vector<16xf32>,
        %max3A_288 = arith.maximumf %gather3A_282, %get3A_276 : vector<16xf32>
        tpu.vector_store_idx %arg14[%get3A_246], %max3A_288 : memref<8320xf32, #tpu.memory_space<vmem>>[vector<16xi32>], vector<16xf32>,
        %mul3A_289 = arith.constant 384 : i32
        %mul3A_290 = arith.muli %scan3A_146, %mul3A_289 : i32
        %add3A_291 = arith.constant 48 : i32
        %add3A_292 = arith.addi %mul3A_290, %add3A_291 : i32
        %get3A_293 = arith.index_cast %add3A_292 : i32 to index
        %get3A_294 = tpu.vector_load %arg5[%get3A_293] {strides = array<i32>} : memref<3072xi32, #tpu.memory_space<vmem>>, vector<16xi32>,
        %get3A_295 = arith.constant 0 : i32
        %get3A_296 = arith.index_cast %get3A_295 : i32 to index
        %get3A_297 = arith.index_cast %scan3A_146 : i32 to index
        %get3A_298 = arith.constant 48 : index
        %get3A_299 = tpu.vector_load %arg7[%get3A_296, %get3A_297, %get3A_298] {strides = array<i32>} : memref<6x8x384xf32, #tpu.memory_space<vmem>>, vector<16xf32>,
        %get3A_300 = arith.constant 1 : i32
        %get3A_301 = arith.index_cast %get3A_300 : i32 to index
        %get3A_302 = arith.index_cast %scan3A_146 : i32 to index
        %get3A_303 = arith.constant 48 : index
        %get3A_304 = tpu.vector_load %arg7[%get3A_301, %get3A_302, %get3A_303] {strides = array<i32>} : memref<6x8x384xf32, #tpu.memory_space<vmem>>, vector<16xf32>,
        %get3A_305 = arith.constant 2 : i32
        %get3A_306 = arith.index_cast %get3A_305 : i32 to index
        %get3A_307 = arith.index_cast %scan3A_146 : i32 to index
        %get3A_308 = arith.constant 48 : index
        %get3A_309 = tpu.vector_load %arg7[%get3A_306, %get3A_307, %get3A_308] {strides = array<i32>} : memref<6x8x384xf32, #tpu.memory_space<vmem>>, vector<16xf32>,
        %get3A_310 = arith.constant 3 : i32
        %get3A_311 = arith.index_cast %get3A_310 : i32 to index
        %get3A_312 = arith.index_cast %scan3A_146 : i32 to index
        %get3A_313 = arith.constant 48 : index
        %get3A_314 = tpu.vector_load %arg7[%get3A_311, %get3A_312, %get3A_313] {strides = array<i32>} : memref<6x8x384xf32, #tpu.memory_space<vmem>>, vector<16xf32>,
        %get3A_315 = arith.constant 4 : i32
        %get3A_316 = arith.index_cast %get3A_315 : i32 to index
        %get3A_317 = arith.index_cast %scan3A_146 : i32 to index
        %get3A_318 = arith.constant 48 : index
        %get3A_319 = tpu.vector_load %arg7[%get3A_316, %get3A_317, %get3A_318] {strides = array<i32>} : memref<6x8x384xf32, #tpu.memory_space<vmem>>, vector<16xf32>,
        %get3A_320 = arith.constant 5 : i32
        %get3A_321 = arith.index_cast %get3A_320 : i32 to index
        %get3A_322 = arith.index_cast %scan3A_146 : i32 to index
        %get3A_323 = arith.constant 48 : index
        %get3A_324 = tpu.vector_load %arg7[%get3A_321, %get3A_322, %get3A_323] {strides = array<i32>} : memref<6x8x384xf32, #tpu.memory_space<vmem>>, vector<16xf32>,
        %gather3A_325 = tpu.vector_load_idx %arg9[%get3A_294] : memref<8320xf32, #tpu.memory_space<vmem>>[vector<16xi32>], vector<16xf32>,
        %gather3A_326 = tpu.vector_load_idx %arg10[%get3A_294] : memref<8320xf32, #tpu.memory_space<vmem>>[vector<16xi32>], vector<16xf32>,
        %gather3A_327 = tpu.vector_load_idx %arg11[%get3A_294] : memref<8320xf32, #tpu.memory_space<vmem>>[vector<16xi32>], vector<16xf32>,
        %gather3A_328 = tpu.vector_load_idx %arg12[%get3A_294] : memref<8320xf32, #tpu.memory_space<vmem>>[vector<16xi32>], vector<16xf32>,
        %gather3A_329 = tpu.vector_load_idx %arg13[%get3A_294] : memref<8320xf32, #tpu.memory_space<vmem>>[vector<16xi32>], vector<16xf32>,
        %gather3A_330 = tpu.vector_load_idx %arg14[%get3A_294] : memref<8320xf32, #tpu.memory_space<vmem>>[vector<16xi32>], vector<16xf32>,
        %max3A_331 = arith.maximumf %gather3A_325, %get3A_299 : vector<16xf32>
        tpu.vector_store_idx %arg9[%get3A_294], %max3A_331 : memref<8320xf32, #tpu.memory_space<vmem>>[vector<16xi32>], vector<16xf32>,
        %max3A_332 = arith.maximumf %gather3A_326, %get3A_304 : vector<16xf32>
        tpu.vector_store_idx %arg10[%get3A_294], %max3A_332 : memref<8320xf32, #tpu.memory_space<vmem>>[vector<16xi32>], vector<16xf32>,
        %max3A_333 = arith.maximumf %gather3A_327, %get3A_309 : vector<16xf32>
        tpu.vector_store_idx %arg11[%get3A_294], %max3A_333 : memref<8320xf32, #tpu.memory_space<vmem>>[vector<16xi32>], vector<16xf32>,
        %max3A_334 = arith.maximumf %gather3A_328, %get3A_314 : vector<16xf32>
        tpu.vector_store_idx %arg12[%get3A_294], %max3A_334 : memref<8320xf32, #tpu.memory_space<vmem>>[vector<16xi32>], vector<16xf32>,
        %max3A_335 = arith.maximumf %gather3A_329, %get3A_319 : vector<16xf32>
        tpu.vector_store_idx %arg13[%get3A_294], %max3A_335 : memref<8320xf32, #tpu.memory_space<vmem>>[vector<16xi32>], vector<16xf32>,
        %max3A_336 = arith.maximumf %gather3A_330, %get3A_324 : vector<16xf32>
        tpu.vector_store_idx %arg14[%get3A_294], %max3A_336 : memref<8320xf32, #tpu.memory_space<vmem>>[vector<16xi32>], vector<16xf32>,
        %mul3A_337 = arith.constant 384 : i32
        %mul3A_338 = arith.muli %scan3A_146, %mul3A_337 : i32
        %add3A_339 = arith.constant 64 : i32
        %add3A_340 = arith.addi %mul3A_338, %add3A_339 : i32
        %get3A_341 = arith.index_cast %add3A_340 : i32 to index
        %get3A_342 = tpu.vector_load %arg5[%get3A_341] {strides = array<i32>} : memref<3072xi32, #tpu.memory_space<vmem>>, vector<16xi32>,
        %get3A_343 = arith.constant 0 : i32
        %get3A_344 = arith.index_cast %get3A_343 : i32 to index
        %get3A_345 = arith.index_cast %scan3A_146 : i32 to index
        %get3A_346 = arith.constant 64 : index
        %get3A_347 = tpu.vector_load %arg7[%get3A_344, %get3A_345, %get3A_346] {strides = array<i32>} : memref<6x8x384xf32, #tpu.memory_space<vmem>>, vector<16xf32>,
        %get3A_348 = arith.constant 1 : i32
        %get3A_349 = arith.index_cast %get3A_348 : i32 to index
        %get3A_350 = arith.index_cast %scan3A_146 : i32 to index
        %get3A_351 = arith.constant 64 : index
        %get3A_352 = tpu.vector_load %arg7[%get3A_349, %get3A_350, %get3A_351] {strides = array<i32>} : memref<6x8x384xf32, #tpu.memory_space<vmem>>, vector<16xf32>,
        %get3A_353 = arith.constant 2 : i32
        %get3A_354 = arith.index_cast %get3A_353 : i32 to index
        %get3A_355 = arith.index_cast %scan3A_146 : i32 to index
        %get3A_356 = arith.constant 64 : index
        %get3A_357 = tpu.vector_load %arg7[%get3A_354, %get3A_355, %get3A_356] {strides = array<i32>} : memref<6x8x384xf32, #tpu.memory_space<vmem>>, vector<16xf32>,
        %get3A_358 = arith.constant 3 : i32
        %get3A_359 = arith.index_cast %get3A_358 : i32 to index
        %get3A_360 = arith.index_cast %scan3A_146 : i32 to index
        %get3A_361 = arith.constant 64 : index
        %get3A_362 = tpu.vector_load %arg7[%get3A_359, %get3A_360, %get3A_361] {strides = array<i32>} : memref<6x8x384xf32, #tpu.memory_space<vmem>>, vector<16xf32>,
        %get3A_363 = arith.constant 4 : i32
        %get3A_364 = arith.index_cast %get3A_363 : i32 to index
        %get3A_365 = arith.index_cast %scan3A_146 : i32 to index
        %get3A_366 = arith.constant 64 : index
        %get3A_367 = tpu.vector_load %arg7[%get3A_364, %get3A_365, %get3A_366] {strides = array<i32>} : memref<6x8x384xf32, #tpu.memory_space<vmem>>, vector<16xf32>,
        %get3A_368 = arith.constant 5 : i32
        %get3A_369 = arith.index_cast %get3A_368 : i32 to index
        %get3A_370 = arith.index_cast %scan3A_146 : i32 to index
        %get3A_371 = arith.constant 64 : index
        %get3A_372 = tpu.vector_load %arg7[%get3A_369, %get3A_370, %get3A_371] {strides = array<i32>} : memref<6x8x384xf32, #tpu.memory_space<vmem>>, vector<16xf32>,
        %gather3A_373 = tpu.vector_load_idx %arg9[%get3A_342] : memref<8320xf32, #tpu.memory_space<vmem>>[vector<16xi32>], vector<16xf32>,
        %gather3A_374 = tpu.vector_load_idx %arg10[%get3A_342] : memref<8320xf32, #tpu.memory_space<vmem>>[vector<16xi32>], vector<16xf32>,
        %gather3A_375 = tpu.vector_load_idx %arg11[%get3A_342] : memref<8320xf32, #tpu.memory_space<vmem>>[vector<16xi32>], vector<16xf32>,
        %gather3A_376 = tpu.vector_load_idx %arg12[%get3A_342] : memref<8320xf32, #tpu.memory_space<vmem>>[vector<16xi32>], vector<16xf32>,
        %gather3A_377 = tpu.vector_load_idx %arg13[%get3A_342] : memref<8320xf32, #tpu.memory_space<vmem>>[vector<16xi32>], vector<16xf32>,
        %gather3A_378 = tpu.vector_load_idx %arg14[%get3A_342] : memref<8320xf32, #tpu.memory_space<vmem>>[vector<16xi32>], vector<16xf32>,
        %max3A_379 = arith.maximumf %gather3A_373, %get3A_347 : vector<16xf32>
        tpu.vector_store_idx %arg9[%get3A_342], %max3A_379 : memref<8320xf32, #tpu.memory_space<vmem>>[vector<16xi32>], vector<16xf32>,
        %max3A_380 = arith.maximumf %gather3A_374, %get3A_352 : vector<16xf32>
        tpu.vector_store_idx %arg10[%get3A_342], %max3A_380 : memref<8320xf32, #tpu.memory_space<vmem>>[vector<16xi32>], vector<16xf32>,
        %max3A_381 = arith.maximumf %gather3A_375, %get3A_357 : vector<16xf32>
        tpu.vector_store_idx %arg11[%get3A_342], %max3A_381 : memref<8320xf32, #tpu.memory_space<vmem>>[vector<16xi32>], vector<16xf32>,
        %max3A_382 = arith.maximumf %gather3A_376, %get3A_362 : vector<16xf32>
        tpu.vector_store_idx %arg12[%get3A_342], %max3A_382 : memref<8320xf32, #tpu.memory_space<vmem>>[vector<16xi32>], vector<16xf32>,
        %max3A_383 = arith.maximumf %gather3A_377, %get3A_367 : vector<16xf32>
        tpu.vector_store_idx %arg13[%get3A_342], %max3A_383 : memref<8320xf32, #tpu.memory_space<vmem>>[vector<16xi32>], vector<16xf32>,
        %max3A_384 = arith.maximumf %gather3A_378, %get3A_372 : vector<16xf32>
        tpu.vector_store_idx %arg14[%get3A_342], %max3A_384 : memref<8320xf32, #tpu.memory_space<vmem>>[vector<16xi32>], vector<16xf32>,
        %mul3A_385 = arith.constant 384 : i32
        %mul3A_386 = arith.muli %scan3A_146, %mul3A_385 : i32
        %add3A_387 = arith.constant 80 : i32
        %add3A_388 = arith.addi %mul3A_386, %add3A_387 : i32
        %get3A_389 = arith.index_cast %add3A_388 : i32 to index
        %get3A_390 = tpu.vector_load %arg5[%get3A_389] {strides = array<i32>} : memref<3072xi32, #tpu.memory_space<vmem>>, vector<16xi32>,
        %get3A_391 = arith.constant 0 : i32
        %get3A_392 = arith.index_cast %get3A_391 : i32 to index
        %get3A_393 = arith.index_cast %scan3A_146 : i32 to index
        %get3A_394 = arith.constant 80 : index
        %get3A_395 = tpu.vector_load %arg7[%get3A_392, %get3A_393, %get3A_394] {strides = array<i32>} : memref<6x8x384xf32, #tpu.memory_space<vmem>>, vector<16xf32>,
        %get3A_396 = arith.constant 1 : i32
        %get3A_397 = arith.index_cast %get3A_396 : i32 to index
        %get3A_398 = arith.index_cast %scan3A_146 : i32 to index
        %get3A_399 = arith.constant 80 : index
        %get3A_400 = tpu.vector_load %arg7[%get3A_397, %get3A_398, %get3A_399] {strides = array<i32>} : memref<6x8x384xf32, #tpu.memory_space<vmem>>, vector<16xf32>,
        %get3A_401 = arith.constant 2 : i32
        %get3A_402 = arith.index_cast %get3A_401 : i32 to index
        %get3A_403 = arith.index_cast %scan3A_146 : i32 to index
        %get3A_404 = arith.constant 80 : index
        %get3A_405 = tpu.vector_load %arg7[%get3A_402, %get3A_403, %get3A_404] {strides = array<i32>} : memref<6x8x384xf32, #tpu.memory_space<vmem>>, vector<16xf32>,
        %get3A_406 = arith.constant 3 : i32
        %get3A_407 = arith.index_cast %get3A_406 : i32 to index
        %get3A_408 = arith.index_cast %scan3A_146 : i32 to index
        %get3A_409 = arith.constant 80 : index
        %get3A_410 = tpu.vector_load %arg7[%get3A_407, %get3A_408, %get3A_409] {strides = array<i32>} : memref<6x8x384xf32, #tpu.memory_space<vmem>>, vector<16xf32>,
        %get3A_411 = arith.constant 4 : i32
        %get3A_412 = arith.index_cast %get3A_411 : i32 to index
        %get3A_413 = arith.index_cast %scan3A_146 : i32 to index
        %get3A_414 = arith.constant 80 : index
        %get3A_415 = tpu.vector_load %arg7[%get3A_412, %get3A_413, %get3A_414] {strides = array<i32>} : memref<6x8x384xf32, #tpu.memory_space<vmem>>, vector<16xf32>,
        %get3A_416 = arith.constant 5 : i32
        %get3A_417 = arith.index_cast %get3A_416 : i32 to index
        %get3A_418 = arith.index_cast %scan3A_146 : i32 to index
        %get3A_419 = arith.constant 80 : index
        %get3A_420 = tpu.vector_load %arg7[%get3A_417, %get3A_418, %get3A_419] {strides = array<i32>} : memref<6x8x384xf32, #tpu.memory_space<vmem>>, vector<16xf32>,
        %gather3A_421 = tpu.vector_load_idx %arg9[%get3A_390] : memref<8320xf32, #tpu.memory_space<vmem>>[vector<16xi32>], vector<16xf32>,
        %gather3A_422 = tpu.vector_load_idx %arg10[%get3A_390] : memref<8320xf32, #tpu.memory_space<vmem>>[vector<16xi32>], vector<16xf32>,
        %gather3A_423 = tpu.vector_load_idx %arg11[%get3A_390] : memref<8320xf32, #tpu.memory_space<vmem>>[vector<16xi32>], vector<16xf32>,
        %gather3A_424 = tpu.vector_load_idx %arg12[%get3A_390] : memref<8320xf32, #tpu.memory_space<vmem>>[vector<16xi32>], vector<16xf32>,
        %gather3A_425 = tpu.vector_load_idx %arg13[%get3A_390] : memref<8320xf32, #tpu.memory_space<vmem>>[vector<16xi32>], vector<16xf32>,
        %gather3A_426 = tpu.vector_load_idx %arg14[%get3A_390] : memref<8320xf32, #tpu.memory_space<vmem>>[vector<16xi32>], vector<16xf32>,
        %max3A_427 = arith.maximumf %gather3A_421, %get3A_395 : vector<16xf32>
        tpu.vector_store_idx %arg9[%get3A_390], %max3A_427 : memref<8320xf32, #tpu.memory_space<vmem>>[vector<16xi32>], vector<16xf32>,
        %max3A_428 = arith.maximumf %gather3A_422, %get3A_400 : vector<16xf32>
        tpu.vector_store_idx %arg10[%get3A_390], %max3A_428 : memref<8320xf32, #tpu.memory_space<vmem>>[vector<16xi32>], vector<16xf32>,
        %max3A_429 = arith.maximumf %gather3A_423, %get3A_405 : vector<16xf32>
        tpu.vector_store_idx %arg11[%get3A_390], %max3A_429 : memref<8320xf32, #tpu.memory_space<vmem>>[vector<16xi32>], vector<16xf32>,
        %max3A_430 = arith.maximumf %gather3A_424, %get3A_410 : vector<16xf32>
        tpu.vector_store_idx %arg12[%get3A_390], %max3A_430 : memref<8320xf32, #tpu.memory_space<vmem>>[vector<16xi32>], vector<16xf32>,
        %max3A_431 = arith.maximumf %gather3A_425, %get3A_415 : vector<16xf32>
        tpu.vector_store_idx %arg13[%get3A_390], %max3A_431 : memref<8320xf32, #tpu.memory_space<vmem>>[vector<16xi32>], vector<16xf32>,
        %max3A_432 = arith.maximumf %gather3A_426, %get3A_420 : vector<16xf32>
        tpu.vector_store_idx %arg14[%get3A_390], %max3A_432 : memref<8320xf32, #tpu.memory_space<vmem>>[vector<16xi32>], vector<16xf32>,
        %mul3A_433 = arith.constant 384 : i32
        %mul3A_434 = arith.muli %scan3A_146, %mul3A_433 : i32
        %add3A_435 = arith.constant 96 : i32
        %add3A_436 = arith.addi %mul3A_434, %add3A_435 : i32
        %get3A_437 = arith.index_cast %add3A_436 : i32 to index
        %get3A_438 = tpu.vector_load %arg5[%get3A_437] {strides = array<i32>} : memref<3072xi32, #tpu.memory_space<vmem>>, vector<16xi32>,
        %get3A_439 = arith.constant 0 : i32
        %get3A_440 = arith.index_cast %get3A_439 : i32 to index
        %get3A_441 = arith.index_cast %scan3A_146 : i32 to index
        %get3A_442 = arith.constant 96 : index
        %get3A_443 = tpu.vector_load %arg7[%get3A_440, %get3A_441, %get3A_442] {strides = array<i32>} : memref<6x8x384xf32, #tpu.memory_space<vmem>>, vector<16xf32>,
        %get3A_444 = arith.constant 1 : i32
        %get3A_445 = arith.index_cast %get3A_444 : i32 to index
        %get3A_446 = arith.index_cast %scan3A_146 : i32 to index
        %get3A_447 = arith.constant 96 : index
        %get3A_448 = tpu.vector_load %arg7[%get3A_445, %get3A_446, %get3A_447] {strides = array<i32>} : memref<6x8x384xf32, #tpu.memory_space<vmem>>, vector<16xf32>,
        %get3A_449 = arith.constant 2 : i32
        %get3A_450 = arith.index_cast %get3A_449 : i32 to index
        %get3A_451 = arith.index_cast %scan3A_146 : i32 to index
        %get3A_452 = arith.constant 96 : index
        %get3A_453 = tpu.vector_load %arg7[%get3A_450, %get3A_451, %get3A_452] {strides = array<i32>} : memref<6x8x384xf32, #tpu.memory_space<vmem>>, vector<16xf32>,
        %get3A_454 = arith.constant 3 : i32
        %get3A_455 = arith.index_cast %get3A_454 : i32 to index
        %get3A_456 = arith.index_cast %scan3A_146 : i32 to index
        %get3A_457 = arith.constant 96 : index
        %get3A_458 = tpu.vector_load %arg7[%get3A_455, %get3A_456, %get3A_457] {strides = array<i32>} : memref<6x8x384xf32, #tpu.memory_space<vmem>>, vector<16xf32>,
        %get3A_459 = arith.constant 4 : i32
        %get3A_460 = arith.index_cast %get3A_459 : i32 to index
        %get3A_461 = arith.index_cast %scan3A_146 : i32 to index
        %get3A_462 = arith.constant 96 : index
        %get3A_463 = tpu.vector_load %arg7[%get3A_460, %get3A_461, %get3A_462] {strides = array<i32>} : memref<6x8x384xf32, #tpu.memory_space<vmem>>, vector<16xf32>,
        %get3A_464 = arith.constant 5 : i32
        %get3A_465 = arith.index_cast %get3A_464 : i32 to index
        %get3A_466 = arith.index_cast %scan3A_146 : i32 to index
        %get3A_467 = arith.constant 96 : index
        %get3A_468 = tpu.vector_load %arg7[%get3A_465, %get3A_466, %get3A_467] {strides = array<i32>} : memref<6x8x384xf32, #tpu.memory_space<vmem>>, vector<16xf32>,
        %gather3A_469 = tpu.vector_load_idx %arg9[%get3A_438] : memref<8320xf32, #tpu.memory_space<vmem>>[vector<16xi32>], vector<16xf32>,
        %gather3A_470 = tpu.vector_load_idx %arg10[%get3A_438] : memref<8320xf32, #tpu.memory_space<vmem>>[vector<16xi32>], vector<16xf32>,
        %gather3A_471 = tpu.vector_load_idx %arg11[%get3A_438] : memref<8320xf32, #tpu.memory_space<vmem>>[vector<16xi32>], vector<16xf32>,
        %gather3A_472 = tpu.vector_load_idx %arg12[%get3A_438] : memref<8320xf32, #tpu.memory_space<vmem>>[vector<16xi32>], vector<16xf32>,
        %gather3A_473 = tpu.vector_load_idx %arg13[%get3A_438] : memref<8320xf32, #tpu.memory_space<vmem>>[vector<16xi32>], vector<16xf32>,
        %gather3A_474 = tpu.vector_load_idx %arg14[%get3A_438] : memref<8320xf32, #tpu.memory_space<vmem>>[vector<16xi32>], vector<16xf32>,
        %max3A_475 = arith.maximumf %gather3A_469, %get3A_443 : vector<16xf32>
        tpu.vector_store_idx %arg9[%get3A_438], %max3A_475 : memref<8320xf32, #tpu.memory_space<vmem>>[vector<16xi32>], vector<16xf32>,
        %max3A_476 = arith.maximumf %gather3A_470, %get3A_448 : vector<16xf32>
        tpu.vector_store_idx %arg10[%get3A_438], %max3A_476 : memref<8320xf32, #tpu.memory_space<vmem>>[vector<16xi32>], vector<16xf32>,
        %max3A_477 = arith.maximumf %gather3A_471, %get3A_453 : vector<16xf32>
        tpu.vector_store_idx %arg11[%get3A_438], %max3A_477 : memref<8320xf32, #tpu.memory_space<vmem>>[vector<16xi32>], vector<16xf32>,
        %max3A_478 = arith.maximumf %gather3A_472, %get3A_458 : vector<16xf32>
        tpu.vector_store_idx %arg12[%get3A_438], %max3A_478 : memref<8320xf32, #tpu.memory_space<vmem>>[vector<16xi32>], vector<16xf32>,
        %max3A_479 = arith.maximumf %gather3A_473, %get3A_463 : vector<16xf32>
        tpu.vector_store_idx %arg13[%get3A_438], %max3A_479 : memref<8320xf32, #tpu.memory_space<vmem>>[vector<16xi32>], vector<16xf32>,
        %max3A_480 = arith.maximumf %gather3A_474, %get3A_468 : vector<16xf32>
        tpu.vector_store_idx %arg14[%get3A_438], %max3A_480 : memref<8320xf32, #tpu.memory_space<vmem>>[vector<16xi32>], vector<16xf32>,
        %mul3A_481 = arith.constant 384 : i32
        %mul3A_482 = arith.muli %scan3A_146, %mul3A_481 : i32
        %add3A_483 = arith.constant 112 : i32
        %add3A_484 = arith.addi %mul3A_482, %add3A_483 : i32
        %get3A_485 = arith.index_cast %add3A_484 : i32 to index
        %get3A_486 = tpu.vector_load %arg5[%get3A_485] {strides = array<i32>} : memref<3072xi32, #tpu.memory_space<vmem>>, vector<16xi32>,
        %get3A_487 = arith.constant 0 : i32
        %get3A_488 = arith.index_cast %get3A_487 : i32 to index
        %get3A_489 = arith.index_cast %scan3A_146 : i32 to index
        %get3A_490 = arith.constant 112 : index
        %get3A_491 = tpu.vector_load %arg7[%get3A_488, %get3A_489, %get3A_490] {strides = array<i32>} : memref<6x8x384xf32, #tpu.memory_space<vmem>>, vector<16xf32>,
        %get3A_492 = arith.constant 1 : i32
        %get3A_493 = arith.index_cast %get3A_492 : i32 to index
        %get3A_494 = arith.index_cast %scan3A_146 : i32 to index
        %get3A_495 = arith.constant 112 : index
        %get3A_496 = tpu.vector_load %arg7[%get3A_493, %get3A_494, %get3A_495] {strides = array<i32>} : memref<6x8x384xf32, #tpu.memory_space<vmem>>, vector<16xf32>,
        %get3A_497 = arith.constant 2 : i32
        %get3A_498 = arith.index_cast %get3A_497 : i32 to index
        %get3A_499 = arith.index_cast %scan3A_146 : i32 to index
        %get3A_500 = arith.constant 112 : index
        %get3A_501 = tpu.vector_load %arg7[%get3A_498, %get3A_499, %get3A_500] {strides = array<i32>} : memref<6x8x384xf32, #tpu.memory_space<vmem>>, vector<16xf32>,
        %get3A_502 = arith.constant 3 : i32
        %get3A_503 = arith.index_cast %get3A_502 : i32 to index
        %get3A_504 = arith.index_cast %scan3A_146 : i32 to index
        %get3A_505 = arith.constant 112 : index
        %get3A_506 = tpu.vector_load %arg7[%get3A_503, %get3A_504, %get3A_505] {strides = array<i32>} : memref<6x8x384xf32, #tpu.memory_space<vmem>>, vector<16xf32>,
        %get3A_507 = arith.constant 4 : i32
        %get3A_508 = arith.index_cast %get3A_507 : i32 to index
        %get3A_509 = arith.index_cast %scan3A_146 : i32 to index
        %get3A_510 = arith.constant 112 : index
        %get3A_511 = tpu.vector_load %arg7[%get3A_508, %get3A_509, %get3A_510] {strides = array<i32>} : memref<6x8x384xf32, #tpu.memory_space<vmem>>, vector<16xf32>,
        %get3A_512 = arith.constant 5 : i32
        %get3A_513 = arith.index_cast %get3A_512 : i32 to index
        %get3A_514 = arith.index_cast %scan3A_146 : i32 to index
        %get3A_515 = arith.constant 112 : index
        %get3A_516 = tpu.vector_load %arg7[%get3A_513, %get3A_514, %get3A_515] {strides = array<i32>} : memref<6x8x384xf32, #tpu.memory_space<vmem>>, vector<16xf32>,
        %gather3A_517 = tpu.vector_load_idx %arg9[%get3A_486] : memref<8320xf32, #tpu.memory_space<vmem>>[vector<16xi32>], vector<16xf32>,
        %gather3A_518 = tpu.vector_load_idx %arg10[%get3A_486] : memref<8320xf32, #tpu.memory_space<vmem>>[vector<16xi32>], vector<16xf32>,
        %gather3A_519 = tpu.vector_load_idx %arg11[%get3A_486] : memref<8320xf32, #tpu.memory_space<vmem>>[vector<16xi32>], vector<16xf32>,
        %gather3A_520 = tpu.vector_load_idx %arg12[%get3A_486] : memref<8320xf32, #tpu.memory_space<vmem>>[vector<16xi32>], vector<16xf32>,
        %gather3A_521 = tpu.vector_load_idx %arg13[%get3A_486] : memref<8320xf32, #tpu.memory_space<vmem>>[vector<16xi32>], vector<16xf32>,
        %gather3A_522 = tpu.vector_load_idx %arg14[%get3A_486] : memref<8320xf32, #tpu.memory_space<vmem>>[vector<16xi32>], vector<16xf32>,
        %max3A_523 = arith.maximumf %gather3A_517, %get3A_491 : vector<16xf32>
        tpu.vector_store_idx %arg9[%get3A_486], %max3A_523 : memref<8320xf32, #tpu.memory_space<vmem>>[vector<16xi32>], vector<16xf32>,
        %max3A_524 = arith.maximumf %gather3A_518, %get3A_496 : vector<16xf32>
        tpu.vector_store_idx %arg10[%get3A_486], %max3A_524 : memref<8320xf32, #tpu.memory_space<vmem>>[vector<16xi32>], vector<16xf32>,
        %max3A_525 = arith.maximumf %gather3A_519, %get3A_501 : vector<16xf32>
        tpu.vector_store_idx %arg11[%get3A_486], %max3A_525 : memref<8320xf32, #tpu.memory_space<vmem>>[vector<16xi32>], vector<16xf32>,
        %max3A_526 = arith.maximumf %gather3A_520, %get3A_506 : vector<16xf32>
        tpu.vector_store_idx %arg12[%get3A_486], %max3A_526 : memref<8320xf32, #tpu.memory_space<vmem>>[vector<16xi32>], vector<16xf32>,
        %max3A_527 = arith.maximumf %gather3A_521, %get3A_511 : vector<16xf32>
        tpu.vector_store_idx %arg13[%get3A_486], %max3A_527 : memref<8320xf32, #tpu.memory_space<vmem>>[vector<16xi32>], vector<16xf32>,
        %max3A_528 = arith.maximumf %gather3A_522, %get3A_516 : vector<16xf32>
        tpu.vector_store_idx %arg14[%get3A_486], %max3A_528 : memref<8320xf32, #tpu.memory_space<vmem>>[vector<16xi32>], vector<16xf32>,
        %mul3A_529 = arith.constant 384 : i32
        %mul3A_530 = arith.muli %scan3A_146, %mul3A_529 : i32
        %add3A_531 = arith.constant 128 : i32
        %add3A_532 = arith.addi %mul3A_530, %add3A_531 : i32
        %get3A_533 = arith.index_cast %add3A_532 : i32 to index
        %get3A_534 = tpu.vector_load %arg5[%get3A_533] {strides = array<i32>} : memref<3072xi32, #tpu.memory_space<vmem>>, vector<16xi32>,
        %get3A_535 = arith.constant 0 : i32
        %get3A_536 = arith.index_cast %get3A_535 : i32 to index
        %get3A_537 = arith.index_cast %scan3A_146 : i32 to index
        %get3A_538 = arith.constant 128 : index
        %get3A_539 = tpu.vector_load %arg7[%get3A_536, %get3A_537, %get3A_538] {strides = array<i32>} : memref<6x8x384xf32, #tpu.memory_space<vmem>>, vector<16xf32>,
        %get3A_540 = arith.constant 1 : i32
        %get3A_541 = arith.index_cast %get3A_540 : i32 to index
        %get3A_542 = arith.index_cast %scan3A_146 : i32 to index
        %get3A_543 = arith.constant 128 : index
        %get3A_544 = tpu.vector_load %arg7[%get3A_541, %get3A_542, %get3A_543] {strides = array<i32>} : memref<6x8x384xf32, #tpu.memory_space<vmem>>, vector<16xf32>,
        %get3A_545 = arith.constant 2 : i32
        %get3A_546 = arith.index_cast %get3A_545 : i32 to index
        %get3A_547 = arith.index_cast %scan3A_146 : i32 to index
        %get3A_548 = arith.constant 128 : index
        %get3A_549 = tpu.vector_load %arg7[%get3A_546, %get3A_547, %get3A_548] {strides = array<i32>} : memref<6x8x384xf32, #tpu.memory_space<vmem>>, vector<16xf32>,
        %get3A_550 = arith.constant 3 : i32
        %get3A_551 = arith.index_cast %get3A_550 : i32 to index
        %get3A_552 = arith.index_cast %scan3A_146 : i32 to index
        %get3A_553 = arith.constant 128 : index
        %get3A_554 = tpu.vector_load %arg7[%get3A_551, %get3A_552, %get3A_553] {strides = array<i32>} : memref<6x8x384xf32, #tpu.memory_space<vmem>>, vector<16xf32>,
        %get3A_555 = arith.constant 4 : i32
        %get3A_556 = arith.index_cast %get3A_555 : i32 to index
        %get3A_557 = arith.index_cast %scan3A_146 : i32 to index
        %get3A_558 = arith.constant 128 : index
        %get3A_559 = tpu.vector_load %arg7[%get3A_556, %get3A_557, %get3A_558] {strides = array<i32>} : memref<6x8x384xf32, #tpu.memory_space<vmem>>, vector<16xf32>,
        %get3A_560 = arith.constant 5 : i32
        %get3A_561 = arith.index_cast %get3A_560 : i32 to index
        %get3A_562 = arith.index_cast %scan3A_146 : i32 to index
        %get3A_563 = arith.constant 128 : index
        %get3A_564 = tpu.vector_load %arg7[%get3A_561, %get3A_562, %get3A_563] {strides = array<i32>} : memref<6x8x384xf32, #tpu.memory_space<vmem>>, vector<16xf32>,
        %gather3A_565 = tpu.vector_load_idx %arg9[%get3A_534] : memref<8320xf32, #tpu.memory_space<vmem>>[vector<16xi32>], vector<16xf32>,
        %gather3A_566 = tpu.vector_load_idx %arg10[%get3A_534] : memref<8320xf32, #tpu.memory_space<vmem>>[vector<16xi32>], vector<16xf32>,
        %gather3A_567 = tpu.vector_load_idx %arg11[%get3A_534] : memref<8320xf32, #tpu.memory_space<vmem>>[vector<16xi32>], vector<16xf32>,
        %gather3A_568 = tpu.vector_load_idx %arg12[%get3A_534] : memref<8320xf32, #tpu.memory_space<vmem>>[vector<16xi32>], vector<16xf32>,
        %gather3A_569 = tpu.vector_load_idx %arg13[%get3A_534] : memref<8320xf32, #tpu.memory_space<vmem>>[vector<16xi32>], vector<16xf32>,
        %gather3A_570 = tpu.vector_load_idx %arg14[%get3A_534] : memref<8320xf32, #tpu.memory_space<vmem>>[vector<16xi32>], vector<16xf32>,
        %max3A_571 = arith.maximumf %gather3A_565, %get3A_539 : vector<16xf32>
        tpu.vector_store_idx %arg9[%get3A_534], %max3A_571 : memref<8320xf32, #tpu.memory_space<vmem>>[vector<16xi32>], vector<16xf32>,
        %max3A_572 = arith.maximumf %gather3A_566, %get3A_544 : vector<16xf32>
        tpu.vector_store_idx %arg10[%get3A_534], %max3A_572 : memref<8320xf32, #tpu.memory_space<vmem>>[vector<16xi32>], vector<16xf32>,
        %max3A_573 = arith.maximumf %gather3A_567, %get3A_549 : vector<16xf32>
        tpu.vector_store_idx %arg11[%get3A_534], %max3A_573 : memref<8320xf32, #tpu.memory_space<vmem>>[vector<16xi32>], vector<16xf32>,
        %max3A_574 = arith.maximumf %gather3A_568, %get3A_554 : vector<16xf32>
        tpu.vector_store_idx %arg12[%get3A_534], %max3A_574 : memref<8320xf32, #tpu.memory_space<vmem>>[vector<16xi32>], vector<16xf32>,
        %max3A_575 = arith.maximumf %gather3A_569, %get3A_559 : vector<16xf32>
        tpu.vector_store_idx %arg13[%get3A_534], %max3A_575 : memref<8320xf32, #tpu.memory_space<vmem>>[vector<16xi32>], vector<16xf32>,
        %max3A_576 = arith.maximumf %gather3A_570, %get3A_564 : vector<16xf32>
        tpu.vector_store_idx %arg14[%get3A_534], %max3A_576 : memref<8320xf32, #tpu.memory_space<vmem>>[vector<16xi32>], vector<16xf32>,
        %mul3A_577 = arith.constant 384 : i32
        %mul3A_578 = arith.muli %scan3A_146, %mul3A_577 : i32
        %add3A_579 = arith.constant 144 : i32
        %add3A_580 = arith.addi %mul3A_578, %add3A_579 : i32
        %get3A_581 = arith.index_cast %add3A_580 : i32 to index
        %get3A_582 = tpu.vector_load %arg5[%get3A_581] {strides = array<i32>} : memref<3072xi32, #tpu.memory_space<vmem>>, vector<16xi32>,
        %get3A_583 = arith.constant 0 : i32
        %get3A_584 = arith.index_cast %get3A_583 : i32 to index
        %get3A_585 = arith.index_cast %scan3A_146 : i32 to index
        %get3A_586 = arith.constant 144 : index
        %get3A_587 = tpu.vector_load %arg7[%get3A_584, %get3A_585, %get3A_586] {strides = array<i32>} : memref<6x8x384xf32, #tpu.memory_space<vmem>>, vector<16xf32>,
        %get3A_588 = arith.constant 1 : i32
        %get3A_589 = arith.index_cast %get3A_588 : i32 to index
        %get3A_590 = arith.index_cast %scan3A_146 : i32 to index
        %get3A_591 = arith.constant 144 : index
        %get3A_592 = tpu.vector_load %arg7[%get3A_589, %get3A_590, %get3A_591] {strides = array<i32>} : memref<6x8x384xf32, #tpu.memory_space<vmem>>, vector<16xf32>,
        %get3A_593 = arith.constant 2 : i32
        %get3A_594 = arith.index_cast %get3A_593 : i32 to index
        %get3A_595 = arith.index_cast %scan3A_146 : i32 to index
        %get3A_596 = arith.constant 144 : index
        %get3A_597 = tpu.vector_load %arg7[%get3A_594, %get3A_595, %get3A_596] {strides = array<i32>} : memref<6x8x384xf32, #tpu.memory_space<vmem>>, vector<16xf32>,
        %get3A_598 = arith.constant 3 : i32
        %get3A_599 = arith.index_cast %get3A_598 : i32 to index
        %get3A_600 = arith.index_cast %scan3A_146 : i32 to index
        %get3A_601 = arith.constant 144 : index
        %get3A_602 = tpu.vector_load %arg7[%get3A_599, %get3A_600, %get3A_601] {strides = array<i32>} : memref<6x8x384xf32, #tpu.memory_space<vmem>>, vector<16xf32>,
        %get3A_603 = arith.constant 4 : i32
        %get3A_604 = arith.index_cast %get3A_603 : i32 to index
        %get3A_605 = arith.index_cast %scan3A_146 : i32 to index
        %get3A_606 = arith.constant 144 : index
        %get3A_607 = tpu.vector_load %arg7[%get3A_604, %get3A_605, %get3A_606] {strides = array<i32>} : memref<6x8x384xf32, #tpu.memory_space<vmem>>, vector<16xf32>,
        %get3A_608 = arith.constant 5 : i32
        %get3A_609 = arith.index_cast %get3A_608 : i32 to index
        %get3A_610 = arith.index_cast %scan3A_146 : i32 to index
        %get3A_611 = arith.constant 144 : index
        %get3A_612 = tpu.vector_load %arg7[%get3A_609, %get3A_610, %get3A_611] {strides = array<i32>} : memref<6x8x384xf32, #tpu.memory_space<vmem>>, vector<16xf32>,
        %gather3A_613 = tpu.vector_load_idx %arg9[%get3A_582] : memref<8320xf32, #tpu.memory_space<vmem>>[vector<16xi32>], vector<16xf32>,
        %gather3A_614 = tpu.vector_load_idx %arg10[%get3A_582] : memref<8320xf32, #tpu.memory_space<vmem>>[vector<16xi32>], vector<16xf32>,
        %gather3A_615 = tpu.vector_load_idx %arg11[%get3A_582] : memref<8320xf32, #tpu.memory_space<vmem>>[vector<16xi32>], vector<16xf32>,
        %gather3A_616 = tpu.vector_load_idx %arg12[%get3A_582] : memref<8320xf32, #tpu.memory_space<vmem>>[vector<16xi32>], vector<16xf32>,
        %gather3A_617 = tpu.vector_load_idx %arg13[%get3A_582] : memref<8320xf32, #tpu.memory_space<vmem>>[vector<16xi32>], vector<16xf32>,
        %gather3A_618 = tpu.vector_load_idx %arg14[%get3A_582] : memref<8320xf32, #tpu.memory_space<vmem>>[vector<16xi32>], vector<16xf32>,
        %max3A_619 = arith.maximumf %gather3A_613, %get3A_587 : vector<16xf32>
        tpu.vector_store_idx %arg9[%get3A_582], %max3A_619 : memref<8320xf32, #tpu.memory_space<vmem>>[vector<16xi32>], vector<16xf32>,
        %max3A_620 = arith.maximumf %gather3A_614, %get3A_592 : vector<16xf32>
        tpu.vector_store_idx %arg10[%get3A_582], %max3A_620 : memref<8320xf32, #tpu.memory_space<vmem>>[vector<16xi32>], vector<16xf32>,
        %max3A_621 = arith.maximumf %gather3A_615, %get3A_597 : vector<16xf32>
        tpu.vector_store_idx %arg11[%get3A_582], %max3A_621 : memref<8320xf32, #tpu.memory_space<vmem>>[vector<16xi32>], vector<16xf32>,
        %max3A_622 = arith.maximumf %gather3A_616, %get3A_602 : vector<16xf32>
        tpu.vector_store_idx %arg12[%get3A_582], %max3A_622 : memref<8320xf32, #tpu.memory_space<vmem>>[vector<16xi32>], vector<16xf32>,
        %max3A_623 = arith.maximumf %gather3A_617, %get3A_607 : vector<16xf32>
        tpu.vector_store_idx %arg13[%get3A_582], %max3A_623 : memref<8320xf32, #tpu.memory_space<vmem>>[vector<16xi32>], vector<16xf32>,
        %max3A_624 = arith.maximumf %gather3A_618, %get3A_612 : vector<16xf32>
        tpu.vector_store_idx %arg14[%get3A_582], %max3A_624 : memref<8320xf32, #tpu.memory_space<vmem>>[vector<16xi32>], vector<16xf32>,
        %mul3A_625 = arith.constant 384 : i32
        %mul3A_626 = arith.muli %scan3A_146, %mul3A_625 : i32
        %add3A_627 = arith.constant 160 : i32
        %add3A_628 = arith.addi %mul3A_626, %add3A_627 : i32
        %get3A_629 = arith.index_cast %add3A_628 : i32 to index
        %get3A_630 = tpu.vector_load %arg5[%get3A_629] {strides = array<i32>} : memref<3072xi32, #tpu.memory_space<vmem>>, vector<16xi32>,
        %get3A_631 = arith.constant 0 : i32
        %get3A_632 = arith.index_cast %get3A_631 : i32 to index
        %get3A_633 = arith.index_cast %scan3A_146 : i32 to index
        %get3A_634 = arith.constant 160 : index
        %get3A_635 = tpu.vector_load %arg7[%get3A_632, %get3A_633, %get3A_634] {strides = array<i32>} : memref<6x8x384xf32, #tpu.memory_space<vmem>>, vector<16xf32>,
        %get3A_636 = arith.constant 1 : i32
        %get3A_637 = arith.index_cast %get3A_636 : i32 to index
        %get3A_638 = arith.index_cast %scan3A_146 : i32 to index
        %get3A_639 = arith.constant 160 : index
        %get3A_640 = tpu.vector_load %arg7[%get3A_637, %get3A_638, %get3A_639] {strides = array<i32>} : memref<6x8x384xf32, #tpu.memory_space<vmem>>, vector<16xf32>,
        %get3A_641 = arith.constant 2 : i32
        %get3A_642 = arith.index_cast %get3A_641 : i32 to index
        %get3A_643 = arith.index_cast %scan3A_146 : i32 to index
        %get3A_644 = arith.constant 160 : index
        %get3A_645 = tpu.vector_load %arg7[%get3A_642, %get3A_643, %get3A_644] {strides = array<i32>} : memref<6x8x384xf32, #tpu.memory_space<vmem>>, vector<16xf32>,
        %get3A_646 = arith.constant 3 : i32
        %get3A_647 = arith.index_cast %get3A_646 : i32 to index
        %get3A_648 = arith.index_cast %scan3A_146 : i32 to index
        %get3A_649 = arith.constant 160 : index
        %get3A_650 = tpu.vector_load %arg7[%get3A_647, %get3A_648, %get3A_649] {strides = array<i32>} : memref<6x8x384xf32, #tpu.memory_space<vmem>>, vector<16xf32>,
        %get3A_651 = arith.constant 4 : i32
        %get3A_652 = arith.index_cast %get3A_651 : i32 to index
        %get3A_653 = arith.index_cast %scan3A_146 : i32 to index
        %get3A_654 = arith.constant 160 : index
        %get3A_655 = tpu.vector_load %arg7[%get3A_652, %get3A_653, %get3A_654] {strides = array<i32>} : memref<6x8x384xf32, #tpu.memory_space<vmem>>, vector<16xf32>,
        %get3A_656 = arith.constant 5 : i32
        %get3A_657 = arith.index_cast %get3A_656 : i32 to index
        %get3A_658 = arith.index_cast %scan3A_146 : i32 to index
        %get3A_659 = arith.constant 160 : index
        %get3A_660 = tpu.vector_load %arg7[%get3A_657, %get3A_658, %get3A_659] {strides = array<i32>} : memref<6x8x384xf32, #tpu.memory_space<vmem>>, vector<16xf32>,
        %gather3A_661 = tpu.vector_load_idx %arg9[%get3A_630] : memref<8320xf32, #tpu.memory_space<vmem>>[vector<16xi32>], vector<16xf32>,
        %gather3A_662 = tpu.vector_load_idx %arg10[%get3A_630] : memref<8320xf32, #tpu.memory_space<vmem>>[vector<16xi32>], vector<16xf32>,
        %gather3A_663 = tpu.vector_load_idx %arg11[%get3A_630] : memref<8320xf32, #tpu.memory_space<vmem>>[vector<16xi32>], vector<16xf32>,
        %gather3A_664 = tpu.vector_load_idx %arg12[%get3A_630] : memref<8320xf32, #tpu.memory_space<vmem>>[vector<16xi32>], vector<16xf32>,
        %gather3A_665 = tpu.vector_load_idx %arg13[%get3A_630] : memref<8320xf32, #tpu.memory_space<vmem>>[vector<16xi32>], vector<16xf32>,
        %gather3A_666 = tpu.vector_load_idx %arg14[%get3A_630] : memref<8320xf32, #tpu.memory_space<vmem>>[vector<16xi32>], vector<16xf32>,
        %max3A_667 = arith.maximumf %gather3A_661, %get3A_635 : vector<16xf32>
        tpu.vector_store_idx %arg9[%get3A_630], %max3A_667 : memref<8320xf32, #tpu.memory_space<vmem>>[vector<16xi32>], vector<16xf32>,
        %max3A_668 = arith.maximumf %gather3A_662, %get3A_640 : vector<16xf32>
        tpu.vector_store_idx %arg10[%get3A_630], %max3A_668 : memref<8320xf32, #tpu.memory_space<vmem>>[vector<16xi32>], vector<16xf32>,
        %max3A_669 = arith.maximumf %gather3A_663, %get3A_645 : vector<16xf32>
        tpu.vector_store_idx %arg11[%get3A_630], %max3A_669 : memref<8320xf32, #tpu.memory_space<vmem>>[vector<16xi32>], vector<16xf32>,
        %max3A_670 = arith.maximumf %gather3A_664, %get3A_650 : vector<16xf32>
        tpu.vector_store_idx %arg12[%get3A_630], %max3A_670 : memref<8320xf32, #tpu.memory_space<vmem>>[vector<16xi32>], vector<16xf32>,
        %max3A_671 = arith.maximumf %gather3A_665, %get3A_655 : vector<16xf32>
        tpu.vector_store_idx %arg13[%get3A_630], %max3A_671 : memref<8320xf32, #tpu.memory_space<vmem>>[vector<16xi32>], vector<16xf32>,
        %max3A_672 = arith.maximumf %gather3A_666, %get3A_660 : vector<16xf32>
        tpu.vector_store_idx %arg14[%get3A_630], %max3A_672 : memref<8320xf32, #tpu.memory_space<vmem>>[vector<16xi32>], vector<16xf32>,
        %mul3A_673 = arith.constant 384 : i32
        %mul3A_674 = arith.muli %scan3A_146, %mul3A_673 : i32
        %add3A_675 = arith.constant 176 : i32
        %add3A_676 = arith.addi %mul3A_674, %add3A_675 : i32
        %get3A_677 = arith.index_cast %add3A_676 : i32 to index
        %get3A_678 = tpu.vector_load %arg5[%get3A_677] {strides = array<i32>} : memref<3072xi32, #tpu.memory_space<vmem>>, vector<16xi32>,
        %get3A_679 = arith.constant 0 : i32
        %get3A_680 = arith.index_cast %get3A_679 : i32 to index
        %get3A_681 = arith.index_cast %scan3A_146 : i32 to index
        %get3A_682 = arith.constant 176 : index
        %get3A_683 = tpu.vector_load %arg7[%get3A_680, %get3A_681, %get3A_682] {strides = array<i32>} : memref<6x8x384xf32, #tpu.memory_space<vmem>>, vector<16xf32>,
        %get3A_684 = arith.constant 1 : i32
        %get3A_685 = arith.index_cast %get3A_684 : i32 to index
        %get3A_686 = arith.index_cast %scan3A_146 : i32 to index
        %get3A_687 = arith.constant 176 : index
        %get3A_688 = tpu.vector_load %arg7[%get3A_685, %get3A_686, %get3A_687] {strides = array<i32>} : memref<6x8x384xf32, #tpu.memory_space<vmem>>, vector<16xf32>,
        %get3A_689 = arith.constant 2 : i32
        %get3A_690 = arith.index_cast %get3A_689 : i32 to index
        %get3A_691 = arith.index_cast %scan3A_146 : i32 to index
        %get3A_692 = arith.constant 176 : index
        %get3A_693 = tpu.vector_load %arg7[%get3A_690, %get3A_691, %get3A_692] {strides = array<i32>} : memref<6x8x384xf32, #tpu.memory_space<vmem>>, vector<16xf32>,
        %get3A_694 = arith.constant 3 : i32
        %get3A_695 = arith.index_cast %get3A_694 : i32 to index
        %get3A_696 = arith.index_cast %scan3A_146 : i32 to index
        %get3A_697 = arith.constant 176 : index
        %get3A_698 = tpu.vector_load %arg7[%get3A_695, %get3A_696, %get3A_697] {strides = array<i32>} : memref<6x8x384xf32, #tpu.memory_space<vmem>>, vector<16xf32>,
        %get3A_699 = arith.constant 4 : i32
        %get3A_700 = arith.index_cast %get3A_699 : i32 to index
        %get3A_701 = arith.index_cast %scan3A_146 : i32 to index
        %get3A_702 = arith.constant 176 : index
        %get3A_703 = tpu.vector_load %arg7[%get3A_700, %get3A_701, %get3A_702] {strides = array<i32>} : memref<6x8x384xf32, #tpu.memory_space<vmem>>, vector<16xf32>,
        %get3A_704 = arith.constant 5 : i32
        %get3A_705 = arith.index_cast %get3A_704 : i32 to index
        %get3A_706 = arith.index_cast %scan3A_146 : i32 to index
        %get3A_707 = arith.constant 176 : index
        %get3A_708 = tpu.vector_load %arg7[%get3A_705, %get3A_706, %get3A_707] {strides = array<i32>} : memref<6x8x384xf32, #tpu.memory_space<vmem>>, vector<16xf32>,
        %gather3A_709 = tpu.vector_load_idx %arg9[%get3A_678] : memref<8320xf32, #tpu.memory_space<vmem>>[vector<16xi32>], vector<16xf32>,
        %gather3A_710 = tpu.vector_load_idx %arg10[%get3A_678] : memref<8320xf32, #tpu.memory_space<vmem>>[vector<16xi32>], vector<16xf32>,
        %gather3A_711 = tpu.vector_load_idx %arg11[%get3A_678] : memref<8320xf32, #tpu.memory_space<vmem>>[vector<16xi32>], vector<16xf32>,
        %gather3A_712 = tpu.vector_load_idx %arg12[%get3A_678] : memref<8320xf32, #tpu.memory_space<vmem>>[vector<16xi32>], vector<16xf32>,
        %gather3A_713 = tpu.vector_load_idx %arg13[%get3A_678] : memref<8320xf32, #tpu.memory_space<vmem>>[vector<16xi32>], vector<16xf32>,
        %gather3A_714 = tpu.vector_load_idx %arg14[%get3A_678] : memref<8320xf32, #tpu.memory_space<vmem>>[vector<16xi32>], vector<16xf32>,
        %max3A_715 = arith.maximumf %gather3A_709, %get3A_683 : vector<16xf32>
        tpu.vector_store_idx %arg9[%get3A_678], %max3A_715 : memref<8320xf32, #tpu.memory_space<vmem>>[vector<16xi32>], vector<16xf32>,
        %max3A_716 = arith.maximumf %gather3A_710, %get3A_688 : vector<16xf32>
        tpu.vector_store_idx %arg10[%get3A_678], %max3A_716 : memref<8320xf32, #tpu.memory_space<vmem>>[vector<16xi32>], vector<16xf32>,
        %max3A_717 = arith.maximumf %gather3A_711, %get3A_693 : vector<16xf32>
        tpu.vector_store_idx %arg11[%get3A_678], %max3A_717 : memref<8320xf32, #tpu.memory_space<vmem>>[vector<16xi32>], vector<16xf32>,
        %max3A_718 = arith.maximumf %gather3A_712, %get3A_698 : vector<16xf32>
        tpu.vector_store_idx %arg12[%get3A_678], %max3A_718 : memref<8320xf32, #tpu.memory_space<vmem>>[vector<16xi32>], vector<16xf32>,
        %max3A_719 = arith.maximumf %gather3A_713, %get3A_703 : vector<16xf32>
        tpu.vector_store_idx %arg13[%get3A_678], %max3A_719 : memref<8320xf32, #tpu.memory_space<vmem>>[vector<16xi32>], vector<16xf32>,
        %max3A_720 = arith.maximumf %gather3A_714, %get3A_708 : vector<16xf32>
        tpu.vector_store_idx %arg14[%get3A_678], %max3A_720 : memref<8320xf32, #tpu.memory_space<vmem>>[vector<16xi32>], vector<16xf32>,
        %mul3A_721 = arith.constant 384 : i32
        %mul3A_722 = arith.muli %scan3A_146, %mul3A_721 : i32
        %add3A_723 = arith.constant 192 : i32
        %add3A_724 = arith.addi %mul3A_722, %add3A_723 : i32
        %get3A_725 = arith.index_cast %add3A_724 : i32 to index
        %get3A_726 = tpu.vector_load %arg5[%get3A_725] {strides = array<i32>} : memref<3072xi32, #tpu.memory_space<vmem>>, vector<16xi32>,
        %get3A_727 = arith.constant 0 : i32
        %get3A_728 = arith.index_cast %get3A_727 : i32 to index
        %get3A_729 = arith.index_cast %scan3A_146 : i32 to index
        %get3A_730 = arith.constant 192 : index
        %get3A_731 = tpu.vector_load %arg7[%get3A_728, %get3A_729, %get3A_730] {strides = array<i32>} : memref<6x8x384xf32, #tpu.memory_space<vmem>>, vector<16xf32>,
        %get3A_732 = arith.constant 1 : i32
        %get3A_733 = arith.index_cast %get3A_732 : i32 to index
        %get3A_734 = arith.index_cast %scan3A_146 : i32 to index
        %get3A_735 = arith.constant 192 : index
        %get3A_736 = tpu.vector_load %arg7[%get3A_733, %get3A_734, %get3A_735] {strides = array<i32>} : memref<6x8x384xf32, #tpu.memory_space<vmem>>, vector<16xf32>,
        %get3A_737 = arith.constant 2 : i32
        %get3A_738 = arith.index_cast %get3A_737 : i32 to index
        %get3A_739 = arith.index_cast %scan3A_146 : i32 to index
        %get3A_740 = arith.constant 192 : index
        %get3A_741 = tpu.vector_load %arg7[%get3A_738, %get3A_739, %get3A_740] {strides = array<i32>} : memref<6x8x384xf32, #tpu.memory_space<vmem>>, vector<16xf32>,
        %get3A_742 = arith.constant 3 : i32
        %get3A_743 = arith.index_cast %get3A_742 : i32 to index
        %get3A_744 = arith.index_cast %scan3A_146 : i32 to index
        %get3A_745 = arith.constant 192 : index
        %get3A_746 = tpu.vector_load %arg7[%get3A_743, %get3A_744, %get3A_745] {strides = array<i32>} : memref<6x8x384xf32, #tpu.memory_space<vmem>>, vector<16xf32>,
        %get3A_747 = arith.constant 4 : i32
        %get3A_748 = arith.index_cast %get3A_747 : i32 to index
        %get3A_749 = arith.index_cast %scan3A_146 : i32 to index
        %get3A_750 = arith.constant 192 : index
        %get3A_751 = tpu.vector_load %arg7[%get3A_748, %get3A_749, %get3A_750] {strides = array<i32>} : memref<6x8x384xf32, #tpu.memory_space<vmem>>, vector<16xf32>,
        %get3A_752 = arith.constant 5 : i32
        %get3A_753 = arith.index_cast %get3A_752 : i32 to index
        %get3A_754 = arith.index_cast %scan3A_146 : i32 to index
        %get3A_755 = arith.constant 192 : index
        %get3A_756 = tpu.vector_load %arg7[%get3A_753, %get3A_754, %get3A_755] {strides = array<i32>} : memref<6x8x384xf32, #tpu.memory_space<vmem>>, vector<16xf32>,
        %gather3A_757 = tpu.vector_load_idx %arg9[%get3A_726] : memref<8320xf32, #tpu.memory_space<vmem>>[vector<16xi32>], vector<16xf32>,
        %gather3A_758 = tpu.vector_load_idx %arg10[%get3A_726] : memref<8320xf32, #tpu.memory_space<vmem>>[vector<16xi32>], vector<16xf32>,
        %gather3A_759 = tpu.vector_load_idx %arg11[%get3A_726] : memref<8320xf32, #tpu.memory_space<vmem>>[vector<16xi32>], vector<16xf32>,
        %gather3A_760 = tpu.vector_load_idx %arg12[%get3A_726] : memref<8320xf32, #tpu.memory_space<vmem>>[vector<16xi32>], vector<16xf32>,
        %gather3A_761 = tpu.vector_load_idx %arg13[%get3A_726] : memref<8320xf32, #tpu.memory_space<vmem>>[vector<16xi32>], vector<16xf32>,
        %gather3A_762 = tpu.vector_load_idx %arg14[%get3A_726] : memref<8320xf32, #tpu.memory_space<vmem>>[vector<16xi32>], vector<16xf32>,
        %max3A_763 = arith.maximumf %gather3A_757, %get3A_731 : vector<16xf32>
        tpu.vector_store_idx %arg9[%get3A_726], %max3A_763 : memref<8320xf32, #tpu.memory_space<vmem>>[vector<16xi32>], vector<16xf32>,
        %max3A_764 = arith.maximumf %gather3A_758, %get3A_736 : vector<16xf32>
        tpu.vector_store_idx %arg10[%get3A_726], %max3A_764 : memref<8320xf32, #tpu.memory_space<vmem>>[vector<16xi32>], vector<16xf32>,
        %max3A_765 = arith.maximumf %gather3A_759, %get3A_741 : vector<16xf32>
        tpu.vector_store_idx %arg11[%get3A_726], %max3A_765 : memref<8320xf32, #tpu.memory_space<vmem>>[vector<16xi32>], vector<16xf32>,
        %max3A_766 = arith.maximumf %gather3A_760, %get3A_746 : vector<16xf32>
        tpu.vector_store_idx %arg12[%get3A_726], %max3A_766 : memref<8320xf32, #tpu.memory_space<vmem>>[vector<16xi32>], vector<16xf32>,
        %max3A_767 = arith.maximumf %gather3A_761, %get3A_751 : vector<16xf32>
        tpu.vector_store_idx %arg13[%get3A_726], %max3A_767 : memref<8320xf32, #tpu.memory_space<vmem>>[vector<16xi32>], vector<16xf32>,
        %max3A_768 = arith.maximumf %gather3A_762, %get3A_756 : vector<16xf32>
        tpu.vector_store_idx %arg14[%get3A_726], %max3A_768 : memref<8320xf32, #tpu.memory_space<vmem>>[vector<16xi32>], vector<16xf32>,
        %mul3A_769 = arith.constant 384 : i32
        %mul3A_770 = arith.muli %scan3A_146, %mul3A_769 : i32
        %add3A_771 = arith.constant 208 : i32
        %add3A_772 = arith.addi %mul3A_770, %add3A_771 : i32
        %get3A_773 = arith.index_cast %add3A_772 : i32 to index
        %get3A_774 = tpu.vector_load %arg5[%get3A_773] {strides = array<i32>} : memref<3072xi32, #tpu.memory_space<vmem>>, vector<16xi32>,
        %get3A_775 = arith.constant 0 : i32
        %get3A_776 = arith.index_cast %get3A_775 : i32 to index
        %get3A_777 = arith.index_cast %scan3A_146 : i32 to index
        %get3A_778 = arith.constant 208 : index
        %get3A_779 = tpu.vector_load %arg7[%get3A_776, %get3A_777, %get3A_778] {strides = array<i32>} : memref<6x8x384xf32, #tpu.memory_space<vmem>>, vector<16xf32>,
        %get3A_780 = arith.constant 1 : i32
        %get3A_781 = arith.index_cast %get3A_780 : i32 to index
        %get3A_782 = arith.index_cast %scan3A_146 : i32 to index
        %get3A_783 = arith.constant 208 : index
        %get3A_784 = tpu.vector_load %arg7[%get3A_781, %get3A_782, %get3A_783] {strides = array<i32>} : memref<6x8x384xf32, #tpu.memory_space<vmem>>, vector<16xf32>,
        %get3A_785 = arith.constant 2 : i32
        %get3A_786 = arith.index_cast %get3A_785 : i32 to index
        %get3A_787 = arith.index_cast %scan3A_146 : i32 to index
        %get3A_788 = arith.constant 208 : index
        %get3A_789 = tpu.vector_load %arg7[%get3A_786, %get3A_787, %get3A_788] {strides = array<i32>} : memref<6x8x384xf32, #tpu.memory_space<vmem>>, vector<16xf32>,
        %get3A_790 = arith.constant 3 : i32
        %get3A_791 = arith.index_cast %get3A_790 : i32 to index
        %get3A_792 = arith.index_cast %scan3A_146 : i32 to index
        %get3A_793 = arith.constant 208 : index
        %get3A_794 = tpu.vector_load %arg7[%get3A_791, %get3A_792, %get3A_793] {strides = array<i32>} : memref<6x8x384xf32, #tpu.memory_space<vmem>>, vector<16xf32>,
        %get3A_795 = arith.constant 4 : i32
        %get3A_796 = arith.index_cast %get3A_795 : i32 to index
        %get3A_797 = arith.index_cast %scan3A_146 : i32 to index
        %get3A_798 = arith.constant 208 : index
        %get3A_799 = tpu.vector_load %arg7[%get3A_796, %get3A_797, %get3A_798] {strides = array<i32>} : memref<6x8x384xf32, #tpu.memory_space<vmem>>, vector<16xf32>,
        %get3A_800 = arith.constant 5 : i32
        %get3A_801 = arith.index_cast %get3A_800 : i32 to index
        %get3A_802 = arith.index_cast %scan3A_146 : i32 to index
        %get3A_803 = arith.constant 208 : index
        %get3A_804 = tpu.vector_load %arg7[%get3A_801, %get3A_802, %get3A_803] {strides = array<i32>} : memref<6x8x384xf32, #tpu.memory_space<vmem>>, vector<16xf32>,
        %gather3A_805 = tpu.vector_load_idx %arg9[%get3A_774] : memref<8320xf32, #tpu.memory_space<vmem>>[vector<16xi32>], vector<16xf32>,
        %gather3A_806 = tpu.vector_load_idx %arg10[%get3A_774] : memref<8320xf32, #tpu.memory_space<vmem>>[vector<16xi32>], vector<16xf32>,
        %gather3A_807 = tpu.vector_load_idx %arg11[%get3A_774] : memref<8320xf32, #tpu.memory_space<vmem>>[vector<16xi32>], vector<16xf32>,
        %gather3A_808 = tpu.vector_load_idx %arg12[%get3A_774] : memref<8320xf32, #tpu.memory_space<vmem>>[vector<16xi32>], vector<16xf32>,
        %gather3A_809 = tpu.vector_load_idx %arg13[%get3A_774] : memref<8320xf32, #tpu.memory_space<vmem>>[vector<16xi32>], vector<16xf32>,
        %gather3A_810 = tpu.vector_load_idx %arg14[%get3A_774] : memref<8320xf32, #tpu.memory_space<vmem>>[vector<16xi32>], vector<16xf32>,
        %max3A_811 = arith.maximumf %gather3A_805, %get3A_779 : vector<16xf32>
        tpu.vector_store_idx %arg9[%get3A_774], %max3A_811 : memref<8320xf32, #tpu.memory_space<vmem>>[vector<16xi32>], vector<16xf32>,
        %max3A_812 = arith.maximumf %gather3A_806, %get3A_784 : vector<16xf32>
        tpu.vector_store_idx %arg10[%get3A_774], %max3A_812 : memref<8320xf32, #tpu.memory_space<vmem>>[vector<16xi32>], vector<16xf32>,
        %max3A_813 = arith.maximumf %gather3A_807, %get3A_789 : vector<16xf32>
        tpu.vector_store_idx %arg11[%get3A_774], %max3A_813 : memref<8320xf32, #tpu.memory_space<vmem>>[vector<16xi32>], vector<16xf32>,
        %max3A_814 = arith.maximumf %gather3A_808, %get3A_794 : vector<16xf32>
        tpu.vector_store_idx %arg12[%get3A_774], %max3A_814 : memref<8320xf32, #tpu.memory_space<vmem>>[vector<16xi32>], vector<16xf32>,
        %max3A_815 = arith.maximumf %gather3A_809, %get3A_799 : vector<16xf32>
        tpu.vector_store_idx %arg13[%get3A_774], %max3A_815 : memref<8320xf32, #tpu.memory_space<vmem>>[vector<16xi32>], vector<16xf32>,
        %max3A_816 = arith.maximumf %gather3A_810, %get3A_804 : vector<16xf32>
        tpu.vector_store_idx %arg14[%get3A_774], %max3A_816 : memref<8320xf32, #tpu.memory_space<vmem>>[vector<16xi32>], vector<16xf32>,
        %mul3A_817 = arith.constant 384 : i32
        %mul3A_818 = arith.muli %scan3A_146, %mul3A_817 : i32
        %add3A_819 = arith.constant 224 : i32
        %add3A_820 = arith.addi %mul3A_818, %add3A_819 : i32
        %get3A_821 = arith.index_cast %add3A_820 : i32 to index
        %get3A_822 = tpu.vector_load %arg5[%get3A_821] {strides = array<i32>} : memref<3072xi32, #tpu.memory_space<vmem>>, vector<16xi32>,
        %get3A_823 = arith.constant 0 : i32
        %get3A_824 = arith.index_cast %get3A_823 : i32 to index
        %get3A_825 = arith.index_cast %scan3A_146 : i32 to index
        %get3A_826 = arith.constant 224 : index
        %get3A_827 = tpu.vector_load %arg7[%get3A_824, %get3A_825, %get3A_826] {strides = array<i32>} : memref<6x8x384xf32, #tpu.memory_space<vmem>>, vector<16xf32>,
        %get3A_828 = arith.constant 1 : i32
        %get3A_829 = arith.index_cast %get3A_828 : i32 to index
        %get3A_830 = arith.index_cast %scan3A_146 : i32 to index
        %get3A_831 = arith.constant 224 : index
        %get3A_832 = tpu.vector_load %arg7[%get3A_829, %get3A_830, %get3A_831] {strides = array<i32>} : memref<6x8x384xf32, #tpu.memory_space<vmem>>, vector<16xf32>,
        %get3A_833 = arith.constant 2 : i32
        %get3A_834 = arith.index_cast %get3A_833 : i32 to index
        %get3A_835 = arith.index_cast %scan3A_146 : i32 to index
        %get3A_836 = arith.constant 224 : index
        %get3A_837 = tpu.vector_load %arg7[%get3A_834, %get3A_835, %get3A_836] {strides = array<i32>} : memref<6x8x384xf32, #tpu.memory_space<vmem>>, vector<16xf32>,
        %get3A_838 = arith.constant 3 : i32
        %get3A_839 = arith.index_cast %get3A_838 : i32 to index
        %get3A_840 = arith.index_cast %scan3A_146 : i32 to index
        %get3A_841 = arith.constant 224 : index
        %get3A_842 = tpu.vector_load %arg7[%get3A_839, %get3A_840, %get3A_841] {strides = array<i32>} : memref<6x8x384xf32, #tpu.memory_space<vmem>>, vector<16xf32>,
        %get3A_843 = arith.constant 4 : i32
        %get3A_844 = arith.index_cast %get3A_843 : i32 to index
        %get3A_845 = arith.index_cast %scan3A_146 : i32 to index
        %get3A_846 = arith.constant 224 : index
        %get3A_847 = tpu.vector_load %arg7[%get3A_844, %get3A_845, %get3A_846] {strides = array<i32>} : memref<6x8x384xf32, #tpu.memory_space<vmem>>, vector<16xf32>,
        %get3A_848 = arith.constant 5 : i32
        %get3A_849 = arith.index_cast %get3A_848 : i32 to index
        %get3A_850 = arith.index_cast %scan3A_146 : i32 to index
        %get3A_851 = arith.constant 224 : index
        %get3A_852 = tpu.vector_load %arg7[%get3A_849, %get3A_850, %get3A_851] {strides = array<i32>} : memref<6x8x384xf32, #tpu.memory_space<vmem>>, vector<16xf32>,
        %gather3A_853 = tpu.vector_load_idx %arg9[%get3A_822] : memref<8320xf32, #tpu.memory_space<vmem>>[vector<16xi32>], vector<16xf32>,
        %gather3A_854 = tpu.vector_load_idx %arg10[%get3A_822] : memref<8320xf32, #tpu.memory_space<vmem>>[vector<16xi32>], vector<16xf32>,
        %gather3A_855 = tpu.vector_load_idx %arg11[%get3A_822] : memref<8320xf32, #tpu.memory_space<vmem>>[vector<16xi32>], vector<16xf32>,
        %gather3A_856 = tpu.vector_load_idx %arg12[%get3A_822] : memref<8320xf32, #tpu.memory_space<vmem>>[vector<16xi32>], vector<16xf32>,
        %gather3A_857 = tpu.vector_load_idx %arg13[%get3A_822] : memref<8320xf32, #tpu.memory_space<vmem>>[vector<16xi32>], vector<16xf32>,
        %gather3A_858 = tpu.vector_load_idx %arg14[%get3A_822] : memref<8320xf32, #tpu.memory_space<vmem>>[vector<16xi32>], vector<16xf32>,
        %max3A_859 = arith.maximumf %gather3A_853, %get3A_827 : vector<16xf32>
        tpu.vector_store_idx %arg9[%get3A_822], %max3A_859 : memref<8320xf32, #tpu.memory_space<vmem>>[vector<16xi32>], vector<16xf32>,
        %max3A_860 = arith.maximumf %gather3A_854, %get3A_832 : vector<16xf32>
        tpu.vector_store_idx %arg10[%get3A_822], %max3A_860 : memref<8320xf32, #tpu.memory_space<vmem>>[vector<16xi32>], vector<16xf32>,
        %max3A_861 = arith.maximumf %gather3A_855, %get3A_837 : vector<16xf32>
        tpu.vector_store_idx %arg11[%get3A_822], %max3A_861 : memref<8320xf32, #tpu.memory_space<vmem>>[vector<16xi32>], vector<16xf32>,
        %max3A_862 = arith.maximumf %gather3A_856, %get3A_842 : vector<16xf32>
        tpu.vector_store_idx %arg12[%get3A_822], %max3A_862 : memref<8320xf32, #tpu.memory_space<vmem>>[vector<16xi32>], vector<16xf32>,
        %max3A_863 = arith.maximumf %gather3A_857, %get3A_847 : vector<16xf32>
        tpu.vector_store_idx %arg13[%get3A_822], %max3A_863 : memref<8320xf32, #tpu.memory_space<vmem>>[vector<16xi32>], vector<16xf32>,
        %max3A_864 = arith.maximumf %gather3A_858, %get3A_852 : vector<16xf32>
        tpu.vector_store_idx %arg14[%get3A_822], %max3A_864 : memref<8320xf32, #tpu.memory_space<vmem>>[vector<16xi32>], vector<16xf32>,
        %mul3A_865 = arith.constant 384 : i32
        %mul3A_866 = arith.muli %scan3A_146, %mul3A_865 : i32
        %add3A_867 = arith.constant 240 : i32
        %add3A_868 = arith.addi %mul3A_866, %add3A_867 : i32
        %get3A_869 = arith.index_cast %add3A_868 : i32 to index
        %get3A_870 = tpu.vector_load %arg5[%get3A_869] {strides = array<i32>} : memref<3072xi32, #tpu.memory_space<vmem>>, vector<16xi32>,
        %get3A_871 = arith.constant 0 : i32
        %get3A_872 = arith.index_cast %get3A_871 : i32 to index
        %get3A_873 = arith.index_cast %scan3A_146 : i32 to index
        %get3A_874 = arith.constant 240 : index
        %get3A_875 = tpu.vector_load %arg7[%get3A_872, %get3A_873, %get3A_874] {strides = array<i32>} : memref<6x8x384xf32, #tpu.memory_space<vmem>>, vector<16xf32>,
        %get3A_876 = arith.constant 1 : i32
        %get3A_877 = arith.index_cast %get3A_876 : i32 to index
        %get3A_878 = arith.index_cast %scan3A_146 : i32 to index
        %get3A_879 = arith.constant 240 : index
        %get3A_880 = tpu.vector_load %arg7[%get3A_877, %get3A_878, %get3A_879] {strides = array<i32>} : memref<6x8x384xf32, #tpu.memory_space<vmem>>, vector<16xf32>,
        %get3A_881 = arith.constant 2 : i32
        %get3A_882 = arith.index_cast %get3A_881 : i32 to index
        %get3A_883 = arith.index_cast %scan3A_146 : i32 to index
        %get3A_884 = arith.constant 240 : index
        %get3A_885 = tpu.vector_load %arg7[%get3A_882, %get3A_883, %get3A_884] {strides = array<i32>} : memref<6x8x384xf32, #tpu.memory_space<vmem>>, vector<16xf32>,
        %get3A_886 = arith.constant 3 : i32
        %get3A_887 = arith.index_cast %get3A_886 : i32 to index
        %get3A_888 = arith.index_cast %scan3A_146 : i32 to index
        %get3A_889 = arith.constant 240 : index
        %get3A_890 = tpu.vector_load %arg7[%get3A_887, %get3A_888, %get3A_889] {strides = array<i32>} : memref<6x8x384xf32, #tpu.memory_space<vmem>>, vector<16xf32>,
        %get3A_891 = arith.constant 4 : i32
        %get3A_892 = arith.index_cast %get3A_891 : i32 to index
        %get3A_893 = arith.index_cast %scan3A_146 : i32 to index
        %get3A_894 = arith.constant 240 : index
        %get3A_895 = tpu.vector_load %arg7[%get3A_892, %get3A_893, %get3A_894] {strides = array<i32>} : memref<6x8x384xf32, #tpu.memory_space<vmem>>, vector<16xf32>,
        %get3A_896 = arith.constant 5 : i32
        %get3A_897 = arith.index_cast %get3A_896 : i32 to index
        %get3A_898 = arith.index_cast %scan3A_146 : i32 to index
        %get3A_899 = arith.constant 240 : index
        %get3A_900 = tpu.vector_load %arg7[%get3A_897, %get3A_898, %get3A_899] {strides = array<i32>} : memref<6x8x384xf32, #tpu.memory_space<vmem>>, vector<16xf32>,
        %gather3A_901 = tpu.vector_load_idx %arg9[%get3A_870] : memref<8320xf32, #tpu.memory_space<vmem>>[vector<16xi32>], vector<16xf32>,
        %gather3A_902 = tpu.vector_load_idx %arg10[%get3A_870] : memref<8320xf32, #tpu.memory_space<vmem>>[vector<16xi32>], vector<16xf32>,
        %gather3A_903 = tpu.vector_load_idx %arg11[%get3A_870] : memref<8320xf32, #tpu.memory_space<vmem>>[vector<16xi32>], vector<16xf32>,
        %gather3A_904 = tpu.vector_load_idx %arg12[%get3A_870] : memref<8320xf32, #tpu.memory_space<vmem>>[vector<16xi32>], vector<16xf32>,
        %gather3A_905 = tpu.vector_load_idx %arg13[%get3A_870] : memref<8320xf32, #tpu.memory_space<vmem>>[vector<16xi32>], vector<16xf32>,
        %gather3A_906 = tpu.vector_load_idx %arg14[%get3A_870] : memref<8320xf32, #tpu.memory_space<vmem>>[vector<16xi32>], vector<16xf32>,
        %max3A_907 = arith.maximumf %gather3A_901, %get3A_875 : vector<16xf32>
        tpu.vector_store_idx %arg9[%get3A_870], %max3A_907 : memref<8320xf32, #tpu.memory_space<vmem>>[vector<16xi32>], vector<16xf32>,
        %max3A_908 = arith.maximumf %gather3A_902, %get3A_880 : vector<16xf32>
        tpu.vector_store_idx %arg10[%get3A_870], %max3A_908 : memref<8320xf32, #tpu.memory_space<vmem>>[vector<16xi32>], vector<16xf32>,
        %max3A_909 = arith.maximumf %gather3A_903, %get3A_885 : vector<16xf32>
        tpu.vector_store_idx %arg11[%get3A_870], %max3A_909 : memref<8320xf32, #tpu.memory_space<vmem>>[vector<16xi32>], vector<16xf32>,
        %max3A_910 = arith.maximumf %gather3A_904, %get3A_890 : vector<16xf32>
        tpu.vector_store_idx %arg12[%get3A_870], %max3A_910 : memref<8320xf32, #tpu.memory_space<vmem>>[vector<16xi32>], vector<16xf32>,
        %max3A_911 = arith.maximumf %gather3A_905, %get3A_895 : vector<16xf32>
        tpu.vector_store_idx %arg13[%get3A_870], %max3A_911 : memref<8320xf32, #tpu.memory_space<vmem>>[vector<16xi32>], vector<16xf32>,
        %max3A_912 = arith.maximumf %gather3A_906, %get3A_900 : vector<16xf32>
        tpu.vector_store_idx %arg14[%get3A_870], %max3A_912 : memref<8320xf32, #tpu.memory_space<vmem>>[vector<16xi32>], vector<16xf32>,
        %mul3A_913 = arith.constant 384 : i32
        %mul3A_914 = arith.muli %scan3A_146, %mul3A_913 : i32
        %add3A_915 = arith.constant 256 : i32
        %add3A_916 = arith.addi %mul3A_914, %add3A_915 : i32
        %get3A_917 = arith.index_cast %add3A_916 : i32 to index
        %get3A_918 = tpu.vector_load %arg5[%get3A_917] {strides = array<i32>} : memref<3072xi32, #tpu.memory_space<vmem>>, vector<16xi32>,
        %get3A_919 = arith.constant 0 : i32
        %get3A_920 = arith.index_cast %get3A_919 : i32 to index
        %get3A_921 = arith.index_cast %scan3A_146 : i32 to index
        %get3A_922 = arith.constant 256 : index
        %get3A_923 = tpu.vector_load %arg7[%get3A_920, %get3A_921, %get3A_922] {strides = array<i32>} : memref<6x8x384xf32, #tpu.memory_space<vmem>>, vector<16xf32>,
        %get3A_924 = arith.constant 1 : i32
        %get3A_925 = arith.index_cast %get3A_924 : i32 to index
        %get3A_926 = arith.index_cast %scan3A_146 : i32 to index
        %get3A_927 = arith.constant 256 : index
        %get3A_928 = tpu.vector_load %arg7[%get3A_925, %get3A_926, %get3A_927] {strides = array<i32>} : memref<6x8x384xf32, #tpu.memory_space<vmem>>, vector<16xf32>,
        %get3A_929 = arith.constant 2 : i32
        %get3A_930 = arith.index_cast %get3A_929 : i32 to index
        %get3A_931 = arith.index_cast %scan3A_146 : i32 to index
        %get3A_932 = arith.constant 256 : index
        %get3A_933 = tpu.vector_load %arg7[%get3A_930, %get3A_931, %get3A_932] {strides = array<i32>} : memref<6x8x384xf32, #tpu.memory_space<vmem>>, vector<16xf32>,
        %get3A_934 = arith.constant 3 : i32
        %get3A_935 = arith.index_cast %get3A_934 : i32 to index
        %get3A_936 = arith.index_cast %scan3A_146 : i32 to index
        %get3A_937 = arith.constant 256 : index
        %get3A_938 = tpu.vector_load %arg7[%get3A_935, %get3A_936, %get3A_937] {strides = array<i32>} : memref<6x8x384xf32, #tpu.memory_space<vmem>>, vector<16xf32>,
        %get3A_939 = arith.constant 4 : i32
        %get3A_940 = arith.index_cast %get3A_939 : i32 to index
        %get3A_941 = arith.index_cast %scan3A_146 : i32 to index
        %get3A_942 = arith.constant 256 : index
        %get3A_943 = tpu.vector_load %arg7[%get3A_940, %get3A_941, %get3A_942] {strides = array<i32>} : memref<6x8x384xf32, #tpu.memory_space<vmem>>, vector<16xf32>,
        %get3A_944 = arith.constant 5 : i32
        %get3A_945 = arith.index_cast %get3A_944 : i32 to index
        %get3A_946 = arith.index_cast %scan3A_146 : i32 to index
        %get3A_947 = arith.constant 256 : index
        %get3A_948 = tpu.vector_load %arg7[%get3A_945, %get3A_946, %get3A_947] {strides = array<i32>} : memref<6x8x384xf32, #tpu.memory_space<vmem>>, vector<16xf32>,
        %gather3A_949 = tpu.vector_load_idx %arg9[%get3A_918] : memref<8320xf32, #tpu.memory_space<vmem>>[vector<16xi32>], vector<16xf32>,
        %gather3A_950 = tpu.vector_load_idx %arg10[%get3A_918] : memref<8320xf32, #tpu.memory_space<vmem>>[vector<16xi32>], vector<16xf32>,
        %gather3A_951 = tpu.vector_load_idx %arg11[%get3A_918] : memref<8320xf32, #tpu.memory_space<vmem>>[vector<16xi32>], vector<16xf32>,
        %gather3A_952 = tpu.vector_load_idx %arg12[%get3A_918] : memref<8320xf32, #tpu.memory_space<vmem>>[vector<16xi32>], vector<16xf32>,
        %gather3A_953 = tpu.vector_load_idx %arg13[%get3A_918] : memref<8320xf32, #tpu.memory_space<vmem>>[vector<16xi32>], vector<16xf32>,
        %gather3A_954 = tpu.vector_load_idx %arg14[%get3A_918] : memref<8320xf32, #tpu.memory_space<vmem>>[vector<16xi32>], vector<16xf32>,
        %max3A_955 = arith.maximumf %gather3A_949, %get3A_923 : vector<16xf32>
        tpu.vector_store_idx %arg9[%get3A_918], %max3A_955 : memref<8320xf32, #tpu.memory_space<vmem>>[vector<16xi32>], vector<16xf32>,
        %max3A_956 = arith.maximumf %gather3A_950, %get3A_928 : vector<16xf32>
        tpu.vector_store_idx %arg10[%get3A_918], %max3A_956 : memref<8320xf32, #tpu.memory_space<vmem>>[vector<16xi32>], vector<16xf32>,
        %max3A_957 = arith.maximumf %gather3A_951, %get3A_933 : vector<16xf32>
        tpu.vector_store_idx %arg11[%get3A_918], %max3A_957 : memref<8320xf32, #tpu.memory_space<vmem>>[vector<16xi32>], vector<16xf32>,
        %max3A_958 = arith.maximumf %gather3A_952, %get3A_938 : vector<16xf32>
        tpu.vector_store_idx %arg12[%get3A_918], %max3A_958 : memref<8320xf32, #tpu.memory_space<vmem>>[vector<16xi32>], vector<16xf32>,
        %max3A_959 = arith.maximumf %gather3A_953, %get3A_943 : vector<16xf32>
        tpu.vector_store_idx %arg13[%get3A_918], %max3A_959 : memref<8320xf32, #tpu.memory_space<vmem>>[vector<16xi32>], vector<16xf32>,
        %max3A_960 = arith.maximumf %gather3A_954, %get3A_948 : vector<16xf32>
        tpu.vector_store_idx %arg14[%get3A_918], %max3A_960 : memref<8320xf32, #tpu.memory_space<vmem>>[vector<16xi32>], vector<16xf32>,
        %mul3A_961 = arith.constant 384 : i32
        %mul3A_962 = arith.muli %scan3A_146, %mul3A_961 : i32
        %add3A_963 = arith.constant 272 : i32
        %add3A_964 = arith.addi %mul3A_962, %add3A_963 : i32
        %get3A_965 = arith.index_cast %add3A_964 : i32 to index
        %get3A_966 = tpu.vector_load %arg5[%get3A_965] {strides = array<i32>} : memref<3072xi32, #tpu.memory_space<vmem>>, vector<16xi32>,
        %get3A_967 = arith.constant 0 : i32
        %get3A_968 = arith.index_cast %get3A_967 : i32 to index
        %get3A_969 = arith.index_cast %scan3A_146 : i32 to index
        %get3A_970 = arith.constant 272 : index
        %get3A_971 = tpu.vector_load %arg7[%get3A_968, %get3A_969, %get3A_970] {strides = array<i32>} : memref<6x8x384xf32, #tpu.memory_space<vmem>>, vector<16xf32>,
        %get3A_972 = arith.constant 1 : i32
        %get3A_973 = arith.index_cast %get3A_972 : i32 to index
        %get3A_974 = arith.index_cast %scan3A_146 : i32 to index
        %get3A_975 = arith.constant 272 : index
        %get3A_976 = tpu.vector_load %arg7[%get3A_973, %get3A_974, %get3A_975] {strides = array<i32>} : memref<6x8x384xf32, #tpu.memory_space<vmem>>, vector<16xf32>,
        %get3A_977 = arith.constant 2 : i32
        %get3A_978 = arith.index_cast %get3A_977 : i32 to index
        %get3A_979 = arith.index_cast %scan3A_146 : i32 to index
        %get3A_980 = arith.constant 272 : index
        %get3A_981 = tpu.vector_load %arg7[%get3A_978, %get3A_979, %get3A_980] {strides = array<i32>} : memref<6x8x384xf32, #tpu.memory_space<vmem>>, vector<16xf32>,
        %get3A_982 = arith.constant 3 : i32
        %get3A_983 = arith.index_cast %get3A_982 : i32 to index
        %get3A_984 = arith.index_cast %scan3A_146 : i32 to index
        %get3A_985 = arith.constant 272 : index
        %get3A_986 = tpu.vector_load %arg7[%get3A_983, %get3A_984, %get3A_985] {strides = array<i32>} : memref<6x8x384xf32, #tpu.memory_space<vmem>>, vector<16xf32>,
        %get3A_987 = arith.constant 4 : i32
        %get3A_988 = arith.index_cast %get3A_987 : i32 to index
        %get3A_989 = arith.index_cast %scan3A_146 : i32 to index
        %get3A_990 = arith.constant 272 : index
        %get3A_991 = tpu.vector_load %arg7[%get3A_988, %get3A_989, %get3A_990] {strides = array<i32>} : memref<6x8x384xf32, #tpu.memory_space<vmem>>, vector<16xf32>,
        %get3A_992 = arith.constant 5 : i32
        %get3A_993 = arith.index_cast %get3A_992 : i32 to index
        %get3A_994 = arith.index_cast %scan3A_146 : i32 to index
        %get3A_995 = arith.constant 272 : index
        %get3A_996 = tpu.vector_load %arg7[%get3A_993, %get3A_994, %get3A_995] {strides = array<i32>} : memref<6x8x384xf32, #tpu.memory_space<vmem>>, vector<16xf32>,
        %gather3A_997 = tpu.vector_load_idx %arg9[%get3A_966] : memref<8320xf32, #tpu.memory_space<vmem>>[vector<16xi32>], vector<16xf32>,
        %gather3A_998 = tpu.vector_load_idx %arg10[%get3A_966] : memref<8320xf32, #tpu.memory_space<vmem>>[vector<16xi32>], vector<16xf32>,
        %gather3A_999 = tpu.vector_load_idx %arg11[%get3A_966] : memref<8320xf32, #tpu.memory_space<vmem>>[vector<16xi32>], vector<16xf32>,
        %gather3A_1000 = tpu.vector_load_idx %arg12[%get3A_966] : memref<8320xf32, #tpu.memory_space<vmem>>[vector<16xi32>], vector<16xf32>,
        %gather3A_1001 = tpu.vector_load_idx %arg13[%get3A_966] : memref<8320xf32, #tpu.memory_space<vmem>>[vector<16xi32>], vector<16xf32>,
        %gather3A_1002 = tpu.vector_load_idx %arg14[%get3A_966] : memref<8320xf32, #tpu.memory_space<vmem>>[vector<16xi32>], vector<16xf32>,
        %max3A_1003 = arith.maximumf %gather3A_997, %get3A_971 : vector<16xf32>
        tpu.vector_store_idx %arg9[%get3A_966], %max3A_1003 : memref<8320xf32, #tpu.memory_space<vmem>>[vector<16xi32>], vector<16xf32>,
        %max3A_1004 = arith.maximumf %gather3A_998, %get3A_976 : vector<16xf32>
        tpu.vector_store_idx %arg10[%get3A_966], %max3A_1004 : memref<8320xf32, #tpu.memory_space<vmem>>[vector<16xi32>], vector<16xf32>,
        %max3A_1005 = arith.maximumf %gather3A_999, %get3A_981 : vector<16xf32>
        tpu.vector_store_idx %arg11[%get3A_966], %max3A_1005 : memref<8320xf32, #tpu.memory_space<vmem>>[vector<16xi32>], vector<16xf32>,
        %max3A_1006 = arith.maximumf %gather3A_1000, %get3A_986 : vector<16xf32>
        tpu.vector_store_idx %arg12[%get3A_966], %max3A_1006 : memref<8320xf32, #tpu.memory_space<vmem>>[vector<16xi32>], vector<16xf32>,
        %max3A_1007 = arith.maximumf %gather3A_1001, %get3A_991 : vector<16xf32>
        tpu.vector_store_idx %arg13[%get3A_966], %max3A_1007 : memref<8320xf32, #tpu.memory_space<vmem>>[vector<16xi32>], vector<16xf32>,
        %max3A_1008 = arith.maximumf %gather3A_1002, %get3A_996 : vector<16xf32>
        tpu.vector_store_idx %arg14[%get3A_966], %max3A_1008 : memref<8320xf32, #tpu.memory_space<vmem>>[vector<16xi32>], vector<16xf32>,
        %mul3A_1009 = arith.constant 384 : i32
        %mul3A_1010 = arith.muli %scan3A_146, %mul3A_1009 : i32
        %add3A_1011 = arith.constant 288 : i32
        %add3A_1012 = arith.addi %mul3A_1010, %add3A_1011 : i32
        %get3A_1013 = arith.index_cast %add3A_1012 : i32 to index
        %get3A_1014 = tpu.vector_load %arg5[%get3A_1013] {strides = array<i32>} : memref<3072xi32, #tpu.memory_space<vmem>>, vector<16xi32>,
        %get3A_1015 = arith.constant 0 : i32
        %get3A_1016 = arith.index_cast %get3A_1015 : i32 to index
        %get3A_1017 = arith.index_cast %scan3A_146 : i32 to index
        %get3A_1018 = arith.constant 288 : index
        %get3A_1019 = tpu.vector_load %arg7[%get3A_1016, %get3A_1017, %get3A_1018] {strides = array<i32>} : memref<6x8x384xf32, #tpu.memory_space<vmem>>, vector<16xf32>,
        %get3A_1020 = arith.constant 1 : i32
        %get3A_1021 = arith.index_cast %get3A_1020 : i32 to index
        %get3A_1022 = arith.index_cast %scan3A_146 : i32 to index
        %get3A_1023 = arith.constant 288 : index
        %get3A_1024 = tpu.vector_load %arg7[%get3A_1021, %get3A_1022, %get3A_1023] {strides = array<i32>} : memref<6x8x384xf32, #tpu.memory_space<vmem>>, vector<16xf32>,
        %get3A_1025 = arith.constant 2 : i32
        %get3A_1026 = arith.index_cast %get3A_1025 : i32 to index
        %get3A_1027 = arith.index_cast %scan3A_146 : i32 to index
        %get3A_1028 = arith.constant 288 : index
        %get3A_1029 = tpu.vector_load %arg7[%get3A_1026, %get3A_1027, %get3A_1028] {strides = array<i32>} : memref<6x8x384xf32, #tpu.memory_space<vmem>>, vector<16xf32>,
        %get3A_1030 = arith.constant 3 : i32
        %get3A_1031 = arith.index_cast %get3A_1030 : i32 to index
        %get3A_1032 = arith.index_cast %scan3A_146 : i32 to index
        %get3A_1033 = arith.constant 288 : index
        %get3A_1034 = tpu.vector_load %arg7[%get3A_1031, %get3A_1032, %get3A_1033] {strides = array<i32>} : memref<6x8x384xf32, #tpu.memory_space<vmem>>, vector<16xf32>,
        %get3A_1035 = arith.constant 4 : i32
        %get3A_1036 = arith.index_cast %get3A_1035 : i32 to index
        %get3A_1037 = arith.index_cast %scan3A_146 : i32 to index
        %get3A_1038 = arith.constant 288 : index
        %get3A_1039 = tpu.vector_load %arg7[%get3A_1036, %get3A_1037, %get3A_1038] {strides = array<i32>} : memref<6x8x384xf32, #tpu.memory_space<vmem>>, vector<16xf32>,
        %get3A_1040 = arith.constant 5 : i32
        %get3A_1041 = arith.index_cast %get3A_1040 : i32 to index
        %get3A_1042 = arith.index_cast %scan3A_146 : i32 to index
        %get3A_1043 = arith.constant 288 : index
        %get3A_1044 = tpu.vector_load %arg7[%get3A_1041, %get3A_1042, %get3A_1043] {strides = array<i32>} : memref<6x8x384xf32, #tpu.memory_space<vmem>>, vector<16xf32>,
        %gather3A_1045 = tpu.vector_load_idx %arg9[%get3A_1014] : memref<8320xf32, #tpu.memory_space<vmem>>[vector<16xi32>], vector<16xf32>,
        %gather3A_1046 = tpu.vector_load_idx %arg10[%get3A_1014] : memref<8320xf32, #tpu.memory_space<vmem>>[vector<16xi32>], vector<16xf32>,
        %gather3A_1047 = tpu.vector_load_idx %arg11[%get3A_1014] : memref<8320xf32, #tpu.memory_space<vmem>>[vector<16xi32>], vector<16xf32>,
        %gather3A_1048 = tpu.vector_load_idx %arg12[%get3A_1014] : memref<8320xf32, #tpu.memory_space<vmem>>[vector<16xi32>], vector<16xf32>,
        %gather3A_1049 = tpu.vector_load_idx %arg13[%get3A_1014] : memref<8320xf32, #tpu.memory_space<vmem>>[vector<16xi32>], vector<16xf32>,
        %gather3A_1050 = tpu.vector_load_idx %arg14[%get3A_1014] : memref<8320xf32, #tpu.memory_space<vmem>>[vector<16xi32>], vector<16xf32>,
        %max3A_1051 = arith.maximumf %gather3A_1045, %get3A_1019 : vector<16xf32>
        tpu.vector_store_idx %arg9[%get3A_1014], %max3A_1051 : memref<8320xf32, #tpu.memory_space<vmem>>[vector<16xi32>], vector<16xf32>,
        %max3A_1052 = arith.maximumf %gather3A_1046, %get3A_1024 : vector<16xf32>
        tpu.vector_store_idx %arg10[%get3A_1014], %max3A_1052 : memref<8320xf32, #tpu.memory_space<vmem>>[vector<16xi32>], vector<16xf32>,
        %max3A_1053 = arith.maximumf %gather3A_1047, %get3A_1029 : vector<16xf32>
        tpu.vector_store_idx %arg11[%get3A_1014], %max3A_1053 : memref<8320xf32, #tpu.memory_space<vmem>>[vector<16xi32>], vector<16xf32>,
        %max3A_1054 = arith.maximumf %gather3A_1048, %get3A_1034 : vector<16xf32>
        tpu.vector_store_idx %arg12[%get3A_1014], %max3A_1054 : memref<8320xf32, #tpu.memory_space<vmem>>[vector<16xi32>], vector<16xf32>,
        %max3A_1055 = arith.maximumf %gather3A_1049, %get3A_1039 : vector<16xf32>
        tpu.vector_store_idx %arg13[%get3A_1014], %max3A_1055 : memref<8320xf32, #tpu.memory_space<vmem>>[vector<16xi32>], vector<16xf32>,
        %max3A_1056 = arith.maximumf %gather3A_1050, %get3A_1044 : vector<16xf32>
        tpu.vector_store_idx %arg14[%get3A_1014], %max3A_1056 : memref<8320xf32, #tpu.memory_space<vmem>>[vector<16xi32>], vector<16xf32>,
        %mul3A_1057 = arith.constant 384 : i32
        %mul3A_1058 = arith.muli %scan3A_146, %mul3A_1057 : i32
        %add3A_1059 = arith.constant 304 : i32
        %add3A_1060 = arith.addi %mul3A_1058, %add3A_1059 : i32
        %get3A_1061 = arith.index_cast %add3A_1060 : i32 to index
        %get3A_1062 = tpu.vector_load %arg5[%get3A_1061] {strides = array<i32>} : memref<3072xi32, #tpu.memory_space<vmem>>, vector<16xi32>,
        %get3A_1063 = arith.constant 0 : i32
        %get3A_1064 = arith.index_cast %get3A_1063 : i32 to index
        %get3A_1065 = arith.index_cast %scan3A_146 : i32 to index
        %get3A_1066 = arith.constant 304 : index
        %get3A_1067 = tpu.vector_load %arg7[%get3A_1064, %get3A_1065, %get3A_1066] {strides = array<i32>} : memref<6x8x384xf32, #tpu.memory_space<vmem>>, vector<16xf32>,
        %get3A_1068 = arith.constant 1 : i32
        %get3A_1069 = arith.index_cast %get3A_1068 : i32 to index
        %get3A_1070 = arith.index_cast %scan3A_146 : i32 to index
        %get3A_1071 = arith.constant 304 : index
        %get3A_1072 = tpu.vector_load %arg7[%get3A_1069, %get3A_1070, %get3A_1071] {strides = array<i32>} : memref<6x8x384xf32, #tpu.memory_space<vmem>>, vector<16xf32>,
        %get3A_1073 = arith.constant 2 : i32
        %get3A_1074 = arith.index_cast %get3A_1073 : i32 to index
        %get3A_1075 = arith.index_cast %scan3A_146 : i32 to index
        %get3A_1076 = arith.constant 304 : index
        %get3A_1077 = tpu.vector_load %arg7[%get3A_1074, %get3A_1075, %get3A_1076] {strides = array<i32>} : memref<6x8x384xf32, #tpu.memory_space<vmem>>, vector<16xf32>,
        %get3A_1078 = arith.constant 3 : i32
        %get3A_1079 = arith.index_cast %get3A_1078 : i32 to index
        %get3A_1080 = arith.index_cast %scan3A_146 : i32 to index
        %get3A_1081 = arith.constant 304 : index
        %get3A_1082 = tpu.vector_load %arg7[%get3A_1079, %get3A_1080, %get3A_1081] {strides = array<i32>} : memref<6x8x384xf32, #tpu.memory_space<vmem>>, vector<16xf32>,
        %get3A_1083 = arith.constant 4 : i32
        %get3A_1084 = arith.index_cast %get3A_1083 : i32 to index
        %get3A_1085 = arith.index_cast %scan3A_146 : i32 to index
        %get3A_1086 = arith.constant 304 : index
        %get3A_1087 = tpu.vector_load %arg7[%get3A_1084, %get3A_1085, %get3A_1086] {strides = array<i32>} : memref<6x8x384xf32, #tpu.memory_space<vmem>>, vector<16xf32>,
        %get3A_1088 = arith.constant 5 : i32
        %get3A_1089 = arith.index_cast %get3A_1088 : i32 to index
        %get3A_1090 = arith.index_cast %scan3A_146 : i32 to index
        %get3A_1091 = arith.constant 304 : index
        %get3A_1092 = tpu.vector_load %arg7[%get3A_1089, %get3A_1090, %get3A_1091] {strides = array<i32>} : memref<6x8x384xf32, #tpu.memory_space<vmem>>, vector<16xf32>,
        %gather3A_1093 = tpu.vector_load_idx %arg9[%get3A_1062] : memref<8320xf32, #tpu.memory_space<vmem>>[vector<16xi32>], vector<16xf32>,
        %gather3A_1094 = tpu.vector_load_idx %arg10[%get3A_1062] : memref<8320xf32, #tpu.memory_space<vmem>>[vector<16xi32>], vector<16xf32>,
        %gather3A_1095 = tpu.vector_load_idx %arg11[%get3A_1062] : memref<8320xf32, #tpu.memory_space<vmem>>[vector<16xi32>], vector<16xf32>,
        %gather3A_1096 = tpu.vector_load_idx %arg12[%get3A_1062] : memref<8320xf32, #tpu.memory_space<vmem>>[vector<16xi32>], vector<16xf32>,
        %gather3A_1097 = tpu.vector_load_idx %arg13[%get3A_1062] : memref<8320xf32, #tpu.memory_space<vmem>>[vector<16xi32>], vector<16xf32>,
        %gather3A_1098 = tpu.vector_load_idx %arg14[%get3A_1062] : memref<8320xf32, #tpu.memory_space<vmem>>[vector<16xi32>], vector<16xf32>,
        %max3A_1099 = arith.maximumf %gather3A_1093, %get3A_1067 : vector<16xf32>
        tpu.vector_store_idx %arg9[%get3A_1062], %max3A_1099 : memref<8320xf32, #tpu.memory_space<vmem>>[vector<16xi32>], vector<16xf32>,
        %max3A_1100 = arith.maximumf %gather3A_1094, %get3A_1072 : vector<16xf32>
        tpu.vector_store_idx %arg10[%get3A_1062], %max3A_1100 : memref<8320xf32, #tpu.memory_space<vmem>>[vector<16xi32>], vector<16xf32>,
        %max3A_1101 = arith.maximumf %gather3A_1095, %get3A_1077 : vector<16xf32>
        tpu.vector_store_idx %arg11[%get3A_1062], %max3A_1101 : memref<8320xf32, #tpu.memory_space<vmem>>[vector<16xi32>], vector<16xf32>,
        %max3A_1102 = arith.maximumf %gather3A_1096, %get3A_1082 : vector<16xf32>
        tpu.vector_store_idx %arg12[%get3A_1062], %max3A_1102 : memref<8320xf32, #tpu.memory_space<vmem>>[vector<16xi32>], vector<16xf32>,
        %max3A_1103 = arith.maximumf %gather3A_1097, %get3A_1087 : vector<16xf32>
        tpu.vector_store_idx %arg13[%get3A_1062], %max3A_1103 : memref<8320xf32, #tpu.memory_space<vmem>>[vector<16xi32>], vector<16xf32>,
        %max3A_1104 = arith.maximumf %gather3A_1098, %get3A_1092 : vector<16xf32>
        tpu.vector_store_idx %arg14[%get3A_1062], %max3A_1104 : memref<8320xf32, #tpu.memory_space<vmem>>[vector<16xi32>], vector<16xf32>,
        %mul3A_1105 = arith.constant 384 : i32
        %mul3A_1106 = arith.muli %scan3A_146, %mul3A_1105 : i32
        %add3A_1107 = arith.constant 320 : i32
        %add3A_1108 = arith.addi %mul3A_1106, %add3A_1107 : i32
        %get3A_1109 = arith.index_cast %add3A_1108 : i32 to index
        %get3A_1110 = tpu.vector_load %arg5[%get3A_1109] {strides = array<i32>} : memref<3072xi32, #tpu.memory_space<vmem>>, vector<16xi32>,
        %get3A_1111 = arith.constant 0 : i32
        %get3A_1112 = arith.index_cast %get3A_1111 : i32 to index
        %get3A_1113 = arith.index_cast %scan3A_146 : i32 to index
        %get3A_1114 = arith.constant 320 : index
        %get3A_1115 = tpu.vector_load %arg7[%get3A_1112, %get3A_1113, %get3A_1114] {strides = array<i32>} : memref<6x8x384xf32, #tpu.memory_space<vmem>>, vector<16xf32>,
        %get3A_1116 = arith.constant 1 : i32
        %get3A_1117 = arith.index_cast %get3A_1116 : i32 to index
        %get3A_1118 = arith.index_cast %scan3A_146 : i32 to index
        %get3A_1119 = arith.constant 320 : index
        %get3A_1120 = tpu.vector_load %arg7[%get3A_1117, %get3A_1118, %get3A_1119] {strides = array<i32>} : memref<6x8x384xf32, #tpu.memory_space<vmem>>, vector<16xf32>,
        %get3A_1121 = arith.constant 2 : i32
        %get3A_1122 = arith.index_cast %get3A_1121 : i32 to index
        %get3A_1123 = arith.index_cast %scan3A_146 : i32 to index
        %get3A_1124 = arith.constant 320 : index
        %get3A_1125 = tpu.vector_load %arg7[%get3A_1122, %get3A_1123, %get3A_1124] {strides = array<i32>} : memref<6x8x384xf32, #tpu.memory_space<vmem>>, vector<16xf32>,
        %get3A_1126 = arith.constant 3 : i32
        %get3A_1127 = arith.index_cast %get3A_1126 : i32 to index
        %get3A_1128 = arith.index_cast %scan3A_146 : i32 to index
        %get3A_1129 = arith.constant 320 : index
        %get3A_1130 = tpu.vector_load %arg7[%get3A_1127, %get3A_1128, %get3A_1129] {strides = array<i32>} : memref<6x8x384xf32, #tpu.memory_space<vmem>>, vector<16xf32>,
        %get3A_1131 = arith.constant 4 : i32
        %get3A_1132 = arith.index_cast %get3A_1131 : i32 to index
        %get3A_1133 = arith.index_cast %scan3A_146 : i32 to index
        %get3A_1134 = arith.constant 320 : index
        %get3A_1135 = tpu.vector_load %arg7[%get3A_1132, %get3A_1133, %get3A_1134] {strides = array<i32>} : memref<6x8x384xf32, #tpu.memory_space<vmem>>, vector<16xf32>,
        %get3A_1136 = arith.constant 5 : i32
        %get3A_1137 = arith.index_cast %get3A_1136 : i32 to index
        %get3A_1138 = arith.index_cast %scan3A_146 : i32 to index
        %get3A_1139 = arith.constant 320 : index
        %get3A_1140 = tpu.vector_load %arg7[%get3A_1137, %get3A_1138, %get3A_1139] {strides = array<i32>} : memref<6x8x384xf32, #tpu.memory_space<vmem>>, vector<16xf32>,
        %gather3A_1141 = tpu.vector_load_idx %arg9[%get3A_1110] : memref<8320xf32, #tpu.memory_space<vmem>>[vector<16xi32>], vector<16xf32>,
        %gather3A_1142 = tpu.vector_load_idx %arg10[%get3A_1110] : memref<8320xf32, #tpu.memory_space<vmem>>[vector<16xi32>], vector<16xf32>,
        %gather3A_1143 = tpu.vector_load_idx %arg11[%get3A_1110] : memref<8320xf32, #tpu.memory_space<vmem>>[vector<16xi32>], vector<16xf32>,
        %gather3A_1144 = tpu.vector_load_idx %arg12[%get3A_1110] : memref<8320xf32, #tpu.memory_space<vmem>>[vector<16xi32>], vector<16xf32>,
        %gather3A_1145 = tpu.vector_load_idx %arg13[%get3A_1110] : memref<8320xf32, #tpu.memory_space<vmem>>[vector<16xi32>], vector<16xf32>,
        %gather3A_1146 = tpu.vector_load_idx %arg14[%get3A_1110] : memref<8320xf32, #tpu.memory_space<vmem>>[vector<16xi32>], vector<16xf32>,
        %max3A_1147 = arith.maximumf %gather3A_1141, %get3A_1115 : vector<16xf32>
        tpu.vector_store_idx %arg9[%get3A_1110], %max3A_1147 : memref<8320xf32, #tpu.memory_space<vmem>>[vector<16xi32>], vector<16xf32>,
        %max3A_1148 = arith.maximumf %gather3A_1142, %get3A_1120 : vector<16xf32>
        tpu.vector_store_idx %arg10[%get3A_1110], %max3A_1148 : memref<8320xf32, #tpu.memory_space<vmem>>[vector<16xi32>], vector<16xf32>,
        %max3A_1149 = arith.maximumf %gather3A_1143, %get3A_1125 : vector<16xf32>
        tpu.vector_store_idx %arg11[%get3A_1110], %max3A_1149 : memref<8320xf32, #tpu.memory_space<vmem>>[vector<16xi32>], vector<16xf32>,
        %max3A_1150 = arith.maximumf %gather3A_1144, %get3A_1130 : vector<16xf32>
        tpu.vector_store_idx %arg12[%get3A_1110], %max3A_1150 : memref<8320xf32, #tpu.memory_space<vmem>>[vector<16xi32>], vector<16xf32>,
        %max3A_1151 = arith.maximumf %gather3A_1145, %get3A_1135 : vector<16xf32>
        tpu.vector_store_idx %arg13[%get3A_1110], %max3A_1151 : memref<8320xf32, #tpu.memory_space<vmem>>[vector<16xi32>], vector<16xf32>,
        %max3A_1152 = arith.maximumf %gather3A_1146, %get3A_1140 : vector<16xf32>
        tpu.vector_store_idx %arg14[%get3A_1110], %max3A_1152 : memref<8320xf32, #tpu.memory_space<vmem>>[vector<16xi32>], vector<16xf32>,
        %mul3A_1153 = arith.constant 384 : i32
        %mul3A_1154 = arith.muli %scan3A_146, %mul3A_1153 : i32
        %add3A_1155 = arith.constant 336 : i32
        %add3A_1156 = arith.addi %mul3A_1154, %add3A_1155 : i32
        %get3A_1157 = arith.index_cast %add3A_1156 : i32 to index
        %get3A_1158 = tpu.vector_load %arg5[%get3A_1157] {strides = array<i32>} : memref<3072xi32, #tpu.memory_space<vmem>>, vector<16xi32>,
        %get3A_1159 = arith.constant 0 : i32
        %get3A_1160 = arith.index_cast %get3A_1159 : i32 to index
        %get3A_1161 = arith.index_cast %scan3A_146 : i32 to index
        %get3A_1162 = arith.constant 336 : index
        %get3A_1163 = tpu.vector_load %arg7[%get3A_1160, %get3A_1161, %get3A_1162] {strides = array<i32>} : memref<6x8x384xf32, #tpu.memory_space<vmem>>, vector<16xf32>,
        %get3A_1164 = arith.constant 1 : i32
        %get3A_1165 = arith.index_cast %get3A_1164 : i32 to index
        %get3A_1166 = arith.index_cast %scan3A_146 : i32 to index
        %get3A_1167 = arith.constant 336 : index
        %get3A_1168 = tpu.vector_load %arg7[%get3A_1165, %get3A_1166, %get3A_1167] {strides = array<i32>} : memref<6x8x384xf32, #tpu.memory_space<vmem>>, vector<16xf32>,
        %get3A_1169 = arith.constant 2 : i32
        %get3A_1170 = arith.index_cast %get3A_1169 : i32 to index
        %get3A_1171 = arith.index_cast %scan3A_146 : i32 to index
        %get3A_1172 = arith.constant 336 : index
        %get3A_1173 = tpu.vector_load %arg7[%get3A_1170, %get3A_1171, %get3A_1172] {strides = array<i32>} : memref<6x8x384xf32, #tpu.memory_space<vmem>>, vector<16xf32>,
        %get3A_1174 = arith.constant 3 : i32
        %get3A_1175 = arith.index_cast %get3A_1174 : i32 to index
        %get3A_1176 = arith.index_cast %scan3A_146 : i32 to index
        %get3A_1177 = arith.constant 336 : index
        %get3A_1178 = tpu.vector_load %arg7[%get3A_1175, %get3A_1176, %get3A_1177] {strides = array<i32>} : memref<6x8x384xf32, #tpu.memory_space<vmem>>, vector<16xf32>,
        %get3A_1179 = arith.constant 4 : i32
        %get3A_1180 = arith.index_cast %get3A_1179 : i32 to index
        %get3A_1181 = arith.index_cast %scan3A_146 : i32 to index
        %get3A_1182 = arith.constant 336 : index
        %get3A_1183 = tpu.vector_load %arg7[%get3A_1180, %get3A_1181, %get3A_1182] {strides = array<i32>} : memref<6x8x384xf32, #tpu.memory_space<vmem>>, vector<16xf32>,
        %get3A_1184 = arith.constant 5 : i32
        %get3A_1185 = arith.index_cast %get3A_1184 : i32 to index
        %get3A_1186 = arith.index_cast %scan3A_146 : i32 to index
        %get3A_1187 = arith.constant 336 : index
        %get3A_1188 = tpu.vector_load %arg7[%get3A_1185, %get3A_1186, %get3A_1187] {strides = array<i32>} : memref<6x8x384xf32, #tpu.memory_space<vmem>>, vector<16xf32>,
        %gather3A_1189 = tpu.vector_load_idx %arg9[%get3A_1158] : memref<8320xf32, #tpu.memory_space<vmem>>[vector<16xi32>], vector<16xf32>,
        %gather3A_1190 = tpu.vector_load_idx %arg10[%get3A_1158] : memref<8320xf32, #tpu.memory_space<vmem>>[vector<16xi32>], vector<16xf32>,
        %gather3A_1191 = tpu.vector_load_idx %arg11[%get3A_1158] : memref<8320xf32, #tpu.memory_space<vmem>>[vector<16xi32>], vector<16xf32>,
        %gather3A_1192 = tpu.vector_load_idx %arg12[%get3A_1158] : memref<8320xf32, #tpu.memory_space<vmem>>[vector<16xi32>], vector<16xf32>,
        %gather3A_1193 = tpu.vector_load_idx %arg13[%get3A_1158] : memref<8320xf32, #tpu.memory_space<vmem>>[vector<16xi32>], vector<16xf32>,
        %gather3A_1194 = tpu.vector_load_idx %arg14[%get3A_1158] : memref<8320xf32, #tpu.memory_space<vmem>>[vector<16xi32>], vector<16xf32>,
        %max3A_1195 = arith.maximumf %gather3A_1189, %get3A_1163 : vector<16xf32>
        tpu.vector_store_idx %arg9[%get3A_1158], %max3A_1195 : memref<8320xf32, #tpu.memory_space<vmem>>[vector<16xi32>], vector<16xf32>,
        %max3A_1196 = arith.maximumf %gather3A_1190, %get3A_1168 : vector<16xf32>
        tpu.vector_store_idx %arg10[%get3A_1158], %max3A_1196 : memref<8320xf32, #tpu.memory_space<vmem>>[vector<16xi32>], vector<16xf32>,
        %max3A_1197 = arith.maximumf %gather3A_1191, %get3A_1173 : vector<16xf32>
        tpu.vector_store_idx %arg11[%get3A_1158], %max3A_1197 : memref<8320xf32, #tpu.memory_space<vmem>>[vector<16xi32>], vector<16xf32>,
        %max3A_1198 = arith.maximumf %gather3A_1192, %get3A_1178 : vector<16xf32>
        tpu.vector_store_idx %arg12[%get3A_1158], %max3A_1198 : memref<8320xf32, #tpu.memory_space<vmem>>[vector<16xi32>], vector<16xf32>,
        %max3A_1199 = arith.maximumf %gather3A_1193, %get3A_1183 : vector<16xf32>
        tpu.vector_store_idx %arg13[%get3A_1158], %max3A_1199 : memref<8320xf32, #tpu.memory_space<vmem>>[vector<16xi32>], vector<16xf32>,
        %max3A_1200 = arith.maximumf %gather3A_1194, %get3A_1188 : vector<16xf32>
        tpu.vector_store_idx %arg14[%get3A_1158], %max3A_1200 : memref<8320xf32, #tpu.memory_space<vmem>>[vector<16xi32>], vector<16xf32>,
        %mul3A_1201 = arith.constant 384 : i32
        %mul3A_1202 = arith.muli %scan3A_146, %mul3A_1201 : i32
        %add3A_1203 = arith.constant 352 : i32
        %add3A_1204 = arith.addi %mul3A_1202, %add3A_1203 : i32
        %get3A_1205 = arith.index_cast %add3A_1204 : i32 to index
        %get3A_1206 = tpu.vector_load %arg5[%get3A_1205] {strides = array<i32>} : memref<3072xi32, #tpu.memory_space<vmem>>, vector<16xi32>,
        %get3A_1207 = arith.constant 0 : i32
        %get3A_1208 = arith.index_cast %get3A_1207 : i32 to index
        %get3A_1209 = arith.index_cast %scan3A_146 : i32 to index
        %get3A_1210 = arith.constant 352 : index
        %get3A_1211 = tpu.vector_load %arg7[%get3A_1208, %get3A_1209, %get3A_1210] {strides = array<i32>} : memref<6x8x384xf32, #tpu.memory_space<vmem>>, vector<16xf32>,
        %get3A_1212 = arith.constant 1 : i32
        %get3A_1213 = arith.index_cast %get3A_1212 : i32 to index
        %get3A_1214 = arith.index_cast %scan3A_146 : i32 to index
        %get3A_1215 = arith.constant 352 : index
        %get3A_1216 = tpu.vector_load %arg7[%get3A_1213, %get3A_1214, %get3A_1215] {strides = array<i32>} : memref<6x8x384xf32, #tpu.memory_space<vmem>>, vector<16xf32>,
        %get3A_1217 = arith.constant 2 : i32
        %get3A_1218 = arith.index_cast %get3A_1217 : i32 to index
        %get3A_1219 = arith.index_cast %scan3A_146 : i32 to index
        %get3A_1220 = arith.constant 352 : index
        %get3A_1221 = tpu.vector_load %arg7[%get3A_1218, %get3A_1219, %get3A_1220] {strides = array<i32>} : memref<6x8x384xf32, #tpu.memory_space<vmem>>, vector<16xf32>,
        %get3A_1222 = arith.constant 3 : i32
        %get3A_1223 = arith.index_cast %get3A_1222 : i32 to index
        %get3A_1224 = arith.index_cast %scan3A_146 : i32 to index
        %get3A_1225 = arith.constant 352 : index
        %get3A_1226 = tpu.vector_load %arg7[%get3A_1223, %get3A_1224, %get3A_1225] {strides = array<i32>} : memref<6x8x384xf32, #tpu.memory_space<vmem>>, vector<16xf32>,
        %get3A_1227 = arith.constant 4 : i32
        %get3A_1228 = arith.index_cast %get3A_1227 : i32 to index
        %get3A_1229 = arith.index_cast %scan3A_146 : i32 to index
        %get3A_1230 = arith.constant 352 : index
        %get3A_1231 = tpu.vector_load %arg7[%get3A_1228, %get3A_1229, %get3A_1230] {strides = array<i32>} : memref<6x8x384xf32, #tpu.memory_space<vmem>>, vector<16xf32>,
        %get3A_1232 = arith.constant 5 : i32
        %get3A_1233 = arith.index_cast %get3A_1232 : i32 to index
        %get3A_1234 = arith.index_cast %scan3A_146 : i32 to index
        %get3A_1235 = arith.constant 352 : index
        %get3A_1236 = tpu.vector_load %arg7[%get3A_1233, %get3A_1234, %get3A_1235] {strides = array<i32>} : memref<6x8x384xf32, #tpu.memory_space<vmem>>, vector<16xf32>,
        %gather3A_1237 = tpu.vector_load_idx %arg9[%get3A_1206] : memref<8320xf32, #tpu.memory_space<vmem>>[vector<16xi32>], vector<16xf32>,
        %gather3A_1238 = tpu.vector_load_idx %arg10[%get3A_1206] : memref<8320xf32, #tpu.memory_space<vmem>>[vector<16xi32>], vector<16xf32>,
        %gather3A_1239 = tpu.vector_load_idx %arg11[%get3A_1206] : memref<8320xf32, #tpu.memory_space<vmem>>[vector<16xi32>], vector<16xf32>,
        %gather3A_1240 = tpu.vector_load_idx %arg12[%get3A_1206] : memref<8320xf32, #tpu.memory_space<vmem>>[vector<16xi32>], vector<16xf32>,
        %gather3A_1241 = tpu.vector_load_idx %arg13[%get3A_1206] : memref<8320xf32, #tpu.memory_space<vmem>>[vector<16xi32>], vector<16xf32>,
        %gather3A_1242 = tpu.vector_load_idx %arg14[%get3A_1206] : memref<8320xf32, #tpu.memory_space<vmem>>[vector<16xi32>], vector<16xf32>,
        %max3A_1243 = arith.maximumf %gather3A_1237, %get3A_1211 : vector<16xf32>
        tpu.vector_store_idx %arg9[%get3A_1206], %max3A_1243 : memref<8320xf32, #tpu.memory_space<vmem>>[vector<16xi32>], vector<16xf32>,
        %max3A_1244 = arith.maximumf %gather3A_1238, %get3A_1216 : vector<16xf32>
        tpu.vector_store_idx %arg10[%get3A_1206], %max3A_1244 : memref<8320xf32, #tpu.memory_space<vmem>>[vector<16xi32>], vector<16xf32>,
        %max3A_1245 = arith.maximumf %gather3A_1239, %get3A_1221 : vector<16xf32>
        tpu.vector_store_idx %arg11[%get3A_1206], %max3A_1245 : memref<8320xf32, #tpu.memory_space<vmem>>[vector<16xi32>], vector<16xf32>,
        %max3A_1246 = arith.maximumf %gather3A_1240, %get3A_1226 : vector<16xf32>
        tpu.vector_store_idx %arg12[%get3A_1206], %max3A_1246 : memref<8320xf32, #tpu.memory_space<vmem>>[vector<16xi32>], vector<16xf32>,
        %max3A_1247 = arith.maximumf %gather3A_1241, %get3A_1231 : vector<16xf32>
        tpu.vector_store_idx %arg13[%get3A_1206], %max3A_1247 : memref<8320xf32, #tpu.memory_space<vmem>>[vector<16xi32>], vector<16xf32>,
        %max3A_1248 = arith.maximumf %gather3A_1242, %get3A_1236 : vector<16xf32>
        tpu.vector_store_idx %arg14[%get3A_1206], %max3A_1248 : memref<8320xf32, #tpu.memory_space<vmem>>[vector<16xi32>], vector<16xf32>,
        %mul3A_1249 = arith.constant 384 : i32
        %mul3A_1250 = arith.muli %scan3A_146, %mul3A_1249 : i32
        %add3A_1251 = arith.constant 368 : i32
        %add3A_1252 = arith.addi %mul3A_1250, %add3A_1251 : i32
        %get3A_1253 = arith.index_cast %add3A_1252 : i32 to index
        %get3A_1254 = tpu.vector_load %arg5[%get3A_1253] {strides = array<i32>} : memref<3072xi32, #tpu.memory_space<vmem>>, vector<16xi32>,
        %get3A_1255 = arith.constant 0 : i32
        %get3A_1256 = arith.index_cast %get3A_1255 : i32 to index
        %get3A_1257 = arith.index_cast %scan3A_146 : i32 to index
        %get3A_1258 = arith.constant 368 : index
        %get3A_1259 = tpu.vector_load %arg7[%get3A_1256, %get3A_1257, %get3A_1258] {strides = array<i32>} : memref<6x8x384xf32, #tpu.memory_space<vmem>>, vector<16xf32>,
        %get3A_1260 = arith.constant 1 : i32
        %get3A_1261 = arith.index_cast %get3A_1260 : i32 to index
        %get3A_1262 = arith.index_cast %scan3A_146 : i32 to index
        %get3A_1263 = arith.constant 368 : index
        %get3A_1264 = tpu.vector_load %arg7[%get3A_1261, %get3A_1262, %get3A_1263] {strides = array<i32>} : memref<6x8x384xf32, #tpu.memory_space<vmem>>, vector<16xf32>,
        %get3A_1265 = arith.constant 2 : i32
        %get3A_1266 = arith.index_cast %get3A_1265 : i32 to index
        %get3A_1267 = arith.index_cast %scan3A_146 : i32 to index
        %get3A_1268 = arith.constant 368 : index
        %get3A_1269 = tpu.vector_load %arg7[%get3A_1266, %get3A_1267, %get3A_1268] {strides = array<i32>} : memref<6x8x384xf32, #tpu.memory_space<vmem>>, vector<16xf32>,
        %get3A_1270 = arith.constant 3 : i32
        %get3A_1271 = arith.index_cast %get3A_1270 : i32 to index
        %get3A_1272 = arith.index_cast %scan3A_146 : i32 to index
        %get3A_1273 = arith.constant 368 : index
        %get3A_1274 = tpu.vector_load %arg7[%get3A_1271, %get3A_1272, %get3A_1273] {strides = array<i32>} : memref<6x8x384xf32, #tpu.memory_space<vmem>>, vector<16xf32>,
        %get3A_1275 = arith.constant 4 : i32
        %get3A_1276 = arith.index_cast %get3A_1275 : i32 to index
        %get3A_1277 = arith.index_cast %scan3A_146 : i32 to index
        %get3A_1278 = arith.constant 368 : index
        %get3A_1279 = tpu.vector_load %arg7[%get3A_1276, %get3A_1277, %get3A_1278] {strides = array<i32>} : memref<6x8x384xf32, #tpu.memory_space<vmem>>, vector<16xf32>,
        %get3A_1280 = arith.constant 5 : i32
        %get3A_1281 = arith.index_cast %get3A_1280 : i32 to index
        %get3A_1282 = arith.index_cast %scan3A_146 : i32 to index
        %get3A_1283 = arith.constant 368 : index
        %get3A_1284 = tpu.vector_load %arg7[%get3A_1281, %get3A_1282, %get3A_1283] {strides = array<i32>} : memref<6x8x384xf32, #tpu.memory_space<vmem>>, vector<16xf32>,
        %gather3A_1285 = tpu.vector_load_idx %arg9[%get3A_1254] : memref<8320xf32, #tpu.memory_space<vmem>>[vector<16xi32>], vector<16xf32>,
        %gather3A_1286 = tpu.vector_load_idx %arg10[%get3A_1254] : memref<8320xf32, #tpu.memory_space<vmem>>[vector<16xi32>], vector<16xf32>,
        %gather3A_1287 = tpu.vector_load_idx %arg11[%get3A_1254] : memref<8320xf32, #tpu.memory_space<vmem>>[vector<16xi32>], vector<16xf32>,
        %gather3A_1288 = tpu.vector_load_idx %arg12[%get3A_1254] : memref<8320xf32, #tpu.memory_space<vmem>>[vector<16xi32>], vector<16xf32>,
        %gather3A_1289 = tpu.vector_load_idx %arg13[%get3A_1254] : memref<8320xf32, #tpu.memory_space<vmem>>[vector<16xi32>], vector<16xf32>,
        %gather3A_1290 = tpu.vector_load_idx %arg14[%get3A_1254] : memref<8320xf32, #tpu.memory_space<vmem>>[vector<16xi32>], vector<16xf32>,
        %max3A_1291 = arith.maximumf %gather3A_1285, %get3A_1259 : vector<16xf32>
        tpu.vector_store_idx %arg9[%get3A_1254], %max3A_1291 : memref<8320xf32, #tpu.memory_space<vmem>>[vector<16xi32>], vector<16xf32>,
        %max3A_1292 = arith.maximumf %gather3A_1286, %get3A_1264 : vector<16xf32>
        tpu.vector_store_idx %arg10[%get3A_1254], %max3A_1292 : memref<8320xf32, #tpu.memory_space<vmem>>[vector<16xi32>], vector<16xf32>,
        %max3A_1293 = arith.maximumf %gather3A_1287, %get3A_1269 : vector<16xf32>
        tpu.vector_store_idx %arg11[%get3A_1254], %max3A_1293 : memref<8320xf32, #tpu.memory_space<vmem>>[vector<16xi32>], vector<16xf32>,
        %max3A_1294 = arith.maximumf %gather3A_1288, %get3A_1274 : vector<16xf32>
        tpu.vector_store_idx %arg12[%get3A_1254], %max3A_1294 : memref<8320xf32, #tpu.memory_space<vmem>>[vector<16xi32>], vector<16xf32>,
        %max3A_1295 = arith.maximumf %gather3A_1289, %get3A_1279 : vector<16xf32>
        tpu.vector_store_idx %arg13[%get3A_1254], %max3A_1295 : memref<8320xf32, #tpu.memory_space<vmem>>[vector<16xi32>], vector<16xf32>,
        %max3A_1296 = arith.maximumf %gather3A_1290, %get3A_1284 : vector<16xf32>
        tpu.vector_store_idx %arg14[%get3A_1254], %max3A_1296 : memref<8320xf32, #tpu.memory_space<vmem>>[vector<16xi32>], vector<16xf32>,
        %scan3A_1297 = arith.constant 0 : i32
        scf.yield %scan3A_1297 : i32
      }
      %scan3A_115 = arith.constant 8 : i32
      %add3A_116 = arith.constant 1 : i32
      %add3A_117 = arith.addi %scan3A_74, %add3A_116 : i32
      %lt3A_118 = arith.constant 48 : i32
      %lt3A_119 = arith.cmpi slt, %add3A_117, %lt3A_118 : i32
      %convert_element_type3A = arith.extui %lt3A_119 : i1 to i32
      %cond3A = arith.constant 0 : i32
      %cond3A_120 = arith.cmpi ne, %convert_element_type3A, %cond3A : i32
      scf.if %cond3A_120 {
        %add3A_146 = arith.constant 1 : i32
        %add3A_147 = arith.addi %scan3A_74, %add3A_146 : i32
        %mul3A_148 = arith.constant 147456 : i32
        %mul3A_149 = arith.muli %select_n3A, %mul3A_148 : i32
        %mul3A_150 = arith.constant 3072 : i32
        %mul3A_151 = arith.muli %add3A_147, %mul3A_150 : i32
        %add3A_152 = arith.addi %mul3A_149, %mul3A_151 : i32
        %add3A_153 = arith.constant 0 : i32
        %add3A_154 = arith.addi %mul3A_32, %add3A_153 : i32
        %mul3A_155 = arith.constant 8 : i32
        %mul3A_156 = arith.muli %add3A_147, %mul3A_155 : i32
        %dma_start3A_157 = tpu.memref_slice %arg3[%add3A_152] : memref<589824xi32, #tpu.memory_space<hbm>> -> memref<3072xi32, #tpu.memory_space<hbm>>
        %dma_start3A_158 = tpu.memref_slice %arg3[%add3A_152] : memref<589824xi32, #tpu.memory_space<hbm>> -> memref<3072xi32, #tpu.memory_space<hbm>>
        tpu.enqueue_dma source(%dma_start3A_158 : memref<3072xi32, #tpu.memory_space<hbm>>) target(%arg5 : memref<3072xi32, #tpu.memory_space<vmem>>) target_semaphore(%arg16 : memref<!tpu.dma_semaphore, #tpu.memory_space<semaphore_mem>>)
        %dma_start3A_159 = arith.constant 0 : i32
        %dma_start3A_160 = tpu.memref_slice %arg2[%select_n3A, %add3A_154, %mul3A_156, %dma_start3A_159] : memref<4x96x384x384xf32, #tpu.memory_space<hbm>> -> memref<1x6x8x384xf32, #tpu.memory_space<hbm>>
        %dma_start3A_161 = tpu.memref_squeeze %dma_start3A_160 : memref<1x6x8x384xf32, #tpu.memory_space<hbm>> -> memref<6x8x384xf32, #tpu.memory_space<hbm>>
        %dma_start3A_162 = arith.constant 0 : i32
        %dma_start3A_163 = tpu.memref_slice %arg2[%select_n3A, %add3A_154, %mul3A_156, %dma_start3A_162] : memref<4x96x384x384xf32, #tpu.memory_space<hbm>> -> memref<1x6x8x384xf32, #tpu.memory_space<hbm>>
        %dma_start3A_164 = tpu.memref_squeeze %dma_start3A_163 : memref<1x6x8x384xf32, #tpu.memory_space<hbm>> -> memref<6x8x384xf32, #tpu.memory_space<hbm>>
        tpu.enqueue_dma source(%dma_start3A_164 : memref<6x8x384xf32, #tpu.memory_space<hbm>>) target(%arg7 : memref<6x8x384xf32, #tpu.memory_space<vmem>>) target_semaphore(%arg16 : memref<!tpu.dma_semaphore, #tpu.memory_space<semaphore_mem>>)
      } else {
      }
      %mul3A_121 = arith.constant 147456 : i32
      %mul3A_122 = arith.muli %select_n3A, %mul3A_121 : i32
      %mul3A_123 = arith.constant 3072 : i32
      %mul3A_124 = arith.muli %scan3A_74, %mul3A_123 : i32
      %add3A_125 = arith.addi %mul3A_122, %mul3A_124 : i32
      %add3A_126 = arith.constant 6 : i32
      %add3A_127 = arith.addi %mul3A_32, %add3A_126 : i32
      %mul3A_128 = arith.constant 8 : i32
      %mul3A_129 = arith.muli %scan3A_74, %mul3A_128 : i32
      %dma_wait3A_130 = tpu.memref_slice %arg3[%add3A_125] : memref<589824xi32, #tpu.memory_space<hbm>> -> memref<3072xi32, #tpu.memory_space<hbm>>
      %dma_wait3A_131 = tpu.memref_slice %arg3[%add3A_125] : memref<589824xi32, #tpu.memory_space<hbm>> -> memref<3072xi32, #tpu.memory_space<hbm>>
      tpu.wait_dma2 semaphore(%arg17 : memref<!tpu.dma_semaphore, #tpu.memory_space<semaphore_mem>>) src(%dma_wait3A_131 : memref<3072xi32, #tpu.memory_space<hbm>>) dst(%arg6 : memref<3072xi32, #tpu.memory_space<vmem>>)
      %dma_wait3A_132 = arith.constant 0 : i32
      %dma_wait3A_133 = tpu.memref_slice %arg2[%select_n3A, %add3A_127, %mul3A_129, %dma_wait3A_132] : memref<4x96x384x384xf32, #tpu.memory_space<hbm>> -> memref<1x6x8x384xf32, #tpu.memory_space<hbm>>
      %dma_wait3A_134 = tpu.memref_squeeze %dma_wait3A_133 : memref<1x6x8x384xf32, #tpu.memory_space<hbm>> -> memref<6x8x384xf32, #tpu.memory_space<hbm>>
      %dma_wait3A_135 = arith.constant 0 : i32
      %dma_wait3A_136 = tpu.memref_slice %arg2[%select_n3A, %add3A_127, %mul3A_129, %dma_wait3A_135] : memref<4x96x384x384xf32, #tpu.memory_space<hbm>> -> memref<1x6x8x384xf32, #tpu.memory_space<hbm>>
      %dma_wait3A_137 = tpu.memref_squeeze %dma_wait3A_136 : memref<1x6x8x384xf32, #tpu.memory_space<hbm>> -> memref<6x8x384xf32, #tpu.memory_space<hbm>>
      tpu.wait_dma2 semaphore(%arg17 : memref<!tpu.dma_semaphore, #tpu.memory_space<semaphore_mem>>) src(%dma_wait3A_137 : memref<6x8x384xf32, #tpu.memory_space<hbm>>) dst(%arg8 : memref<6x8x384xf32, #tpu.memory_space<vmem>>)
      %scan3A_138 = arith.constant 0 : i32
      %scan3A_139 = arith.constant 0 : i32
      %scan3A_140 = arith.constant 8 : i32
      %scan3A_141 = arith.addi %scan3A_139, %scan3A_140 : i32
      %scan3A_142 = arith.constant 1 : i32
      %scan3A_143 = scf.for %scan3A_146 = %scan3A_139 to %scan3A_141 step %scan3A_142 iter_args(%scan3A_147 = %scan3A_138) -> (i32)  : i32 {
        %mul3A_148 = arith.constant 384 : i32
        %mul3A_149 = arith.muli %scan3A_146, %mul3A_148 : i32
        %add3A_150 = arith.constant 0 : i32
        %add3A_151 = arith.addi %mul3A_149, %add3A_150 : i32
        %get3A = arith.index_cast %add3A_151 : i32 to index
        %get3A_152 = tpu.vector_load %arg6[%get3A] {strides = array<i32>} : memref<3072xi32, #tpu.memory_space<vmem>>, vector<16xi32>,
        %add3A_153 = arith.constant 4112 : i32
        %add3A_154 = vector.broadcast %add3A_153 : i32 to vector<16xi32>
        %add3A_155 = arith.addi %get3A_152, %add3A_154 : vector<16xi32>
        %get3A_156 = arith.constant 0 : i32
        %get3A_157 = arith.index_cast %get3A_156 : i32 to index
        %get3A_158 = arith.index_cast %scan3A_146 : i32 to index
        %get3A_159 = arith.constant 0 : index
        %get3A_160 = tpu.vector_load %arg8[%get3A_157, %get3A_158, %get3A_159] {strides = array<i32>} : memref<6x8x384xf32, #tpu.memory_space<vmem>>, vector<16xf32>,
        %get3A_161 = arith.constant 1 : i32
        %get3A_162 = arith.index_cast %get3A_161 : i32 to index
        %get3A_163 = arith.index_cast %scan3A_146 : i32 to index
        %get3A_164 = arith.constant 0 : index
        %get3A_165 = tpu.vector_load %arg8[%get3A_162, %get3A_163, %get3A_164] {strides = array<i32>} : memref<6x8x384xf32, #tpu.memory_space<vmem>>, vector<16xf32>,
        %get3A_166 = arith.constant 2 : i32
        %get3A_167 = arith.index_cast %get3A_166 : i32 to index
        %get3A_168 = arith.index_cast %scan3A_146 : i32 to index
        %get3A_169 = arith.constant 0 : index
        %get3A_170 = tpu.vector_load %arg8[%get3A_167, %get3A_168, %get3A_169] {strides = array<i32>} : memref<6x8x384xf32, #tpu.memory_space<vmem>>, vector<16xf32>,
        %get3A_171 = arith.constant 3 : i32
        %get3A_172 = arith.index_cast %get3A_171 : i32 to index
        %get3A_173 = arith.index_cast %scan3A_146 : i32 to index
        %get3A_174 = arith.constant 0 : index
        %get3A_175 = tpu.vector_load %arg8[%get3A_172, %get3A_173, %get3A_174] {strides = array<i32>} : memref<6x8x384xf32, #tpu.memory_space<vmem>>, vector<16xf32>,
        %get3A_176 = arith.constant 4 : i32
        %get3A_177 = arith.index_cast %get3A_176 : i32 to index
        %get3A_178 = arith.index_cast %scan3A_146 : i32 to index
        %get3A_179 = arith.constant 0 : index
        %get3A_180 = tpu.vector_load %arg8[%get3A_177, %get3A_178, %get3A_179] {strides = array<i32>} : memref<6x8x384xf32, #tpu.memory_space<vmem>>, vector<16xf32>,
        %get3A_181 = arith.constant 5 : i32
        %get3A_182 = arith.index_cast %get3A_181 : i32 to index
        %get3A_183 = arith.index_cast %scan3A_146 : i32 to index
        %get3A_184 = arith.constant 0 : index
        %get3A_185 = tpu.vector_load %arg8[%get3A_182, %get3A_183, %get3A_184] {strides = array<i32>} : memref<6x8x384xf32, #tpu.memory_space<vmem>>, vector<16xf32>,
        %gather3A = tpu.vector_load_idx %arg9[%add3A_155] : memref<8320xf32, #tpu.memory_space<vmem>>[vector<16xi32>], vector<16xf32>,
        %gather3A_186 = tpu.vector_load_idx %arg10[%add3A_155] : memref<8320xf32, #tpu.memory_space<vmem>>[vector<16xi32>], vector<16xf32>,
        %gather3A_187 = tpu.vector_load_idx %arg11[%add3A_155] : memref<8320xf32, #tpu.memory_space<vmem>>[vector<16xi32>], vector<16xf32>,
        %gather3A_188 = tpu.vector_load_idx %arg12[%add3A_155] : memref<8320xf32, #tpu.memory_space<vmem>>[vector<16xi32>], vector<16xf32>,
        %gather3A_189 = tpu.vector_load_idx %arg13[%add3A_155] : memref<8320xf32, #tpu.memory_space<vmem>>[vector<16xi32>], vector<16xf32>,
        %gather3A_190 = tpu.vector_load_idx %arg14[%add3A_155] : memref<8320xf32, #tpu.memory_space<vmem>>[vector<16xi32>], vector<16xf32>,
        %max3A = arith.maximumf %gather3A, %get3A_160 : vector<16xf32>
        tpu.vector_store_idx %arg9[%add3A_155], %max3A : memref<8320xf32, #tpu.memory_space<vmem>>[vector<16xi32>], vector<16xf32>,
        %max3A_191 = arith.maximumf %gather3A_186, %get3A_165 : vector<16xf32>
        tpu.vector_store_idx %arg10[%add3A_155], %max3A_191 : memref<8320xf32, #tpu.memory_space<vmem>>[vector<16xi32>], vector<16xf32>,
        %max3A_192 = arith.maximumf %gather3A_187, %get3A_170 : vector<16xf32>
        tpu.vector_store_idx %arg11[%add3A_155], %max3A_192 : memref<8320xf32, #tpu.memory_space<vmem>>[vector<16xi32>], vector<16xf32>,
        %max3A_193 = arith.maximumf %gather3A_188, %get3A_175 : vector<16xf32>
        tpu.vector_store_idx %arg12[%add3A_155], %max3A_193 : memref<8320xf32, #tpu.memory_space<vmem>>[vector<16xi32>], vector<16xf32>,
        %max3A_194 = arith.maximumf %gather3A_189, %get3A_180 : vector<16xf32>
        tpu.vector_store_idx %arg13[%add3A_155], %max3A_194 : memref<8320xf32, #tpu.memory_space<vmem>>[vector<16xi32>], vector<16xf32>,
        %max3A_195 = arith.maximumf %gather3A_190, %get3A_185 : vector<16xf32>
        tpu.vector_store_idx %arg14[%add3A_155], %max3A_195 : memref<8320xf32, #tpu.memory_space<vmem>>[vector<16xi32>], vector<16xf32>,
        %mul3A_196 = arith.constant 384 : i32
        %mul3A_197 = arith.muli %scan3A_146, %mul3A_196 : i32
        %add3A_198 = arith.constant 16 : i32
        %add3A_199 = arith.addi %mul3A_197, %add3A_198 : i32
        %get3A_200 = arith.index_cast %add3A_199 : i32 to index
        %get3A_201 = tpu.vector_load %arg6[%get3A_200] {strides = array<i32>} : memref<3072xi32, #tpu.memory_space<vmem>>, vector<16xi32>,
        %add3A_202 = arith.constant 4112 : i32
        %add3A_203 = vector.broadcast %add3A_202 : i32 to vector<16xi32>
        %add3A_204 = arith.addi %get3A_201, %add3A_203 : vector<16xi32>
        %get3A_205 = arith.constant 0 : i32
        %get3A_206 = arith.index_cast %get3A_205 : i32 to index
        %get3A_207 = arith.index_cast %scan3A_146 : i32 to index
        %get3A_208 = arith.constant 16 : index
        %get3A_209 = tpu.vector_load %arg8[%get3A_206, %get3A_207, %get3A_208] {strides = array<i32>} : memref<6x8x384xf32, #tpu.memory_space<vmem>>, vector<16xf32>,
        %get3A_210 = arith.constant 1 : i32
        %get3A_211 = arith.index_cast %get3A_210 : i32 to index
        %get3A_212 = arith.index_cast %scan3A_146 : i32 to index
        %get3A_213 = arith.constant 16 : index
        %get3A_214 = tpu.vector_load %arg8[%get3A_211, %get3A_212, %get3A_213] {strides = array<i32>} : memref<6x8x384xf32, #tpu.memory_space<vmem>>, vector<16xf32>,
        %get3A_215 = arith.constant 2 : i32
        %get3A_216 = arith.index_cast %get3A_215 : i32 to index
        %get3A_217 = arith.index_cast %scan3A_146 : i32 to index
        %get3A_218 = arith.constant 16 : index
        %get3A_219 = tpu.vector_load %arg8[%get3A_216, %get3A_217, %get3A_218] {strides = array<i32>} : memref<6x8x384xf32, #tpu.memory_space<vmem>>, vector<16xf32>,
        %get3A_220 = arith.constant 3 : i32
        %get3A_221 = arith.index_cast %get3A_220 : i32 to index
        %get3A_222 = arith.index_cast %scan3A_146 : i32 to index
        %get3A_223 = arith.constant 16 : index
        %get3A_224 = tpu.vector_load %arg8[%get3A_221, %get3A_222, %get3A_223] {strides = array<i32>} : memref<6x8x384xf32, #tpu.memory_space<vmem>>, vector<16xf32>,
        %get3A_225 = arith.constant 4 : i32
        %get3A_226 = arith.index_cast %get3A_225 : i32 to index
        %get3A_227 = arith.index_cast %scan3A_146 : i32 to index
        %get3A_228 = arith.constant 16 : index
        %get3A_229 = tpu.vector_load %arg8[%get3A_226, %get3A_227, %get3A_228] {strides = array<i32>} : memref<6x8x384xf32, #tpu.memory_space<vmem>>, vector<16xf32>,
        %get3A_230 = arith.constant 5 : i32
        %get3A_231 = arith.index_cast %get3A_230 : i32 to index
        %get3A_232 = arith.index_cast %scan3A_146 : i32 to index
        %get3A_233 = arith.constant 16 : index
        %get3A_234 = tpu.vector_load %arg8[%get3A_231, %get3A_232, %get3A_233] {strides = array<i32>} : memref<6x8x384xf32, #tpu.memory_space<vmem>>, vector<16xf32>,
        %gather3A_235 = tpu.vector_load_idx %arg9[%add3A_204] : memref<8320xf32, #tpu.memory_space<vmem>>[vector<16xi32>], vector<16xf32>,
        %gather3A_236 = tpu.vector_load_idx %arg10[%add3A_204] : memref<8320xf32, #tpu.memory_space<vmem>>[vector<16xi32>], vector<16xf32>,
        %gather3A_237 = tpu.vector_load_idx %arg11[%add3A_204] : memref<8320xf32, #tpu.memory_space<vmem>>[vector<16xi32>], vector<16xf32>,
        %gather3A_238 = tpu.vector_load_idx %arg12[%add3A_204] : memref<8320xf32, #tpu.memory_space<vmem>>[vector<16xi32>], vector<16xf32>,
        %gather3A_239 = tpu.vector_load_idx %arg13[%add3A_204] : memref<8320xf32, #tpu.memory_space<vmem>>[vector<16xi32>], vector<16xf32>,
        %gather3A_240 = tpu.vector_load_idx %arg14[%add3A_204] : memref<8320xf32, #tpu.memory_space<vmem>>[vector<16xi32>], vector<16xf32>,
        %max3A_241 = arith.maximumf %gather3A_235, %get3A_209 : vector<16xf32>
        tpu.vector_store_idx %arg9[%add3A_204], %max3A_241 : memref<8320xf32, #tpu.memory_space<vmem>>[vector<16xi32>], vector<16xf32>,
        %max3A_242 = arith.maximumf %gather3A_236, %get3A_214 : vector<16xf32>
        tpu.vector_store_idx %arg10[%add3A_204], %max3A_242 : memref<8320xf32, #tpu.memory_space<vmem>>[vector<16xi32>], vector<16xf32>,
        %max3A_243 = arith.maximumf %gather3A_237, %get3A_219 : vector<16xf32>
        tpu.vector_store_idx %arg11[%add3A_204], %max3A_243 : memref<8320xf32, #tpu.memory_space<vmem>>[vector<16xi32>], vector<16xf32>,
        %max3A_244 = arith.maximumf %gather3A_238, %get3A_224 : vector<16xf32>
        tpu.vector_store_idx %arg12[%add3A_204], %max3A_244 : memref<8320xf32, #tpu.memory_space<vmem>>[vector<16xi32>], vector<16xf32>,
        %max3A_245 = arith.maximumf %gather3A_239, %get3A_229 : vector<16xf32>
        tpu.vector_store_idx %arg13[%add3A_204], %max3A_245 : memref<8320xf32, #tpu.memory_space<vmem>>[vector<16xi32>], vector<16xf32>,
        %max3A_246 = arith.maximumf %gather3A_240, %get3A_234 : vector<16xf32>
        tpu.vector_store_idx %arg14[%add3A_204], %max3A_246 : memref<8320xf32, #tpu.memory_space<vmem>>[vector<16xi32>], vector<16xf32>,
        %mul3A_247 = arith.constant 384 : i32
        %mul3A_248 = arith.muli %scan3A_146, %mul3A_247 : i32
        %add3A_249 = arith.constant 32 : i32
        %add3A_250 = arith.addi %mul3A_248, %add3A_249 : i32
        %get3A_251 = arith.index_cast %add3A_250 : i32 to index
        %get3A_252 = tpu.vector_load %arg6[%get3A_251] {strides = array<i32>} : memref<3072xi32, #tpu.memory_space<vmem>>, vector<16xi32>,
        %add3A_253 = arith.constant 4112 : i32
        %add3A_254 = vector.broadcast %add3A_253 : i32 to vector<16xi32>
        %add3A_255 = arith.addi %get3A_252, %add3A_254 : vector<16xi32>
        %get3A_256 = arith.constant 0 : i32
        %get3A_257 = arith.index_cast %get3A_256 : i32 to index
        %get3A_258 = arith.index_cast %scan3A_146 : i32 to index
        %get3A_259 = arith.constant 32 : index
        %get3A_260 = tpu.vector_load %arg8[%get3A_257, %get3A_258, %get3A_259] {strides = array<i32>} : memref<6x8x384xf32, #tpu.memory_space<vmem>>, vector<16xf32>,
        %get3A_261 = arith.constant 1 : i32
        %get3A_262 = arith.index_cast %get3A_261 : i32 to index
        %get3A_263 = arith.index_cast %scan3A_146 : i32 to index
        %get3A_264 = arith.constant 32 : index
        %get3A_265 = tpu.vector_load %arg8[%get3A_262, %get3A_263, %get3A_264] {strides = array<i32>} : memref<6x8x384xf32, #tpu.memory_space<vmem>>, vector<16xf32>,
        %get3A_266 = arith.constant 2 : i32
        %get3A_267 = arith.index_cast %get3A_266 : i32 to index
        %get3A_268 = arith.index_cast %scan3A_146 : i32 to index
        %get3A_269 = arith.constant 32 : index
        %get3A_270 = tpu.vector_load %arg8[%get3A_267, %get3A_268, %get3A_269] {strides = array<i32>} : memref<6x8x384xf32, #tpu.memory_space<vmem>>, vector<16xf32>,
        %get3A_271 = arith.constant 3 : i32
        %get3A_272 = arith.index_cast %get3A_271 : i32 to index
        %get3A_273 = arith.index_cast %scan3A_146 : i32 to index
        %get3A_274 = arith.constant 32 : index
        %get3A_275 = tpu.vector_load %arg8[%get3A_272, %get3A_273, %get3A_274] {strides = array<i32>} : memref<6x8x384xf32, #tpu.memory_space<vmem>>, vector<16xf32>,
        %get3A_276 = arith.constant 4 : i32
        %get3A_277 = arith.index_cast %get3A_276 : i32 to index
        %get3A_278 = arith.index_cast %scan3A_146 : i32 to index
        %get3A_279 = arith.constant 32 : index
        %get3A_280 = tpu.vector_load %arg8[%get3A_277, %get3A_278, %get3A_279] {strides = array<i32>} : memref<6x8x384xf32, #tpu.memory_space<vmem>>, vector<16xf32>,
        %get3A_281 = arith.constant 5 : i32
        %get3A_282 = arith.index_cast %get3A_281 : i32 to index
        %get3A_283 = arith.index_cast %scan3A_146 : i32 to index
        %get3A_284 = arith.constant 32 : index
        %get3A_285 = tpu.vector_load %arg8[%get3A_282, %get3A_283, %get3A_284] {strides = array<i32>} : memref<6x8x384xf32, #tpu.memory_space<vmem>>, vector<16xf32>,
        %gather3A_286 = tpu.vector_load_idx %arg9[%add3A_255] : memref<8320xf32, #tpu.memory_space<vmem>>[vector<16xi32>], vector<16xf32>,
        %gather3A_287 = tpu.vector_load_idx %arg10[%add3A_255] : memref<8320xf32, #tpu.memory_space<vmem>>[vector<16xi32>], vector<16xf32>,
        %gather3A_288 = tpu.vector_load_idx %arg11[%add3A_255] : memref<8320xf32, #tpu.memory_space<vmem>>[vector<16xi32>], vector<16xf32>,
        %gather3A_289 = tpu.vector_load_idx %arg12[%add3A_255] : memref<8320xf32, #tpu.memory_space<vmem>>[vector<16xi32>], vector<16xf32>,
        %gather3A_290 = tpu.vector_load_idx %arg13[%add3A_255] : memref<8320xf32, #tpu.memory_space<vmem>>[vector<16xi32>], vector<16xf32>,
        %gather3A_291 = tpu.vector_load_idx %arg14[%add3A_255] : memref<8320xf32, #tpu.memory_space<vmem>>[vector<16xi32>], vector<16xf32>,
        %max3A_292 = arith.maximumf %gather3A_286, %get3A_260 : vector<16xf32>
        tpu.vector_store_idx %arg9[%add3A_255], %max3A_292 : memref<8320xf32, #tpu.memory_space<vmem>>[vector<16xi32>], vector<16xf32>,
        %max3A_293 = arith.maximumf %gather3A_287, %get3A_265 : vector<16xf32>
        tpu.vector_store_idx %arg10[%add3A_255], %max3A_293 : memref<8320xf32, #tpu.memory_space<vmem>>[vector<16xi32>], vector<16xf32>,
        %max3A_294 = arith.maximumf %gather3A_288, %get3A_270 : vector<16xf32>
        tpu.vector_store_idx %arg11[%add3A_255], %max3A_294 : memref<8320xf32, #tpu.memory_space<vmem>>[vector<16xi32>], vector<16xf32>,
        %max3A_295 = arith.maximumf %gather3A_289, %get3A_275 : vector<16xf32>
        tpu.vector_store_idx %arg12[%add3A_255], %max3A_295 : memref<8320xf32, #tpu.memory_space<vmem>>[vector<16xi32>], vector<16xf32>,
        %max3A_296 = arith.maximumf %gather3A_290, %get3A_280 : vector<16xf32>
        tpu.vector_store_idx %arg13[%add3A_255], %max3A_296 : memref<8320xf32, #tpu.memory_space<vmem>>[vector<16xi32>], vector<16xf32>,
        %max3A_297 = arith.maximumf %gather3A_291, %get3A_285 : vector<16xf32>
        tpu.vector_store_idx %arg14[%add3A_255], %max3A_297 : memref<8320xf32, #tpu.memory_space<vmem>>[vector<16xi32>], vector<16xf32>,
        %mul3A_298 = arith.constant 384 : i32
        %mul3A_299 = arith.muli %scan3A_146, %mul3A_298 : i32
        %add3A_300 = arith.constant 48 : i32
        %add3A_301 = arith.addi %mul3A_299, %add3A_300 : i32
        %get3A_302 = arith.index_cast %add3A_301 : i32 to index
        %get3A_303 = tpu.vector_load %arg6[%get3A_302] {strides = array<i32>} : memref<3072xi32, #tpu.memory_space<vmem>>, vector<16xi32>,
        %add3A_304 = arith.constant 4112 : i32
        %add3A_305 = vector.broadcast %add3A_304 : i32 to vector<16xi32>
        %add3A_306 = arith.addi %get3A_303, %add3A_305 : vector<16xi32>
        %get3A_307 = arith.constant 0 : i32
        %get3A_308 = arith.index_cast %get3A_307 : i32 to index
        %get3A_309 = arith.index_cast %scan3A_146 : i32 to index
        %get3A_310 = arith.constant 48 : index
        %get3A_311 = tpu.vector_load %arg8[%get3A_308, %get3A_309, %get3A_310] {strides = array<i32>} : memref<6x8x384xf32, #tpu.memory_space<vmem>>, vector<16xf32>,
        %get3A_312 = arith.constant 1 : i32
        %get3A_313 = arith.index_cast %get3A_312 : i32 to index
        %get3A_314 = arith.index_cast %scan3A_146 : i32 to index
        %get3A_315 = arith.constant 48 : index
        %get3A_316 = tpu.vector_load %arg8[%get3A_313, %get3A_314, %get3A_315] {strides = array<i32>} : memref<6x8x384xf32, #tpu.memory_space<vmem>>, vector<16xf32>,
        %get3A_317 = arith.constant 2 : i32
        %get3A_318 = arith.index_cast %get3A_317 : i32 to index
        %get3A_319 = arith.index_cast %scan3A_146 : i32 to index
        %get3A_320 = arith.constant 48 : index
        %get3A_321 = tpu.vector_load %arg8[%get3A_318, %get3A_319, %get3A_320] {strides = array<i32>} : memref<6x8x384xf32, #tpu.memory_space<vmem>>, vector<16xf32>,
        %get3A_322 = arith.constant 3 : i32
        %get3A_323 = arith.index_cast %get3A_322 : i32 to index
        %get3A_324 = arith.index_cast %scan3A_146 : i32 to index
        %get3A_325 = arith.constant 48 : index
        %get3A_326 = tpu.vector_load %arg8[%get3A_323, %get3A_324, %get3A_325] {strides = array<i32>} : memref<6x8x384xf32, #tpu.memory_space<vmem>>, vector<16xf32>,
        %get3A_327 = arith.constant 4 : i32
        %get3A_328 = arith.index_cast %get3A_327 : i32 to index
        %get3A_329 = arith.index_cast %scan3A_146 : i32 to index
        %get3A_330 = arith.constant 48 : index
        %get3A_331 = tpu.vector_load %arg8[%get3A_328, %get3A_329, %get3A_330] {strides = array<i32>} : memref<6x8x384xf32, #tpu.memory_space<vmem>>, vector<16xf32>,
        %get3A_332 = arith.constant 5 : i32
        %get3A_333 = arith.index_cast %get3A_332 : i32 to index
        %get3A_334 = arith.index_cast %scan3A_146 : i32 to index
        %get3A_335 = arith.constant 48 : index
        %get3A_336 = tpu.vector_load %arg8[%get3A_333, %get3A_334, %get3A_335] {strides = array<i32>} : memref<6x8x384xf32, #tpu.memory_space<vmem>>, vector<16xf32>,
        %gather3A_337 = tpu.vector_load_idx %arg9[%add3A_306] : memref<8320xf32, #tpu.memory_space<vmem>>[vector<16xi32>], vector<16xf32>,
        %gather3A_338 = tpu.vector_load_idx %arg10[%add3A_306] : memref<8320xf32, #tpu.memory_space<vmem>>[vector<16xi32>], vector<16xf32>,
        %gather3A_339 = tpu.vector_load_idx %arg11[%add3A_306] : memref<8320xf32, #tpu.memory_space<vmem>>[vector<16xi32>], vector<16xf32>,
        %gather3A_340 = tpu.vector_load_idx %arg12[%add3A_306] : memref<8320xf32, #tpu.memory_space<vmem>>[vector<16xi32>], vector<16xf32>,
        %gather3A_341 = tpu.vector_load_idx %arg13[%add3A_306] : memref<8320xf32, #tpu.memory_space<vmem>>[vector<16xi32>], vector<16xf32>,
        %gather3A_342 = tpu.vector_load_idx %arg14[%add3A_306] : memref<8320xf32, #tpu.memory_space<vmem>>[vector<16xi32>], vector<16xf32>,
        %max3A_343 = arith.maximumf %gather3A_337, %get3A_311 : vector<16xf32>
        tpu.vector_store_idx %arg9[%add3A_306], %max3A_343 : memref<8320xf32, #tpu.memory_space<vmem>>[vector<16xi32>], vector<16xf32>,
        %max3A_344 = arith.maximumf %gather3A_338, %get3A_316 : vector<16xf32>
        tpu.vector_store_idx %arg10[%add3A_306], %max3A_344 : memref<8320xf32, #tpu.memory_space<vmem>>[vector<16xi32>], vector<16xf32>,
        %max3A_345 = arith.maximumf %gather3A_339, %get3A_321 : vector<16xf32>
        tpu.vector_store_idx %arg11[%add3A_306], %max3A_345 : memref<8320xf32, #tpu.memory_space<vmem>>[vector<16xi32>], vector<16xf32>,
        %max3A_346 = arith.maximumf %gather3A_340, %get3A_326 : vector<16xf32>
        tpu.vector_store_idx %arg12[%add3A_306], %max3A_346 : memref<8320xf32, #tpu.memory_space<vmem>>[vector<16xi32>], vector<16xf32>,
        %max3A_347 = arith.maximumf %gather3A_341, %get3A_331 : vector<16xf32>
        tpu.vector_store_idx %arg13[%add3A_306], %max3A_347 : memref<8320xf32, #tpu.memory_space<vmem>>[vector<16xi32>], vector<16xf32>,
        %max3A_348 = arith.maximumf %gather3A_342, %get3A_336 : vector<16xf32>
        tpu.vector_store_idx %arg14[%add3A_306], %max3A_348 : memref<8320xf32, #tpu.memory_space<vmem>>[vector<16xi32>], vector<16xf32>,
        %mul3A_349 = arith.constant 384 : i32
        %mul3A_350 = arith.muli %scan3A_146, %mul3A_349 : i32
        %add3A_351 = arith.constant 64 : i32
        %add3A_352 = arith.addi %mul3A_350, %add3A_351 : i32
        %get3A_353 = arith.index_cast %add3A_352 : i32 to index
        %get3A_354 = tpu.vector_load %arg6[%get3A_353] {strides = array<i32>} : memref<3072xi32, #tpu.memory_space<vmem>>, vector<16xi32>,
        %add3A_355 = arith.constant 4112 : i32
        %add3A_356 = vector.broadcast %add3A_355 : i32 to vector<16xi32>
        %add3A_357 = arith.addi %get3A_354, %add3A_356 : vector<16xi32>
        %get3A_358 = arith.constant 0 : i32
        %get3A_359 = arith.index_cast %get3A_358 : i32 to index
        %get3A_360 = arith.index_cast %scan3A_146 : i32 to index
        %get3A_361 = arith.constant 64 : index
        %get3A_362 = tpu.vector_load %arg8[%get3A_359, %get3A_360, %get3A_361] {strides = array<i32>} : memref<6x8x384xf32, #tpu.memory_space<vmem>>, vector<16xf32>,
        %get3A_363 = arith.constant 1 : i32
        %get3A_364 = arith.index_cast %get3A_363 : i32 to index
        %get3A_365 = arith.index_cast %scan3A_146 : i32 to index
        %get3A_366 = arith.constant 64 : index
        %get3A_367 = tpu.vector_load %arg8[%get3A_364, %get3A_365, %get3A_366] {strides = array<i32>} : memref<6x8x384xf32, #tpu.memory_space<vmem>>, vector<16xf32>,
        %get3A_368 = arith.constant 2 : i32
        %get3A_369 = arith.index_cast %get3A_368 : i32 to index
        %get3A_370 = arith.index_cast %scan3A_146 : i32 to index
        %get3A_371 = arith.constant 64 : index
        %get3A_372 = tpu.vector_load %arg8[%get3A_369, %get3A_370, %get3A_371] {strides = array<i32>} : memref<6x8x384xf32, #tpu.memory_space<vmem>>, vector<16xf32>,
        %get3A_373 = arith.constant 3 : i32
        %get3A_374 = arith.index_cast %get3A_373 : i32 to index
        %get3A_375 = arith.index_cast %scan3A_146 : i32 to index
        %get3A_376 = arith.constant 64 : index
        %get3A_377 = tpu.vector_load %arg8[%get3A_374, %get3A_375, %get3A_376] {strides = array<i32>} : memref<6x8x384xf32, #tpu.memory_space<vmem>>, vector<16xf32>,
        %get3A_378 = arith.constant 4 : i32
        %get3A_379 = arith.index_cast %get3A_378 : i32 to index
        %get3A_380 = arith.index_cast %scan3A_146 : i32 to index
        %get3A_381 = arith.constant 64 : index
        %get3A_382 = tpu.vector_load %arg8[%get3A_379, %get3A_380, %get3A_381] {strides = array<i32>} : memref<6x8x384xf32, #tpu.memory_space<vmem>>, vector<16xf32>,
        %get3A_383 = arith.constant 5 : i32
        %get3A_384 = arith.index_cast %get3A_383 : i32 to index
        %get3A_385 = arith.index_cast %scan3A_146 : i32 to index
        %get3A_386 = arith.constant 64 : index
        %get3A_387 = tpu.vector_load %arg8[%get3A_384, %get3A_385, %get3A_386] {strides = array<i32>} : memref<6x8x384xf32, #tpu.memory_space<vmem>>, vector<16xf32>,
        %gather3A_388 = tpu.vector_load_idx %arg9[%add3A_357] : memref<8320xf32, #tpu.memory_space<vmem>>[vector<16xi32>], vector<16xf32>,
        %gather3A_389 = tpu.vector_load_idx %arg10[%add3A_357] : memref<8320xf32, #tpu.memory_space<vmem>>[vector<16xi32>], vector<16xf32>,
        %gather3A_390 = tpu.vector_load_idx %arg11[%add3A_357] : memref<8320xf32, #tpu.memory_space<vmem>>[vector<16xi32>], vector<16xf32>,
        %gather3A_391 = tpu.vector_load_idx %arg12[%add3A_357] : memref<8320xf32, #tpu.memory_space<vmem>>[vector<16xi32>], vector<16xf32>,
        %gather3A_392 = tpu.vector_load_idx %arg13[%add3A_357] : memref<8320xf32, #tpu.memory_space<vmem>>[vector<16xi32>], vector<16xf32>,
        %gather3A_393 = tpu.vector_load_idx %arg14[%add3A_357] : memref<8320xf32, #tpu.memory_space<vmem>>[vector<16xi32>], vector<16xf32>,
        %max3A_394 = arith.maximumf %gather3A_388, %get3A_362 : vector<16xf32>
        tpu.vector_store_idx %arg9[%add3A_357], %max3A_394 : memref<8320xf32, #tpu.memory_space<vmem>>[vector<16xi32>], vector<16xf32>,
        %max3A_395 = arith.maximumf %gather3A_389, %get3A_367 : vector<16xf32>
        tpu.vector_store_idx %arg10[%add3A_357], %max3A_395 : memref<8320xf32, #tpu.memory_space<vmem>>[vector<16xi32>], vector<16xf32>,
        %max3A_396 = arith.maximumf %gather3A_390, %get3A_372 : vector<16xf32>
        tpu.vector_store_idx %arg11[%add3A_357], %max3A_396 : memref<8320xf32, #tpu.memory_space<vmem>>[vector<16xi32>], vector<16xf32>,
        %max3A_397 = arith.maximumf %gather3A_391, %get3A_377 : vector<16xf32>
        tpu.vector_store_idx %arg12[%add3A_357], %max3A_397 : memref<8320xf32, #tpu.memory_space<vmem>>[vector<16xi32>], vector<16xf32>,
        %max3A_398 = arith.maximumf %gather3A_392, %get3A_382 : vector<16xf32>
        tpu.vector_store_idx %arg13[%add3A_357], %max3A_398 : memref<8320xf32, #tpu.memory_space<vmem>>[vector<16xi32>], vector<16xf32>,
        %max3A_399 = arith.maximumf %gather3A_393, %get3A_387 : vector<16xf32>
        tpu.vector_store_idx %arg14[%add3A_357], %max3A_399 : memref<8320xf32, #tpu.memory_space<vmem>>[vector<16xi32>], vector<16xf32>,
        %mul3A_400 = arith.constant 384 : i32
        %mul3A_401 = arith.muli %scan3A_146, %mul3A_400 : i32
        %add3A_402 = arith.constant 80 : i32
        %add3A_403 = arith.addi %mul3A_401, %add3A_402 : i32
        %get3A_404 = arith.index_cast %add3A_403 : i32 to index
        %get3A_405 = tpu.vector_load %arg6[%get3A_404] {strides = array<i32>} : memref<3072xi32, #tpu.memory_space<vmem>>, vector<16xi32>,
        %add3A_406 = arith.constant 4112 : i32
        %add3A_407 = vector.broadcast %add3A_406 : i32 to vector<16xi32>
        %add3A_408 = arith.addi %get3A_405, %add3A_407 : vector<16xi32>
        %get3A_409 = arith.constant 0 : i32
        %get3A_410 = arith.index_cast %get3A_409 : i32 to index
        %get3A_411 = arith.index_cast %scan3A_146 : i32 to index
        %get3A_412 = arith.constant 80 : index
        %get3A_413 = tpu.vector_load %arg8[%get3A_410, %get3A_411, %get3A_412] {strides = array<i32>} : memref<6x8x384xf32, #tpu.memory_space<vmem>>, vector<16xf32>,
        %get3A_414 = arith.constant 1 : i32
        %get3A_415 = arith.index_cast %get3A_414 : i32 to index
        %get3A_416 = arith.index_cast %scan3A_146 : i32 to index
        %get3A_417 = arith.constant 80 : index
        %get3A_418 = tpu.vector_load %arg8[%get3A_415, %get3A_416, %get3A_417] {strides = array<i32>} : memref<6x8x384xf32, #tpu.memory_space<vmem>>, vector<16xf32>,
        %get3A_419 = arith.constant 2 : i32
        %get3A_420 = arith.index_cast %get3A_419 : i32 to index
        %get3A_421 = arith.index_cast %scan3A_146 : i32 to index
        %get3A_422 = arith.constant 80 : index
        %get3A_423 = tpu.vector_load %arg8[%get3A_420, %get3A_421, %get3A_422] {strides = array<i32>} : memref<6x8x384xf32, #tpu.memory_space<vmem>>, vector<16xf32>,
        %get3A_424 = arith.constant 3 : i32
        %get3A_425 = arith.index_cast %get3A_424 : i32 to index
        %get3A_426 = arith.index_cast %scan3A_146 : i32 to index
        %get3A_427 = arith.constant 80 : index
        %get3A_428 = tpu.vector_load %arg8[%get3A_425, %get3A_426, %get3A_427] {strides = array<i32>} : memref<6x8x384xf32, #tpu.memory_space<vmem>>, vector<16xf32>,
        %get3A_429 = arith.constant 4 : i32
        %get3A_430 = arith.index_cast %get3A_429 : i32 to index
        %get3A_431 = arith.index_cast %scan3A_146 : i32 to index
        %get3A_432 = arith.constant 80 : index
        %get3A_433 = tpu.vector_load %arg8[%get3A_430, %get3A_431, %get3A_432] {strides = array<i32>} : memref<6x8x384xf32, #tpu.memory_space<vmem>>, vector<16xf32>,
        %get3A_434 = arith.constant 5 : i32
        %get3A_435 = arith.index_cast %get3A_434 : i32 to index
        %get3A_436 = arith.index_cast %scan3A_146 : i32 to index
        %get3A_437 = arith.constant 80 : index
        %get3A_438 = tpu.vector_load %arg8[%get3A_435, %get3A_436, %get3A_437] {strides = array<i32>} : memref<6x8x384xf32, #tpu.memory_space<vmem>>, vector<16xf32>,
        %gather3A_439 = tpu.vector_load_idx %arg9[%add3A_408] : memref<8320xf32, #tpu.memory_space<vmem>>[vector<16xi32>], vector<16xf32>,
        %gather3A_440 = tpu.vector_load_idx %arg10[%add3A_408] : memref<8320xf32, #tpu.memory_space<vmem>>[vector<16xi32>], vector<16xf32>,
        %gather3A_441 = tpu.vector_load_idx %arg11[%add3A_408] : memref<8320xf32, #tpu.memory_space<vmem>>[vector<16xi32>], vector<16xf32>,
        %gather3A_442 = tpu.vector_load_idx %arg12[%add3A_408] : memref<8320xf32, #tpu.memory_space<vmem>>[vector<16xi32>], vector<16xf32>,
        %gather3A_443 = tpu.vector_load_idx %arg13[%add3A_408] : memref<8320xf32, #tpu.memory_space<vmem>>[vector<16xi32>], vector<16xf32>,
        %gather3A_444 = tpu.vector_load_idx %arg14[%add3A_408] : memref<8320xf32, #tpu.memory_space<vmem>>[vector<16xi32>], vector<16xf32>,
        %max3A_445 = arith.maximumf %gather3A_439, %get3A_413 : vector<16xf32>
        tpu.vector_store_idx %arg9[%add3A_408], %max3A_445 : memref<8320xf32, #tpu.memory_space<vmem>>[vector<16xi32>], vector<16xf32>,
        %max3A_446 = arith.maximumf %gather3A_440, %get3A_418 : vector<16xf32>
        tpu.vector_store_idx %arg10[%add3A_408], %max3A_446 : memref<8320xf32, #tpu.memory_space<vmem>>[vector<16xi32>], vector<16xf32>,
        %max3A_447 = arith.maximumf %gather3A_441, %get3A_423 : vector<16xf32>
        tpu.vector_store_idx %arg11[%add3A_408], %max3A_447 : memref<8320xf32, #tpu.memory_space<vmem>>[vector<16xi32>], vector<16xf32>,
        %max3A_448 = arith.maximumf %gather3A_442, %get3A_428 : vector<16xf32>
        tpu.vector_store_idx %arg12[%add3A_408], %max3A_448 : memref<8320xf32, #tpu.memory_space<vmem>>[vector<16xi32>], vector<16xf32>,
        %max3A_449 = arith.maximumf %gather3A_443, %get3A_433 : vector<16xf32>
        tpu.vector_store_idx %arg13[%add3A_408], %max3A_449 : memref<8320xf32, #tpu.memory_space<vmem>>[vector<16xi32>], vector<16xf32>,
        %max3A_450 = arith.maximumf %gather3A_444, %get3A_438 : vector<16xf32>
        tpu.vector_store_idx %arg14[%add3A_408], %max3A_450 : memref<8320xf32, #tpu.memory_space<vmem>>[vector<16xi32>], vector<16xf32>,
        %mul3A_451 = arith.constant 384 : i32
        %mul3A_452 = arith.muli %scan3A_146, %mul3A_451 : i32
        %add3A_453 = arith.constant 96 : i32
        %add3A_454 = arith.addi %mul3A_452, %add3A_453 : i32
        %get3A_455 = arith.index_cast %add3A_454 : i32 to index
        %get3A_456 = tpu.vector_load %arg6[%get3A_455] {strides = array<i32>} : memref<3072xi32, #tpu.memory_space<vmem>>, vector<16xi32>,
        %add3A_457 = arith.constant 4112 : i32
        %add3A_458 = vector.broadcast %add3A_457 : i32 to vector<16xi32>
        %add3A_459 = arith.addi %get3A_456, %add3A_458 : vector<16xi32>
        %get3A_460 = arith.constant 0 : i32
        %get3A_461 = arith.index_cast %get3A_460 : i32 to index
        %get3A_462 = arith.index_cast %scan3A_146 : i32 to index
        %get3A_463 = arith.constant 96 : index
        %get3A_464 = tpu.vector_load %arg8[%get3A_461, %get3A_462, %get3A_463] {strides = array<i32>} : memref<6x8x384xf32, #tpu.memory_space<vmem>>, vector<16xf32>,
        %get3A_465 = arith.constant 1 : i32
        %get3A_466 = arith.index_cast %get3A_465 : i32 to index
        %get3A_467 = arith.index_cast %scan3A_146 : i32 to index
        %get3A_468 = arith.constant 96 : index
        %get3A_469 = tpu.vector_load %arg8[%get3A_466, %get3A_467, %get3A_468] {strides = array<i32>} : memref<6x8x384xf32, #tpu.memory_space<vmem>>, vector<16xf32>,
        %get3A_470 = arith.constant 2 : i32
        %get3A_471 = arith.index_cast %get3A_470 : i32 to index
        %get3A_472 = arith.index_cast %scan3A_146 : i32 to index
        %get3A_473 = arith.constant 96 : index
        %get3A_474 = tpu.vector_load %arg8[%get3A_471, %get3A_472, %get3A_473] {strides = array<i32>} : memref<6x8x384xf32, #tpu.memory_space<vmem>>, vector<16xf32>,
        %get3A_475 = arith.constant 3 : i32
        %get3A_476 = arith.index_cast %get3A_475 : i32 to index
        %get3A_477 = arith.index_cast %scan3A_146 : i32 to index
        %get3A_478 = arith.constant 96 : index
        %get3A_479 = tpu.vector_load %arg8[%get3A_476, %get3A_477, %get3A_478] {strides = array<i32>} : memref<6x8x384xf32, #tpu.memory_space<vmem>>, vector<16xf32>,
        %get3A_480 = arith.constant 4 : i32
        %get3A_481 = arith.index_cast %get3A_480 : i32 to index
        %get3A_482 = arith.index_cast %scan3A_146 : i32 to index
        %get3A_483 = arith.constant 96 : index
        %get3A_484 = tpu.vector_load %arg8[%get3A_481, %get3A_482, %get3A_483] {strides = array<i32>} : memref<6x8x384xf32, #tpu.memory_space<vmem>>, vector<16xf32>,
        %get3A_485 = arith.constant 5 : i32
        %get3A_486 = arith.index_cast %get3A_485 : i32 to index
        %get3A_487 = arith.index_cast %scan3A_146 : i32 to index
        %get3A_488 = arith.constant 96 : index
        %get3A_489 = tpu.vector_load %arg8[%get3A_486, %get3A_487, %get3A_488] {strides = array<i32>} : memref<6x8x384xf32, #tpu.memory_space<vmem>>, vector<16xf32>,
        %gather3A_490 = tpu.vector_load_idx %arg9[%add3A_459] : memref<8320xf32, #tpu.memory_space<vmem>>[vector<16xi32>], vector<16xf32>,
        %gather3A_491 = tpu.vector_load_idx %arg10[%add3A_459] : memref<8320xf32, #tpu.memory_space<vmem>>[vector<16xi32>], vector<16xf32>,
        %gather3A_492 = tpu.vector_load_idx %arg11[%add3A_459] : memref<8320xf32, #tpu.memory_space<vmem>>[vector<16xi32>], vector<16xf32>,
        %gather3A_493 = tpu.vector_load_idx %arg12[%add3A_459] : memref<8320xf32, #tpu.memory_space<vmem>>[vector<16xi32>], vector<16xf32>,
        %gather3A_494 = tpu.vector_load_idx %arg13[%add3A_459] : memref<8320xf32, #tpu.memory_space<vmem>>[vector<16xi32>], vector<16xf32>,
        %gather3A_495 = tpu.vector_load_idx %arg14[%add3A_459] : memref<8320xf32, #tpu.memory_space<vmem>>[vector<16xi32>], vector<16xf32>,
        %max3A_496 = arith.maximumf %gather3A_490, %get3A_464 : vector<16xf32>
        tpu.vector_store_idx %arg9[%add3A_459], %max3A_496 : memref<8320xf32, #tpu.memory_space<vmem>>[vector<16xi32>], vector<16xf32>,
        %max3A_497 = arith.maximumf %gather3A_491, %get3A_469 : vector<16xf32>
        tpu.vector_store_idx %arg10[%add3A_459], %max3A_497 : memref<8320xf32, #tpu.memory_space<vmem>>[vector<16xi32>], vector<16xf32>,
        %max3A_498 = arith.maximumf %gather3A_492, %get3A_474 : vector<16xf32>
        tpu.vector_store_idx %arg11[%add3A_459], %max3A_498 : memref<8320xf32, #tpu.memory_space<vmem>>[vector<16xi32>], vector<16xf32>,
        %max3A_499 = arith.maximumf %gather3A_493, %get3A_479 : vector<16xf32>
        tpu.vector_store_idx %arg12[%add3A_459], %max3A_499 : memref<8320xf32, #tpu.memory_space<vmem>>[vector<16xi32>], vector<16xf32>,
        %max3A_500 = arith.maximumf %gather3A_494, %get3A_484 : vector<16xf32>
        tpu.vector_store_idx %arg13[%add3A_459], %max3A_500 : memref<8320xf32, #tpu.memory_space<vmem>>[vector<16xi32>], vector<16xf32>,
        %max3A_501 = arith.maximumf %gather3A_495, %get3A_489 : vector<16xf32>
        tpu.vector_store_idx %arg14[%add3A_459], %max3A_501 : memref<8320xf32, #tpu.memory_space<vmem>>[vector<16xi32>], vector<16xf32>,
        %mul3A_502 = arith.constant 384 : i32
        %mul3A_503 = arith.muli %scan3A_146, %mul3A_502 : i32
        %add3A_504 = arith.constant 112 : i32
        %add3A_505 = arith.addi %mul3A_503, %add3A_504 : i32
        %get3A_506 = arith.index_cast %add3A_505 : i32 to index
        %get3A_507 = tpu.vector_load %arg6[%get3A_506] {strides = array<i32>} : memref<3072xi32, #tpu.memory_space<vmem>>, vector<16xi32>,
        %add3A_508 = arith.constant 4112 : i32
        %add3A_509 = vector.broadcast %add3A_508 : i32 to vector<16xi32>
        %add3A_510 = arith.addi %get3A_507, %add3A_509 : vector<16xi32>
        %get3A_511 = arith.constant 0 : i32
        %get3A_512 = arith.index_cast %get3A_511 : i32 to index
        %get3A_513 = arith.index_cast %scan3A_146 : i32 to index
        %get3A_514 = arith.constant 112 : index
        %get3A_515 = tpu.vector_load %arg8[%get3A_512, %get3A_513, %get3A_514] {strides = array<i32>} : memref<6x8x384xf32, #tpu.memory_space<vmem>>, vector<16xf32>,
        %get3A_516 = arith.constant 1 : i32
        %get3A_517 = arith.index_cast %get3A_516 : i32 to index
        %get3A_518 = arith.index_cast %scan3A_146 : i32 to index
        %get3A_519 = arith.constant 112 : index
        %get3A_520 = tpu.vector_load %arg8[%get3A_517, %get3A_518, %get3A_519] {strides = array<i32>} : memref<6x8x384xf32, #tpu.memory_space<vmem>>, vector<16xf32>,
        %get3A_521 = arith.constant 2 : i32
        %get3A_522 = arith.index_cast %get3A_521 : i32 to index
        %get3A_523 = arith.index_cast %scan3A_146 : i32 to index
        %get3A_524 = arith.constant 112 : index
        %get3A_525 = tpu.vector_load %arg8[%get3A_522, %get3A_523, %get3A_524] {strides = array<i32>} : memref<6x8x384xf32, #tpu.memory_space<vmem>>, vector<16xf32>,
        %get3A_526 = arith.constant 3 : i32
        %get3A_527 = arith.index_cast %get3A_526 : i32 to index
        %get3A_528 = arith.index_cast %scan3A_146 : i32 to index
        %get3A_529 = arith.constant 112 : index
        %get3A_530 = tpu.vector_load %arg8[%get3A_527, %get3A_528, %get3A_529] {strides = array<i32>} : memref<6x8x384xf32, #tpu.memory_space<vmem>>, vector<16xf32>,
        %get3A_531 = arith.constant 4 : i32
        %get3A_532 = arith.index_cast %get3A_531 : i32 to index
        %get3A_533 = arith.index_cast %scan3A_146 : i32 to index
        %get3A_534 = arith.constant 112 : index
        %get3A_535 = tpu.vector_load %arg8[%get3A_532, %get3A_533, %get3A_534] {strides = array<i32>} : memref<6x8x384xf32, #tpu.memory_space<vmem>>, vector<16xf32>,
        %get3A_536 = arith.constant 5 : i32
        %get3A_537 = arith.index_cast %get3A_536 : i32 to index
        %get3A_538 = arith.index_cast %scan3A_146 : i32 to index
        %get3A_539 = arith.constant 112 : index
        %get3A_540 = tpu.vector_load %arg8[%get3A_537, %get3A_538, %get3A_539] {strides = array<i32>} : memref<6x8x384xf32, #tpu.memory_space<vmem>>, vector<16xf32>,
        %gather3A_541 = tpu.vector_load_idx %arg9[%add3A_510] : memref<8320xf32, #tpu.memory_space<vmem>>[vector<16xi32>], vector<16xf32>,
        %gather3A_542 = tpu.vector_load_idx %arg10[%add3A_510] : memref<8320xf32, #tpu.memory_space<vmem>>[vector<16xi32>], vector<16xf32>,
        %gather3A_543 = tpu.vector_load_idx %arg11[%add3A_510] : memref<8320xf32, #tpu.memory_space<vmem>>[vector<16xi32>], vector<16xf32>,
        %gather3A_544 = tpu.vector_load_idx %arg12[%add3A_510] : memref<8320xf32, #tpu.memory_space<vmem>>[vector<16xi32>], vector<16xf32>,
        %gather3A_545 = tpu.vector_load_idx %arg13[%add3A_510] : memref<8320xf32, #tpu.memory_space<vmem>>[vector<16xi32>], vector<16xf32>,
        %gather3A_546 = tpu.vector_load_idx %arg14[%add3A_510] : memref<8320xf32, #tpu.memory_space<vmem>>[vector<16xi32>], vector<16xf32>,
        %max3A_547 = arith.maximumf %gather3A_541, %get3A_515 : vector<16xf32>
        tpu.vector_store_idx %arg9[%add3A_510], %max3A_547 : memref<8320xf32, #tpu.memory_space<vmem>>[vector<16xi32>], vector<16xf32>,
        %max3A_548 = arith.maximumf %gather3A_542, %get3A_520 : vector<16xf32>
        tpu.vector_store_idx %arg10[%add3A_510], %max3A_548 : memref<8320xf32, #tpu.memory_space<vmem>>[vector<16xi32>], vector<16xf32>,
        %max3A_549 = arith.maximumf %gather3A_543, %get3A_525 : vector<16xf32>
        tpu.vector_store_idx %arg11[%add3A_510], %max3A_549 : memref<8320xf32, #tpu.memory_space<vmem>>[vector<16xi32>], vector<16xf32>,
        %max3A_550 = arith.maximumf %gather3A_544, %get3A_530 : vector<16xf32>
        tpu.vector_store_idx %arg12[%add3A_510], %max3A_550 : memref<8320xf32, #tpu.memory_space<vmem>>[vector<16xi32>], vector<16xf32>,
        %max3A_551 = arith.maximumf %gather3A_545, %get3A_535 : vector<16xf32>
        tpu.vector_store_idx %arg13[%add3A_510], %max3A_551 : memref<8320xf32, #tpu.memory_space<vmem>>[vector<16xi32>], vector<16xf32>,
        %max3A_552 = arith.maximumf %gather3A_546, %get3A_540 : vector<16xf32>
        tpu.vector_store_idx %arg14[%add3A_510], %max3A_552 : memref<8320xf32, #tpu.memory_space<vmem>>[vector<16xi32>], vector<16xf32>,
        %mul3A_553 = arith.constant 384 : i32
        %mul3A_554 = arith.muli %scan3A_146, %mul3A_553 : i32
        %add3A_555 = arith.constant 128 : i32
        %add3A_556 = arith.addi %mul3A_554, %add3A_555 : i32
        %get3A_557 = arith.index_cast %add3A_556 : i32 to index
        %get3A_558 = tpu.vector_load %arg6[%get3A_557] {strides = array<i32>} : memref<3072xi32, #tpu.memory_space<vmem>>, vector<16xi32>,
        %add3A_559 = arith.constant 4112 : i32
        %add3A_560 = vector.broadcast %add3A_559 : i32 to vector<16xi32>
        %add3A_561 = arith.addi %get3A_558, %add3A_560 : vector<16xi32>
        %get3A_562 = arith.constant 0 : i32
        %get3A_563 = arith.index_cast %get3A_562 : i32 to index
        %get3A_564 = arith.index_cast %scan3A_146 : i32 to index
        %get3A_565 = arith.constant 128 : index
        %get3A_566 = tpu.vector_load %arg8[%get3A_563, %get3A_564, %get3A_565] {strides = array<i32>} : memref<6x8x384xf32, #tpu.memory_space<vmem>>, vector<16xf32>,
        %get3A_567 = arith.constant 1 : i32
        %get3A_568 = arith.index_cast %get3A_567 : i32 to index
        %get3A_569 = arith.index_cast %scan3A_146 : i32 to index
        %get3A_570 = arith.constant 128 : index
        %get3A_571 = tpu.vector_load %arg8[%get3A_568, %get3A_569, %get3A_570] {strides = array<i32>} : memref<6x8x384xf32, #tpu.memory_space<vmem>>, vector<16xf32>,
        %get3A_572 = arith.constant 2 : i32
        %get3A_573 = arith.index_cast %get3A_572 : i32 to index
        %get3A_574 = arith.index_cast %scan3A_146 : i32 to index
        %get3A_575 = arith.constant 128 : index
        %get3A_576 = tpu.vector_load %arg8[%get3A_573, %get3A_574, %get3A_575] {strides = array<i32>} : memref<6x8x384xf32, #tpu.memory_space<vmem>>, vector<16xf32>,
        %get3A_577 = arith.constant 3 : i32
        %get3A_578 = arith.index_cast %get3A_577 : i32 to index
        %get3A_579 = arith.index_cast %scan3A_146 : i32 to index
        %get3A_580 = arith.constant 128 : index
        %get3A_581 = tpu.vector_load %arg8[%get3A_578, %get3A_579, %get3A_580] {strides = array<i32>} : memref<6x8x384xf32, #tpu.memory_space<vmem>>, vector<16xf32>,
        %get3A_582 = arith.constant 4 : i32
        %get3A_583 = arith.index_cast %get3A_582 : i32 to index
        %get3A_584 = arith.index_cast %scan3A_146 : i32 to index
        %get3A_585 = arith.constant 128 : index
        %get3A_586 = tpu.vector_load %arg8[%get3A_583, %get3A_584, %get3A_585] {strides = array<i32>} : memref<6x8x384xf32, #tpu.memory_space<vmem>>, vector<16xf32>,
        %get3A_587 = arith.constant 5 : i32
        %get3A_588 = arith.index_cast %get3A_587 : i32 to index
        %get3A_589 = arith.index_cast %scan3A_146 : i32 to index
        %get3A_590 = arith.constant 128 : index
        %get3A_591 = tpu.vector_load %arg8[%get3A_588, %get3A_589, %get3A_590] {strides = array<i32>} : memref<6x8x384xf32, #tpu.memory_space<vmem>>, vector<16xf32>,
        %gather3A_592 = tpu.vector_load_idx %arg9[%add3A_561] : memref<8320xf32, #tpu.memory_space<vmem>>[vector<16xi32>], vector<16xf32>,
        %gather3A_593 = tpu.vector_load_idx %arg10[%add3A_561] : memref<8320xf32, #tpu.memory_space<vmem>>[vector<16xi32>], vector<16xf32>,
        %gather3A_594 = tpu.vector_load_idx %arg11[%add3A_561] : memref<8320xf32, #tpu.memory_space<vmem>>[vector<16xi32>], vector<16xf32>,
        %gather3A_595 = tpu.vector_load_idx %arg12[%add3A_561] : memref<8320xf32, #tpu.memory_space<vmem>>[vector<16xi32>], vector<16xf32>,
        %gather3A_596 = tpu.vector_load_idx %arg13[%add3A_561] : memref<8320xf32, #tpu.memory_space<vmem>>[vector<16xi32>], vector<16xf32>,
        %gather3A_597 = tpu.vector_load_idx %arg14[%add3A_561] : memref<8320xf32, #tpu.memory_space<vmem>>[vector<16xi32>], vector<16xf32>,
        %max3A_598 = arith.maximumf %gather3A_592, %get3A_566 : vector<16xf32>
        tpu.vector_store_idx %arg9[%add3A_561], %max3A_598 : memref<8320xf32, #tpu.memory_space<vmem>>[vector<16xi32>], vector<16xf32>,
        %max3A_599 = arith.maximumf %gather3A_593, %get3A_571 : vector<16xf32>
        tpu.vector_store_idx %arg10[%add3A_561], %max3A_599 : memref<8320xf32, #tpu.memory_space<vmem>>[vector<16xi32>], vector<16xf32>,
        %max3A_600 = arith.maximumf %gather3A_594, %get3A_576 : vector<16xf32>
        tpu.vector_store_idx %arg11[%add3A_561], %max3A_600 : memref<8320xf32, #tpu.memory_space<vmem>>[vector<16xi32>], vector<16xf32>,
        %max3A_601 = arith.maximumf %gather3A_595, %get3A_581 : vector<16xf32>
        tpu.vector_store_idx %arg12[%add3A_561], %max3A_601 : memref<8320xf32, #tpu.memory_space<vmem>>[vector<16xi32>], vector<16xf32>,
        %max3A_602 = arith.maximumf %gather3A_596, %get3A_586 : vector<16xf32>
        tpu.vector_store_idx %arg13[%add3A_561], %max3A_602 : memref<8320xf32, #tpu.memory_space<vmem>>[vector<16xi32>], vector<16xf32>,
        %max3A_603 = arith.maximumf %gather3A_597, %get3A_591 : vector<16xf32>
        tpu.vector_store_idx %arg14[%add3A_561], %max3A_603 : memref<8320xf32, #tpu.memory_space<vmem>>[vector<16xi32>], vector<16xf32>,
        %mul3A_604 = arith.constant 384 : i32
        %mul3A_605 = arith.muli %scan3A_146, %mul3A_604 : i32
        %add3A_606 = arith.constant 144 : i32
        %add3A_607 = arith.addi %mul3A_605, %add3A_606 : i32
        %get3A_608 = arith.index_cast %add3A_607 : i32 to index
        %get3A_609 = tpu.vector_load %arg6[%get3A_608] {strides = array<i32>} : memref<3072xi32, #tpu.memory_space<vmem>>, vector<16xi32>,
        %add3A_610 = arith.constant 4112 : i32
        %add3A_611 = vector.broadcast %add3A_610 : i32 to vector<16xi32>
        %add3A_612 = arith.addi %get3A_609, %add3A_611 : vector<16xi32>
        %get3A_613 = arith.constant 0 : i32
        %get3A_614 = arith.index_cast %get3A_613 : i32 to index
        %get3A_615 = arith.index_cast %scan3A_146 : i32 to index
        %get3A_616 = arith.constant 144 : index
        %get3A_617 = tpu.vector_load %arg8[%get3A_614, %get3A_615, %get3A_616] {strides = array<i32>} : memref<6x8x384xf32, #tpu.memory_space<vmem>>, vector<16xf32>,
        %get3A_618 = arith.constant 1 : i32
        %get3A_619 = arith.index_cast %get3A_618 : i32 to index
        %get3A_620 = arith.index_cast %scan3A_146 : i32 to index
        %get3A_621 = arith.constant 144 : index
        %get3A_622 = tpu.vector_load %arg8[%get3A_619, %get3A_620, %get3A_621] {strides = array<i32>} : memref<6x8x384xf32, #tpu.memory_space<vmem>>, vector<16xf32>,
        %get3A_623 = arith.constant 2 : i32
        %get3A_624 = arith.index_cast %get3A_623 : i32 to index
        %get3A_625 = arith.index_cast %scan3A_146 : i32 to index
        %get3A_626 = arith.constant 144 : index
        %get3A_627 = tpu.vector_load %arg8[%get3A_624, %get3A_625, %get3A_626] {strides = array<i32>} : memref<6x8x384xf32, #tpu.memory_space<vmem>>, vector<16xf32>,
        %get3A_628 = arith.constant 3 : i32
        %get3A_629 = arith.index_cast %get3A_628 : i32 to index
        %get3A_630 = arith.index_cast %scan3A_146 : i32 to index
        %get3A_631 = arith.constant 144 : index
        %get3A_632 = tpu.vector_load %arg8[%get3A_629, %get3A_630, %get3A_631] {strides = array<i32>} : memref<6x8x384xf32, #tpu.memory_space<vmem>>, vector<16xf32>,
        %get3A_633 = arith.constant 4 : i32
        %get3A_634 = arith.index_cast %get3A_633 : i32 to index
        %get3A_635 = arith.index_cast %scan3A_146 : i32 to index
        %get3A_636 = arith.constant 144 : index
        %get3A_637 = tpu.vector_load %arg8[%get3A_634, %get3A_635, %get3A_636] {strides = array<i32>} : memref<6x8x384xf32, #tpu.memory_space<vmem>>, vector<16xf32>,
        %get3A_638 = arith.constant 5 : i32
        %get3A_639 = arith.index_cast %get3A_638 : i32 to index
        %get3A_640 = arith.index_cast %scan3A_146 : i32 to index
        %get3A_641 = arith.constant 144 : index
        %get3A_642 = tpu.vector_load %arg8[%get3A_639, %get3A_640, %get3A_641] {strides = array<i32>} : memref<6x8x384xf32, #tpu.memory_space<vmem>>, vector<16xf32>,
        %gather3A_643 = tpu.vector_load_idx %arg9[%add3A_612] : memref<8320xf32, #tpu.memory_space<vmem>>[vector<16xi32>], vector<16xf32>,
        %gather3A_644 = tpu.vector_load_idx %arg10[%add3A_612] : memref<8320xf32, #tpu.memory_space<vmem>>[vector<16xi32>], vector<16xf32>,
        %gather3A_645 = tpu.vector_load_idx %arg11[%add3A_612] : memref<8320xf32, #tpu.memory_space<vmem>>[vector<16xi32>], vector<16xf32>,
        %gather3A_646 = tpu.vector_load_idx %arg12[%add3A_612] : memref<8320xf32, #tpu.memory_space<vmem>>[vector<16xi32>], vector<16xf32>,
        %gather3A_647 = tpu.vector_load_idx %arg13[%add3A_612] : memref<8320xf32, #tpu.memory_space<vmem>>[vector<16xi32>], vector<16xf32>,
        %gather3A_648 = tpu.vector_load_idx %arg14[%add3A_612] : memref<8320xf32, #tpu.memory_space<vmem>>[vector<16xi32>], vector<16xf32>,
        %max3A_649 = arith.maximumf %gather3A_643, %get3A_617 : vector<16xf32>
        tpu.vector_store_idx %arg9[%add3A_612], %max3A_649 : memref<8320xf32, #tpu.memory_space<vmem>>[vector<16xi32>], vector<16xf32>,
        %max3A_650 = arith.maximumf %gather3A_644, %get3A_622 : vector<16xf32>
        tpu.vector_store_idx %arg10[%add3A_612], %max3A_650 : memref<8320xf32, #tpu.memory_space<vmem>>[vector<16xi32>], vector<16xf32>,
        %max3A_651 = arith.maximumf %gather3A_645, %get3A_627 : vector<16xf32>
        tpu.vector_store_idx %arg11[%add3A_612], %max3A_651 : memref<8320xf32, #tpu.memory_space<vmem>>[vector<16xi32>], vector<16xf32>,
        %max3A_652 = arith.maximumf %gather3A_646, %get3A_632 : vector<16xf32>
        tpu.vector_store_idx %arg12[%add3A_612], %max3A_652 : memref<8320xf32, #tpu.memory_space<vmem>>[vector<16xi32>], vector<16xf32>,
        %max3A_653 = arith.maximumf %gather3A_647, %get3A_637 : vector<16xf32>
        tpu.vector_store_idx %arg13[%add3A_612], %max3A_653 : memref<8320xf32, #tpu.memory_space<vmem>>[vector<16xi32>], vector<16xf32>,
        %max3A_654 = arith.maximumf %gather3A_648, %get3A_642 : vector<16xf32>
        tpu.vector_store_idx %arg14[%add3A_612], %max3A_654 : memref<8320xf32, #tpu.memory_space<vmem>>[vector<16xi32>], vector<16xf32>,
        %mul3A_655 = arith.constant 384 : i32
        %mul3A_656 = arith.muli %scan3A_146, %mul3A_655 : i32
        %add3A_657 = arith.constant 160 : i32
        %add3A_658 = arith.addi %mul3A_656, %add3A_657 : i32
        %get3A_659 = arith.index_cast %add3A_658 : i32 to index
        %get3A_660 = tpu.vector_load %arg6[%get3A_659] {strides = array<i32>} : memref<3072xi32, #tpu.memory_space<vmem>>, vector<16xi32>,
        %add3A_661 = arith.constant 4112 : i32
        %add3A_662 = vector.broadcast %add3A_661 : i32 to vector<16xi32>
        %add3A_663 = arith.addi %get3A_660, %add3A_662 : vector<16xi32>
        %get3A_664 = arith.constant 0 : i32
        %get3A_665 = arith.index_cast %get3A_664 : i32 to index
        %get3A_666 = arith.index_cast %scan3A_146 : i32 to index
        %get3A_667 = arith.constant 160 : index
        %get3A_668 = tpu.vector_load %arg8[%get3A_665, %get3A_666, %get3A_667] {strides = array<i32>} : memref<6x8x384xf32, #tpu.memory_space<vmem>>, vector<16xf32>,
        %get3A_669 = arith.constant 1 : i32
        %get3A_670 = arith.index_cast %get3A_669 : i32 to index
        %get3A_671 = arith.index_cast %scan3A_146 : i32 to index
        %get3A_672 = arith.constant 160 : index
        %get3A_673 = tpu.vector_load %arg8[%get3A_670, %get3A_671, %get3A_672] {strides = array<i32>} : memref<6x8x384xf32, #tpu.memory_space<vmem>>, vector<16xf32>,
        %get3A_674 = arith.constant 2 : i32
        %get3A_675 = arith.index_cast %get3A_674 : i32 to index
        %get3A_676 = arith.index_cast %scan3A_146 : i32 to index
        %get3A_677 = arith.constant 160 : index
        %get3A_678 = tpu.vector_load %arg8[%get3A_675, %get3A_676, %get3A_677] {strides = array<i32>} : memref<6x8x384xf32, #tpu.memory_space<vmem>>, vector<16xf32>,
        %get3A_679 = arith.constant 3 : i32
        %get3A_680 = arith.index_cast %get3A_679 : i32 to index
        %get3A_681 = arith.index_cast %scan3A_146 : i32 to index
        %get3A_682 = arith.constant 160 : index
        %get3A_683 = tpu.vector_load %arg8[%get3A_680, %get3A_681, %get3A_682] {strides = array<i32>} : memref<6x8x384xf32, #tpu.memory_space<vmem>>, vector<16xf32>,
        %get3A_684 = arith.constant 4 : i32
        %get3A_685 = arith.index_cast %get3A_684 : i32 to index
        %get3A_686 = arith.index_cast %scan3A_146 : i32 to index
        %get3A_687 = arith.constant 160 : index
        %get3A_688 = tpu.vector_load %arg8[%get3A_685, %get3A_686, %get3A_687] {strides = array<i32>} : memref<6x8x384xf32, #tpu.memory_space<vmem>>, vector<16xf32>,
        %get3A_689 = arith.constant 5 : i32
        %get3A_690 = arith.index_cast %get3A_689 : i32 to index
        %get3A_691 = arith.index_cast %scan3A_146 : i32 to index
        %get3A_692 = arith.constant 160 : index
        %get3A_693 = tpu.vector_load %arg8[%get3A_690, %get3A_691, %get3A_692] {strides = array<i32>} : memref<6x8x384xf32, #tpu.memory_space<vmem>>, vector<16xf32>,
        %gather3A_694 = tpu.vector_load_idx %arg9[%add3A_663] : memref<8320xf32, #tpu.memory_space<vmem>>[vector<16xi32>], vector<16xf32>,
        %gather3A_695 = tpu.vector_load_idx %arg10[%add3A_663] : memref<8320xf32, #tpu.memory_space<vmem>>[vector<16xi32>], vector<16xf32>,
        %gather3A_696 = tpu.vector_load_idx %arg11[%add3A_663] : memref<8320xf32, #tpu.memory_space<vmem>>[vector<16xi32>], vector<16xf32>,
        %gather3A_697 = tpu.vector_load_idx %arg12[%add3A_663] : memref<8320xf32, #tpu.memory_space<vmem>>[vector<16xi32>], vector<16xf32>,
        %gather3A_698 = tpu.vector_load_idx %arg13[%add3A_663] : memref<8320xf32, #tpu.memory_space<vmem>>[vector<16xi32>], vector<16xf32>,
        %gather3A_699 = tpu.vector_load_idx %arg14[%add3A_663] : memref<8320xf32, #tpu.memory_space<vmem>>[vector<16xi32>], vector<16xf32>,
        %max3A_700 = arith.maximumf %gather3A_694, %get3A_668 : vector<16xf32>
        tpu.vector_store_idx %arg9[%add3A_663], %max3A_700 : memref<8320xf32, #tpu.memory_space<vmem>>[vector<16xi32>], vector<16xf32>,
        %max3A_701 = arith.maximumf %gather3A_695, %get3A_673 : vector<16xf32>
        tpu.vector_store_idx %arg10[%add3A_663], %max3A_701 : memref<8320xf32, #tpu.memory_space<vmem>>[vector<16xi32>], vector<16xf32>,
        %max3A_702 = arith.maximumf %gather3A_696, %get3A_678 : vector<16xf32>
        tpu.vector_store_idx %arg11[%add3A_663], %max3A_702 : memref<8320xf32, #tpu.memory_space<vmem>>[vector<16xi32>], vector<16xf32>,
        %max3A_703 = arith.maximumf %gather3A_697, %get3A_683 : vector<16xf32>
        tpu.vector_store_idx %arg12[%add3A_663], %max3A_703 : memref<8320xf32, #tpu.memory_space<vmem>>[vector<16xi32>], vector<16xf32>,
        %max3A_704 = arith.maximumf %gather3A_698, %get3A_688 : vector<16xf32>
        tpu.vector_store_idx %arg13[%add3A_663], %max3A_704 : memref<8320xf32, #tpu.memory_space<vmem>>[vector<16xi32>], vector<16xf32>,
        %max3A_705 = arith.maximumf %gather3A_699, %get3A_693 : vector<16xf32>
        tpu.vector_store_idx %arg14[%add3A_663], %max3A_705 : memref<8320xf32, #tpu.memory_space<vmem>>[vector<16xi32>], vector<16xf32>,
        %mul3A_706 = arith.constant 384 : i32
        %mul3A_707 = arith.muli %scan3A_146, %mul3A_706 : i32
        %add3A_708 = arith.constant 176 : i32
        %add3A_709 = arith.addi %mul3A_707, %add3A_708 : i32
        %get3A_710 = arith.index_cast %add3A_709 : i32 to index
        %get3A_711 = tpu.vector_load %arg6[%get3A_710] {strides = array<i32>} : memref<3072xi32, #tpu.memory_space<vmem>>, vector<16xi32>,
        %add3A_712 = arith.constant 4112 : i32
        %add3A_713 = vector.broadcast %add3A_712 : i32 to vector<16xi32>
        %add3A_714 = arith.addi %get3A_711, %add3A_713 : vector<16xi32>
        %get3A_715 = arith.constant 0 : i32
        %get3A_716 = arith.index_cast %get3A_715 : i32 to index
        %get3A_717 = arith.index_cast %scan3A_146 : i32 to index
        %get3A_718 = arith.constant 176 : index
        %get3A_719 = tpu.vector_load %arg8[%get3A_716, %get3A_717, %get3A_718] {strides = array<i32>} : memref<6x8x384xf32, #tpu.memory_space<vmem>>, vector<16xf32>,
        %get3A_720 = arith.constant 1 : i32
        %get3A_721 = arith.index_cast %get3A_720 : i32 to index
        %get3A_722 = arith.index_cast %scan3A_146 : i32 to index
        %get3A_723 = arith.constant 176 : index
        %get3A_724 = tpu.vector_load %arg8[%get3A_721, %get3A_722, %get3A_723] {strides = array<i32>} : memref<6x8x384xf32, #tpu.memory_space<vmem>>, vector<16xf32>,
        %get3A_725 = arith.constant 2 : i32
        %get3A_726 = arith.index_cast %get3A_725 : i32 to index
        %get3A_727 = arith.index_cast %scan3A_146 : i32 to index
        %get3A_728 = arith.constant 176 : index
        %get3A_729 = tpu.vector_load %arg8[%get3A_726, %get3A_727, %get3A_728] {strides = array<i32>} : memref<6x8x384xf32, #tpu.memory_space<vmem>>, vector<16xf32>,
        %get3A_730 = arith.constant 3 : i32
        %get3A_731 = arith.index_cast %get3A_730 : i32 to index
        %get3A_732 = arith.index_cast %scan3A_146 : i32 to index
        %get3A_733 = arith.constant 176 : index
        %get3A_734 = tpu.vector_load %arg8[%get3A_731, %get3A_732, %get3A_733] {strides = array<i32>} : memref<6x8x384xf32, #tpu.memory_space<vmem>>, vector<16xf32>,
        %get3A_735 = arith.constant 4 : i32
        %get3A_736 = arith.index_cast %get3A_735 : i32 to index
        %get3A_737 = arith.index_cast %scan3A_146 : i32 to index
        %get3A_738 = arith.constant 176 : index
        %get3A_739 = tpu.vector_load %arg8[%get3A_736, %get3A_737, %get3A_738] {strides = array<i32>} : memref<6x8x384xf32, #tpu.memory_space<vmem>>, vector<16xf32>,
        %get3A_740 = arith.constant 5 : i32
        %get3A_741 = arith.index_cast %get3A_740 : i32 to index
        %get3A_742 = arith.index_cast %scan3A_146 : i32 to index
        %get3A_743 = arith.constant 176 : index
        %get3A_744 = tpu.vector_load %arg8[%get3A_741, %get3A_742, %get3A_743] {strides = array<i32>} : memref<6x8x384xf32, #tpu.memory_space<vmem>>, vector<16xf32>,
        %gather3A_745 = tpu.vector_load_idx %arg9[%add3A_714] : memref<8320xf32, #tpu.memory_space<vmem>>[vector<16xi32>], vector<16xf32>,
        %gather3A_746 = tpu.vector_load_idx %arg10[%add3A_714] : memref<8320xf32, #tpu.memory_space<vmem>>[vector<16xi32>], vector<16xf32>,
        %gather3A_747 = tpu.vector_load_idx %arg11[%add3A_714] : memref<8320xf32, #tpu.memory_space<vmem>>[vector<16xi32>], vector<16xf32>,
        %gather3A_748 = tpu.vector_load_idx %arg12[%add3A_714] : memref<8320xf32, #tpu.memory_space<vmem>>[vector<16xi32>], vector<16xf32>,
        %gather3A_749 = tpu.vector_load_idx %arg13[%add3A_714] : memref<8320xf32, #tpu.memory_space<vmem>>[vector<16xi32>], vector<16xf32>,
        %gather3A_750 = tpu.vector_load_idx %arg14[%add3A_714] : memref<8320xf32, #tpu.memory_space<vmem>>[vector<16xi32>], vector<16xf32>,
        %max3A_751 = arith.maximumf %gather3A_745, %get3A_719 : vector<16xf32>
        tpu.vector_store_idx %arg9[%add3A_714], %max3A_751 : memref<8320xf32, #tpu.memory_space<vmem>>[vector<16xi32>], vector<16xf32>,
        %max3A_752 = arith.maximumf %gather3A_746, %get3A_724 : vector<16xf32>
        tpu.vector_store_idx %arg10[%add3A_714], %max3A_752 : memref<8320xf32, #tpu.memory_space<vmem>>[vector<16xi32>], vector<16xf32>,
        %max3A_753 = arith.maximumf %gather3A_747, %get3A_729 : vector<16xf32>
        tpu.vector_store_idx %arg11[%add3A_714], %max3A_753 : memref<8320xf32, #tpu.memory_space<vmem>>[vector<16xi32>], vector<16xf32>,
        %max3A_754 = arith.maximumf %gather3A_748, %get3A_734 : vector<16xf32>
        tpu.vector_store_idx %arg12[%add3A_714], %max3A_754 : memref<8320xf32, #tpu.memory_space<vmem>>[vector<16xi32>], vector<16xf32>,
        %max3A_755 = arith.maximumf %gather3A_749, %get3A_739 : vector<16xf32>
        tpu.vector_store_idx %arg13[%add3A_714], %max3A_755 : memref<8320xf32, #tpu.memory_space<vmem>>[vector<16xi32>], vector<16xf32>,
        %max3A_756 = arith.maximumf %gather3A_750, %get3A_744 : vector<16xf32>
        tpu.vector_store_idx %arg14[%add3A_714], %max3A_756 : memref<8320xf32, #tpu.memory_space<vmem>>[vector<16xi32>], vector<16xf32>,
        %mul3A_757 = arith.constant 384 : i32
        %mul3A_758 = arith.muli %scan3A_146, %mul3A_757 : i32
        %add3A_759 = arith.constant 192 : i32
        %add3A_760 = arith.addi %mul3A_758, %add3A_759 : i32
        %get3A_761 = arith.index_cast %add3A_760 : i32 to index
        %get3A_762 = tpu.vector_load %arg6[%get3A_761] {strides = array<i32>} : memref<3072xi32, #tpu.memory_space<vmem>>, vector<16xi32>,
        %add3A_763 = arith.constant 4112 : i32
        %add3A_764 = vector.broadcast %add3A_763 : i32 to vector<16xi32>
        %add3A_765 = arith.addi %get3A_762, %add3A_764 : vector<16xi32>
        %get3A_766 = arith.constant 0 : i32
        %get3A_767 = arith.index_cast %get3A_766 : i32 to index
        %get3A_768 = arith.index_cast %scan3A_146 : i32 to index
        %get3A_769 = arith.constant 192 : index
        %get3A_770 = tpu.vector_load %arg8[%get3A_767, %get3A_768, %get3A_769] {strides = array<i32>} : memref<6x8x384xf32, #tpu.memory_space<vmem>>, vector<16xf32>,
        %get3A_771 = arith.constant 1 : i32
        %get3A_772 = arith.index_cast %get3A_771 : i32 to index
        %get3A_773 = arith.index_cast %scan3A_146 : i32 to index
        %get3A_774 = arith.constant 192 : index
        %get3A_775 = tpu.vector_load %arg8[%get3A_772, %get3A_773, %get3A_774] {strides = array<i32>} : memref<6x8x384xf32, #tpu.memory_space<vmem>>, vector<16xf32>,
        %get3A_776 = arith.constant 2 : i32
        %get3A_777 = arith.index_cast %get3A_776 : i32 to index
        %get3A_778 = arith.index_cast %scan3A_146 : i32 to index
        %get3A_779 = arith.constant 192 : index
        %get3A_780 = tpu.vector_load %arg8[%get3A_777, %get3A_778, %get3A_779] {strides = array<i32>} : memref<6x8x384xf32, #tpu.memory_space<vmem>>, vector<16xf32>,
        %get3A_781 = arith.constant 3 : i32
        %get3A_782 = arith.index_cast %get3A_781 : i32 to index
        %get3A_783 = arith.index_cast %scan3A_146 : i32 to index
        %get3A_784 = arith.constant 192 : index
        %get3A_785 = tpu.vector_load %arg8[%get3A_782, %get3A_783, %get3A_784] {strides = array<i32>} : memref<6x8x384xf32, #tpu.memory_space<vmem>>, vector<16xf32>,
        %get3A_786 = arith.constant 4 : i32
        %get3A_787 = arith.index_cast %get3A_786 : i32 to index
        %get3A_788 = arith.index_cast %scan3A_146 : i32 to index
        %get3A_789 = arith.constant 192 : index
        %get3A_790 = tpu.vector_load %arg8[%get3A_787, %get3A_788, %get3A_789] {strides = array<i32>} : memref<6x8x384xf32, #tpu.memory_space<vmem>>, vector<16xf32>,
        %get3A_791 = arith.constant 5 : i32
        %get3A_792 = arith.index_cast %get3A_791 : i32 to index
        %get3A_793 = arith.index_cast %scan3A_146 : i32 to index
        %get3A_794 = arith.constant 192 : index
        %get3A_795 = tpu.vector_load %arg8[%get3A_792, %get3A_793, %get3A_794] {strides = array<i32>} : memref<6x8x384xf32, #tpu.memory_space<vmem>>, vector<16xf32>,
        %gather3A_796 = tpu.vector_load_idx %arg9[%add3A_765] : memref<8320xf32, #tpu.memory_space<vmem>>[vector<16xi32>], vector<16xf32>,
        %gather3A_797 = tpu.vector_load_idx %arg10[%add3A_765] : memref<8320xf32, #tpu.memory_space<vmem>>[vector<16xi32>], vector<16xf32>,
        %gather3A_798 = tpu.vector_load_idx %arg11[%add3A_765] : memref<8320xf32, #tpu.memory_space<vmem>>[vector<16xi32>], vector<16xf32>,
        %gather3A_799 = tpu.vector_load_idx %arg12[%add3A_765] : memref<8320xf32, #tpu.memory_space<vmem>>[vector<16xi32>], vector<16xf32>,
        %gather3A_800 = tpu.vector_load_idx %arg13[%add3A_765] : memref<8320xf32, #tpu.memory_space<vmem>>[vector<16xi32>], vector<16xf32>,
        %gather3A_801 = tpu.vector_load_idx %arg14[%add3A_765] : memref<8320xf32, #tpu.memory_space<vmem>>[vector<16xi32>], vector<16xf32>,
        %max3A_802 = arith.maximumf %gather3A_796, %get3A_770 : vector<16xf32>
        tpu.vector_store_idx %arg9[%add3A_765], %max3A_802 : memref<8320xf32, #tpu.memory_space<vmem>>[vector<16xi32>], vector<16xf32>,
        %max3A_803 = arith.maximumf %gather3A_797, %get3A_775 : vector<16xf32>
        tpu.vector_store_idx %arg10[%add3A_765], %max3A_803 : memref<8320xf32, #tpu.memory_space<vmem>>[vector<16xi32>], vector<16xf32>,
        %max3A_804 = arith.maximumf %gather3A_798, %get3A_780 : vector<16xf32>
        tpu.vector_store_idx %arg11[%add3A_765], %max3A_804 : memref<8320xf32, #tpu.memory_space<vmem>>[vector<16xi32>], vector<16xf32>,
        %max3A_805 = arith.maximumf %gather3A_799, %get3A_785 : vector<16xf32>
        tpu.vector_store_idx %arg12[%add3A_765], %max3A_805 : memref<8320xf32, #tpu.memory_space<vmem>>[vector<16xi32>], vector<16xf32>,
        %max3A_806 = arith.maximumf %gather3A_800, %get3A_790 : vector<16xf32>
        tpu.vector_store_idx %arg13[%add3A_765], %max3A_806 : memref<8320xf32, #tpu.memory_space<vmem>>[vector<16xi32>], vector<16xf32>,
        %max3A_807 = arith.maximumf %gather3A_801, %get3A_795 : vector<16xf32>
        tpu.vector_store_idx %arg14[%add3A_765], %max3A_807 : memref<8320xf32, #tpu.memory_space<vmem>>[vector<16xi32>], vector<16xf32>,
        %mul3A_808 = arith.constant 384 : i32
        %mul3A_809 = arith.muli %scan3A_146, %mul3A_808 : i32
        %add3A_810 = arith.constant 208 : i32
        %add3A_811 = arith.addi %mul3A_809, %add3A_810 : i32
        %get3A_812 = arith.index_cast %add3A_811 : i32 to index
        %get3A_813 = tpu.vector_load %arg6[%get3A_812] {strides = array<i32>} : memref<3072xi32, #tpu.memory_space<vmem>>, vector<16xi32>,
        %add3A_814 = arith.constant 4112 : i32
        %add3A_815 = vector.broadcast %add3A_814 : i32 to vector<16xi32>
        %add3A_816 = arith.addi %get3A_813, %add3A_815 : vector<16xi32>
        %get3A_817 = arith.constant 0 : i32
        %get3A_818 = arith.index_cast %get3A_817 : i32 to index
        %get3A_819 = arith.index_cast %scan3A_146 : i32 to index
        %get3A_820 = arith.constant 208 : index
        %get3A_821 = tpu.vector_load %arg8[%get3A_818, %get3A_819, %get3A_820] {strides = array<i32>} : memref<6x8x384xf32, #tpu.memory_space<vmem>>, vector<16xf32>,
        %get3A_822 = arith.constant 1 : i32
        %get3A_823 = arith.index_cast %get3A_822 : i32 to index
        %get3A_824 = arith.index_cast %scan3A_146 : i32 to index
        %get3A_825 = arith.constant 208 : index
        %get3A_826 = tpu.vector_load %arg8[%get3A_823, %get3A_824, %get3A_825] {strides = array<i32>} : memref<6x8x384xf32, #tpu.memory_space<vmem>>, vector<16xf32>,
        %get3A_827 = arith.constant 2 : i32
        %get3A_828 = arith.index_cast %get3A_827 : i32 to index
        %get3A_829 = arith.index_cast %scan3A_146 : i32 to index
        %get3A_830 = arith.constant 208 : index
        %get3A_831 = tpu.vector_load %arg8[%get3A_828, %get3A_829, %get3A_830] {strides = array<i32>} : memref<6x8x384xf32, #tpu.memory_space<vmem>>, vector<16xf32>,
        %get3A_832 = arith.constant 3 : i32
        %get3A_833 = arith.index_cast %get3A_832 : i32 to index
        %get3A_834 = arith.index_cast %scan3A_146 : i32 to index
        %get3A_835 = arith.constant 208 : index
        %get3A_836 = tpu.vector_load %arg8[%get3A_833, %get3A_834, %get3A_835] {strides = array<i32>} : memref<6x8x384xf32, #tpu.memory_space<vmem>>, vector<16xf32>,
        %get3A_837 = arith.constant 4 : i32
        %get3A_838 = arith.index_cast %get3A_837 : i32 to index
        %get3A_839 = arith.index_cast %scan3A_146 : i32 to index
        %get3A_840 = arith.constant 208 : index
        %get3A_841 = tpu.vector_load %arg8[%get3A_838, %get3A_839, %get3A_840] {strides = array<i32>} : memref<6x8x384xf32, #tpu.memory_space<vmem>>, vector<16xf32>,
        %get3A_842 = arith.constant 5 : i32
        %get3A_843 = arith.index_cast %get3A_842 : i32 to index
        %get3A_844 = arith.index_cast %scan3A_146 : i32 to index
        %get3A_845 = arith.constant 208 : index
        %get3A_846 = tpu.vector_load %arg8[%get3A_843, %get3A_844, %get3A_845] {strides = array<i32>} : memref<6x8x384xf32, #tpu.memory_space<vmem>>, vector<16xf32>,
        %gather3A_847 = tpu.vector_load_idx %arg9[%add3A_816] : memref<8320xf32, #tpu.memory_space<vmem>>[vector<16xi32>], vector<16xf32>,
        %gather3A_848 = tpu.vector_load_idx %arg10[%add3A_816] : memref<8320xf32, #tpu.memory_space<vmem>>[vector<16xi32>], vector<16xf32>,
        %gather3A_849 = tpu.vector_load_idx %arg11[%add3A_816] : memref<8320xf32, #tpu.memory_space<vmem>>[vector<16xi32>], vector<16xf32>,
        %gather3A_850 = tpu.vector_load_idx %arg12[%add3A_816] : memref<8320xf32, #tpu.memory_space<vmem>>[vector<16xi32>], vector<16xf32>,
        %gather3A_851 = tpu.vector_load_idx %arg13[%add3A_816] : memref<8320xf32, #tpu.memory_space<vmem>>[vector<16xi32>], vector<16xf32>,
        %gather3A_852 = tpu.vector_load_idx %arg14[%add3A_816] : memref<8320xf32, #tpu.memory_space<vmem>>[vector<16xi32>], vector<16xf32>,
        %max3A_853 = arith.maximumf %gather3A_847, %get3A_821 : vector<16xf32>
        tpu.vector_store_idx %arg9[%add3A_816], %max3A_853 : memref<8320xf32, #tpu.memory_space<vmem>>[vector<16xi32>], vector<16xf32>,
        %max3A_854 = arith.maximumf %gather3A_848, %get3A_826 : vector<16xf32>
        tpu.vector_store_idx %arg10[%add3A_816], %max3A_854 : memref<8320xf32, #tpu.memory_space<vmem>>[vector<16xi32>], vector<16xf32>,
        %max3A_855 = arith.maximumf %gather3A_849, %get3A_831 : vector<16xf32>
        tpu.vector_store_idx %arg11[%add3A_816], %max3A_855 : memref<8320xf32, #tpu.memory_space<vmem>>[vector<16xi32>], vector<16xf32>,
        %max3A_856 = arith.maximumf %gather3A_850, %get3A_836 : vector<16xf32>
        tpu.vector_store_idx %arg12[%add3A_816], %max3A_856 : memref<8320xf32, #tpu.memory_space<vmem>>[vector<16xi32>], vector<16xf32>,
        %max3A_857 = arith.maximumf %gather3A_851, %get3A_841 : vector<16xf32>
        tpu.vector_store_idx %arg13[%add3A_816], %max3A_857 : memref<8320xf32, #tpu.memory_space<vmem>>[vector<16xi32>], vector<16xf32>,
        %max3A_858 = arith.maximumf %gather3A_852, %get3A_846 : vector<16xf32>
        tpu.vector_store_idx %arg14[%add3A_816], %max3A_858 : memref<8320xf32, #tpu.memory_space<vmem>>[vector<16xi32>], vector<16xf32>,
        %mul3A_859 = arith.constant 384 : i32
        %mul3A_860 = arith.muli %scan3A_146, %mul3A_859 : i32
        %add3A_861 = arith.constant 224 : i32
        %add3A_862 = arith.addi %mul3A_860, %add3A_861 : i32
        %get3A_863 = arith.index_cast %add3A_862 : i32 to index
        %get3A_864 = tpu.vector_load %arg6[%get3A_863] {strides = array<i32>} : memref<3072xi32, #tpu.memory_space<vmem>>, vector<16xi32>,
        %add3A_865 = arith.constant 4112 : i32
        %add3A_866 = vector.broadcast %add3A_865 : i32 to vector<16xi32>
        %add3A_867 = arith.addi %get3A_864, %add3A_866 : vector<16xi32>
        %get3A_868 = arith.constant 0 : i32
        %get3A_869 = arith.index_cast %get3A_868 : i32 to index
        %get3A_870 = arith.index_cast %scan3A_146 : i32 to index
        %get3A_871 = arith.constant 224 : index
        %get3A_872 = tpu.vector_load %arg8[%get3A_869, %get3A_870, %get3A_871] {strides = array<i32>} : memref<6x8x384xf32, #tpu.memory_space<vmem>>, vector<16xf32>,
        %get3A_873 = arith.constant 1 : i32
        %get3A_874 = arith.index_cast %get3A_873 : i32 to index
        %get3A_875 = arith.index_cast %scan3A_146 : i32 to index
        %get3A_876 = arith.constant 224 : index
        %get3A_877 = tpu.vector_load %arg8[%get3A_874, %get3A_875, %get3A_876] {strides = array<i32>} : memref<6x8x384xf32, #tpu.memory_space<vmem>>, vector<16xf32>,
        %get3A_878 = arith.constant 2 : i32
        %get3A_879 = arith.index_cast %get3A_878 : i32 to index
        %get3A_880 = arith.index_cast %scan3A_146 : i32 to index
        %get3A_881 = arith.constant 224 : index
        %get3A_882 = tpu.vector_load %arg8[%get3A_879, %get3A_880, %get3A_881] {strides = array<i32>} : memref<6x8x384xf32, #tpu.memory_space<vmem>>, vector<16xf32>,
        %get3A_883 = arith.constant 3 : i32
        %get3A_884 = arith.index_cast %get3A_883 : i32 to index
        %get3A_885 = arith.index_cast %scan3A_146 : i32 to index
        %get3A_886 = arith.constant 224 : index
        %get3A_887 = tpu.vector_load %arg8[%get3A_884, %get3A_885, %get3A_886] {strides = array<i32>} : memref<6x8x384xf32, #tpu.memory_space<vmem>>, vector<16xf32>,
        %get3A_888 = arith.constant 4 : i32
        %get3A_889 = arith.index_cast %get3A_888 : i32 to index
        %get3A_890 = arith.index_cast %scan3A_146 : i32 to index
        %get3A_891 = arith.constant 224 : index
        %get3A_892 = tpu.vector_load %arg8[%get3A_889, %get3A_890, %get3A_891] {strides = array<i32>} : memref<6x8x384xf32, #tpu.memory_space<vmem>>, vector<16xf32>,
        %get3A_893 = arith.constant 5 : i32
        %get3A_894 = arith.index_cast %get3A_893 : i32 to index
        %get3A_895 = arith.index_cast %scan3A_146 : i32 to index
        %get3A_896 = arith.constant 224 : index
        %get3A_897 = tpu.vector_load %arg8[%get3A_894, %get3A_895, %get3A_896] {strides = array<i32>} : memref<6x8x384xf32, #tpu.memory_space<vmem>>, vector<16xf32>,
        %gather3A_898 = tpu.vector_load_idx %arg9[%add3A_867] : memref<8320xf32, #tpu.memory_space<vmem>>[vector<16xi32>], vector<16xf32>,
        %gather3A_899 = tpu.vector_load_idx %arg10[%add3A_867] : memref<8320xf32, #tpu.memory_space<vmem>>[vector<16xi32>], vector<16xf32>,
        %gather3A_900 = tpu.vector_load_idx %arg11[%add3A_867] : memref<8320xf32, #tpu.memory_space<vmem>>[vector<16xi32>], vector<16xf32>,
        %gather3A_901 = tpu.vector_load_idx %arg12[%add3A_867] : memref<8320xf32, #tpu.memory_space<vmem>>[vector<16xi32>], vector<16xf32>,
        %gather3A_902 = tpu.vector_load_idx %arg13[%add3A_867] : memref<8320xf32, #tpu.memory_space<vmem>>[vector<16xi32>], vector<16xf32>,
        %gather3A_903 = tpu.vector_load_idx %arg14[%add3A_867] : memref<8320xf32, #tpu.memory_space<vmem>>[vector<16xi32>], vector<16xf32>,
        %max3A_904 = arith.maximumf %gather3A_898, %get3A_872 : vector<16xf32>
        tpu.vector_store_idx %arg9[%add3A_867], %max3A_904 : memref<8320xf32, #tpu.memory_space<vmem>>[vector<16xi32>], vector<16xf32>,
        %max3A_905 = arith.maximumf %gather3A_899, %get3A_877 : vector<16xf32>
        tpu.vector_store_idx %arg10[%add3A_867], %max3A_905 : memref<8320xf32, #tpu.memory_space<vmem>>[vector<16xi32>], vector<16xf32>,
        %max3A_906 = arith.maximumf %gather3A_900, %get3A_882 : vector<16xf32>
        tpu.vector_store_idx %arg11[%add3A_867], %max3A_906 : memref<8320xf32, #tpu.memory_space<vmem>>[vector<16xi32>], vector<16xf32>,
        %max3A_907 = arith.maximumf %gather3A_901, %get3A_887 : vector<16xf32>
        tpu.vector_store_idx %arg12[%add3A_867], %max3A_907 : memref<8320xf32, #tpu.memory_space<vmem>>[vector<16xi32>], vector<16xf32>,
        %max3A_908 = arith.maximumf %gather3A_902, %get3A_892 : vector<16xf32>
        tpu.vector_store_idx %arg13[%add3A_867], %max3A_908 : memref<8320xf32, #tpu.memory_space<vmem>>[vector<16xi32>], vector<16xf32>,
        %max3A_909 = arith.maximumf %gather3A_903, %get3A_897 : vector<16xf32>
        tpu.vector_store_idx %arg14[%add3A_867], %max3A_909 : memref<8320xf32, #tpu.memory_space<vmem>>[vector<16xi32>], vector<16xf32>,
        %mul3A_910 = arith.constant 384 : i32
        %mul3A_911 = arith.muli %scan3A_146, %mul3A_910 : i32
        %add3A_912 = arith.constant 240 : i32
        %add3A_913 = arith.addi %mul3A_911, %add3A_912 : i32
        %get3A_914 = arith.index_cast %add3A_913 : i32 to index
        %get3A_915 = tpu.vector_load %arg6[%get3A_914] {strides = array<i32>} : memref<3072xi32, #tpu.memory_space<vmem>>, vector<16xi32>,
        %add3A_916 = arith.constant 4112 : i32
        %add3A_917 = vector.broadcast %add3A_916 : i32 to vector<16xi32>
        %add3A_918 = arith.addi %get3A_915, %add3A_917 : vector<16xi32>
        %get3A_919 = arith.constant 0 : i32
        %get3A_920 = arith.index_cast %get3A_919 : i32 to index
        %get3A_921 = arith.index_cast %scan3A_146 : i32 to index
        %get3A_922 = arith.constant 240 : index
        %get3A_923 = tpu.vector_load %arg8[%get3A_920, %get3A_921, %get3A_922] {strides = array<i32>} : memref<6x8x384xf32, #tpu.memory_space<vmem>>, vector<16xf32>,
        %get3A_924 = arith.constant 1 : i32
        %get3A_925 = arith.index_cast %get3A_924 : i32 to index
        %get3A_926 = arith.index_cast %scan3A_146 : i32 to index
        %get3A_927 = arith.constant 240 : index
        %get3A_928 = tpu.vector_load %arg8[%get3A_925, %get3A_926, %get3A_927] {strides = array<i32>} : memref<6x8x384xf32, #tpu.memory_space<vmem>>, vector<16xf32>,
        %get3A_929 = arith.constant 2 : i32
        %get3A_930 = arith.index_cast %get3A_929 : i32 to index
        %get3A_931 = arith.index_cast %scan3A_146 : i32 to index
        %get3A_932 = arith.constant 240 : index
        %get3A_933 = tpu.vector_load %arg8[%get3A_930, %get3A_931, %get3A_932] {strides = array<i32>} : memref<6x8x384xf32, #tpu.memory_space<vmem>>, vector<16xf32>,
        %get3A_934 = arith.constant 3 : i32
        %get3A_935 = arith.index_cast %get3A_934 : i32 to index
        %get3A_936 = arith.index_cast %scan3A_146 : i32 to index
        %get3A_937 = arith.constant 240 : index
        %get3A_938 = tpu.vector_load %arg8[%get3A_935, %get3A_936, %get3A_937] {strides = array<i32>} : memref<6x8x384xf32, #tpu.memory_space<vmem>>, vector<16xf32>,
        %get3A_939 = arith.constant 4 : i32
        %get3A_940 = arith.index_cast %get3A_939 : i32 to index
        %get3A_941 = arith.index_cast %scan3A_146 : i32 to index
        %get3A_942 = arith.constant 240 : index
        %get3A_943 = tpu.vector_load %arg8[%get3A_940, %get3A_941, %get3A_942] {strides = array<i32>} : memref<6x8x384xf32, #tpu.memory_space<vmem>>, vector<16xf32>,
        %get3A_944 = arith.constant 5 : i32
        %get3A_945 = arith.index_cast %get3A_944 : i32 to index
        %get3A_946 = arith.index_cast %scan3A_146 : i32 to index
        %get3A_947 = arith.constant 240 : index
        %get3A_948 = tpu.vector_load %arg8[%get3A_945, %get3A_946, %get3A_947] {strides = array<i32>} : memref<6x8x384xf32, #tpu.memory_space<vmem>>, vector<16xf32>,
        %gather3A_949 = tpu.vector_load_idx %arg9[%add3A_918] : memref<8320xf32, #tpu.memory_space<vmem>>[vector<16xi32>], vector<16xf32>,
        %gather3A_950 = tpu.vector_load_idx %arg10[%add3A_918] : memref<8320xf32, #tpu.memory_space<vmem>>[vector<16xi32>], vector<16xf32>,
        %gather3A_951 = tpu.vector_load_idx %arg11[%add3A_918] : memref<8320xf32, #tpu.memory_space<vmem>>[vector<16xi32>], vector<16xf32>,
        %gather3A_952 = tpu.vector_load_idx %arg12[%add3A_918] : memref<8320xf32, #tpu.memory_space<vmem>>[vector<16xi32>], vector<16xf32>,
        %gather3A_953 = tpu.vector_load_idx %arg13[%add3A_918] : memref<8320xf32, #tpu.memory_space<vmem>>[vector<16xi32>], vector<16xf32>,
        %gather3A_954 = tpu.vector_load_idx %arg14[%add3A_918] : memref<8320xf32, #tpu.memory_space<vmem>>[vector<16xi32>], vector<16xf32>,
        %max3A_955 = arith.maximumf %gather3A_949, %get3A_923 : vector<16xf32>
        tpu.vector_store_idx %arg9[%add3A_918], %max3A_955 : memref<8320xf32, #tpu.memory_space<vmem>>[vector<16xi32>], vector<16xf32>,
        %max3A_956 = arith.maximumf %gather3A_950, %get3A_928 : vector<16xf32>
        tpu.vector_store_idx %arg10[%add3A_918], %max3A_956 : memref<8320xf32, #tpu.memory_space<vmem>>[vector<16xi32>], vector<16xf32>,
        %max3A_957 = arith.maximumf %gather3A_951, %get3A_933 : vector<16xf32>
        tpu.vector_store_idx %arg11[%add3A_918], %max3A_957 : memref<8320xf32, #tpu.memory_space<vmem>>[vector<16xi32>], vector<16xf32>,
        %max3A_958 = arith.maximumf %gather3A_952, %get3A_938 : vector<16xf32>
        tpu.vector_store_idx %arg12[%add3A_918], %max3A_958 : memref<8320xf32, #tpu.memory_space<vmem>>[vector<16xi32>], vector<16xf32>,
        %max3A_959 = arith.maximumf %gather3A_953, %get3A_943 : vector<16xf32>
        tpu.vector_store_idx %arg13[%add3A_918], %max3A_959 : memref<8320xf32, #tpu.memory_space<vmem>>[vector<16xi32>], vector<16xf32>,
        %max3A_960 = arith.maximumf %gather3A_954, %get3A_948 : vector<16xf32>
        tpu.vector_store_idx %arg14[%add3A_918], %max3A_960 : memref<8320xf32, #tpu.memory_space<vmem>>[vector<16xi32>], vector<16xf32>,
        %mul3A_961 = arith.constant 384 : i32
        %mul3A_962 = arith.muli %scan3A_146, %mul3A_961 : i32
        %add3A_963 = arith.constant 256 : i32
        %add3A_964 = arith.addi %mul3A_962, %add3A_963 : i32
        %get3A_965 = arith.index_cast %add3A_964 : i32 to index
        %get3A_966 = tpu.vector_load %arg6[%get3A_965] {strides = array<i32>} : memref<3072xi32, #tpu.memory_space<vmem>>, vector<16xi32>,
        %add3A_967 = arith.constant 4112 : i32
        %add3A_968 = vector.broadcast %add3A_967 : i32 to vector<16xi32>
        %add3A_969 = arith.addi %get3A_966, %add3A_968 : vector<16xi32>
        %get3A_970 = arith.constant 0 : i32
        %get3A_971 = arith.index_cast %get3A_970 : i32 to index
        %get3A_972 = arith.index_cast %scan3A_146 : i32 to index
        %get3A_973 = arith.constant 256 : index
        %get3A_974 = tpu.vector_load %arg8[%get3A_971, %get3A_972, %get3A_973] {strides = array<i32>} : memref<6x8x384xf32, #tpu.memory_space<vmem>>, vector<16xf32>,
        %get3A_975 = arith.constant 1 : i32
        %get3A_976 = arith.index_cast %get3A_975 : i32 to index
        %get3A_977 = arith.index_cast %scan3A_146 : i32 to index
        %get3A_978 = arith.constant 256 : index
        %get3A_979 = tpu.vector_load %arg8[%get3A_976, %get3A_977, %get3A_978] {strides = array<i32>} : memref<6x8x384xf32, #tpu.memory_space<vmem>>, vector<16xf32>,
        %get3A_980 = arith.constant 2 : i32
        %get3A_981 = arith.index_cast %get3A_980 : i32 to index
        %get3A_982 = arith.index_cast %scan3A_146 : i32 to index
        %get3A_983 = arith.constant 256 : index
        %get3A_984 = tpu.vector_load %arg8[%get3A_981, %get3A_982, %get3A_983] {strides = array<i32>} : memref<6x8x384xf32, #tpu.memory_space<vmem>>, vector<16xf32>,
        %get3A_985 = arith.constant 3 : i32
        %get3A_986 = arith.index_cast %get3A_985 : i32 to index
        %get3A_987 = arith.index_cast %scan3A_146 : i32 to index
        %get3A_988 = arith.constant 256 : index
        %get3A_989 = tpu.vector_load %arg8[%get3A_986, %get3A_987, %get3A_988] {strides = array<i32>} : memref<6x8x384xf32, #tpu.memory_space<vmem>>, vector<16xf32>,
        %get3A_990 = arith.constant 4 : i32
        %get3A_991 = arith.index_cast %get3A_990 : i32 to index
        %get3A_992 = arith.index_cast %scan3A_146 : i32 to index
        %get3A_993 = arith.constant 256 : index
        %get3A_994 = tpu.vector_load %arg8[%get3A_991, %get3A_992, %get3A_993] {strides = array<i32>} : memref<6x8x384xf32, #tpu.memory_space<vmem>>, vector<16xf32>,
        %get3A_995 = arith.constant 5 : i32
        %get3A_996 = arith.index_cast %get3A_995 : i32 to index
        %get3A_997 = arith.index_cast %scan3A_146 : i32 to index
        %get3A_998 = arith.constant 256 : index
        %get3A_999 = tpu.vector_load %arg8[%get3A_996, %get3A_997, %get3A_998] {strides = array<i32>} : memref<6x8x384xf32, #tpu.memory_space<vmem>>, vector<16xf32>,
        %gather3A_1000 = tpu.vector_load_idx %arg9[%add3A_969] : memref<8320xf32, #tpu.memory_space<vmem>>[vector<16xi32>], vector<16xf32>,
        %gather3A_1001 = tpu.vector_load_idx %arg10[%add3A_969] : memref<8320xf32, #tpu.memory_space<vmem>>[vector<16xi32>], vector<16xf32>,
        %gather3A_1002 = tpu.vector_load_idx %arg11[%add3A_969] : memref<8320xf32, #tpu.memory_space<vmem>>[vector<16xi32>], vector<16xf32>,
        %gather3A_1003 = tpu.vector_load_idx %arg12[%add3A_969] : memref<8320xf32, #tpu.memory_space<vmem>>[vector<16xi32>], vector<16xf32>,
        %gather3A_1004 = tpu.vector_load_idx %arg13[%add3A_969] : memref<8320xf32, #tpu.memory_space<vmem>>[vector<16xi32>], vector<16xf32>,
        %gather3A_1005 = tpu.vector_load_idx %arg14[%add3A_969] : memref<8320xf32, #tpu.memory_space<vmem>>[vector<16xi32>], vector<16xf32>,
        %max3A_1006 = arith.maximumf %gather3A_1000, %get3A_974 : vector<16xf32>
        tpu.vector_store_idx %arg9[%add3A_969], %max3A_1006 : memref<8320xf32, #tpu.memory_space<vmem>>[vector<16xi32>], vector<16xf32>,
        %max3A_1007 = arith.maximumf %gather3A_1001, %get3A_979 : vector<16xf32>
        tpu.vector_store_idx %arg10[%add3A_969], %max3A_1007 : memref<8320xf32, #tpu.memory_space<vmem>>[vector<16xi32>], vector<16xf32>,
        %max3A_1008 = arith.maximumf %gather3A_1002, %get3A_984 : vector<16xf32>
        tpu.vector_store_idx %arg11[%add3A_969], %max3A_1008 : memref<8320xf32, #tpu.memory_space<vmem>>[vector<16xi32>], vector<16xf32>,
        %max3A_1009 = arith.maximumf %gather3A_1003, %get3A_989 : vector<16xf32>
        tpu.vector_store_idx %arg12[%add3A_969], %max3A_1009 : memref<8320xf32, #tpu.memory_space<vmem>>[vector<16xi32>], vector<16xf32>,
        %max3A_1010 = arith.maximumf %gather3A_1004, %get3A_994 : vector<16xf32>
        tpu.vector_store_idx %arg13[%add3A_969], %max3A_1010 : memref<8320xf32, #tpu.memory_space<vmem>>[vector<16xi32>], vector<16xf32>,
        %max3A_1011 = arith.maximumf %gather3A_1005, %get3A_999 : vector<16xf32>
        tpu.vector_store_idx %arg14[%add3A_969], %max3A_1011 : memref<8320xf32, #tpu.memory_space<vmem>>[vector<16xi32>], vector<16xf32>,
        %mul3A_1012 = arith.constant 384 : i32
        %mul3A_1013 = arith.muli %scan3A_146, %mul3A_1012 : i32
        %add3A_1014 = arith.constant 272 : i32
        %add3A_1015 = arith.addi %mul3A_1013, %add3A_1014 : i32
        %get3A_1016 = arith.index_cast %add3A_1015 : i32 to index
        %get3A_1017 = tpu.vector_load %arg6[%get3A_1016] {strides = array<i32>} : memref<3072xi32, #tpu.memory_space<vmem>>, vector<16xi32>,
        %add3A_1018 = arith.constant 4112 : i32
        %add3A_1019 = vector.broadcast %add3A_1018 : i32 to vector<16xi32>
        %add3A_1020 = arith.addi %get3A_1017, %add3A_1019 : vector<16xi32>
        %get3A_1021 = arith.constant 0 : i32
        %get3A_1022 = arith.index_cast %get3A_1021 : i32 to index
        %get3A_1023 = arith.index_cast %scan3A_146 : i32 to index
        %get3A_1024 = arith.constant 272 : index
        %get3A_1025 = tpu.vector_load %arg8[%get3A_1022, %get3A_1023, %get3A_1024] {strides = array<i32>} : memref<6x8x384xf32, #tpu.memory_space<vmem>>, vector<16xf32>,
        %get3A_1026 = arith.constant 1 : i32
        %get3A_1027 = arith.index_cast %get3A_1026 : i32 to index
        %get3A_1028 = arith.index_cast %scan3A_146 : i32 to index
        %get3A_1029 = arith.constant 272 : index
        %get3A_1030 = tpu.vector_load %arg8[%get3A_1027, %get3A_1028, %get3A_1029] {strides = array<i32>} : memref<6x8x384xf32, #tpu.memory_space<vmem>>, vector<16xf32>,
        %get3A_1031 = arith.constant 2 : i32
        %get3A_1032 = arith.index_cast %get3A_1031 : i32 to index
        %get3A_1033 = arith.index_cast %scan3A_146 : i32 to index
        %get3A_1034 = arith.constant 272 : index
        %get3A_1035 = tpu.vector_load %arg8[%get3A_1032, %get3A_1033, %get3A_1034] {strides = array<i32>} : memref<6x8x384xf32, #tpu.memory_space<vmem>>, vector<16xf32>,
        %get3A_1036 = arith.constant 3 : i32
        %get3A_1037 = arith.index_cast %get3A_1036 : i32 to index
        %get3A_1038 = arith.index_cast %scan3A_146 : i32 to index
        %get3A_1039 = arith.constant 272 : index
        %get3A_1040 = tpu.vector_load %arg8[%get3A_1037, %get3A_1038, %get3A_1039] {strides = array<i32>} : memref<6x8x384xf32, #tpu.memory_space<vmem>>, vector<16xf32>,
        %get3A_1041 = arith.constant 4 : i32
        %get3A_1042 = arith.index_cast %get3A_1041 : i32 to index
        %get3A_1043 = arith.index_cast %scan3A_146 : i32 to index
        %get3A_1044 = arith.constant 272 : index
        %get3A_1045 = tpu.vector_load %arg8[%get3A_1042, %get3A_1043, %get3A_1044] {strides = array<i32>} : memref<6x8x384xf32, #tpu.memory_space<vmem>>, vector<16xf32>,
        %get3A_1046 = arith.constant 5 : i32
        %get3A_1047 = arith.index_cast %get3A_1046 : i32 to index
        %get3A_1048 = arith.index_cast %scan3A_146 : i32 to index
        %get3A_1049 = arith.constant 272 : index
        %get3A_1050 = tpu.vector_load %arg8[%get3A_1047, %get3A_1048, %get3A_1049] {strides = array<i32>} : memref<6x8x384xf32, #tpu.memory_space<vmem>>, vector<16xf32>,
        %gather3A_1051 = tpu.vector_load_idx %arg9[%add3A_1020] : memref<8320xf32, #tpu.memory_space<vmem>>[vector<16xi32>], vector<16xf32>,
        %gather3A_1052 = tpu.vector_load_idx %arg10[%add3A_1020] : memref<8320xf32, #tpu.memory_space<vmem>>[vector<16xi32>], vector<16xf32>,
        %gather3A_1053 = tpu.vector_load_idx %arg11[%add3A_1020] : memref<8320xf32, #tpu.memory_space<vmem>>[vector<16xi32>], vector<16xf32>,
        %gather3A_1054 = tpu.vector_load_idx %arg12[%add3A_1020] : memref<8320xf32, #tpu.memory_space<vmem>>[vector<16xi32>], vector<16xf32>,
        %gather3A_1055 = tpu.vector_load_idx %arg13[%add3A_1020] : memref<8320xf32, #tpu.memory_space<vmem>>[vector<16xi32>], vector<16xf32>,
        %gather3A_1056 = tpu.vector_load_idx %arg14[%add3A_1020] : memref<8320xf32, #tpu.memory_space<vmem>>[vector<16xi32>], vector<16xf32>,
        %max3A_1057 = arith.maximumf %gather3A_1051, %get3A_1025 : vector<16xf32>
        tpu.vector_store_idx %arg9[%add3A_1020], %max3A_1057 : memref<8320xf32, #tpu.memory_space<vmem>>[vector<16xi32>], vector<16xf32>,
        %max3A_1058 = arith.maximumf %gather3A_1052, %get3A_1030 : vector<16xf32>
        tpu.vector_store_idx %arg10[%add3A_1020], %max3A_1058 : memref<8320xf32, #tpu.memory_space<vmem>>[vector<16xi32>], vector<16xf32>,
        %max3A_1059 = arith.maximumf %gather3A_1053, %get3A_1035 : vector<16xf32>
        tpu.vector_store_idx %arg11[%add3A_1020], %max3A_1059 : memref<8320xf32, #tpu.memory_space<vmem>>[vector<16xi32>], vector<16xf32>,
        %max3A_1060 = arith.maximumf %gather3A_1054, %get3A_1040 : vector<16xf32>
        tpu.vector_store_idx %arg12[%add3A_1020], %max3A_1060 : memref<8320xf32, #tpu.memory_space<vmem>>[vector<16xi32>], vector<16xf32>,
        %max3A_1061 = arith.maximumf %gather3A_1055, %get3A_1045 : vector<16xf32>
        tpu.vector_store_idx %arg13[%add3A_1020], %max3A_1061 : memref<8320xf32, #tpu.memory_space<vmem>>[vector<16xi32>], vector<16xf32>,
        %max3A_1062 = arith.maximumf %gather3A_1056, %get3A_1050 : vector<16xf32>
        tpu.vector_store_idx %arg14[%add3A_1020], %max3A_1062 : memref<8320xf32, #tpu.memory_space<vmem>>[vector<16xi32>], vector<16xf32>,
        %mul3A_1063 = arith.constant 384 : i32
        %mul3A_1064 = arith.muli %scan3A_146, %mul3A_1063 : i32
        %add3A_1065 = arith.constant 288 : i32
        %add3A_1066 = arith.addi %mul3A_1064, %add3A_1065 : i32
        %get3A_1067 = arith.index_cast %add3A_1066 : i32 to index
        %get3A_1068 = tpu.vector_load %arg6[%get3A_1067] {strides = array<i32>} : memref<3072xi32, #tpu.memory_space<vmem>>, vector<16xi32>,
        %add3A_1069 = arith.constant 4112 : i32
        %add3A_1070 = vector.broadcast %add3A_1069 : i32 to vector<16xi32>
        %add3A_1071 = arith.addi %get3A_1068, %add3A_1070 : vector<16xi32>
        %get3A_1072 = arith.constant 0 : i32
        %get3A_1073 = arith.index_cast %get3A_1072 : i32 to index
        %get3A_1074 = arith.index_cast %scan3A_146 : i32 to index
        %get3A_1075 = arith.constant 288 : index
        %get3A_1076 = tpu.vector_load %arg8[%get3A_1073, %get3A_1074, %get3A_1075] {strides = array<i32>} : memref<6x8x384xf32, #tpu.memory_space<vmem>>, vector<16xf32>,
        %get3A_1077 = arith.constant 1 : i32
        %get3A_1078 = arith.index_cast %get3A_1077 : i32 to index
        %get3A_1079 = arith.index_cast %scan3A_146 : i32 to index
        %get3A_1080 = arith.constant 288 : index
        %get3A_1081 = tpu.vector_load %arg8[%get3A_1078, %get3A_1079, %get3A_1080] {strides = array<i32>} : memref<6x8x384xf32, #tpu.memory_space<vmem>>, vector<16xf32>,
        %get3A_1082 = arith.constant 2 : i32
        %get3A_1083 = arith.index_cast %get3A_1082 : i32 to index
        %get3A_1084 = arith.index_cast %scan3A_146 : i32 to index
        %get3A_1085 = arith.constant 288 : index
        %get3A_1086 = tpu.vector_load %arg8[%get3A_1083, %get3A_1084, %get3A_1085] {strides = array<i32>} : memref<6x8x384xf32, #tpu.memory_space<vmem>>, vector<16xf32>,
        %get3A_1087 = arith.constant 3 : i32
        %get3A_1088 = arith.index_cast %get3A_1087 : i32 to index
        %get3A_1089 = arith.index_cast %scan3A_146 : i32 to index
        %get3A_1090 = arith.constant 288 : index
        %get3A_1091 = tpu.vector_load %arg8[%get3A_1088, %get3A_1089, %get3A_1090] {strides = array<i32>} : memref<6x8x384xf32, #tpu.memory_space<vmem>>, vector<16xf32>,
        %get3A_1092 = arith.constant 4 : i32
        %get3A_1093 = arith.index_cast %get3A_1092 : i32 to index
        %get3A_1094 = arith.index_cast %scan3A_146 : i32 to index
        %get3A_1095 = arith.constant 288 : index
        %get3A_1096 = tpu.vector_load %arg8[%get3A_1093, %get3A_1094, %get3A_1095] {strides = array<i32>} : memref<6x8x384xf32, #tpu.memory_space<vmem>>, vector<16xf32>,
        %get3A_1097 = arith.constant 5 : i32
        %get3A_1098 = arith.index_cast %get3A_1097 : i32 to index
        %get3A_1099 = arith.index_cast %scan3A_146 : i32 to index
        %get3A_1100 = arith.constant 288 : index
        %get3A_1101 = tpu.vector_load %arg8[%get3A_1098, %get3A_1099, %get3A_1100] {strides = array<i32>} : memref<6x8x384xf32, #tpu.memory_space<vmem>>, vector<16xf32>,
        %gather3A_1102 = tpu.vector_load_idx %arg9[%add3A_1071] : memref<8320xf32, #tpu.memory_space<vmem>>[vector<16xi32>], vector<16xf32>,
        %gather3A_1103 = tpu.vector_load_idx %arg10[%add3A_1071] : memref<8320xf32, #tpu.memory_space<vmem>>[vector<16xi32>], vector<16xf32>,
        %gather3A_1104 = tpu.vector_load_idx %arg11[%add3A_1071] : memref<8320xf32, #tpu.memory_space<vmem>>[vector<16xi32>], vector<16xf32>,
        %gather3A_1105 = tpu.vector_load_idx %arg12[%add3A_1071] : memref<8320xf32, #tpu.memory_space<vmem>>[vector<16xi32>], vector<16xf32>,
        %gather3A_1106 = tpu.vector_load_idx %arg13[%add3A_1071] : memref<8320xf32, #tpu.memory_space<vmem>>[vector<16xi32>], vector<16xf32>,
        %gather3A_1107 = tpu.vector_load_idx %arg14[%add3A_1071] : memref<8320xf32, #tpu.memory_space<vmem>>[vector<16xi32>], vector<16xf32>,
        %max3A_1108 = arith.maximumf %gather3A_1102, %get3A_1076 : vector<16xf32>
        tpu.vector_store_idx %arg9[%add3A_1071], %max3A_1108 : memref<8320xf32, #tpu.memory_space<vmem>>[vector<16xi32>], vector<16xf32>,
        %max3A_1109 = arith.maximumf %gather3A_1103, %get3A_1081 : vector<16xf32>
        tpu.vector_store_idx %arg10[%add3A_1071], %max3A_1109 : memref<8320xf32, #tpu.memory_space<vmem>>[vector<16xi32>], vector<16xf32>,
        %max3A_1110 = arith.maximumf %gather3A_1104, %get3A_1086 : vector<16xf32>
        tpu.vector_store_idx %arg11[%add3A_1071], %max3A_1110 : memref<8320xf32, #tpu.memory_space<vmem>>[vector<16xi32>], vector<16xf32>,
        %max3A_1111 = arith.maximumf %gather3A_1105, %get3A_1091 : vector<16xf32>
        tpu.vector_store_idx %arg12[%add3A_1071], %max3A_1111 : memref<8320xf32, #tpu.memory_space<vmem>>[vector<16xi32>], vector<16xf32>,
        %max3A_1112 = arith.maximumf %gather3A_1106, %get3A_1096 : vector<16xf32>
        tpu.vector_store_idx %arg13[%add3A_1071], %max3A_1112 : memref<8320xf32, #tpu.memory_space<vmem>>[vector<16xi32>], vector<16xf32>,
        %max3A_1113 = arith.maximumf %gather3A_1107, %get3A_1101 : vector<16xf32>
        tpu.vector_store_idx %arg14[%add3A_1071], %max3A_1113 : memref<8320xf32, #tpu.memory_space<vmem>>[vector<16xi32>], vector<16xf32>,
        %mul3A_1114 = arith.constant 384 : i32
        %mul3A_1115 = arith.muli %scan3A_146, %mul3A_1114 : i32
        %add3A_1116 = arith.constant 304 : i32
        %add3A_1117 = arith.addi %mul3A_1115, %add3A_1116 : i32
        %get3A_1118 = arith.index_cast %add3A_1117 : i32 to index
        %get3A_1119 = tpu.vector_load %arg6[%get3A_1118] {strides = array<i32>} : memref<3072xi32, #tpu.memory_space<vmem>>, vector<16xi32>,
        %add3A_1120 = arith.constant 4112 : i32
        %add3A_1121 = vector.broadcast %add3A_1120 : i32 to vector<16xi32>
        %add3A_1122 = arith.addi %get3A_1119, %add3A_1121 : vector<16xi32>
        %get3A_1123 = arith.constant 0 : i32
        %get3A_1124 = arith.index_cast %get3A_1123 : i32 to index
        %get3A_1125 = arith.index_cast %scan3A_146 : i32 to index
        %get3A_1126 = arith.constant 304 : index
        %get3A_1127 = tpu.vector_load %arg8[%get3A_1124, %get3A_1125, %get3A_1126] {strides = array<i32>} : memref<6x8x384xf32, #tpu.memory_space<vmem>>, vector<16xf32>,
        %get3A_1128 = arith.constant 1 : i32
        %get3A_1129 = arith.index_cast %get3A_1128 : i32 to index
        %get3A_1130 = arith.index_cast %scan3A_146 : i32 to index
        %get3A_1131 = arith.constant 304 : index
        %get3A_1132 = tpu.vector_load %arg8[%get3A_1129, %get3A_1130, %get3A_1131] {strides = array<i32>} : memref<6x8x384xf32, #tpu.memory_space<vmem>>, vector<16xf32>,
        %get3A_1133 = arith.constant 2 : i32
        %get3A_1134 = arith.index_cast %get3A_1133 : i32 to index
        %get3A_1135 = arith.index_cast %scan3A_146 : i32 to index
        %get3A_1136 = arith.constant 304 : index
        %get3A_1137 = tpu.vector_load %arg8[%get3A_1134, %get3A_1135, %get3A_1136] {strides = array<i32>} : memref<6x8x384xf32, #tpu.memory_space<vmem>>, vector<16xf32>,
        %get3A_1138 = arith.constant 3 : i32
        %get3A_1139 = arith.index_cast %get3A_1138 : i32 to index
        %get3A_1140 = arith.index_cast %scan3A_146 : i32 to index
        %get3A_1141 = arith.constant 304 : index
        %get3A_1142 = tpu.vector_load %arg8[%get3A_1139, %get3A_1140, %get3A_1141] {strides = array<i32>} : memref<6x8x384xf32, #tpu.memory_space<vmem>>, vector<16xf32>,
        %get3A_1143 = arith.constant 4 : i32
        %get3A_1144 = arith.index_cast %get3A_1143 : i32 to index
        %get3A_1145 = arith.index_cast %scan3A_146 : i32 to index
        %get3A_1146 = arith.constant 304 : index
        %get3A_1147 = tpu.vector_load %arg8[%get3A_1144, %get3A_1145, %get3A_1146] {strides = array<i32>} : memref<6x8x384xf32, #tpu.memory_space<vmem>>, vector<16xf32>,
        %get3A_1148 = arith.constant 5 : i32
        %get3A_1149 = arith.index_cast %get3A_1148 : i32 to index
        %get3A_1150 = arith.index_cast %scan3A_146 : i32 to index
        %get3A_1151 = arith.constant 304 : index
        %get3A_1152 = tpu.vector_load %arg8[%get3A_1149, %get3A_1150, %get3A_1151] {strides = array<i32>} : memref<6x8x384xf32, #tpu.memory_space<vmem>>, vector<16xf32>,
        %gather3A_1153 = tpu.vector_load_idx %arg9[%add3A_1122] : memref<8320xf32, #tpu.memory_space<vmem>>[vector<16xi32>], vector<16xf32>,
        %gather3A_1154 = tpu.vector_load_idx %arg10[%add3A_1122] : memref<8320xf32, #tpu.memory_space<vmem>>[vector<16xi32>], vector<16xf32>,
        %gather3A_1155 = tpu.vector_load_idx %arg11[%add3A_1122] : memref<8320xf32, #tpu.memory_space<vmem>>[vector<16xi32>], vector<16xf32>,
        %gather3A_1156 = tpu.vector_load_idx %arg12[%add3A_1122] : memref<8320xf32, #tpu.memory_space<vmem>>[vector<16xi32>], vector<16xf32>,
        %gather3A_1157 = tpu.vector_load_idx %arg13[%add3A_1122] : memref<8320xf32, #tpu.memory_space<vmem>>[vector<16xi32>], vector<16xf32>,
        %gather3A_1158 = tpu.vector_load_idx %arg14[%add3A_1122] : memref<8320xf32, #tpu.memory_space<vmem>>[vector<16xi32>], vector<16xf32>,
        %max3A_1159 = arith.maximumf %gather3A_1153, %get3A_1127 : vector<16xf32>
        tpu.vector_store_idx %arg9[%add3A_1122], %max3A_1159 : memref<8320xf32, #tpu.memory_space<vmem>>[vector<16xi32>], vector<16xf32>,
        %max3A_1160 = arith.maximumf %gather3A_1154, %get3A_1132 : vector<16xf32>
        tpu.vector_store_idx %arg10[%add3A_1122], %max3A_1160 : memref<8320xf32, #tpu.memory_space<vmem>>[vector<16xi32>], vector<16xf32>,
        %max3A_1161 = arith.maximumf %gather3A_1155, %get3A_1137 : vector<16xf32>
        tpu.vector_store_idx %arg11[%add3A_1122], %max3A_1161 : memref<8320xf32, #tpu.memory_space<vmem>>[vector<16xi32>], vector<16xf32>,
        %max3A_1162 = arith.maximumf %gather3A_1156, %get3A_1142 : vector<16xf32>
        tpu.vector_store_idx %arg12[%add3A_1122], %max3A_1162 : memref<8320xf32, #tpu.memory_space<vmem>>[vector<16xi32>], vector<16xf32>,
        %max3A_1163 = arith.maximumf %gather3A_1157, %get3A_1147 : vector<16xf32>
        tpu.vector_store_idx %arg13[%add3A_1122], %max3A_1163 : memref<8320xf32, #tpu.memory_space<vmem>>[vector<16xi32>], vector<16xf32>,
        %max3A_1164 = arith.maximumf %gather3A_1158, %get3A_1152 : vector<16xf32>
        tpu.vector_store_idx %arg14[%add3A_1122], %max3A_1164 : memref<8320xf32, #tpu.memory_space<vmem>>[vector<16xi32>], vector<16xf32>,
        %mul3A_1165 = arith.constant 384 : i32
        %mul3A_1166 = arith.muli %scan3A_146, %mul3A_1165 : i32
        %add3A_1167 = arith.constant 320 : i32
        %add3A_1168 = arith.addi %mul3A_1166, %add3A_1167 : i32
        %get3A_1169 = arith.index_cast %add3A_1168 : i32 to index
        %get3A_1170 = tpu.vector_load %arg6[%get3A_1169] {strides = array<i32>} : memref<3072xi32, #tpu.memory_space<vmem>>, vector<16xi32>,
        %add3A_1171 = arith.constant 4112 : i32
        %add3A_1172 = vector.broadcast %add3A_1171 : i32 to vector<16xi32>
        %add3A_1173 = arith.addi %get3A_1170, %add3A_1172 : vector<16xi32>
        %get3A_1174 = arith.constant 0 : i32
        %get3A_1175 = arith.index_cast %get3A_1174 : i32 to index
        %get3A_1176 = arith.index_cast %scan3A_146 : i32 to index
        %get3A_1177 = arith.constant 320 : index
        %get3A_1178 = tpu.vector_load %arg8[%get3A_1175, %get3A_1176, %get3A_1177] {strides = array<i32>} : memref<6x8x384xf32, #tpu.memory_space<vmem>>, vector<16xf32>,
        %get3A_1179 = arith.constant 1 : i32
        %get3A_1180 = arith.index_cast %get3A_1179 : i32 to index
        %get3A_1181 = arith.index_cast %scan3A_146 : i32 to index
        %get3A_1182 = arith.constant 320 : index
        %get3A_1183 = tpu.vector_load %arg8[%get3A_1180, %get3A_1181, %get3A_1182] {strides = array<i32>} : memref<6x8x384xf32, #tpu.memory_space<vmem>>, vector<16xf32>,
        %get3A_1184 = arith.constant 2 : i32
        %get3A_1185 = arith.index_cast %get3A_1184 : i32 to index
        %get3A_1186 = arith.index_cast %scan3A_146 : i32 to index
        %get3A_1187 = arith.constant 320 : index
        %get3A_1188 = tpu.vector_load %arg8[%get3A_1185, %get3A_1186, %get3A_1187] {strides = array<i32>} : memref<6x8x384xf32, #tpu.memory_space<vmem>>, vector<16xf32>,
        %get3A_1189 = arith.constant 3 : i32
        %get3A_1190 = arith.index_cast %get3A_1189 : i32 to index
        %get3A_1191 = arith.index_cast %scan3A_146 : i32 to index
        %get3A_1192 = arith.constant 320 : index
        %get3A_1193 = tpu.vector_load %arg8[%get3A_1190, %get3A_1191, %get3A_1192] {strides = array<i32>} : memref<6x8x384xf32, #tpu.memory_space<vmem>>, vector<16xf32>,
        %get3A_1194 = arith.constant 4 : i32
        %get3A_1195 = arith.index_cast %get3A_1194 : i32 to index
        %get3A_1196 = arith.index_cast %scan3A_146 : i32 to index
        %get3A_1197 = arith.constant 320 : index
        %get3A_1198 = tpu.vector_load %arg8[%get3A_1195, %get3A_1196, %get3A_1197] {strides = array<i32>} : memref<6x8x384xf32, #tpu.memory_space<vmem>>, vector<16xf32>,
        %get3A_1199 = arith.constant 5 : i32
        %get3A_1200 = arith.index_cast %get3A_1199 : i32 to index
        %get3A_1201 = arith.index_cast %scan3A_146 : i32 to index
        %get3A_1202 = arith.constant 320 : index
        %get3A_1203 = tpu.vector_load %arg8[%get3A_1200, %get3A_1201, %get3A_1202] {strides = array<i32>} : memref<6x8x384xf32, #tpu.memory_space<vmem>>, vector<16xf32>,
        %gather3A_1204 = tpu.vector_load_idx %arg9[%add3A_1173] : memref<8320xf32, #tpu.memory_space<vmem>>[vector<16xi32>], vector<16xf32>,
        %gather3A_1205 = tpu.vector_load_idx %arg10[%add3A_1173] : memref<8320xf32, #tpu.memory_space<vmem>>[vector<16xi32>], vector<16xf32>,
        %gather3A_1206 = tpu.vector_load_idx %arg11[%add3A_1173] : memref<8320xf32, #tpu.memory_space<vmem>>[vector<16xi32>], vector<16xf32>,
        %gather3A_1207 = tpu.vector_load_idx %arg12[%add3A_1173] : memref<8320xf32, #tpu.memory_space<vmem>>[vector<16xi32>], vector<16xf32>,
        %gather3A_1208 = tpu.vector_load_idx %arg13[%add3A_1173] : memref<8320xf32, #tpu.memory_space<vmem>>[vector<16xi32>], vector<16xf32>,
        %gather3A_1209 = tpu.vector_load_idx %arg14[%add3A_1173] : memref<8320xf32, #tpu.memory_space<vmem>>[vector<16xi32>], vector<16xf32>,
        %max3A_1210 = arith.maximumf %gather3A_1204, %get3A_1178 : vector<16xf32>
        tpu.vector_store_idx %arg9[%add3A_1173], %max3A_1210 : memref<8320xf32, #tpu.memory_space<vmem>>[vector<16xi32>], vector<16xf32>,
        %max3A_1211 = arith.maximumf %gather3A_1205, %get3A_1183 : vector<16xf32>
        tpu.vector_store_idx %arg10[%add3A_1173], %max3A_1211 : memref<8320xf32, #tpu.memory_space<vmem>>[vector<16xi32>], vector<16xf32>,
        %max3A_1212 = arith.maximumf %gather3A_1206, %get3A_1188 : vector<16xf32>
        tpu.vector_store_idx %arg11[%add3A_1173], %max3A_1212 : memref<8320xf32, #tpu.memory_space<vmem>>[vector<16xi32>], vector<16xf32>,
        %max3A_1213 = arith.maximumf %gather3A_1207, %get3A_1193 : vector<16xf32>
        tpu.vector_store_idx %arg12[%add3A_1173], %max3A_1213 : memref<8320xf32, #tpu.memory_space<vmem>>[vector<16xi32>], vector<16xf32>,
        %max3A_1214 = arith.maximumf %gather3A_1208, %get3A_1198 : vector<16xf32>
        tpu.vector_store_idx %arg13[%add3A_1173], %max3A_1214 : memref<8320xf32, #tpu.memory_space<vmem>>[vector<16xi32>], vector<16xf32>,
        %max3A_1215 = arith.maximumf %gather3A_1209, %get3A_1203 : vector<16xf32>
        tpu.vector_store_idx %arg14[%add3A_1173], %max3A_1215 : memref<8320xf32, #tpu.memory_space<vmem>>[vector<16xi32>], vector<16xf32>,
        %mul3A_1216 = arith.constant 384 : i32
        %mul3A_1217 = arith.muli %scan3A_146, %mul3A_1216 : i32
        %add3A_1218 = arith.constant 336 : i32
        %add3A_1219 = arith.addi %mul3A_1217, %add3A_1218 : i32
        %get3A_1220 = arith.index_cast %add3A_1219 : i32 to index
        %get3A_1221 = tpu.vector_load %arg6[%get3A_1220] {strides = array<i32>} : memref<3072xi32, #tpu.memory_space<vmem>>, vector<16xi32>,
        %add3A_1222 = arith.constant 4112 : i32
        %add3A_1223 = vector.broadcast %add3A_1222 : i32 to vector<16xi32>
        %add3A_1224 = arith.addi %get3A_1221, %add3A_1223 : vector<16xi32>
        %get3A_1225 = arith.constant 0 : i32
        %get3A_1226 = arith.index_cast %get3A_1225 : i32 to index
        %get3A_1227 = arith.index_cast %scan3A_146 : i32 to index
        %get3A_1228 = arith.constant 336 : index
        %get3A_1229 = tpu.vector_load %arg8[%get3A_1226, %get3A_1227, %get3A_1228] {strides = array<i32>} : memref<6x8x384xf32, #tpu.memory_space<vmem>>, vector<16xf32>,
        %get3A_1230 = arith.constant 1 : i32
        %get3A_1231 = arith.index_cast %get3A_1230 : i32 to index
        %get3A_1232 = arith.index_cast %scan3A_146 : i32 to index
        %get3A_1233 = arith.constant 336 : index
        %get3A_1234 = tpu.vector_load %arg8[%get3A_1231, %get3A_1232, %get3A_1233] {strides = array<i32>} : memref<6x8x384xf32, #tpu.memory_space<vmem>>, vector<16xf32>,
        %get3A_1235 = arith.constant 2 : i32
        %get3A_1236 = arith.index_cast %get3A_1235 : i32 to index
        %get3A_1237 = arith.index_cast %scan3A_146 : i32 to index
        %get3A_1238 = arith.constant 336 : index
        %get3A_1239 = tpu.vector_load %arg8[%get3A_1236, %get3A_1237, %get3A_1238] {strides = array<i32>} : memref<6x8x384xf32, #tpu.memory_space<vmem>>, vector<16xf32>,
        %get3A_1240 = arith.constant 3 : i32
        %get3A_1241 = arith.index_cast %get3A_1240 : i32 to index
        %get3A_1242 = arith.index_cast %scan3A_146 : i32 to index
        %get3A_1243 = arith.constant 336 : index
        %get3A_1244 = tpu.vector_load %arg8[%get3A_1241, %get3A_1242, %get3A_1243] {strides = array<i32>} : memref<6x8x384xf32, #tpu.memory_space<vmem>>, vector<16xf32>,
        %get3A_1245 = arith.constant 4 : i32
        %get3A_1246 = arith.index_cast %get3A_1245 : i32 to index
        %get3A_1247 = arith.index_cast %scan3A_146 : i32 to index
        %get3A_1248 = arith.constant 336 : index
        %get3A_1249 = tpu.vector_load %arg8[%get3A_1246, %get3A_1247, %get3A_1248] {strides = array<i32>} : memref<6x8x384xf32, #tpu.memory_space<vmem>>, vector<16xf32>,
        %get3A_1250 = arith.constant 5 : i32
        %get3A_1251 = arith.index_cast %get3A_1250 : i32 to index
        %get3A_1252 = arith.index_cast %scan3A_146 : i32 to index
        %get3A_1253 = arith.constant 336 : index
        %get3A_1254 = tpu.vector_load %arg8[%get3A_1251, %get3A_1252, %get3A_1253] {strides = array<i32>} : memref<6x8x384xf32, #tpu.memory_space<vmem>>, vector<16xf32>,
        %gather3A_1255 = tpu.vector_load_idx %arg9[%add3A_1224] : memref<8320xf32, #tpu.memory_space<vmem>>[vector<16xi32>], vector<16xf32>,
        %gather3A_1256 = tpu.vector_load_idx %arg10[%add3A_1224] : memref<8320xf32, #tpu.memory_space<vmem>>[vector<16xi32>], vector<16xf32>,
        %gather3A_1257 = tpu.vector_load_idx %arg11[%add3A_1224] : memref<8320xf32, #tpu.memory_space<vmem>>[vector<16xi32>], vector<16xf32>,
        %gather3A_1258 = tpu.vector_load_idx %arg12[%add3A_1224] : memref<8320xf32, #tpu.memory_space<vmem>>[vector<16xi32>], vector<16xf32>,
        %gather3A_1259 = tpu.vector_load_idx %arg13[%add3A_1224] : memref<8320xf32, #tpu.memory_space<vmem>>[vector<16xi32>], vector<16xf32>,
        %gather3A_1260 = tpu.vector_load_idx %arg14[%add3A_1224] : memref<8320xf32, #tpu.memory_space<vmem>>[vector<16xi32>], vector<16xf32>,
        %max3A_1261 = arith.maximumf %gather3A_1255, %get3A_1229 : vector<16xf32>
        tpu.vector_store_idx %arg9[%add3A_1224], %max3A_1261 : memref<8320xf32, #tpu.memory_space<vmem>>[vector<16xi32>], vector<16xf32>,
        %max3A_1262 = arith.maximumf %gather3A_1256, %get3A_1234 : vector<16xf32>
        tpu.vector_store_idx %arg10[%add3A_1224], %max3A_1262 : memref<8320xf32, #tpu.memory_space<vmem>>[vector<16xi32>], vector<16xf32>,
        %max3A_1263 = arith.maximumf %gather3A_1257, %get3A_1239 : vector<16xf32>
        tpu.vector_store_idx %arg11[%add3A_1224], %max3A_1263 : memref<8320xf32, #tpu.memory_space<vmem>>[vector<16xi32>], vector<16xf32>,
        %max3A_1264 = arith.maximumf %gather3A_1258, %get3A_1244 : vector<16xf32>
        tpu.vector_store_idx %arg12[%add3A_1224], %max3A_1264 : memref<8320xf32, #tpu.memory_space<vmem>>[vector<16xi32>], vector<16xf32>,
        %max3A_1265 = arith.maximumf %gather3A_1259, %get3A_1249 : vector<16xf32>
        tpu.vector_store_idx %arg13[%add3A_1224], %max3A_1265 : memref<8320xf32, #tpu.memory_space<vmem>>[vector<16xi32>], vector<16xf32>,
        %max3A_1266 = arith.maximumf %gather3A_1260, %get3A_1254 : vector<16xf32>
        tpu.vector_store_idx %arg14[%add3A_1224], %max3A_1266 : memref<8320xf32, #tpu.memory_space<vmem>>[vector<16xi32>], vector<16xf32>,
        %mul3A_1267 = arith.constant 384 : i32
        %mul3A_1268 = arith.muli %scan3A_146, %mul3A_1267 : i32
        %add3A_1269 = arith.constant 352 : i32
        %add3A_1270 = arith.addi %mul3A_1268, %add3A_1269 : i32
        %get3A_1271 = arith.index_cast %add3A_1270 : i32 to index
        %get3A_1272 = tpu.vector_load %arg6[%get3A_1271] {strides = array<i32>} : memref<3072xi32, #tpu.memory_space<vmem>>, vector<16xi32>,
        %add3A_1273 = arith.constant 4112 : i32
        %add3A_1274 = vector.broadcast %add3A_1273 : i32 to vector<16xi32>
        %add3A_1275 = arith.addi %get3A_1272, %add3A_1274 : vector<16xi32>
        %get3A_1276 = arith.constant 0 : i32
        %get3A_1277 = arith.index_cast %get3A_1276 : i32 to index
        %get3A_1278 = arith.index_cast %scan3A_146 : i32 to index
        %get3A_1279 = arith.constant 352 : index
        %get3A_1280 = tpu.vector_load %arg8[%get3A_1277, %get3A_1278, %get3A_1279] {strides = array<i32>} : memref<6x8x384xf32, #tpu.memory_space<vmem>>, vector<16xf32>,
        %get3A_1281 = arith.constant 1 : i32
        %get3A_1282 = arith.index_cast %get3A_1281 : i32 to index
        %get3A_1283 = arith.index_cast %scan3A_146 : i32 to index
        %get3A_1284 = arith.constant 352 : index
        %get3A_1285 = tpu.vector_load %arg8[%get3A_1282, %get3A_1283, %get3A_1284] {strides = array<i32>} : memref<6x8x384xf32, #tpu.memory_space<vmem>>, vector<16xf32>,
        %get3A_1286 = arith.constant 2 : i32
        %get3A_1287 = arith.index_cast %get3A_1286 : i32 to index
        %get3A_1288 = arith.index_cast %scan3A_146 : i32 to index
        %get3A_1289 = arith.constant 352 : index
        %get3A_1290 = tpu.vector_load %arg8[%get3A_1287, %get3A_1288, %get3A_1289] {strides = array<i32>} : memref<6x8x384xf32, #tpu.memory_space<vmem>>, vector<16xf32>,
        %get3A_1291 = arith.constant 3 : i32
        %get3A_1292 = arith.index_cast %get3A_1291 : i32 to index
        %get3A_1293 = arith.index_cast %scan3A_146 : i32 to index
        %get3A_1294 = arith.constant 352 : index
        %get3A_1295 = tpu.vector_load %arg8[%get3A_1292, %get3A_1293, %get3A_1294] {strides = array<i32>} : memref<6x8x384xf32, #tpu.memory_space<vmem>>, vector<16xf32>,
        %get3A_1296 = arith.constant 4 : i32
        %get3A_1297 = arith.index_cast %get3A_1296 : i32 to index
        %get3A_1298 = arith.index_cast %scan3A_146 : i32 to index
        %get3A_1299 = arith.constant 352 : index
        %get3A_1300 = tpu.vector_load %arg8[%get3A_1297, %get3A_1298, %get3A_1299] {strides = array<i32>} : memref<6x8x384xf32, #tpu.memory_space<vmem>>, vector<16xf32>,
        %get3A_1301 = arith.constant 5 : i32
        %get3A_1302 = arith.index_cast %get3A_1301 : i32 to index
        %get3A_1303 = arith.index_cast %scan3A_146 : i32 to index
        %get3A_1304 = arith.constant 352 : index
        %get3A_1305 = tpu.vector_load %arg8[%get3A_1302, %get3A_1303, %get3A_1304] {strides = array<i32>} : memref<6x8x384xf32, #tpu.memory_space<vmem>>, vector<16xf32>,
        %gather3A_1306 = tpu.vector_load_idx %arg9[%add3A_1275] : memref<8320xf32, #tpu.memory_space<vmem>>[vector<16xi32>], vector<16xf32>,
        %gather3A_1307 = tpu.vector_load_idx %arg10[%add3A_1275] : memref<8320xf32, #tpu.memory_space<vmem>>[vector<16xi32>], vector<16xf32>,
        %gather3A_1308 = tpu.vector_load_idx %arg11[%add3A_1275] : memref<8320xf32, #tpu.memory_space<vmem>>[vector<16xi32>], vector<16xf32>,
        %gather3A_1309 = tpu.vector_load_idx %arg12[%add3A_1275] : memref<8320xf32, #tpu.memory_space<vmem>>[vector<16xi32>], vector<16xf32>,
        %gather3A_1310 = tpu.vector_load_idx %arg13[%add3A_1275] : memref<8320xf32, #tpu.memory_space<vmem>>[vector<16xi32>], vector<16xf32>,
        %gather3A_1311 = tpu.vector_load_idx %arg14[%add3A_1275] : memref<8320xf32, #tpu.memory_space<vmem>>[vector<16xi32>], vector<16xf32>,
        %max3A_1312 = arith.maximumf %gather3A_1306, %get3A_1280 : vector<16xf32>
        tpu.vector_store_idx %arg9[%add3A_1275], %max3A_1312 : memref<8320xf32, #tpu.memory_space<vmem>>[vector<16xi32>], vector<16xf32>,
        %max3A_1313 = arith.maximumf %gather3A_1307, %get3A_1285 : vector<16xf32>
        tpu.vector_store_idx %arg10[%add3A_1275], %max3A_1313 : memref<8320xf32, #tpu.memory_space<vmem>>[vector<16xi32>], vector<16xf32>,
        %max3A_1314 = arith.maximumf %gather3A_1308, %get3A_1290 : vector<16xf32>
        tpu.vector_store_idx %arg11[%add3A_1275], %max3A_1314 : memref<8320xf32, #tpu.memory_space<vmem>>[vector<16xi32>], vector<16xf32>,
        %max3A_1315 = arith.maximumf %gather3A_1309, %get3A_1295 : vector<16xf32>
        tpu.vector_store_idx %arg12[%add3A_1275], %max3A_1315 : memref<8320xf32, #tpu.memory_space<vmem>>[vector<16xi32>], vector<16xf32>,
        %max3A_1316 = arith.maximumf %gather3A_1310, %get3A_1300 : vector<16xf32>
        tpu.vector_store_idx %arg13[%add3A_1275], %max3A_1316 : memref<8320xf32, #tpu.memory_space<vmem>>[vector<16xi32>], vector<16xf32>,
        %max3A_1317 = arith.maximumf %gather3A_1311, %get3A_1305 : vector<16xf32>
        tpu.vector_store_idx %arg14[%add3A_1275], %max3A_1317 : memref<8320xf32, #tpu.memory_space<vmem>>[vector<16xi32>], vector<16xf32>,
        %mul3A_1318 = arith.constant 384 : i32
        %mul3A_1319 = arith.muli %scan3A_146, %mul3A_1318 : i32
        %add3A_1320 = arith.constant 368 : i32
        %add3A_1321 = arith.addi %mul3A_1319, %add3A_1320 : i32
        %get3A_1322 = arith.index_cast %add3A_1321 : i32 to index
        %get3A_1323 = tpu.vector_load %arg6[%get3A_1322] {strides = array<i32>} : memref<3072xi32, #tpu.memory_space<vmem>>, vector<16xi32>,
        %add3A_1324 = arith.constant 4112 : i32
        %add3A_1325 = vector.broadcast %add3A_1324 : i32 to vector<16xi32>
        %add3A_1326 = arith.addi %get3A_1323, %add3A_1325 : vector<16xi32>
        %get3A_1327 = arith.constant 0 : i32
        %get3A_1328 = arith.index_cast %get3A_1327 : i32 to index
        %get3A_1329 = arith.index_cast %scan3A_146 : i32 to index
        %get3A_1330 = arith.constant 368 : index
        %get3A_1331 = tpu.vector_load %arg8[%get3A_1328, %get3A_1329, %get3A_1330] {strides = array<i32>} : memref<6x8x384xf32, #tpu.memory_space<vmem>>, vector<16xf32>,
        %get3A_1332 = arith.constant 1 : i32
        %get3A_1333 = arith.index_cast %get3A_1332 : i32 to index
        %get3A_1334 = arith.index_cast %scan3A_146 : i32 to index
        %get3A_1335 = arith.constant 368 : index
        %get3A_1336 = tpu.vector_load %arg8[%get3A_1333, %get3A_1334, %get3A_1335] {strides = array<i32>} : memref<6x8x384xf32, #tpu.memory_space<vmem>>, vector<16xf32>,
        %get3A_1337 = arith.constant 2 : i32
        %get3A_1338 = arith.index_cast %get3A_1337 : i32 to index
        %get3A_1339 = arith.index_cast %scan3A_146 : i32 to index
        %get3A_1340 = arith.constant 368 : index
        %get3A_1341 = tpu.vector_load %arg8[%get3A_1338, %get3A_1339, %get3A_1340] {strides = array<i32>} : memref<6x8x384xf32, #tpu.memory_space<vmem>>, vector<16xf32>,
        %get3A_1342 = arith.constant 3 : i32
        %get3A_1343 = arith.index_cast %get3A_1342 : i32 to index
        %get3A_1344 = arith.index_cast %scan3A_146 : i32 to index
        %get3A_1345 = arith.constant 368 : index
        %get3A_1346 = tpu.vector_load %arg8[%get3A_1343, %get3A_1344, %get3A_1345] {strides = array<i32>} : memref<6x8x384xf32, #tpu.memory_space<vmem>>, vector<16xf32>,
        %get3A_1347 = arith.constant 4 : i32
        %get3A_1348 = arith.index_cast %get3A_1347 : i32 to index
        %get3A_1349 = arith.index_cast %scan3A_146 : i32 to index
        %get3A_1350 = arith.constant 368 : index
        %get3A_1351 = tpu.vector_load %arg8[%get3A_1348, %get3A_1349, %get3A_1350] {strides = array<i32>} : memref<6x8x384xf32, #tpu.memory_space<vmem>>, vector<16xf32>,
        %get3A_1352 = arith.constant 5 : i32
        %get3A_1353 = arith.index_cast %get3A_1352 : i32 to index
        %get3A_1354 = arith.index_cast %scan3A_146 : i32 to index
        %get3A_1355 = arith.constant 368 : index
        %get3A_1356 = tpu.vector_load %arg8[%get3A_1353, %get3A_1354, %get3A_1355] {strides = array<i32>} : memref<6x8x384xf32, #tpu.memory_space<vmem>>, vector<16xf32>,
        %gather3A_1357 = tpu.vector_load_idx %arg9[%add3A_1326] : memref<8320xf32, #tpu.memory_space<vmem>>[vector<16xi32>], vector<16xf32>,
        %gather3A_1358 = tpu.vector_load_idx %arg10[%add3A_1326] : memref<8320xf32, #tpu.memory_space<vmem>>[vector<16xi32>], vector<16xf32>,
        %gather3A_1359 = tpu.vector_load_idx %arg11[%add3A_1326] : memref<8320xf32, #tpu.memory_space<vmem>>[vector<16xi32>], vector<16xf32>,
        %gather3A_1360 = tpu.vector_load_idx %arg12[%add3A_1326] : memref<8320xf32, #tpu.memory_space<vmem>>[vector<16xi32>], vector<16xf32>,
        %gather3A_1361 = tpu.vector_load_idx %arg13[%add3A_1326] : memref<8320xf32, #tpu.memory_space<vmem>>[vector<16xi32>], vector<16xf32>,
        %gather3A_1362 = tpu.vector_load_idx %arg14[%add3A_1326] : memref<8320xf32, #tpu.memory_space<vmem>>[vector<16xi32>], vector<16xf32>,
        %max3A_1363 = arith.maximumf %gather3A_1357, %get3A_1331 : vector<16xf32>
        tpu.vector_store_idx %arg9[%add3A_1326], %max3A_1363 : memref<8320xf32, #tpu.memory_space<vmem>>[vector<16xi32>], vector<16xf32>,
        %max3A_1364 = arith.maximumf %gather3A_1358, %get3A_1336 : vector<16xf32>
        tpu.vector_store_idx %arg10[%add3A_1326], %max3A_1364 : memref<8320xf32, #tpu.memory_space<vmem>>[vector<16xi32>], vector<16xf32>,
        %max3A_1365 = arith.maximumf %gather3A_1359, %get3A_1341 : vector<16xf32>
        tpu.vector_store_idx %arg11[%add3A_1326], %max3A_1365 : memref<8320xf32, #tpu.memory_space<vmem>>[vector<16xi32>], vector<16xf32>,
        %max3A_1366 = arith.maximumf %gather3A_1360, %get3A_1346 : vector<16xf32>
        tpu.vector_store_idx %arg12[%add3A_1326], %max3A_1366 : memref<8320xf32, #tpu.memory_space<vmem>>[vector<16xi32>], vector<16xf32>,
        %max3A_1367 = arith.maximumf %gather3A_1361, %get3A_1351 : vector<16xf32>
        tpu.vector_store_idx %arg13[%add3A_1326], %max3A_1367 : memref<8320xf32, #tpu.memory_space<vmem>>[vector<16xi32>], vector<16xf32>,
        %max3A_1368 = arith.maximumf %gather3A_1362, %get3A_1356 : vector<16xf32>
        tpu.vector_store_idx %arg14[%add3A_1326], %max3A_1368 : memref<8320xf32, #tpu.memory_space<vmem>>[vector<16xi32>], vector<16xf32>,
        %scan3A_1369 = arith.constant 0 : i32
        scf.yield %scan3A_1369 : i32
      }
      %scan3A_144 = arith.constant 8 : i32
      %scan3A_145 = arith.constant 0 : i32
      scf.yield %scan3A_145 : i32
    }
    %scan3A_61 = arith.constant 48 : i32
    %iota3A = tpu.iota {dimensions = array<i32: 0>} : vector<16xi32>
    %scan3A_62 = arith.constant 0 : i32
    %scan3A_63 = arith.constant 0 : i32
    %scan3A_64 = arith.constant 16 : i32
    %scan3A_65 = arith.addi %scan3A_63, %scan3A_64 : i32
    %scan3A_66 = arith.constant 1 : i32
    %scan3A_67 = scf.for %scan3A_74 = %scan3A_63 to %scan3A_65 step %scan3A_66 iter_args(%scan3A_75 = %scan3A_62) -> (i32)  : i32 {
      %mul3A_76 = arith.constant 16 : i32
      %mul3A_77 = arith.muli %scan3A_74, %mul3A_76 : i32
      %add3A_78 = arith.constant 0 : i32
      %add3A_79 = arith.addi %add3A_78, %mul3A_77 : i32
      %add3A_80 = vector.broadcast %add3A_79 : i32 to vector<16xi32>
      %add3A_81 = arith.addi %add3A_80, %iota3A : vector<16xi32>
      %gather3A = tpu.vector_load_idx %arg9[%add3A_81] : memref<8320xf32, #tpu.memory_space<vmem>>[vector<16xi32>], vector<16xf32>,
      %add3A_82 = arith.constant 257 : i32
      %add3A_83 = vector.broadcast %add3A_82 : i32 to vector<16xi32>
      %add3A_84 = arith.addi %add3A_81, %add3A_83 : vector<16xi32>
      %gather3A_85 = tpu.vector_load_idx %arg9[%add3A_84] : memref<8320xf32, #tpu.memory_space<vmem>>[vector<16xi32>], vector<16xf32>,
      %max3A = arith.maximumf %gather3A, %gather3A_85 : vector<16xf32>
      %add3A_86 = arith.constant 514 : i32
      %add3A_87 = vector.broadcast %add3A_86 : i32 to vector<16xi32>
      %add3A_88 = arith.addi %add3A_81, %add3A_87 : vector<16xi32>
      %gather3A_89 = tpu.vector_load_idx %arg9[%add3A_88] : memref<8320xf32, #tpu.memory_space<vmem>>[vector<16xi32>], vector<16xf32>,
      %max3A_90 = arith.maximumf %max3A, %gather3A_89 : vector<16xf32>
      %add3A_91 = arith.constant 771 : i32
      %add3A_92 = vector.broadcast %add3A_91 : i32 to vector<16xi32>
      %add3A_93 = arith.addi %add3A_81, %add3A_92 : vector<16xi32>
      %gather3A_94 = tpu.vector_load_idx %arg9[%add3A_93] : memref<8320xf32, #tpu.memory_space<vmem>>[vector<16xi32>], vector<16xf32>,
      %max3A_95 = arith.maximumf %max3A_90, %gather3A_94 : vector<16xf32>
      %add3A_96 = arith.constant 1028 : i32
      %add3A_97 = vector.broadcast %add3A_96 : i32 to vector<16xi32>
      %add3A_98 = arith.addi %add3A_81, %add3A_97 : vector<16xi32>
      %gather3A_99 = tpu.vector_load_idx %arg9[%add3A_98] : memref<8320xf32, #tpu.memory_space<vmem>>[vector<16xi32>], vector<16xf32>,
      %max3A_100 = arith.maximumf %max3A_95, %gather3A_99 : vector<16xf32>
      %add3A_101 = arith.constant 1285 : i32
      %add3A_102 = vector.broadcast %add3A_101 : i32 to vector<16xi32>
      %add3A_103 = arith.addi %add3A_81, %add3A_102 : vector<16xi32>
      %gather3A_104 = tpu.vector_load_idx %arg9[%add3A_103] : memref<8320xf32, #tpu.memory_space<vmem>>[vector<16xi32>], vector<16xf32>,
      %max3A_105 = arith.maximumf %max3A_100, %gather3A_104 : vector<16xf32>
      %add3A_106 = arith.constant 1542 : i32
      %add3A_107 = vector.broadcast %add3A_106 : i32 to vector<16xi32>
      %add3A_108 = arith.addi %add3A_81, %add3A_107 : vector<16xi32>
      %gather3A_109 = tpu.vector_load_idx %arg9[%add3A_108] : memref<8320xf32, #tpu.memory_space<vmem>>[vector<16xi32>], vector<16xf32>,
      %max3A_110 = arith.maximumf %max3A_105, %gather3A_109 : vector<16xf32>
      %add3A_111 = arith.constant 1799 : i32
      %add3A_112 = vector.broadcast %add3A_111 : i32 to vector<16xi32>
      %add3A_113 = arith.addi %add3A_81, %add3A_112 : vector<16xi32>
      %gather3A_114 = tpu.vector_load_idx %arg9[%add3A_113] : memref<8320xf32, #tpu.memory_space<vmem>>[vector<16xi32>], vector<16xf32>,
      %max3A_115 = arith.maximumf %max3A_110, %gather3A_114 : vector<16xf32>
      %add3A_116 = arith.constant 2056 : i32
      %add3A_117 = vector.broadcast %add3A_116 : i32 to vector<16xi32>
      %add3A_118 = arith.addi %add3A_81, %add3A_117 : vector<16xi32>
      %gather3A_119 = tpu.vector_load_idx %arg9[%add3A_118] : memref<8320xf32, #tpu.memory_space<vmem>>[vector<16xi32>], vector<16xf32>,
      %max3A_120 = arith.maximumf %max3A_115, %gather3A_119 : vector<16xf32>
      %add3A_121 = arith.constant 2313 : i32
      %add3A_122 = vector.broadcast %add3A_121 : i32 to vector<16xi32>
      %add3A_123 = arith.addi %add3A_81, %add3A_122 : vector<16xi32>
      %gather3A_124 = tpu.vector_load_idx %arg9[%add3A_123] : memref<8320xf32, #tpu.memory_space<vmem>>[vector<16xi32>], vector<16xf32>,
      %max3A_125 = arith.maximumf %max3A_120, %gather3A_124 : vector<16xf32>
      %add3A_126 = arith.constant 2570 : i32
      %add3A_127 = vector.broadcast %add3A_126 : i32 to vector<16xi32>
      %add3A_128 = arith.addi %add3A_81, %add3A_127 : vector<16xi32>
      %gather3A_129 = tpu.vector_load_idx %arg9[%add3A_128] : memref<8320xf32, #tpu.memory_space<vmem>>[vector<16xi32>], vector<16xf32>,
      %max3A_130 = arith.maximumf %max3A_125, %gather3A_129 : vector<16xf32>
      %add3A_131 = arith.constant 2827 : i32
      %add3A_132 = vector.broadcast %add3A_131 : i32 to vector<16xi32>
      %add3A_133 = arith.addi %add3A_81, %add3A_132 : vector<16xi32>
      %gather3A_134 = tpu.vector_load_idx %arg9[%add3A_133] : memref<8320xf32, #tpu.memory_space<vmem>>[vector<16xi32>], vector<16xf32>,
      %max3A_135 = arith.maximumf %max3A_130, %gather3A_134 : vector<16xf32>
      %add3A_136 = arith.constant 3084 : i32
      %add3A_137 = vector.broadcast %add3A_136 : i32 to vector<16xi32>
      %add3A_138 = arith.addi %add3A_81, %add3A_137 : vector<16xi32>
      %gather3A_139 = tpu.vector_load_idx %arg9[%add3A_138] : memref<8320xf32, #tpu.memory_space<vmem>>[vector<16xi32>], vector<16xf32>,
      %max3A_140 = arith.maximumf %max3A_135, %gather3A_139 : vector<16xf32>
      %add3A_141 = arith.constant 3341 : i32
      %add3A_142 = vector.broadcast %add3A_141 : i32 to vector<16xi32>
      %add3A_143 = arith.addi %add3A_81, %add3A_142 : vector<16xi32>
      %gather3A_144 = tpu.vector_load_idx %arg9[%add3A_143] : memref<8320xf32, #tpu.memory_space<vmem>>[vector<16xi32>], vector<16xf32>,
      %max3A_145 = arith.maximumf %max3A_140, %gather3A_144 : vector<16xf32>
      %add3A_146 = arith.constant 3598 : i32
      %add3A_147 = vector.broadcast %add3A_146 : i32 to vector<16xi32>
      %add3A_148 = arith.addi %add3A_81, %add3A_147 : vector<16xi32>
      %gather3A_149 = tpu.vector_load_idx %arg9[%add3A_148] : memref<8320xf32, #tpu.memory_space<vmem>>[vector<16xi32>], vector<16xf32>,
      %max3A_150 = arith.maximumf %max3A_145, %gather3A_149 : vector<16xf32>
      %add3A_151 = arith.constant 3855 : i32
      %add3A_152 = vector.broadcast %add3A_151 : i32 to vector<16xi32>
      %add3A_153 = arith.addi %add3A_81, %add3A_152 : vector<16xi32>
      %gather3A_154 = tpu.vector_load_idx %arg9[%add3A_153] : memref<8320xf32, #tpu.memory_space<vmem>>[vector<16xi32>], vector<16xf32>,
      %max3A_155 = arith.maximumf %max3A_150, %gather3A_154 : vector<16xf32>
      %mul3A_156 = arith.constant 16 : i32
      %mul3A_157 = arith.muli %scan3A_74, %mul3A_156 : i32
      %add3A_158 = arith.constant 0 : i32
      %add3A_159 = arith.addi %add3A_158, %mul3A_157 : i32
      %swap3A = arith.index_cast %add3A_159 : i32 to index
      %swap3A_160 = tpu.vector_load %arg15[%swap3A] {strides = array<i32>} : memref<3072xf32, #tpu.memory_space<vmem>>, vector<16xf32>,
      tpu.vector_store %arg15[%swap3A], %max3A_155 {strides = array<i32>} : memref<3072xf32, #tpu.memory_space<vmem>>, vector<16xf32>,
      %mul3A_161 = arith.constant 16 : i32
      %mul3A_162 = arith.muli %scan3A_74, %mul3A_161 : i32
      %add3A_163 = arith.constant 0 : i32
      %add3A_164 = arith.addi %add3A_163, %mul3A_162 : i32
      %add3A_165 = vector.broadcast %add3A_164 : i32 to vector<16xi32>
      %add3A_166 = arith.addi %add3A_165, %iota3A : vector<16xi32>
      %gather3A_167 = tpu.vector_load_idx %arg10[%add3A_166] : memref<8320xf32, #tpu.memory_space<vmem>>[vector<16xi32>], vector<16xf32>,
      %add3A_168 = arith.constant 257 : i32
      %add3A_169 = vector.broadcast %add3A_168 : i32 to vector<16xi32>
      %add3A_170 = arith.addi %add3A_166, %add3A_169 : vector<16xi32>
      %gather3A_171 = tpu.vector_load_idx %arg10[%add3A_170] : memref<8320xf32, #tpu.memory_space<vmem>>[vector<16xi32>], vector<16xf32>,
      %max3A_172 = arith.maximumf %gather3A_167, %gather3A_171 : vector<16xf32>
      %add3A_173 = arith.constant 514 : i32
      %add3A_174 = vector.broadcast %add3A_173 : i32 to vector<16xi32>
      %add3A_175 = arith.addi %add3A_166, %add3A_174 : vector<16xi32>
      %gather3A_176 = tpu.vector_load_idx %arg10[%add3A_175] : memref<8320xf32, #tpu.memory_space<vmem>>[vector<16xi32>], vector<16xf32>,
      %max3A_177 = arith.maximumf %max3A_172, %gather3A_176 : vector<16xf32>
      %add3A_178 = arith.constant 771 : i32
      %add3A_179 = vector.broadcast %add3A_178 : i32 to vector<16xi32>
      %add3A_180 = arith.addi %add3A_166, %add3A_179 : vector<16xi32>
      %gather3A_181 = tpu.vector_load_idx %arg10[%add3A_180] : memref<8320xf32, #tpu.memory_space<vmem>>[vector<16xi32>], vector<16xf32>,
      %max3A_182 = arith.maximumf %max3A_177, %gather3A_181 : vector<16xf32>
      %add3A_183 = arith.constant 1028 : i32
      %add3A_184 = vector.broadcast %add3A_183 : i32 to vector<16xi32>
      %add3A_185 = arith.addi %add3A_166, %add3A_184 : vector<16xi32>
      %gather3A_186 = tpu.vector_load_idx %arg10[%add3A_185] : memref<8320xf32, #tpu.memory_space<vmem>>[vector<16xi32>], vector<16xf32>,
      %max3A_187 = arith.maximumf %max3A_182, %gather3A_186 : vector<16xf32>
      %add3A_188 = arith.constant 1285 : i32
      %add3A_189 = vector.broadcast %add3A_188 : i32 to vector<16xi32>
      %add3A_190 = arith.addi %add3A_166, %add3A_189 : vector<16xi32>
      %gather3A_191 = tpu.vector_load_idx %arg10[%add3A_190] : memref<8320xf32, #tpu.memory_space<vmem>>[vector<16xi32>], vector<16xf32>,
      %max3A_192 = arith.maximumf %max3A_187, %gather3A_191 : vector<16xf32>
      %add3A_193 = arith.constant 1542 : i32
      %add3A_194 = vector.broadcast %add3A_193 : i32 to vector<16xi32>
      %add3A_195 = arith.addi %add3A_166, %add3A_194 : vector<16xi32>
      %gather3A_196 = tpu.vector_load_idx %arg10[%add3A_195] : memref<8320xf32, #tpu.memory_space<vmem>>[vector<16xi32>], vector<16xf32>,
      %max3A_197 = arith.maximumf %max3A_192, %gather3A_196 : vector<16xf32>
      %add3A_198 = arith.constant 1799 : i32
      %add3A_199 = vector.broadcast %add3A_198 : i32 to vector<16xi32>
      %add3A_200 = arith.addi %add3A_166, %add3A_199 : vector<16xi32>
      %gather3A_201 = tpu.vector_load_idx %arg10[%add3A_200] : memref<8320xf32, #tpu.memory_space<vmem>>[vector<16xi32>], vector<16xf32>,
      %max3A_202 = arith.maximumf %max3A_197, %gather3A_201 : vector<16xf32>
      %add3A_203 = arith.constant 2056 : i32
      %add3A_204 = vector.broadcast %add3A_203 : i32 to vector<16xi32>
      %add3A_205 = arith.addi %add3A_166, %add3A_204 : vector<16xi32>
      %gather3A_206 = tpu.vector_load_idx %arg10[%add3A_205] : memref<8320xf32, #tpu.memory_space<vmem>>[vector<16xi32>], vector<16xf32>,
      %max3A_207 = arith.maximumf %max3A_202, %gather3A_206 : vector<16xf32>
      %add3A_208 = arith.constant 2313 : i32
      %add3A_209 = vector.broadcast %add3A_208 : i32 to vector<16xi32>
      %add3A_210 = arith.addi %add3A_166, %add3A_209 : vector<16xi32>
      %gather3A_211 = tpu.vector_load_idx %arg10[%add3A_210] : memref<8320xf32, #tpu.memory_space<vmem>>[vector<16xi32>], vector<16xf32>,
      %max3A_212 = arith.maximumf %max3A_207, %gather3A_211 : vector<16xf32>
      %add3A_213 = arith.constant 2570 : i32
      %add3A_214 = vector.broadcast %add3A_213 : i32 to vector<16xi32>
      %add3A_215 = arith.addi %add3A_166, %add3A_214 : vector<16xi32>
      %gather3A_216 = tpu.vector_load_idx %arg10[%add3A_215] : memref<8320xf32, #tpu.memory_space<vmem>>[vector<16xi32>], vector<16xf32>,
      %max3A_217 = arith.maximumf %max3A_212, %gather3A_216 : vector<16xf32>
      %add3A_218 = arith.constant 2827 : i32
      %add3A_219 = vector.broadcast %add3A_218 : i32 to vector<16xi32>
      %add3A_220 = arith.addi %add3A_166, %add3A_219 : vector<16xi32>
      %gather3A_221 = tpu.vector_load_idx %arg10[%add3A_220] : memref<8320xf32, #tpu.memory_space<vmem>>[vector<16xi32>], vector<16xf32>,
      %max3A_222 = arith.maximumf %max3A_217, %gather3A_221 : vector<16xf32>
      %add3A_223 = arith.constant 3084 : i32
      %add3A_224 = vector.broadcast %add3A_223 : i32 to vector<16xi32>
      %add3A_225 = arith.addi %add3A_166, %add3A_224 : vector<16xi32>
      %gather3A_226 = tpu.vector_load_idx %arg10[%add3A_225] : memref<8320xf32, #tpu.memory_space<vmem>>[vector<16xi32>], vector<16xf32>,
      %max3A_227 = arith.maximumf %max3A_222, %gather3A_226 : vector<16xf32>
      %add3A_228 = arith.constant 3341 : i32
      %add3A_229 = vector.broadcast %add3A_228 : i32 to vector<16xi32>
      %add3A_230 = arith.addi %add3A_166, %add3A_229 : vector<16xi32>
      %gather3A_231 = tpu.vector_load_idx %arg10[%add3A_230] : memref<8320xf32, #tpu.memory_space<vmem>>[vector<16xi32>], vector<16xf32>,
      %max3A_232 = arith.maximumf %max3A_227, %gather3A_231 : vector<16xf32>
      %add3A_233 = arith.constant 3598 : i32
      %add3A_234 = vector.broadcast %add3A_233 : i32 to vector<16xi32>
      %add3A_235 = arith.addi %add3A_166, %add3A_234 : vector<16xi32>
      %gather3A_236 = tpu.vector_load_idx %arg10[%add3A_235] : memref<8320xf32, #tpu.memory_space<vmem>>[vector<16xi32>], vector<16xf32>,
      %max3A_237 = arith.maximumf %max3A_232, %gather3A_236 : vector<16xf32>
      %add3A_238 = arith.constant 3855 : i32
      %add3A_239 = vector.broadcast %add3A_238 : i32 to vector<16xi32>
      %add3A_240 = arith.addi %add3A_166, %add3A_239 : vector<16xi32>
      %gather3A_241 = tpu.vector_load_idx %arg10[%add3A_240] : memref<8320xf32, #tpu.memory_space<vmem>>[vector<16xi32>], vector<16xf32>,
      %max3A_242 = arith.maximumf %max3A_237, %gather3A_241 : vector<16xf32>
      %mul3A_243 = arith.constant 16 : i32
      %mul3A_244 = arith.muli %scan3A_74, %mul3A_243 : i32
      %add3A_245 = arith.constant 256 : i32
      %add3A_246 = arith.addi %add3A_245, %mul3A_244 : i32
      %swap3A_247 = arith.index_cast %add3A_246 : i32 to index
      %swap3A_248 = tpu.vector_load %arg15[%swap3A_247] {strides = array<i32>} : memref<3072xf32, #tpu.memory_space<vmem>>, vector<16xf32>,
      tpu.vector_store %arg15[%swap3A_247], %max3A_242 {strides = array<i32>} : memref<3072xf32, #tpu.memory_space<vmem>>, vector<16xf32>,
      %mul3A_249 = arith.constant 16 : i32
      %mul3A_250 = arith.muli %scan3A_74, %mul3A_249 : i32
      %add3A_251 = arith.constant 0 : i32
      %add3A_252 = arith.addi %add3A_251, %mul3A_250 : i32
      %add3A_253 = vector.broadcast %add3A_252 : i32 to vector<16xi32>
      %add3A_254 = arith.addi %add3A_253, %iota3A : vector<16xi32>
      %gather3A_255 = tpu.vector_load_idx %arg11[%add3A_254] : memref<8320xf32, #tpu.memory_space<vmem>>[vector<16xi32>], vector<16xf32>,
      %add3A_256 = arith.constant 257 : i32
      %add3A_257 = vector.broadcast %add3A_256 : i32 to vector<16xi32>
      %add3A_258 = arith.addi %add3A_254, %add3A_257 : vector<16xi32>
      %gather3A_259 = tpu.vector_load_idx %arg11[%add3A_258] : memref<8320xf32, #tpu.memory_space<vmem>>[vector<16xi32>], vector<16xf32>,
      %max3A_260 = arith.maximumf %gather3A_255, %gather3A_259 : vector<16xf32>
      %add3A_261 = arith.constant 514 : i32
      %add3A_262 = vector.broadcast %add3A_261 : i32 to vector<16xi32>
      %add3A_263 = arith.addi %add3A_254, %add3A_262 : vector<16xi32>
      %gather3A_264 = tpu.vector_load_idx %arg11[%add3A_263] : memref<8320xf32, #tpu.memory_space<vmem>>[vector<16xi32>], vector<16xf32>,
      %max3A_265 = arith.maximumf %max3A_260, %gather3A_264 : vector<16xf32>
      %add3A_266 = arith.constant 771 : i32
      %add3A_267 = vector.broadcast %add3A_266 : i32 to vector<16xi32>
      %add3A_268 = arith.addi %add3A_254, %add3A_267 : vector<16xi32>
      %gather3A_269 = tpu.vector_load_idx %arg11[%add3A_268] : memref<8320xf32, #tpu.memory_space<vmem>>[vector<16xi32>], vector<16xf32>,
      %max3A_270 = arith.maximumf %max3A_265, %gather3A_269 : vector<16xf32>
      %add3A_271 = arith.constant 1028 : i32
      %add3A_272 = vector.broadcast %add3A_271 : i32 to vector<16xi32>
      %add3A_273 = arith.addi %add3A_254, %add3A_272 : vector<16xi32>
      %gather3A_274 = tpu.vector_load_idx %arg11[%add3A_273] : memref<8320xf32, #tpu.memory_space<vmem>>[vector<16xi32>], vector<16xf32>,
      %max3A_275 = arith.maximumf %max3A_270, %gather3A_274 : vector<16xf32>
      %add3A_276 = arith.constant 1285 : i32
      %add3A_277 = vector.broadcast %add3A_276 : i32 to vector<16xi32>
      %add3A_278 = arith.addi %add3A_254, %add3A_277 : vector<16xi32>
      %gather3A_279 = tpu.vector_load_idx %arg11[%add3A_278] : memref<8320xf32, #tpu.memory_space<vmem>>[vector<16xi32>], vector<16xf32>,
      %max3A_280 = arith.maximumf %max3A_275, %gather3A_279 : vector<16xf32>
      %add3A_281 = arith.constant 1542 : i32
      %add3A_282 = vector.broadcast %add3A_281 : i32 to vector<16xi32>
      %add3A_283 = arith.addi %add3A_254, %add3A_282 : vector<16xi32>
      %gather3A_284 = tpu.vector_load_idx %arg11[%add3A_283] : memref<8320xf32, #tpu.memory_space<vmem>>[vector<16xi32>], vector<16xf32>,
      %max3A_285 = arith.maximumf %max3A_280, %gather3A_284 : vector<16xf32>
      %add3A_286 = arith.constant 1799 : i32
      %add3A_287 = vector.broadcast %add3A_286 : i32 to vector<16xi32>
      %add3A_288 = arith.addi %add3A_254, %add3A_287 : vector<16xi32>
      %gather3A_289 = tpu.vector_load_idx %arg11[%add3A_288] : memref<8320xf32, #tpu.memory_space<vmem>>[vector<16xi32>], vector<16xf32>,
      %max3A_290 = arith.maximumf %max3A_285, %gather3A_289 : vector<16xf32>
      %add3A_291 = arith.constant 2056 : i32
      %add3A_292 = vector.broadcast %add3A_291 : i32 to vector<16xi32>
      %add3A_293 = arith.addi %add3A_254, %add3A_292 : vector<16xi32>
      %gather3A_294 = tpu.vector_load_idx %arg11[%add3A_293] : memref<8320xf32, #tpu.memory_space<vmem>>[vector<16xi32>], vector<16xf32>,
      %max3A_295 = arith.maximumf %max3A_290, %gather3A_294 : vector<16xf32>
      %add3A_296 = arith.constant 2313 : i32
      %add3A_297 = vector.broadcast %add3A_296 : i32 to vector<16xi32>
      %add3A_298 = arith.addi %add3A_254, %add3A_297 : vector<16xi32>
      %gather3A_299 = tpu.vector_load_idx %arg11[%add3A_298] : memref<8320xf32, #tpu.memory_space<vmem>>[vector<16xi32>], vector<16xf32>,
      %max3A_300 = arith.maximumf %max3A_295, %gather3A_299 : vector<16xf32>
      %add3A_301 = arith.constant 2570 : i32
      %add3A_302 = vector.broadcast %add3A_301 : i32 to vector<16xi32>
      %add3A_303 = arith.addi %add3A_254, %add3A_302 : vector<16xi32>
      %gather3A_304 = tpu.vector_load_idx %arg11[%add3A_303] : memref<8320xf32, #tpu.memory_space<vmem>>[vector<16xi32>], vector<16xf32>,
      %max3A_305 = arith.maximumf %max3A_300, %gather3A_304 : vector<16xf32>
      %add3A_306 = arith.constant 2827 : i32
      %add3A_307 = vector.broadcast %add3A_306 : i32 to vector<16xi32>
      %add3A_308 = arith.addi %add3A_254, %add3A_307 : vector<16xi32>
      %gather3A_309 = tpu.vector_load_idx %arg11[%add3A_308] : memref<8320xf32, #tpu.memory_space<vmem>>[vector<16xi32>], vector<16xf32>,
      %max3A_310 = arith.maximumf %max3A_305, %gather3A_309 : vector<16xf32>
      %add3A_311 = arith.constant 3084 : i32
      %add3A_312 = vector.broadcast %add3A_311 : i32 to vector<16xi32>
      %add3A_313 = arith.addi %add3A_254, %add3A_312 : vector<16xi32>
      %gather3A_314 = tpu.vector_load_idx %arg11[%add3A_313] : memref<8320xf32, #tpu.memory_space<vmem>>[vector<16xi32>], vector<16xf32>,
      %max3A_315 = arith.maximumf %max3A_310, %gather3A_314 : vector<16xf32>
      %add3A_316 = arith.constant 3341 : i32
      %add3A_317 = vector.broadcast %add3A_316 : i32 to vector<16xi32>
      %add3A_318 = arith.addi %add3A_254, %add3A_317 : vector<16xi32>
      %gather3A_319 = tpu.vector_load_idx %arg11[%add3A_318] : memref<8320xf32, #tpu.memory_space<vmem>>[vector<16xi32>], vector<16xf32>,
      %max3A_320 = arith.maximumf %max3A_315, %gather3A_319 : vector<16xf32>
      %add3A_321 = arith.constant 3598 : i32
      %add3A_322 = vector.broadcast %add3A_321 : i32 to vector<16xi32>
      %add3A_323 = arith.addi %add3A_254, %add3A_322 : vector<16xi32>
      %gather3A_324 = tpu.vector_load_idx %arg11[%add3A_323] : memref<8320xf32, #tpu.memory_space<vmem>>[vector<16xi32>], vector<16xf32>,
      %max3A_325 = arith.maximumf %max3A_320, %gather3A_324 : vector<16xf32>
      %add3A_326 = arith.constant 3855 : i32
      %add3A_327 = vector.broadcast %add3A_326 : i32 to vector<16xi32>
      %add3A_328 = arith.addi %add3A_254, %add3A_327 : vector<16xi32>
      %gather3A_329 = tpu.vector_load_idx %arg11[%add3A_328] : memref<8320xf32, #tpu.memory_space<vmem>>[vector<16xi32>], vector<16xf32>,
      %max3A_330 = arith.maximumf %max3A_325, %gather3A_329 : vector<16xf32>
      %mul3A_331 = arith.constant 16 : i32
      %mul3A_332 = arith.muli %scan3A_74, %mul3A_331 : i32
      %add3A_333 = arith.constant 512 : i32
      %add3A_334 = arith.addi %add3A_333, %mul3A_332 : i32
      %swap3A_335 = arith.index_cast %add3A_334 : i32 to index
      %swap3A_336 = tpu.vector_load %arg15[%swap3A_335] {strides = array<i32>} : memref<3072xf32, #tpu.memory_space<vmem>>, vector<16xf32>,
      tpu.vector_store %arg15[%swap3A_335], %max3A_330 {strides = array<i32>} : memref<3072xf32, #tpu.memory_space<vmem>>, vector<16xf32>,
      %mul3A_337 = arith.constant 16 : i32
      %mul3A_338 = arith.muli %scan3A_74, %mul3A_337 : i32
      %add3A_339 = arith.constant 0 : i32
      %add3A_340 = arith.addi %add3A_339, %mul3A_338 : i32
      %add3A_341 = vector.broadcast %add3A_340 : i32 to vector<16xi32>
      %add3A_342 = arith.addi %add3A_341, %iota3A : vector<16xi32>
      %gather3A_343 = tpu.vector_load_idx %arg12[%add3A_342] : memref<8320xf32, #tpu.memory_space<vmem>>[vector<16xi32>], vector<16xf32>,
      %add3A_344 = arith.constant 257 : i32
      %add3A_345 = vector.broadcast %add3A_344 : i32 to vector<16xi32>
      %add3A_346 = arith.addi %add3A_342, %add3A_345 : vector<16xi32>
      %gather3A_347 = tpu.vector_load_idx %arg12[%add3A_346] : memref<8320xf32, #tpu.memory_space<vmem>>[vector<16xi32>], vector<16xf32>,
      %max3A_348 = arith.maximumf %gather3A_343, %gather3A_347 : vector<16xf32>
      %add3A_349 = arith.constant 514 : i32
      %add3A_350 = vector.broadcast %add3A_349 : i32 to vector<16xi32>
      %add3A_351 = arith.addi %add3A_342, %add3A_350 : vector<16xi32>
      %gather3A_352 = tpu.vector_load_idx %arg12[%add3A_351] : memref<8320xf32, #tpu.memory_space<vmem>>[vector<16xi32>], vector<16xf32>,
      %max3A_353 = arith.maximumf %max3A_348, %gather3A_352 : vector<16xf32>
      %add3A_354 = arith.constant 771 : i32
      %add3A_355 = vector.broadcast %add3A_354 : i32 to vector<16xi32>
      %add3A_356 = arith.addi %add3A_342, %add3A_355 : vector<16xi32>
      %gather3A_357 = tpu.vector_load_idx %arg12[%add3A_356] : memref<8320xf32, #tpu.memory_space<vmem>>[vector<16xi32>], vector<16xf32>,
      %max3A_358 = arith.maximumf %max3A_353, %gather3A_357 : vector<16xf32>
      %add3A_359 = arith.constant 1028 : i32
      %add3A_360 = vector.broadcast %add3A_359 : i32 to vector<16xi32>
      %add3A_361 = arith.addi %add3A_342, %add3A_360 : vector<16xi32>
      %gather3A_362 = tpu.vector_load_idx %arg12[%add3A_361] : memref<8320xf32, #tpu.memory_space<vmem>>[vector<16xi32>], vector<16xf32>,
      %max3A_363 = arith.maximumf %max3A_358, %gather3A_362 : vector<16xf32>
      %add3A_364 = arith.constant 1285 : i32
      %add3A_365 = vector.broadcast %add3A_364 : i32 to vector<16xi32>
      %add3A_366 = arith.addi %add3A_342, %add3A_365 : vector<16xi32>
      %gather3A_367 = tpu.vector_load_idx %arg12[%add3A_366] : memref<8320xf32, #tpu.memory_space<vmem>>[vector<16xi32>], vector<16xf32>,
      %max3A_368 = arith.maximumf %max3A_363, %gather3A_367 : vector<16xf32>
      %add3A_369 = arith.constant 1542 : i32
      %add3A_370 = vector.broadcast %add3A_369 : i32 to vector<16xi32>
      %add3A_371 = arith.addi %add3A_342, %add3A_370 : vector<16xi32>
      %gather3A_372 = tpu.vector_load_idx %arg12[%add3A_371] : memref<8320xf32, #tpu.memory_space<vmem>>[vector<16xi32>], vector<16xf32>,
      %max3A_373 = arith.maximumf %max3A_368, %gather3A_372 : vector<16xf32>
      %add3A_374 = arith.constant 1799 : i32
      %add3A_375 = vector.broadcast %add3A_374 : i32 to vector<16xi32>
      %add3A_376 = arith.addi %add3A_342, %add3A_375 : vector<16xi32>
      %gather3A_377 = tpu.vector_load_idx %arg12[%add3A_376] : memref<8320xf32, #tpu.memory_space<vmem>>[vector<16xi32>], vector<16xf32>,
      %max3A_378 = arith.maximumf %max3A_373, %gather3A_377 : vector<16xf32>
      %add3A_379 = arith.constant 2056 : i32
      %add3A_380 = vector.broadcast %add3A_379 : i32 to vector<16xi32>
      %add3A_381 = arith.addi %add3A_342, %add3A_380 : vector<16xi32>
      %gather3A_382 = tpu.vector_load_idx %arg12[%add3A_381] : memref<8320xf32, #tpu.memory_space<vmem>>[vector<16xi32>], vector<16xf32>,
      %max3A_383 = arith.maximumf %max3A_378, %gather3A_382 : vector<16xf32>
      %add3A_384 = arith.constant 2313 : i32
      %add3A_385 = vector.broadcast %add3A_384 : i32 to vector<16xi32>
      %add3A_386 = arith.addi %add3A_342, %add3A_385 : vector<16xi32>
      %gather3A_387 = tpu.vector_load_idx %arg12[%add3A_386] : memref<8320xf32, #tpu.memory_space<vmem>>[vector<16xi32>], vector<16xf32>,
      %max3A_388 = arith.maximumf %max3A_383, %gather3A_387 : vector<16xf32>
      %add3A_389 = arith.constant 2570 : i32
      %add3A_390 = vector.broadcast %add3A_389 : i32 to vector<16xi32>
      %add3A_391 = arith.addi %add3A_342, %add3A_390 : vector<16xi32>
      %gather3A_392 = tpu.vector_load_idx %arg12[%add3A_391] : memref<8320xf32, #tpu.memory_space<vmem>>[vector<16xi32>], vector<16xf32>,
      %max3A_393 = arith.maximumf %max3A_388, %gather3A_392 : vector<16xf32>
      %add3A_394 = arith.constant 2827 : i32
      %add3A_395 = vector.broadcast %add3A_394 : i32 to vector<16xi32>
      %add3A_396 = arith.addi %add3A_342, %add3A_395 : vector<16xi32>
      %gather3A_397 = tpu.vector_load_idx %arg12[%add3A_396] : memref<8320xf32, #tpu.memory_space<vmem>>[vector<16xi32>], vector<16xf32>,
      %max3A_398 = arith.maximumf %max3A_393, %gather3A_397 : vector<16xf32>
      %add3A_399 = arith.constant 3084 : i32
      %add3A_400 = vector.broadcast %add3A_399 : i32 to vector<16xi32>
      %add3A_401 = arith.addi %add3A_342, %add3A_400 : vector<16xi32>
      %gather3A_402 = tpu.vector_load_idx %arg12[%add3A_401] : memref<8320xf32, #tpu.memory_space<vmem>>[vector<16xi32>], vector<16xf32>,
      %max3A_403 = arith.maximumf %max3A_398, %gather3A_402 : vector<16xf32>
      %add3A_404 = arith.constant 3341 : i32
      %add3A_405 = vector.broadcast %add3A_404 : i32 to vector<16xi32>
      %add3A_406 = arith.addi %add3A_342, %add3A_405 : vector<16xi32>
      %gather3A_407 = tpu.vector_load_idx %arg12[%add3A_406] : memref<8320xf32, #tpu.memory_space<vmem>>[vector<16xi32>], vector<16xf32>,
      %max3A_408 = arith.maximumf %max3A_403, %gather3A_407 : vector<16xf32>
      %add3A_409 = arith.constant 3598 : i32
      %add3A_410 = vector.broadcast %add3A_409 : i32 to vector<16xi32>
      %add3A_411 = arith.addi %add3A_342, %add3A_410 : vector<16xi32>
      %gather3A_412 = tpu.vector_load_idx %arg12[%add3A_411] : memref<8320xf32, #tpu.memory_space<vmem>>[vector<16xi32>], vector<16xf32>,
      %max3A_413 = arith.maximumf %max3A_408, %gather3A_412 : vector<16xf32>
      %add3A_414 = arith.constant 3855 : i32
      %add3A_415 = vector.broadcast %add3A_414 : i32 to vector<16xi32>
      %add3A_416 = arith.addi %add3A_342, %add3A_415 : vector<16xi32>
      %gather3A_417 = tpu.vector_load_idx %arg12[%add3A_416] : memref<8320xf32, #tpu.memory_space<vmem>>[vector<16xi32>], vector<16xf32>,
      %max3A_418 = arith.maximumf %max3A_413, %gather3A_417 : vector<16xf32>
      %mul3A_419 = arith.constant 16 : i32
      %mul3A_420 = arith.muli %scan3A_74, %mul3A_419 : i32
      %add3A_421 = arith.constant 768 : i32
      %add3A_422 = arith.addi %add3A_421, %mul3A_420 : i32
      %swap3A_423 = arith.index_cast %add3A_422 : i32 to index
      %swap3A_424 = tpu.vector_load %arg15[%swap3A_423] {strides = array<i32>} : memref<3072xf32, #tpu.memory_space<vmem>>, vector<16xf32>,
      tpu.vector_store %arg15[%swap3A_423], %max3A_418 {strides = array<i32>} : memref<3072xf32, #tpu.memory_space<vmem>>, vector<16xf32>,
      %mul3A_425 = arith.constant 16 : i32
      %mul3A_426 = arith.muli %scan3A_74, %mul3A_425 : i32
      %add3A_427 = arith.constant 0 : i32
      %add3A_428 = arith.addi %add3A_427, %mul3A_426 : i32
      %add3A_429 = vector.broadcast %add3A_428 : i32 to vector<16xi32>
      %add3A_430 = arith.addi %add3A_429, %iota3A : vector<16xi32>
      %gather3A_431 = tpu.vector_load_idx %arg13[%add3A_430] : memref<8320xf32, #tpu.memory_space<vmem>>[vector<16xi32>], vector<16xf32>,
      %add3A_432 = arith.constant 257 : i32
      %add3A_433 = vector.broadcast %add3A_432 : i32 to vector<16xi32>
      %add3A_434 = arith.addi %add3A_430, %add3A_433 : vector<16xi32>
      %gather3A_435 = tpu.vector_load_idx %arg13[%add3A_434] : memref<8320xf32, #tpu.memory_space<vmem>>[vector<16xi32>], vector<16xf32>,
      %max3A_436 = arith.maximumf %gather3A_431, %gather3A_435 : vector<16xf32>
      %add3A_437 = arith.constant 514 : i32
      %add3A_438 = vector.broadcast %add3A_437 : i32 to vector<16xi32>
      %add3A_439 = arith.addi %add3A_430, %add3A_438 : vector<16xi32>
      %gather3A_440 = tpu.vector_load_idx %arg13[%add3A_439] : memref<8320xf32, #tpu.memory_space<vmem>>[vector<16xi32>], vector<16xf32>,
      %max3A_441 = arith.maximumf %max3A_436, %gather3A_440 : vector<16xf32>
      %add3A_442 = arith.constant 771 : i32
      %add3A_443 = vector.broadcast %add3A_442 : i32 to vector<16xi32>
      %add3A_444 = arith.addi %add3A_430, %add3A_443 : vector<16xi32>
      %gather3A_445 = tpu.vector_load_idx %arg13[%add3A_444] : memref<8320xf32, #tpu.memory_space<vmem>>[vector<16xi32>], vector<16xf32>,
      %max3A_446 = arith.maximumf %max3A_441, %gather3A_445 : vector<16xf32>
      %add3A_447 = arith.constant 1028 : i32
      %add3A_448 = vector.broadcast %add3A_447 : i32 to vector<16xi32>
      %add3A_449 = arith.addi %add3A_430, %add3A_448 : vector<16xi32>
      %gather3A_450 = tpu.vector_load_idx %arg13[%add3A_449] : memref<8320xf32, #tpu.memory_space<vmem>>[vector<16xi32>], vector<16xf32>,
      %max3A_451 = arith.maximumf %max3A_446, %gather3A_450 : vector<16xf32>
      %add3A_452 = arith.constant 1285 : i32
      %add3A_453 = vector.broadcast %add3A_452 : i32 to vector<16xi32>
      %add3A_454 = arith.addi %add3A_430, %add3A_453 : vector<16xi32>
      %gather3A_455 = tpu.vector_load_idx %arg13[%add3A_454] : memref<8320xf32, #tpu.memory_space<vmem>>[vector<16xi32>], vector<16xf32>,
      %max3A_456 = arith.maximumf %max3A_451, %gather3A_455 : vector<16xf32>
      %add3A_457 = arith.constant 1542 : i32
      %add3A_458 = vector.broadcast %add3A_457 : i32 to vector<16xi32>
      %add3A_459 = arith.addi %add3A_430, %add3A_458 : vector<16xi32>
      %gather3A_460 = tpu.vector_load_idx %arg13[%add3A_459] : memref<8320xf32, #tpu.memory_space<vmem>>[vector<16xi32>], vector<16xf32>,
      %max3A_461 = arith.maximumf %max3A_456, %gather3A_460 : vector<16xf32>
      %add3A_462 = arith.constant 1799 : i32
      %add3A_463 = vector.broadcast %add3A_462 : i32 to vector<16xi32>
      %add3A_464 = arith.addi %add3A_430, %add3A_463 : vector<16xi32>
      %gather3A_465 = tpu.vector_load_idx %arg13[%add3A_464] : memref<8320xf32, #tpu.memory_space<vmem>>[vector<16xi32>], vector<16xf32>,
      %max3A_466 = arith.maximumf %max3A_461, %gather3A_465 : vector<16xf32>
      %add3A_467 = arith.constant 2056 : i32
      %add3A_468 = vector.broadcast %add3A_467 : i32 to vector<16xi32>
      %add3A_469 = arith.addi %add3A_430, %add3A_468 : vector<16xi32>
      %gather3A_470 = tpu.vector_load_idx %arg13[%add3A_469] : memref<8320xf32, #tpu.memory_space<vmem>>[vector<16xi32>], vector<16xf32>,
      %max3A_471 = arith.maximumf %max3A_466, %gather3A_470 : vector<16xf32>
      %add3A_472 = arith.constant 2313 : i32
      %add3A_473 = vector.broadcast %add3A_472 : i32 to vector<16xi32>
      %add3A_474 = arith.addi %add3A_430, %add3A_473 : vector<16xi32>
      %gather3A_475 = tpu.vector_load_idx %arg13[%add3A_474] : memref<8320xf32, #tpu.memory_space<vmem>>[vector<16xi32>], vector<16xf32>,
      %max3A_476 = arith.maximumf %max3A_471, %gather3A_475 : vector<16xf32>
      %add3A_477 = arith.constant 2570 : i32
      %add3A_478 = vector.broadcast %add3A_477 : i32 to vector<16xi32>
      %add3A_479 = arith.addi %add3A_430, %add3A_478 : vector<16xi32>
      %gather3A_480 = tpu.vector_load_idx %arg13[%add3A_479] : memref<8320xf32, #tpu.memory_space<vmem>>[vector<16xi32>], vector<16xf32>,
      %max3A_481 = arith.maximumf %max3A_476, %gather3A_480 : vector<16xf32>
      %add3A_482 = arith.constant 2827 : i32
      %add3A_483 = vector.broadcast %add3A_482 : i32 to vector<16xi32>
      %add3A_484 = arith.addi %add3A_430, %add3A_483 : vector<16xi32>
      %gather3A_485 = tpu.vector_load_idx %arg13[%add3A_484] : memref<8320xf32, #tpu.memory_space<vmem>>[vector<16xi32>], vector<16xf32>,
      %max3A_486 = arith.maximumf %max3A_481, %gather3A_485 : vector<16xf32>
      %add3A_487 = arith.constant 3084 : i32
      %add3A_488 = vector.broadcast %add3A_487 : i32 to vector<16xi32>
      %add3A_489 = arith.addi %add3A_430, %add3A_488 : vector<16xi32>
      %gather3A_490 = tpu.vector_load_idx %arg13[%add3A_489] : memref<8320xf32, #tpu.memory_space<vmem>>[vector<16xi32>], vector<16xf32>,
      %max3A_491 = arith.maximumf %max3A_486, %gather3A_490 : vector<16xf32>
      %add3A_492 = arith.constant 3341 : i32
      %add3A_493 = vector.broadcast %add3A_492 : i32 to vector<16xi32>
      %add3A_494 = arith.addi %add3A_430, %add3A_493 : vector<16xi32>
      %gather3A_495 = tpu.vector_load_idx %arg13[%add3A_494] : memref<8320xf32, #tpu.memory_space<vmem>>[vector<16xi32>], vector<16xf32>,
      %max3A_496 = arith.maximumf %max3A_491, %gather3A_495 : vector<16xf32>
      %add3A_497 = arith.constant 3598 : i32
      %add3A_498 = vector.broadcast %add3A_497 : i32 to vector<16xi32>
      %add3A_499 = arith.addi %add3A_430, %add3A_498 : vector<16xi32>
      %gather3A_500 = tpu.vector_load_idx %arg13[%add3A_499] : memref<8320xf32, #tpu.memory_space<vmem>>[vector<16xi32>], vector<16xf32>,
      %max3A_501 = arith.maximumf %max3A_496, %gather3A_500 : vector<16xf32>
      %add3A_502 = arith.constant 3855 : i32
      %add3A_503 = vector.broadcast %add3A_502 : i32 to vector<16xi32>
      %add3A_504 = arith.addi %add3A_430, %add3A_503 : vector<16xi32>
      %gather3A_505 = tpu.vector_load_idx %arg13[%add3A_504] : memref<8320xf32, #tpu.memory_space<vmem>>[vector<16xi32>], vector<16xf32>,
      %max3A_506 = arith.maximumf %max3A_501, %gather3A_505 : vector<16xf32>
      %mul3A_507 = arith.constant 16 : i32
      %mul3A_508 = arith.muli %scan3A_74, %mul3A_507 : i32
      %add3A_509 = arith.constant 1024 : i32
      %add3A_510 = arith.addi %add3A_509, %mul3A_508 : i32
      %swap3A_511 = arith.index_cast %add3A_510 : i32 to index
      %swap3A_512 = tpu.vector_load %arg15[%swap3A_511] {strides = array<i32>} : memref<3072xf32, #tpu.memory_space<vmem>>, vector<16xf32>,
      tpu.vector_store %arg15[%swap3A_511], %max3A_506 {strides = array<i32>} : memref<3072xf32, #tpu.memory_space<vmem>>, vector<16xf32>,
      %mul3A_513 = arith.constant 16 : i32
      %mul3A_514 = arith.muli %scan3A_74, %mul3A_513 : i32
      %add3A_515 = arith.constant 0 : i32
      %add3A_516 = arith.addi %add3A_515, %mul3A_514 : i32
      %add3A_517 = vector.broadcast %add3A_516 : i32 to vector<16xi32>
      %add3A_518 = arith.addi %add3A_517, %iota3A : vector<16xi32>
      %gather3A_519 = tpu.vector_load_idx %arg14[%add3A_518] : memref<8320xf32, #tpu.memory_space<vmem>>[vector<16xi32>], vector<16xf32>,
      %add3A_520 = arith.constant 257 : i32
      %add3A_521 = vector.broadcast %add3A_520 : i32 to vector<16xi32>
      %add3A_522 = arith.addi %add3A_518, %add3A_521 : vector<16xi32>
      %gather3A_523 = tpu.vector_load_idx %arg14[%add3A_522] : memref<8320xf32, #tpu.memory_space<vmem>>[vector<16xi32>], vector<16xf32>,
      %max3A_524 = arith.maximumf %gather3A_519, %gather3A_523 : vector<16xf32>
      %add3A_525 = arith.constant 514 : i32
      %add3A_526 = vector.broadcast %add3A_525 : i32 to vector<16xi32>
      %add3A_527 = arith.addi %add3A_518, %add3A_526 : vector<16xi32>
      %gather3A_528 = tpu.vector_load_idx %arg14[%add3A_527] : memref<8320xf32, #tpu.memory_space<vmem>>[vector<16xi32>], vector<16xf32>,
      %max3A_529 = arith.maximumf %max3A_524, %gather3A_528 : vector<16xf32>
      %add3A_530 = arith.constant 771 : i32
      %add3A_531 = vector.broadcast %add3A_530 : i32 to vector<16xi32>
      %add3A_532 = arith.addi %add3A_518, %add3A_531 : vector<16xi32>
      %gather3A_533 = tpu.vector_load_idx %arg14[%add3A_532] : memref<8320xf32, #tpu.memory_space<vmem>>[vector<16xi32>], vector<16xf32>,
      %max3A_534 = arith.maximumf %max3A_529, %gather3A_533 : vector<16xf32>
      %add3A_535 = arith.constant 1028 : i32
      %add3A_536 = vector.broadcast %add3A_535 : i32 to vector<16xi32>
      %add3A_537 = arith.addi %add3A_518, %add3A_536 : vector<16xi32>
      %gather3A_538 = tpu.vector_load_idx %arg14[%add3A_537] : memref<8320xf32, #tpu.memory_space<vmem>>[vector<16xi32>], vector<16xf32>,
      %max3A_539 = arith.maximumf %max3A_534, %gather3A_538 : vector<16xf32>
      %add3A_540 = arith.constant 1285 : i32
      %add3A_541 = vector.broadcast %add3A_540 : i32 to vector<16xi32>
      %add3A_542 = arith.addi %add3A_518, %add3A_541 : vector<16xi32>
      %gather3A_543 = tpu.vector_load_idx %arg14[%add3A_542] : memref<8320xf32, #tpu.memory_space<vmem>>[vector<16xi32>], vector<16xf32>,
      %max3A_544 = arith.maximumf %max3A_539, %gather3A_543 : vector<16xf32>
      %add3A_545 = arith.constant 1542 : i32
      %add3A_546 = vector.broadcast %add3A_545 : i32 to vector<16xi32>
      %add3A_547 = arith.addi %add3A_518, %add3A_546 : vector<16xi32>
      %gather3A_548 = tpu.vector_load_idx %arg14[%add3A_547] : memref<8320xf32, #tpu.memory_space<vmem>>[vector<16xi32>], vector<16xf32>,
      %max3A_549 = arith.maximumf %max3A_544, %gather3A_548 : vector<16xf32>
      %add3A_550 = arith.constant 1799 : i32
      %add3A_551 = vector.broadcast %add3A_550 : i32 to vector<16xi32>
      %add3A_552 = arith.addi %add3A_518, %add3A_551 : vector<16xi32>
      %gather3A_553 = tpu.vector_load_idx %arg14[%add3A_552] : memref<8320xf32, #tpu.memory_space<vmem>>[vector<16xi32>], vector<16xf32>,
      %max3A_554 = arith.maximumf %max3A_549, %gather3A_553 : vector<16xf32>
      %add3A_555 = arith.constant 2056 : i32
      %add3A_556 = vector.broadcast %add3A_555 : i32 to vector<16xi32>
      %add3A_557 = arith.addi %add3A_518, %add3A_556 : vector<16xi32>
      %gather3A_558 = tpu.vector_load_idx %arg14[%add3A_557] : memref<8320xf32, #tpu.memory_space<vmem>>[vector<16xi32>], vector<16xf32>,
      %max3A_559 = arith.maximumf %max3A_554, %gather3A_558 : vector<16xf32>
      %add3A_560 = arith.constant 2313 : i32
      %add3A_561 = vector.broadcast %add3A_560 : i32 to vector<16xi32>
      %add3A_562 = arith.addi %add3A_518, %add3A_561 : vector<16xi32>
      %gather3A_563 = tpu.vector_load_idx %arg14[%add3A_562] : memref<8320xf32, #tpu.memory_space<vmem>>[vector<16xi32>], vector<16xf32>,
      %max3A_564 = arith.maximumf %max3A_559, %gather3A_563 : vector<16xf32>
      %add3A_565 = arith.constant 2570 : i32
      %add3A_566 = vector.broadcast %add3A_565 : i32 to vector<16xi32>
      %add3A_567 = arith.addi %add3A_518, %add3A_566 : vector<16xi32>
      %gather3A_568 = tpu.vector_load_idx %arg14[%add3A_567] : memref<8320xf32, #tpu.memory_space<vmem>>[vector<16xi32>], vector<16xf32>,
      %max3A_569 = arith.maximumf %max3A_564, %gather3A_568 : vector<16xf32>
      %add3A_570 = arith.constant 2827 : i32
      %add3A_571 = vector.broadcast %add3A_570 : i32 to vector<16xi32>
      %add3A_572 = arith.addi %add3A_518, %add3A_571 : vector<16xi32>
      %gather3A_573 = tpu.vector_load_idx %arg14[%add3A_572] : memref<8320xf32, #tpu.memory_space<vmem>>[vector<16xi32>], vector<16xf32>,
      %max3A_574 = arith.maximumf %max3A_569, %gather3A_573 : vector<16xf32>
      %add3A_575 = arith.constant 3084 : i32
      %add3A_576 = vector.broadcast %add3A_575 : i32 to vector<16xi32>
      %add3A_577 = arith.addi %add3A_518, %add3A_576 : vector<16xi32>
      %gather3A_578 = tpu.vector_load_idx %arg14[%add3A_577] : memref<8320xf32, #tpu.memory_space<vmem>>[vector<16xi32>], vector<16xf32>,
      %max3A_579 = arith.maximumf %max3A_574, %gather3A_578 : vector<16xf32>
      %add3A_580 = arith.constant 3341 : i32
      %add3A_581 = vector.broadcast %add3A_580 : i32 to vector<16xi32>
      %add3A_582 = arith.addi %add3A_518, %add3A_581 : vector<16xi32>
      %gather3A_583 = tpu.vector_load_idx %arg14[%add3A_582] : memref<8320xf32, #tpu.memory_space<vmem>>[vector<16xi32>], vector<16xf32>,
      %max3A_584 = arith.maximumf %max3A_579, %gather3A_583 : vector<16xf32>
      %add3A_585 = arith.constant 3598 : i32
      %add3A_586 = vector.broadcast %add3A_585 : i32 to vector<16xi32>
      %add3A_587 = arith.addi %add3A_518, %add3A_586 : vector<16xi32>
      %gather3A_588 = tpu.vector_load_idx %arg14[%add3A_587] : memref<8320xf32, #tpu.memory_space<vmem>>[vector<16xi32>], vector<16xf32>,
      %max3A_589 = arith.maximumf %max3A_584, %gather3A_588 : vector<16xf32>
      %add3A_590 = arith.constant 3855 : i32
      %add3A_591 = vector.broadcast %add3A_590 : i32 to vector<16xi32>
      %add3A_592 = arith.addi %add3A_518, %add3A_591 : vector<16xi32>
      %gather3A_593 = tpu.vector_load_idx %arg14[%add3A_592] : memref<8320xf32, #tpu.memory_space<vmem>>[vector<16xi32>], vector<16xf32>,
      %max3A_594 = arith.maximumf %max3A_589, %gather3A_593 : vector<16xf32>
      %mul3A_595 = arith.constant 16 : i32
      %mul3A_596 = arith.muli %scan3A_74, %mul3A_595 : i32
      %add3A_597 = arith.constant 1280 : i32
      %add3A_598 = arith.addi %add3A_597, %mul3A_596 : i32
      %swap3A_599 = arith.index_cast %add3A_598 : i32 to index
      %swap3A_600 = tpu.vector_load %arg15[%swap3A_599] {strides = array<i32>} : memref<3072xf32, #tpu.memory_space<vmem>>, vector<16xf32>,
      tpu.vector_store %arg15[%swap3A_599], %max3A_594 {strides = array<i32>} : memref<3072xf32, #tpu.memory_space<vmem>>, vector<16xf32>,
      %mul3A_601 = arith.constant 16 : i32
      %mul3A_602 = arith.muli %scan3A_74, %mul3A_601 : i32
      %add3A_603 = arith.constant 4112 : i32
      %add3A_604 = arith.addi %add3A_603, %mul3A_602 : i32
      %add3A_605 = vector.broadcast %add3A_604 : i32 to vector<16xi32>
      %add3A_606 = arith.addi %add3A_605, %iota3A : vector<16xi32>
      %gather3A_607 = tpu.vector_load_idx %arg9[%add3A_606] : memref<8320xf32, #tpu.memory_space<vmem>>[vector<16xi32>], vector<16xf32>,
      %add3A_608 = arith.constant 257 : i32
      %add3A_609 = vector.broadcast %add3A_608 : i32 to vector<16xi32>
      %add3A_610 = arith.addi %add3A_606, %add3A_609 : vector<16xi32>
      %gather3A_611 = tpu.vector_load_idx %arg9[%add3A_610] : memref<8320xf32, #tpu.memory_space<vmem>>[vector<16xi32>], vector<16xf32>,
      %max3A_612 = arith.maximumf %gather3A_607, %gather3A_611 : vector<16xf32>
      %add3A_613 = arith.constant 514 : i32
      %add3A_614 = vector.broadcast %add3A_613 : i32 to vector<16xi32>
      %add3A_615 = arith.addi %add3A_606, %add3A_614 : vector<16xi32>
      %gather3A_616 = tpu.vector_load_idx %arg9[%add3A_615] : memref<8320xf32, #tpu.memory_space<vmem>>[vector<16xi32>], vector<16xf32>,
      %max3A_617 = arith.maximumf %max3A_612, %gather3A_616 : vector<16xf32>
      %add3A_618 = arith.constant 771 : i32
      %add3A_619 = vector.broadcast %add3A_618 : i32 to vector<16xi32>
      %add3A_620 = arith.addi %add3A_606, %add3A_619 : vector<16xi32>
      %gather3A_621 = tpu.vector_load_idx %arg9[%add3A_620] : memref<8320xf32, #tpu.memory_space<vmem>>[vector<16xi32>], vector<16xf32>,
      %max3A_622 = arith.maximumf %max3A_617, %gather3A_621 : vector<16xf32>
      %add3A_623 = arith.constant 1028 : i32
      %add3A_624 = vector.broadcast %add3A_623 : i32 to vector<16xi32>
      %add3A_625 = arith.addi %add3A_606, %add3A_624 : vector<16xi32>
      %gather3A_626 = tpu.vector_load_idx %arg9[%add3A_625] : memref<8320xf32, #tpu.memory_space<vmem>>[vector<16xi32>], vector<16xf32>,
      %max3A_627 = arith.maximumf %max3A_622, %gather3A_626 : vector<16xf32>
      %add3A_628 = arith.constant 1285 : i32
      %add3A_629 = vector.broadcast %add3A_628 : i32 to vector<16xi32>
      %add3A_630 = arith.addi %add3A_606, %add3A_629 : vector<16xi32>
      %gather3A_631 = tpu.vector_load_idx %arg9[%add3A_630] : memref<8320xf32, #tpu.memory_space<vmem>>[vector<16xi32>], vector<16xf32>,
      %max3A_632 = arith.maximumf %max3A_627, %gather3A_631 : vector<16xf32>
      %add3A_633 = arith.constant 1542 : i32
      %add3A_634 = vector.broadcast %add3A_633 : i32 to vector<16xi32>
      %add3A_635 = arith.addi %add3A_606, %add3A_634 : vector<16xi32>
      %gather3A_636 = tpu.vector_load_idx %arg9[%add3A_635] : memref<8320xf32, #tpu.memory_space<vmem>>[vector<16xi32>], vector<16xf32>,
      %max3A_637 = arith.maximumf %max3A_632, %gather3A_636 : vector<16xf32>
      %add3A_638 = arith.constant 1799 : i32
      %add3A_639 = vector.broadcast %add3A_638 : i32 to vector<16xi32>
      %add3A_640 = arith.addi %add3A_606, %add3A_639 : vector<16xi32>
      %gather3A_641 = tpu.vector_load_idx %arg9[%add3A_640] : memref<8320xf32, #tpu.memory_space<vmem>>[vector<16xi32>], vector<16xf32>,
      %max3A_642 = arith.maximumf %max3A_637, %gather3A_641 : vector<16xf32>
      %add3A_643 = arith.constant 2056 : i32
      %add3A_644 = vector.broadcast %add3A_643 : i32 to vector<16xi32>
      %add3A_645 = arith.addi %add3A_606, %add3A_644 : vector<16xi32>
      %gather3A_646 = tpu.vector_load_idx %arg9[%add3A_645] : memref<8320xf32, #tpu.memory_space<vmem>>[vector<16xi32>], vector<16xf32>,
      %max3A_647 = arith.maximumf %max3A_642, %gather3A_646 : vector<16xf32>
      %add3A_648 = arith.constant 2313 : i32
      %add3A_649 = vector.broadcast %add3A_648 : i32 to vector<16xi32>
      %add3A_650 = arith.addi %add3A_606, %add3A_649 : vector<16xi32>
      %gather3A_651 = tpu.vector_load_idx %arg9[%add3A_650] : memref<8320xf32, #tpu.memory_space<vmem>>[vector<16xi32>], vector<16xf32>,
      %max3A_652 = arith.maximumf %max3A_647, %gather3A_651 : vector<16xf32>
      %add3A_653 = arith.constant 2570 : i32
      %add3A_654 = vector.broadcast %add3A_653 : i32 to vector<16xi32>
      %add3A_655 = arith.addi %add3A_606, %add3A_654 : vector<16xi32>
      %gather3A_656 = tpu.vector_load_idx %arg9[%add3A_655] : memref<8320xf32, #tpu.memory_space<vmem>>[vector<16xi32>], vector<16xf32>,
      %max3A_657 = arith.maximumf %max3A_652, %gather3A_656 : vector<16xf32>
      %add3A_658 = arith.constant 2827 : i32
      %add3A_659 = vector.broadcast %add3A_658 : i32 to vector<16xi32>
      %add3A_660 = arith.addi %add3A_606, %add3A_659 : vector<16xi32>
      %gather3A_661 = tpu.vector_load_idx %arg9[%add3A_660] : memref<8320xf32, #tpu.memory_space<vmem>>[vector<16xi32>], vector<16xf32>,
      %max3A_662 = arith.maximumf %max3A_657, %gather3A_661 : vector<16xf32>
      %add3A_663 = arith.constant 3084 : i32
      %add3A_664 = vector.broadcast %add3A_663 : i32 to vector<16xi32>
      %add3A_665 = arith.addi %add3A_606, %add3A_664 : vector<16xi32>
      %gather3A_666 = tpu.vector_load_idx %arg9[%add3A_665] : memref<8320xf32, #tpu.memory_space<vmem>>[vector<16xi32>], vector<16xf32>,
      %max3A_667 = arith.maximumf %max3A_662, %gather3A_666 : vector<16xf32>
      %add3A_668 = arith.constant 3341 : i32
      %add3A_669 = vector.broadcast %add3A_668 : i32 to vector<16xi32>
      %add3A_670 = arith.addi %add3A_606, %add3A_669 : vector<16xi32>
      %gather3A_671 = tpu.vector_load_idx %arg9[%add3A_670] : memref<8320xf32, #tpu.memory_space<vmem>>[vector<16xi32>], vector<16xf32>,
      %max3A_672 = arith.maximumf %max3A_667, %gather3A_671 : vector<16xf32>
      %add3A_673 = arith.constant 3598 : i32
      %add3A_674 = vector.broadcast %add3A_673 : i32 to vector<16xi32>
      %add3A_675 = arith.addi %add3A_606, %add3A_674 : vector<16xi32>
      %gather3A_676 = tpu.vector_load_idx %arg9[%add3A_675] : memref<8320xf32, #tpu.memory_space<vmem>>[vector<16xi32>], vector<16xf32>,
      %max3A_677 = arith.maximumf %max3A_672, %gather3A_676 : vector<16xf32>
      %add3A_678 = arith.constant 3855 : i32
      %add3A_679 = vector.broadcast %add3A_678 : i32 to vector<16xi32>
      %add3A_680 = arith.addi %add3A_606, %add3A_679 : vector<16xi32>
      %gather3A_681 = tpu.vector_load_idx %arg9[%add3A_680] : memref<8320xf32, #tpu.memory_space<vmem>>[vector<16xi32>], vector<16xf32>,
      %max3A_682 = arith.maximumf %max3A_677, %gather3A_681 : vector<16xf32>
      %mul3A_683 = arith.constant 16 : i32
      %mul3A_684 = arith.muli %scan3A_74, %mul3A_683 : i32
      %add3A_685 = arith.constant 1536 : i32
      %add3A_686 = arith.addi %add3A_685, %mul3A_684 : i32
      %swap3A_687 = arith.index_cast %add3A_686 : i32 to index
      %swap3A_688 = tpu.vector_load %arg15[%swap3A_687] {strides = array<i32>} : memref<3072xf32, #tpu.memory_space<vmem>>, vector<16xf32>,
      tpu.vector_store %arg15[%swap3A_687], %max3A_682 {strides = array<i32>} : memref<3072xf32, #tpu.memory_space<vmem>>, vector<16xf32>,
      %mul3A_689 = arith.constant 16 : i32
      %mul3A_690 = arith.muli %scan3A_74, %mul3A_689 : i32
      %add3A_691 = arith.constant 4112 : i32
      %add3A_692 = arith.addi %add3A_691, %mul3A_690 : i32
      %add3A_693 = vector.broadcast %add3A_692 : i32 to vector<16xi32>
      %add3A_694 = arith.addi %add3A_693, %iota3A : vector<16xi32>
      %gather3A_695 = tpu.vector_load_idx %arg10[%add3A_694] : memref<8320xf32, #tpu.memory_space<vmem>>[vector<16xi32>], vector<16xf32>,
      %add3A_696 = arith.constant 257 : i32
      %add3A_697 = vector.broadcast %add3A_696 : i32 to vector<16xi32>
      %add3A_698 = arith.addi %add3A_694, %add3A_697 : vector<16xi32>
      %gather3A_699 = tpu.vector_load_idx %arg10[%add3A_698] : memref<8320xf32, #tpu.memory_space<vmem>>[vector<16xi32>], vector<16xf32>,
      %max3A_700 = arith.maximumf %gather3A_695, %gather3A_699 : vector<16xf32>
      %add3A_701 = arith.constant 514 : i32
      %add3A_702 = vector.broadcast %add3A_701 : i32 to vector<16xi32>
      %add3A_703 = arith.addi %add3A_694, %add3A_702 : vector<16xi32>
      %gather3A_704 = tpu.vector_load_idx %arg10[%add3A_703] : memref<8320xf32, #tpu.memory_space<vmem>>[vector<16xi32>], vector<16xf32>,
      %max3A_705 = arith.maximumf %max3A_700, %gather3A_704 : vector<16xf32>
      %add3A_706 = arith.constant 771 : i32
      %add3A_707 = vector.broadcast %add3A_706 : i32 to vector<16xi32>
      %add3A_708 = arith.addi %add3A_694, %add3A_707 : vector<16xi32>
      %gather3A_709 = tpu.vector_load_idx %arg10[%add3A_708] : memref<8320xf32, #tpu.memory_space<vmem>>[vector<16xi32>], vector<16xf32>,
      %max3A_710 = arith.maximumf %max3A_705, %gather3A_709 : vector<16xf32>
      %add3A_711 = arith.constant 1028 : i32
      %add3A_712 = vector.broadcast %add3A_711 : i32 to vector<16xi32>
      %add3A_713 = arith.addi %add3A_694, %add3A_712 : vector<16xi32>
      %gather3A_714 = tpu.vector_load_idx %arg10[%add3A_713] : memref<8320xf32, #tpu.memory_space<vmem>>[vector<16xi32>], vector<16xf32>,
      %max3A_715 = arith.maximumf %max3A_710, %gather3A_714 : vector<16xf32>
      %add3A_716 = arith.constant 1285 : i32
      %add3A_717 = vector.broadcast %add3A_716 : i32 to vector<16xi32>
      %add3A_718 = arith.addi %add3A_694, %add3A_717 : vector<16xi32>
      %gather3A_719 = tpu.vector_load_idx %arg10[%add3A_718] : memref<8320xf32, #tpu.memory_space<vmem>>[vector<16xi32>], vector<16xf32>,
      %max3A_720 = arith.maximumf %max3A_715, %gather3A_719 : vector<16xf32>
      %add3A_721 = arith.constant 1542 : i32
      %add3A_722 = vector.broadcast %add3A_721 : i32 to vector<16xi32>
      %add3A_723 = arith.addi %add3A_694, %add3A_722 : vector<16xi32>
      %gather3A_724 = tpu.vector_load_idx %arg10[%add3A_723] : memref<8320xf32, #tpu.memory_space<vmem>>[vector<16xi32>], vector<16xf32>,
      %max3A_725 = arith.maximumf %max3A_720, %gather3A_724 : vector<16xf32>
      %add3A_726 = arith.constant 1799 : i32
      %add3A_727 = vector.broadcast %add3A_726 : i32 to vector<16xi32>
      %add3A_728 = arith.addi %add3A_694, %add3A_727 : vector<16xi32>
      %gather3A_729 = tpu.vector_load_idx %arg10[%add3A_728] : memref<8320xf32, #tpu.memory_space<vmem>>[vector<16xi32>], vector<16xf32>,
      %max3A_730 = arith.maximumf %max3A_725, %gather3A_729 : vector<16xf32>
      %add3A_731 = arith.constant 2056 : i32
      %add3A_732 = vector.broadcast %add3A_731 : i32 to vector<16xi32>
      %add3A_733 = arith.addi %add3A_694, %add3A_732 : vector<16xi32>
      %gather3A_734 = tpu.vector_load_idx %arg10[%add3A_733] : memref<8320xf32, #tpu.memory_space<vmem>>[vector<16xi32>], vector<16xf32>,
      %max3A_735 = arith.maximumf %max3A_730, %gather3A_734 : vector<16xf32>
      %add3A_736 = arith.constant 2313 : i32
      %add3A_737 = vector.broadcast %add3A_736 : i32 to vector<16xi32>
      %add3A_738 = arith.addi %add3A_694, %add3A_737 : vector<16xi32>
      %gather3A_739 = tpu.vector_load_idx %arg10[%add3A_738] : memref<8320xf32, #tpu.memory_space<vmem>>[vector<16xi32>], vector<16xf32>,
      %max3A_740 = arith.maximumf %max3A_735, %gather3A_739 : vector<16xf32>
      %add3A_741 = arith.constant 2570 : i32
      %add3A_742 = vector.broadcast %add3A_741 : i32 to vector<16xi32>
      %add3A_743 = arith.addi %add3A_694, %add3A_742 : vector<16xi32>
      %gather3A_744 = tpu.vector_load_idx %arg10[%add3A_743] : memref<8320xf32, #tpu.memory_space<vmem>>[vector<16xi32>], vector<16xf32>,
      %max3A_745 = arith.maximumf %max3A_740, %gather3A_744 : vector<16xf32>
      %add3A_746 = arith.constant 2827 : i32
      %add3A_747 = vector.broadcast %add3A_746 : i32 to vector<16xi32>
      %add3A_748 = arith.addi %add3A_694, %add3A_747 : vector<16xi32>
      %gather3A_749 = tpu.vector_load_idx %arg10[%add3A_748] : memref<8320xf32, #tpu.memory_space<vmem>>[vector<16xi32>], vector<16xf32>,
      %max3A_750 = arith.maximumf %max3A_745, %gather3A_749 : vector<16xf32>
      %add3A_751 = arith.constant 3084 : i32
      %add3A_752 = vector.broadcast %add3A_751 : i32 to vector<16xi32>
      %add3A_753 = arith.addi %add3A_694, %add3A_752 : vector<16xi32>
      %gather3A_754 = tpu.vector_load_idx %arg10[%add3A_753] : memref<8320xf32, #tpu.memory_space<vmem>>[vector<16xi32>], vector<16xf32>,
      %max3A_755 = arith.maximumf %max3A_750, %gather3A_754 : vector<16xf32>
      %add3A_756 = arith.constant 3341 : i32
      %add3A_757 = vector.broadcast %add3A_756 : i32 to vector<16xi32>
      %add3A_758 = arith.addi %add3A_694, %add3A_757 : vector<16xi32>
      %gather3A_759 = tpu.vector_load_idx %arg10[%add3A_758] : memref<8320xf32, #tpu.memory_space<vmem>>[vector<16xi32>], vector<16xf32>,
      %max3A_760 = arith.maximumf %max3A_755, %gather3A_759 : vector<16xf32>
      %add3A_761 = arith.constant 3598 : i32
      %add3A_762 = vector.broadcast %add3A_761 : i32 to vector<16xi32>
      %add3A_763 = arith.addi %add3A_694, %add3A_762 : vector<16xi32>
      %gather3A_764 = tpu.vector_load_idx %arg10[%add3A_763] : memref<8320xf32, #tpu.memory_space<vmem>>[vector<16xi32>], vector<16xf32>,
      %max3A_765 = arith.maximumf %max3A_760, %gather3A_764 : vector<16xf32>
      %add3A_766 = arith.constant 3855 : i32
      %add3A_767 = vector.broadcast %add3A_766 : i32 to vector<16xi32>
      %add3A_768 = arith.addi %add3A_694, %add3A_767 : vector<16xi32>
      %gather3A_769 = tpu.vector_load_idx %arg10[%add3A_768] : memref<8320xf32, #tpu.memory_space<vmem>>[vector<16xi32>], vector<16xf32>,
      %max3A_770 = arith.maximumf %max3A_765, %gather3A_769 : vector<16xf32>
      %mul3A_771 = arith.constant 16 : i32
      %mul3A_772 = arith.muli %scan3A_74, %mul3A_771 : i32
      %add3A_773 = arith.constant 1792 : i32
      %add3A_774 = arith.addi %add3A_773, %mul3A_772 : i32
      %swap3A_775 = arith.index_cast %add3A_774 : i32 to index
      %swap3A_776 = tpu.vector_load %arg15[%swap3A_775] {strides = array<i32>} : memref<3072xf32, #tpu.memory_space<vmem>>, vector<16xf32>,
      tpu.vector_store %arg15[%swap3A_775], %max3A_770 {strides = array<i32>} : memref<3072xf32, #tpu.memory_space<vmem>>, vector<16xf32>,
      %mul3A_777 = arith.constant 16 : i32
      %mul3A_778 = arith.muli %scan3A_74, %mul3A_777 : i32
      %add3A_779 = arith.constant 4112 : i32
      %add3A_780 = arith.addi %add3A_779, %mul3A_778 : i32
      %add3A_781 = vector.broadcast %add3A_780 : i32 to vector<16xi32>
      %add3A_782 = arith.addi %add3A_781, %iota3A : vector<16xi32>
      %gather3A_783 = tpu.vector_load_idx %arg11[%add3A_782] : memref<8320xf32, #tpu.memory_space<vmem>>[vector<16xi32>], vector<16xf32>,
      %add3A_784 = arith.constant 257 : i32
      %add3A_785 = vector.broadcast %add3A_784 : i32 to vector<16xi32>
      %add3A_786 = arith.addi %add3A_782, %add3A_785 : vector<16xi32>
      %gather3A_787 = tpu.vector_load_idx %arg11[%add3A_786] : memref<8320xf32, #tpu.memory_space<vmem>>[vector<16xi32>], vector<16xf32>,
      %max3A_788 = arith.maximumf %gather3A_783, %gather3A_787 : vector<16xf32>
      %add3A_789 = arith.constant 514 : i32
      %add3A_790 = vector.broadcast %add3A_789 : i32 to vector<16xi32>
      %add3A_791 = arith.addi %add3A_782, %add3A_790 : vector<16xi32>
      %gather3A_792 = tpu.vector_load_idx %arg11[%add3A_791] : memref<8320xf32, #tpu.memory_space<vmem>>[vector<16xi32>], vector<16xf32>,
      %max3A_793 = arith.maximumf %max3A_788, %gather3A_792 : vector<16xf32>
      %add3A_794 = arith.constant 771 : i32
      %add3A_795 = vector.broadcast %add3A_794 : i32 to vector<16xi32>
      %add3A_796 = arith.addi %add3A_782, %add3A_795 : vector<16xi32>
      %gather3A_797 = tpu.vector_load_idx %arg11[%add3A_796] : memref<8320xf32, #tpu.memory_space<vmem>>[vector<16xi32>], vector<16xf32>,
      %max3A_798 = arith.maximumf %max3A_793, %gather3A_797 : vector<16xf32>
      %add3A_799 = arith.constant 1028 : i32
      %add3A_800 = vector.broadcast %add3A_799 : i32 to vector<16xi32>
      %add3A_801 = arith.addi %add3A_782, %add3A_800 : vector<16xi32>
      %gather3A_802 = tpu.vector_load_idx %arg11[%add3A_801] : memref<8320xf32, #tpu.memory_space<vmem>>[vector<16xi32>], vector<16xf32>,
      %max3A_803 = arith.maximumf %max3A_798, %gather3A_802 : vector<16xf32>
      %add3A_804 = arith.constant 1285 : i32
      %add3A_805 = vector.broadcast %add3A_804 : i32 to vector<16xi32>
      %add3A_806 = arith.addi %add3A_782, %add3A_805 : vector<16xi32>
      %gather3A_807 = tpu.vector_load_idx %arg11[%add3A_806] : memref<8320xf32, #tpu.memory_space<vmem>>[vector<16xi32>], vector<16xf32>,
      %max3A_808 = arith.maximumf %max3A_803, %gather3A_807 : vector<16xf32>
      %add3A_809 = arith.constant 1542 : i32
      %add3A_810 = vector.broadcast %add3A_809 : i32 to vector<16xi32>
      %add3A_811 = arith.addi %add3A_782, %add3A_810 : vector<16xi32>
      %gather3A_812 = tpu.vector_load_idx %arg11[%add3A_811] : memref<8320xf32, #tpu.memory_space<vmem>>[vector<16xi32>], vector<16xf32>,
      %max3A_813 = arith.maximumf %max3A_808, %gather3A_812 : vector<16xf32>
      %add3A_814 = arith.constant 1799 : i32
      %add3A_815 = vector.broadcast %add3A_814 : i32 to vector<16xi32>
      %add3A_816 = arith.addi %add3A_782, %add3A_815 : vector<16xi32>
      %gather3A_817 = tpu.vector_load_idx %arg11[%add3A_816] : memref<8320xf32, #tpu.memory_space<vmem>>[vector<16xi32>], vector<16xf32>,
      %max3A_818 = arith.maximumf %max3A_813, %gather3A_817 : vector<16xf32>
      %add3A_819 = arith.constant 2056 : i32
      %add3A_820 = vector.broadcast %add3A_819 : i32 to vector<16xi32>
      %add3A_821 = arith.addi %add3A_782, %add3A_820 : vector<16xi32>
      %gather3A_822 = tpu.vector_load_idx %arg11[%add3A_821] : memref<8320xf32, #tpu.memory_space<vmem>>[vector<16xi32>], vector<16xf32>,
      %max3A_823 = arith.maximumf %max3A_818, %gather3A_822 : vector<16xf32>
      %add3A_824 = arith.constant 2313 : i32
      %add3A_825 = vector.broadcast %add3A_824 : i32 to vector<16xi32>
      %add3A_826 = arith.addi %add3A_782, %add3A_825 : vector<16xi32>
      %gather3A_827 = tpu.vector_load_idx %arg11[%add3A_826] : memref<8320xf32, #tpu.memory_space<vmem>>[vector<16xi32>], vector<16xf32>,
      %max3A_828 = arith.maximumf %max3A_823, %gather3A_827 : vector<16xf32>
      %add3A_829 = arith.constant 2570 : i32
      %add3A_830 = vector.broadcast %add3A_829 : i32 to vector<16xi32>
      %add3A_831 = arith.addi %add3A_782, %add3A_830 : vector<16xi32>
      %gather3A_832 = tpu.vector_load_idx %arg11[%add3A_831] : memref<8320xf32, #tpu.memory_space<vmem>>[vector<16xi32>], vector<16xf32>,
      %max3A_833 = arith.maximumf %max3A_828, %gather3A_832 : vector<16xf32>
      %add3A_834 = arith.constant 2827 : i32
      %add3A_835 = vector.broadcast %add3A_834 : i32 to vector<16xi32>
      %add3A_836 = arith.addi %add3A_782, %add3A_835 : vector<16xi32>
      %gather3A_837 = tpu.vector_load_idx %arg11[%add3A_836] : memref<8320xf32, #tpu.memory_space<vmem>>[vector<16xi32>], vector<16xf32>,
      %max3A_838 = arith.maximumf %max3A_833, %gather3A_837 : vector<16xf32>
      %add3A_839 = arith.constant 3084 : i32
      %add3A_840 = vector.broadcast %add3A_839 : i32 to vector<16xi32>
      %add3A_841 = arith.addi %add3A_782, %add3A_840 : vector<16xi32>
      %gather3A_842 = tpu.vector_load_idx %arg11[%add3A_841] : memref<8320xf32, #tpu.memory_space<vmem>>[vector<16xi32>], vector<16xf32>,
      %max3A_843 = arith.maximumf %max3A_838, %gather3A_842 : vector<16xf32>
      %add3A_844 = arith.constant 3341 : i32
      %add3A_845 = vector.broadcast %add3A_844 : i32 to vector<16xi32>
      %add3A_846 = arith.addi %add3A_782, %add3A_845 : vector<16xi32>
      %gather3A_847 = tpu.vector_load_idx %arg11[%add3A_846] : memref<8320xf32, #tpu.memory_space<vmem>>[vector<16xi32>], vector<16xf32>,
      %max3A_848 = arith.maximumf %max3A_843, %gather3A_847 : vector<16xf32>
      %add3A_849 = arith.constant 3598 : i32
      %add3A_850 = vector.broadcast %add3A_849 : i32 to vector<16xi32>
      %add3A_851 = arith.addi %add3A_782, %add3A_850 : vector<16xi32>
      %gather3A_852 = tpu.vector_load_idx %arg11[%add3A_851] : memref<8320xf32, #tpu.memory_space<vmem>>[vector<16xi32>], vector<16xf32>,
      %max3A_853 = arith.maximumf %max3A_848, %gather3A_852 : vector<16xf32>
      %add3A_854 = arith.constant 3855 : i32
      %add3A_855 = vector.broadcast %add3A_854 : i32 to vector<16xi32>
      %add3A_856 = arith.addi %add3A_782, %add3A_855 : vector<16xi32>
      %gather3A_857 = tpu.vector_load_idx %arg11[%add3A_856] : memref<8320xf32, #tpu.memory_space<vmem>>[vector<16xi32>], vector<16xf32>,
      %max3A_858 = arith.maximumf %max3A_853, %gather3A_857 : vector<16xf32>
      %mul3A_859 = arith.constant 16 : i32
      %mul3A_860 = arith.muli %scan3A_74, %mul3A_859 : i32
      %add3A_861 = arith.constant 2048 : i32
      %add3A_862 = arith.addi %add3A_861, %mul3A_860 : i32
      %swap3A_863 = arith.index_cast %add3A_862 : i32 to index
      %swap3A_864 = tpu.vector_load %arg15[%swap3A_863] {strides = array<i32>} : memref<3072xf32, #tpu.memory_space<vmem>>, vector<16xf32>,
      tpu.vector_store %arg15[%swap3A_863], %max3A_858 {strides = array<i32>} : memref<3072xf32, #tpu.memory_space<vmem>>, vector<16xf32>,
      %mul3A_865 = arith.constant 16 : i32
      %mul3A_866 = arith.muli %scan3A_74, %mul3A_865 : i32
      %add3A_867 = arith.constant 4112 : i32
      %add3A_868 = arith.addi %add3A_867, %mul3A_866 : i32
      %add3A_869 = vector.broadcast %add3A_868 : i32 to vector<16xi32>
      %add3A_870 = arith.addi %add3A_869, %iota3A : vector<16xi32>
      %gather3A_871 = tpu.vector_load_idx %arg12[%add3A_870] : memref<8320xf32, #tpu.memory_space<vmem>>[vector<16xi32>], vector<16xf32>,
      %add3A_872 = arith.constant 257 : i32
      %add3A_873 = vector.broadcast %add3A_872 : i32 to vector<16xi32>
      %add3A_874 = arith.addi %add3A_870, %add3A_873 : vector<16xi32>
      %gather3A_875 = tpu.vector_load_idx %arg12[%add3A_874] : memref<8320xf32, #tpu.memory_space<vmem>>[vector<16xi32>], vector<16xf32>,
      %max3A_876 = arith.maximumf %gather3A_871, %gather3A_875 : vector<16xf32>
      %add3A_877 = arith.constant 514 : i32
      %add3A_878 = vector.broadcast %add3A_877 : i32 to vector<16xi32>
      %add3A_879 = arith.addi %add3A_870, %add3A_878 : vector<16xi32>
      %gather3A_880 = tpu.vector_load_idx %arg12[%add3A_879] : memref<8320xf32, #tpu.memory_space<vmem>>[vector<16xi32>], vector<16xf32>,
      %max3A_881 = arith.maximumf %max3A_876, %gather3A_880 : vector<16xf32>
      %add3A_882 = arith.constant 771 : i32
      %add3A_883 = vector.broadcast %add3A_882 : i32 to vector<16xi32>
      %add3A_884 = arith.addi %add3A_870, %add3A_883 : vector<16xi32>
      %gather3A_885 = tpu.vector_load_idx %arg12[%add3A_884] : memref<8320xf32, #tpu.memory_space<vmem>>[vector<16xi32>], vector<16xf32>,
      %max3A_886 = arith.maximumf %max3A_881, %gather3A_885 : vector<16xf32>
      %add3A_887 = arith.constant 1028 : i32
      %add3A_888 = vector.broadcast %add3A_887 : i32 to vector<16xi32>
      %add3A_889 = arith.addi %add3A_870, %add3A_888 : vector<16xi32>
      %gather3A_890 = tpu.vector_load_idx %arg12[%add3A_889] : memref<8320xf32, #tpu.memory_space<vmem>>[vector<16xi32>], vector<16xf32>,
      %max3A_891 = arith.maximumf %max3A_886, %gather3A_890 : vector<16xf32>
      %add3A_892 = arith.constant 1285 : i32
      %add3A_893 = vector.broadcast %add3A_892 : i32 to vector<16xi32>
      %add3A_894 = arith.addi %add3A_870, %add3A_893 : vector<16xi32>
      %gather3A_895 = tpu.vector_load_idx %arg12[%add3A_894] : memref<8320xf32, #tpu.memory_space<vmem>>[vector<16xi32>], vector<16xf32>,
      %max3A_896 = arith.maximumf %max3A_891, %gather3A_895 : vector<16xf32>
      %add3A_897 = arith.constant 1542 : i32
      %add3A_898 = vector.broadcast %add3A_897 : i32 to vector<16xi32>
      %add3A_899 = arith.addi %add3A_870, %add3A_898 : vector<16xi32>
      %gather3A_900 = tpu.vector_load_idx %arg12[%add3A_899] : memref<8320xf32, #tpu.memory_space<vmem>>[vector<16xi32>], vector<16xf32>,
      %max3A_901 = arith.maximumf %max3A_896, %gather3A_900 : vector<16xf32>
      %add3A_902 = arith.constant 1799 : i32
      %add3A_903 = vector.broadcast %add3A_902 : i32 to vector<16xi32>
      %add3A_904 = arith.addi %add3A_870, %add3A_903 : vector<16xi32>
      %gather3A_905 = tpu.vector_load_idx %arg12[%add3A_904] : memref<8320xf32, #tpu.memory_space<vmem>>[vector<16xi32>], vector<16xf32>,
      %max3A_906 = arith.maximumf %max3A_901, %gather3A_905 : vector<16xf32>
      %add3A_907 = arith.constant 2056 : i32
      %add3A_908 = vector.broadcast %add3A_907 : i32 to vector<16xi32>
      %add3A_909 = arith.addi %add3A_870, %add3A_908 : vector<16xi32>
      %gather3A_910 = tpu.vector_load_idx %arg12[%add3A_909] : memref<8320xf32, #tpu.memory_space<vmem>>[vector<16xi32>], vector<16xf32>,
      %max3A_911 = arith.maximumf %max3A_906, %gather3A_910 : vector<16xf32>
      %add3A_912 = arith.constant 2313 : i32
      %add3A_913 = vector.broadcast %add3A_912 : i32 to vector<16xi32>
      %add3A_914 = arith.addi %add3A_870, %add3A_913 : vector<16xi32>
      %gather3A_915 = tpu.vector_load_idx %arg12[%add3A_914] : memref<8320xf32, #tpu.memory_space<vmem>>[vector<16xi32>], vector<16xf32>,
      %max3A_916 = arith.maximumf %max3A_911, %gather3A_915 : vector<16xf32>
      %add3A_917 = arith.constant 2570 : i32
      %add3A_918 = vector.broadcast %add3A_917 : i32 to vector<16xi32>
      %add3A_919 = arith.addi %add3A_870, %add3A_918 : vector<16xi32>
      %gather3A_920 = tpu.vector_load_idx %arg12[%add3A_919] : memref<8320xf32, #tpu.memory_space<vmem>>[vector<16xi32>], vector<16xf32>,
      %max3A_921 = arith.maximumf %max3A_916, %gather3A_920 : vector<16xf32>
      %add3A_922 = arith.constant 2827 : i32
      %add3A_923 = vector.broadcast %add3A_922 : i32 to vector<16xi32>
      %add3A_924 = arith.addi %add3A_870, %add3A_923 : vector<16xi32>
      %gather3A_925 = tpu.vector_load_idx %arg12[%add3A_924] : memref<8320xf32, #tpu.memory_space<vmem>>[vector<16xi32>], vector<16xf32>,
      %max3A_926 = arith.maximumf %max3A_921, %gather3A_925 : vector<16xf32>
      %add3A_927 = arith.constant 3084 : i32
      %add3A_928 = vector.broadcast %add3A_927 : i32 to vector<16xi32>
      %add3A_929 = arith.addi %add3A_870, %add3A_928 : vector<16xi32>
      %gather3A_930 = tpu.vector_load_idx %arg12[%add3A_929] : memref<8320xf32, #tpu.memory_space<vmem>>[vector<16xi32>], vector<16xf32>,
      %max3A_931 = arith.maximumf %max3A_926, %gather3A_930 : vector<16xf32>
      %add3A_932 = arith.constant 3341 : i32
      %add3A_933 = vector.broadcast %add3A_932 : i32 to vector<16xi32>
      %add3A_934 = arith.addi %add3A_870, %add3A_933 : vector<16xi32>
      %gather3A_935 = tpu.vector_load_idx %arg12[%add3A_934] : memref<8320xf32, #tpu.memory_space<vmem>>[vector<16xi32>], vector<16xf32>,
      %max3A_936 = arith.maximumf %max3A_931, %gather3A_935 : vector<16xf32>
      %add3A_937 = arith.constant 3598 : i32
      %add3A_938 = vector.broadcast %add3A_937 : i32 to vector<16xi32>
      %add3A_939 = arith.addi %add3A_870, %add3A_938 : vector<16xi32>
      %gather3A_940 = tpu.vector_load_idx %arg12[%add3A_939] : memref<8320xf32, #tpu.memory_space<vmem>>[vector<16xi32>], vector<16xf32>,
      %max3A_941 = arith.maximumf %max3A_936, %gather3A_940 : vector<16xf32>
      %add3A_942 = arith.constant 3855 : i32
      %add3A_943 = vector.broadcast %add3A_942 : i32 to vector<16xi32>
      %add3A_944 = arith.addi %add3A_870, %add3A_943 : vector<16xi32>
      %gather3A_945 = tpu.vector_load_idx %arg12[%add3A_944] : memref<8320xf32, #tpu.memory_space<vmem>>[vector<16xi32>], vector<16xf32>,
      %max3A_946 = arith.maximumf %max3A_941, %gather3A_945 : vector<16xf32>
      %mul3A_947 = arith.constant 16 : i32
      %mul3A_948 = arith.muli %scan3A_74, %mul3A_947 : i32
      %add3A_949 = arith.constant 2304 : i32
      %add3A_950 = arith.addi %add3A_949, %mul3A_948 : i32
      %swap3A_951 = arith.index_cast %add3A_950 : i32 to index
      %swap3A_952 = tpu.vector_load %arg15[%swap3A_951] {strides = array<i32>} : memref<3072xf32, #tpu.memory_space<vmem>>, vector<16xf32>,
      tpu.vector_store %arg15[%swap3A_951], %max3A_946 {strides = array<i32>} : memref<3072xf32, #tpu.memory_space<vmem>>, vector<16xf32>,
      %mul3A_953 = arith.constant 16 : i32
      %mul3A_954 = arith.muli %scan3A_74, %mul3A_953 : i32
      %add3A_955 = arith.constant 4112 : i32
      %add3A_956 = arith.addi %add3A_955, %mul3A_954 : i32
      %add3A_957 = vector.broadcast %add3A_956 : i32 to vector<16xi32>
      %add3A_958 = arith.addi %add3A_957, %iota3A : vector<16xi32>
      %gather3A_959 = tpu.vector_load_idx %arg13[%add3A_958] : memref<8320xf32, #tpu.memory_space<vmem>>[vector<16xi32>], vector<16xf32>,
      %add3A_960 = arith.constant 257 : i32
      %add3A_961 = vector.broadcast %add3A_960 : i32 to vector<16xi32>
      %add3A_962 = arith.addi %add3A_958, %add3A_961 : vector<16xi32>
      %gather3A_963 = tpu.vector_load_idx %arg13[%add3A_962] : memref<8320xf32, #tpu.memory_space<vmem>>[vector<16xi32>], vector<16xf32>,
      %max3A_964 = arith.maximumf %gather3A_959, %gather3A_963 : vector<16xf32>
      %add3A_965 = arith.constant 514 : i32
      %add3A_966 = vector.broadcast %add3A_965 : i32 to vector<16xi32>
      %add3A_967 = arith.addi %add3A_958, %add3A_966 : vector<16xi32>
      %gather3A_968 = tpu.vector_load_idx %arg13[%add3A_967] : memref<8320xf32, #tpu.memory_space<vmem>>[vector<16xi32>], vector<16xf32>,
      %max3A_969 = arith.maximumf %max3A_964, %gather3A_968 : vector<16xf32>
      %add3A_970 = arith.constant 771 : i32
      %add3A_971 = vector.broadcast %add3A_970 : i32 to vector<16xi32>
      %add3A_972 = arith.addi %add3A_958, %add3A_971 : vector<16xi32>
      %gather3A_973 = tpu.vector_load_idx %arg13[%add3A_972] : memref<8320xf32, #tpu.memory_space<vmem>>[vector<16xi32>], vector<16xf32>,
      %max3A_974 = arith.maximumf %max3A_969, %gather3A_973 : vector<16xf32>
      %add3A_975 = arith.constant 1028 : i32
      %add3A_976 = vector.broadcast %add3A_975 : i32 to vector<16xi32>
      %add3A_977 = arith.addi %add3A_958, %add3A_976 : vector<16xi32>
      %gather3A_978 = tpu.vector_load_idx %arg13[%add3A_977] : memref<8320xf32, #tpu.memory_space<vmem>>[vector<16xi32>], vector<16xf32>,
      %max3A_979 = arith.maximumf %max3A_974, %gather3A_978 : vector<16xf32>
      %add3A_980 = arith.constant 1285 : i32
      %add3A_981 = vector.broadcast %add3A_980 : i32 to vector<16xi32>
      %add3A_982 = arith.addi %add3A_958, %add3A_981 : vector<16xi32>
      %gather3A_983 = tpu.vector_load_idx %arg13[%add3A_982] : memref<8320xf32, #tpu.memory_space<vmem>>[vector<16xi32>], vector<16xf32>,
      %max3A_984 = arith.maximumf %max3A_979, %gather3A_983 : vector<16xf32>
      %add3A_985 = arith.constant 1542 : i32
      %add3A_986 = vector.broadcast %add3A_985 : i32 to vector<16xi32>
      %add3A_987 = arith.addi %add3A_958, %add3A_986 : vector<16xi32>
      %gather3A_988 = tpu.vector_load_idx %arg13[%add3A_987] : memref<8320xf32, #tpu.memory_space<vmem>>[vector<16xi32>], vector<16xf32>,
      %max3A_989 = arith.maximumf %max3A_984, %gather3A_988 : vector<16xf32>
      %add3A_990 = arith.constant 1799 : i32
      %add3A_991 = vector.broadcast %add3A_990 : i32 to vector<16xi32>
      %add3A_992 = arith.addi %add3A_958, %add3A_991 : vector<16xi32>
      %gather3A_993 = tpu.vector_load_idx %arg13[%add3A_992] : memref<8320xf32, #tpu.memory_space<vmem>>[vector<16xi32>], vector<16xf32>,
      %max3A_994 = arith.maximumf %max3A_989, %gather3A_993 : vector<16xf32>
      %add3A_995 = arith.constant 2056 : i32
      %add3A_996 = vector.broadcast %add3A_995 : i32 to vector<16xi32>
      %add3A_997 = arith.addi %add3A_958, %add3A_996 : vector<16xi32>
      %gather3A_998 = tpu.vector_load_idx %arg13[%add3A_997] : memref<8320xf32, #tpu.memory_space<vmem>>[vector<16xi32>], vector<16xf32>,
      %max3A_999 = arith.maximumf %max3A_994, %gather3A_998 : vector<16xf32>
      %add3A_1000 = arith.constant 2313 : i32
      %add3A_1001 = vector.broadcast %add3A_1000 : i32 to vector<16xi32>
      %add3A_1002 = arith.addi %add3A_958, %add3A_1001 : vector<16xi32>
      %gather3A_1003 = tpu.vector_load_idx %arg13[%add3A_1002] : memref<8320xf32, #tpu.memory_space<vmem>>[vector<16xi32>], vector<16xf32>,
      %max3A_1004 = arith.maximumf %max3A_999, %gather3A_1003 : vector<16xf32>
      %add3A_1005 = arith.constant 2570 : i32
      %add3A_1006 = vector.broadcast %add3A_1005 : i32 to vector<16xi32>
      %add3A_1007 = arith.addi %add3A_958, %add3A_1006 : vector<16xi32>
      %gather3A_1008 = tpu.vector_load_idx %arg13[%add3A_1007] : memref<8320xf32, #tpu.memory_space<vmem>>[vector<16xi32>], vector<16xf32>,
      %max3A_1009 = arith.maximumf %max3A_1004, %gather3A_1008 : vector<16xf32>
      %add3A_1010 = arith.constant 2827 : i32
      %add3A_1011 = vector.broadcast %add3A_1010 : i32 to vector<16xi32>
      %add3A_1012 = arith.addi %add3A_958, %add3A_1011 : vector<16xi32>
      %gather3A_1013 = tpu.vector_load_idx %arg13[%add3A_1012] : memref<8320xf32, #tpu.memory_space<vmem>>[vector<16xi32>], vector<16xf32>,
      %max3A_1014 = arith.maximumf %max3A_1009, %gather3A_1013 : vector<16xf32>
      %add3A_1015 = arith.constant 3084 : i32
      %add3A_1016 = vector.broadcast %add3A_1015 : i32 to vector<16xi32>
      %add3A_1017 = arith.addi %add3A_958, %add3A_1016 : vector<16xi32>
      %gather3A_1018 = tpu.vector_load_idx %arg13[%add3A_1017] : memref<8320xf32, #tpu.memory_space<vmem>>[vector<16xi32>], vector<16xf32>,
      %max3A_1019 = arith.maximumf %max3A_1014, %gather3A_1018 : vector<16xf32>
      %add3A_1020 = arith.constant 3341 : i32
      %add3A_1021 = vector.broadcast %add3A_1020 : i32 to vector<16xi32>
      %add3A_1022 = arith.addi %add3A_958, %add3A_1021 : vector<16xi32>
      %gather3A_1023 = tpu.vector_load_idx %arg13[%add3A_1022] : memref<8320xf32, #tpu.memory_space<vmem>>[vector<16xi32>], vector<16xf32>,
      %max3A_1024 = arith.maximumf %max3A_1019, %gather3A_1023 : vector<16xf32>
      %add3A_1025 = arith.constant 3598 : i32
      %add3A_1026 = vector.broadcast %add3A_1025 : i32 to vector<16xi32>
      %add3A_1027 = arith.addi %add3A_958, %add3A_1026 : vector<16xi32>
      %gather3A_1028 = tpu.vector_load_idx %arg13[%add3A_1027] : memref<8320xf32, #tpu.memory_space<vmem>>[vector<16xi32>], vector<16xf32>,
      %max3A_1029 = arith.maximumf %max3A_1024, %gather3A_1028 : vector<16xf32>
      %add3A_1030 = arith.constant 3855 : i32
      %add3A_1031 = vector.broadcast %add3A_1030 : i32 to vector<16xi32>
      %add3A_1032 = arith.addi %add3A_958, %add3A_1031 : vector<16xi32>
      %gather3A_1033 = tpu.vector_load_idx %arg13[%add3A_1032] : memref<8320xf32, #tpu.memory_space<vmem>>[vector<16xi32>], vector<16xf32>,
      %max3A_1034 = arith.maximumf %max3A_1029, %gather3A_1033 : vector<16xf32>
      %mul3A_1035 = arith.constant 16 : i32
      %mul3A_1036 = arith.muli %scan3A_74, %mul3A_1035 : i32
      %add3A_1037 = arith.constant 2560 : i32
      %add3A_1038 = arith.addi %add3A_1037, %mul3A_1036 : i32
      %swap3A_1039 = arith.index_cast %add3A_1038 : i32 to index
      %swap3A_1040 = tpu.vector_load %arg15[%swap3A_1039] {strides = array<i32>} : memref<3072xf32, #tpu.memory_space<vmem>>, vector<16xf32>,
      tpu.vector_store %arg15[%swap3A_1039], %max3A_1034 {strides = array<i32>} : memref<3072xf32, #tpu.memory_space<vmem>>, vector<16xf32>,
      %mul3A_1041 = arith.constant 16 : i32
      %mul3A_1042 = arith.muli %scan3A_74, %mul3A_1041 : i32
      %add3A_1043 = arith.constant 4112 : i32
      %add3A_1044 = arith.addi %add3A_1043, %mul3A_1042 : i32
      %add3A_1045 = vector.broadcast %add3A_1044 : i32 to vector<16xi32>
      %add3A_1046 = arith.addi %add3A_1045, %iota3A : vector<16xi32>
      %gather3A_1047 = tpu.vector_load_idx %arg14[%add3A_1046] : memref<8320xf32, #tpu.memory_space<vmem>>[vector<16xi32>], vector<16xf32>,
      %add3A_1048 = arith.constant 257 : i32
      %add3A_1049 = vector.broadcast %add3A_1048 : i32 to vector<16xi32>
      %add3A_1050 = arith.addi %add3A_1046, %add3A_1049 : vector<16xi32>
      %gather3A_1051 = tpu.vector_load_idx %arg14[%add3A_1050] : memref<8320xf32, #tpu.memory_space<vmem>>[vector<16xi32>], vector<16xf32>,
      %max3A_1052 = arith.maximumf %gather3A_1047, %gather3A_1051 : vector<16xf32>
      %add3A_1053 = arith.constant 514 : i32
      %add3A_1054 = vector.broadcast %add3A_1053 : i32 to vector<16xi32>
      %add3A_1055 = arith.addi %add3A_1046, %add3A_1054 : vector<16xi32>
      %gather3A_1056 = tpu.vector_load_idx %arg14[%add3A_1055] : memref<8320xf32, #tpu.memory_space<vmem>>[vector<16xi32>], vector<16xf32>,
      %max3A_1057 = arith.maximumf %max3A_1052, %gather3A_1056 : vector<16xf32>
      %add3A_1058 = arith.constant 771 : i32
      %add3A_1059 = vector.broadcast %add3A_1058 : i32 to vector<16xi32>
      %add3A_1060 = arith.addi %add3A_1046, %add3A_1059 : vector<16xi32>
      %gather3A_1061 = tpu.vector_load_idx %arg14[%add3A_1060] : memref<8320xf32, #tpu.memory_space<vmem>>[vector<16xi32>], vector<16xf32>,
      %max3A_1062 = arith.maximumf %max3A_1057, %gather3A_1061 : vector<16xf32>
      %add3A_1063 = arith.constant 1028 : i32
      %add3A_1064 = vector.broadcast %add3A_1063 : i32 to vector<16xi32>
      %add3A_1065 = arith.addi %add3A_1046, %add3A_1064 : vector<16xi32>
      %gather3A_1066 = tpu.vector_load_idx %arg14[%add3A_1065] : memref<8320xf32, #tpu.memory_space<vmem>>[vector<16xi32>], vector<16xf32>,
      %max3A_1067 = arith.maximumf %max3A_1062, %gather3A_1066 : vector<16xf32>
      %add3A_1068 = arith.constant 1285 : i32
      %add3A_1069 = vector.broadcast %add3A_1068 : i32 to vector<16xi32>
      %add3A_1070 = arith.addi %add3A_1046, %add3A_1069 : vector<16xi32>
      %gather3A_1071 = tpu.vector_load_idx %arg14[%add3A_1070] : memref<8320xf32, #tpu.memory_space<vmem>>[vector<16xi32>], vector<16xf32>,
      %max3A_1072 = arith.maximumf %max3A_1067, %gather3A_1071 : vector<16xf32>
      %add3A_1073 = arith.constant 1542 : i32
      %add3A_1074 = vector.broadcast %add3A_1073 : i32 to vector<16xi32>
      %add3A_1075 = arith.addi %add3A_1046, %add3A_1074 : vector<16xi32>
      %gather3A_1076 = tpu.vector_load_idx %arg14[%add3A_1075] : memref<8320xf32, #tpu.memory_space<vmem>>[vector<16xi32>], vector<16xf32>,
      %max3A_1077 = arith.maximumf %max3A_1072, %gather3A_1076 : vector<16xf32>
      %add3A_1078 = arith.constant 1799 : i32
      %add3A_1079 = vector.broadcast %add3A_1078 : i32 to vector<16xi32>
      %add3A_1080 = arith.addi %add3A_1046, %add3A_1079 : vector<16xi32>
      %gather3A_1081 = tpu.vector_load_idx %arg14[%add3A_1080] : memref<8320xf32, #tpu.memory_space<vmem>>[vector<16xi32>], vector<16xf32>,
      %max3A_1082 = arith.maximumf %max3A_1077, %gather3A_1081 : vector<16xf32>
      %add3A_1083 = arith.constant 2056 : i32
      %add3A_1084 = vector.broadcast %add3A_1083 : i32 to vector<16xi32>
      %add3A_1085 = arith.addi %add3A_1046, %add3A_1084 : vector<16xi32>
      %gather3A_1086 = tpu.vector_load_idx %arg14[%add3A_1085] : memref<8320xf32, #tpu.memory_space<vmem>>[vector<16xi32>], vector<16xf32>,
      %max3A_1087 = arith.maximumf %max3A_1082, %gather3A_1086 : vector<16xf32>
      %add3A_1088 = arith.constant 2313 : i32
      %add3A_1089 = vector.broadcast %add3A_1088 : i32 to vector<16xi32>
      %add3A_1090 = arith.addi %add3A_1046, %add3A_1089 : vector<16xi32>
      %gather3A_1091 = tpu.vector_load_idx %arg14[%add3A_1090] : memref<8320xf32, #tpu.memory_space<vmem>>[vector<16xi32>], vector<16xf32>,
      %max3A_1092 = arith.maximumf %max3A_1087, %gather3A_1091 : vector<16xf32>
      %add3A_1093 = arith.constant 2570 : i32
      %add3A_1094 = vector.broadcast %add3A_1093 : i32 to vector<16xi32>
      %add3A_1095 = arith.addi %add3A_1046, %add3A_1094 : vector<16xi32>
      %gather3A_1096 = tpu.vector_load_idx %arg14[%add3A_1095] : memref<8320xf32, #tpu.memory_space<vmem>>[vector<16xi32>], vector<16xf32>,
      %max3A_1097 = arith.maximumf %max3A_1092, %gather3A_1096 : vector<16xf32>
      %add3A_1098 = arith.constant 2827 : i32
      %add3A_1099 = vector.broadcast %add3A_1098 : i32 to vector<16xi32>
      %add3A_1100 = arith.addi %add3A_1046, %add3A_1099 : vector<16xi32>
      %gather3A_1101 = tpu.vector_load_idx %arg14[%add3A_1100] : memref<8320xf32, #tpu.memory_space<vmem>>[vector<16xi32>], vector<16xf32>,
      %max3A_1102 = arith.maximumf %max3A_1097, %gather3A_1101 : vector<16xf32>
      %add3A_1103 = arith.constant 3084 : i32
      %add3A_1104 = vector.broadcast %add3A_1103 : i32 to vector<16xi32>
      %add3A_1105 = arith.addi %add3A_1046, %add3A_1104 : vector<16xi32>
      %gather3A_1106 = tpu.vector_load_idx %arg14[%add3A_1105] : memref<8320xf32, #tpu.memory_space<vmem>>[vector<16xi32>], vector<16xf32>,
      %max3A_1107 = arith.maximumf %max3A_1102, %gather3A_1106 : vector<16xf32>
      %add3A_1108 = arith.constant 3341 : i32
      %add3A_1109 = vector.broadcast %add3A_1108 : i32 to vector<16xi32>
      %add3A_1110 = arith.addi %add3A_1046, %add3A_1109 : vector<16xi32>
      %gather3A_1111 = tpu.vector_load_idx %arg14[%add3A_1110] : memref<8320xf32, #tpu.memory_space<vmem>>[vector<16xi32>], vector<16xf32>,
      %max3A_1112 = arith.maximumf %max3A_1107, %gather3A_1111 : vector<16xf32>
      %add3A_1113 = arith.constant 3598 : i32
      %add3A_1114 = vector.broadcast %add3A_1113 : i32 to vector<16xi32>
      %add3A_1115 = arith.addi %add3A_1046, %add3A_1114 : vector<16xi32>
      %gather3A_1116 = tpu.vector_load_idx %arg14[%add3A_1115] : memref<8320xf32, #tpu.memory_space<vmem>>[vector<16xi32>], vector<16xf32>,
      %max3A_1117 = arith.maximumf %max3A_1112, %gather3A_1116 : vector<16xf32>
      %add3A_1118 = arith.constant 3855 : i32
      %add3A_1119 = vector.broadcast %add3A_1118 : i32 to vector<16xi32>
      %add3A_1120 = arith.addi %add3A_1046, %add3A_1119 : vector<16xi32>
      %gather3A_1121 = tpu.vector_load_idx %arg14[%add3A_1120] : memref<8320xf32, #tpu.memory_space<vmem>>[vector<16xi32>], vector<16xf32>,
      %max3A_1122 = arith.maximumf %max3A_1117, %gather3A_1121 : vector<16xf32>
      %mul3A_1123 = arith.constant 16 : i32
      %mul3A_1124 = arith.muli %scan3A_74, %mul3A_1123 : i32
      %add3A_1125 = arith.constant 2816 : i32
      %add3A_1126 = arith.addi %add3A_1125, %mul3A_1124 : i32
      %swap3A_1127 = arith.index_cast %add3A_1126 : i32 to index
      %swap3A_1128 = tpu.vector_load %arg15[%swap3A_1127] {strides = array<i32>} : memref<3072xf32, #tpu.memory_space<vmem>>, vector<16xf32>,
      tpu.vector_store %arg15[%swap3A_1127], %max3A_1122 {strides = array<i32>} : memref<3072xf32, #tpu.memory_space<vmem>>, vector<16xf32>,
      %scan3A_1129 = arith.constant 0 : i32
      scf.yield %scan3A_1129 : i32
    }
    %scan3A_68 = arith.constant 16 : i32
    %mul3A_69 = arith.constant 96 : i32
    %mul3A_70 = arith.muli %select_n3A, %mul3A_69 : i32
    %add3A_71 = arith.addi %mul3A_70, %mul3A_32 : i32
    %mul3A_72 = arith.constant 256 : i32
    %mul3A_73 = arith.muli %add3A_71, %mul3A_72 : i32
    "tpu.region"() ({
      %run_scoped3A = tpu.sem_alloc : memref<!tpu.dma_semaphore, #tpu.memory_space<semaphore_mem>>
      %dma_start3A_74 = tpu.memref_slice %arg4[%mul3A_73] : memref<98304xf32, #tpu.memory_space<hbm>> -> memref<3072xf32, #tpu.memory_space<hbm>>
      %dma_start3A_75 = tpu.memref_slice %arg4[%mul3A_73] : memref<98304xf32, #tpu.memory_space<hbm>> -> memref<3072xf32, #tpu.memory_space<hbm>>
      tpu.enqueue_dma source(%arg15 : memref<3072xf32, #tpu.memory_space<vmem>>) target(%dma_start3A_75 : memref<3072xf32, #tpu.memory_space<hbm>>) target_semaphore(%run_scoped3A : memref<!tpu.dma_semaphore, #tpu.memory_space<semaphore_mem>>)
      %dma_wait3A = tpu.memref_slice %arg4[%mul3A_73] : memref<98304xf32, #tpu.memory_space<hbm>> -> memref<3072xf32, #tpu.memory_space<hbm>>
      %dma_wait3A_76 = tpu.memref_slice %arg4[%mul3A_73] : memref<98304xf32, #tpu.memory_space<hbm>> -> memref<3072xf32, #tpu.memory_space<hbm>>
      tpu.wait_dma2 semaphore(%run_scoped3A : memref<!tpu.dma_semaphore, #tpu.memory_space<semaphore_mem>>) src(%arg15 : memref<3072xf32, #tpu.memory_space<vmem>>) dst(%dma_wait3A_76 : memref<3072xf32, #tpu.memory_space<hbm>>)
      tpu.yield
    }) : () -> ()
    return
  }
}

</mosaic_0001>

<sc_bundles>
// kernel: kernel.3.cloned.1.call-start
scs
__scs_entry_jumppad:
0x0: {  	(pc) =	sbr.rel $0x88, $3  }
0x1: {  	(tag) =	ssettag $0x0;
	lr =	simm.s32 $0x1  }
0x2: {  	[smem:$0x3F9F] =	sst lr;
	_ =	strace $0xD0000000  }
0x3: {  	_ = 	snop  }
0x4: {  	_ = 	snop  }
0x5: {  	_ = 	snop  }
0x6: {  	_ = 	snop  }
0x7: {  	_ = 	snop  }
__scs_overlays_trampoline_lowered:
0x8: {  	[smem:$0x3FAE] =	sst s0  }
0x9: {  	[smem:$0x3FAF] =	sst s1  }
0xa: {  	[smem:$0x3FB0] =	sst s2  }
0xb: {  	[smem:$0x3FB1] =	sst s3  }
0xc: {  	[smem:$0x3FB2] =	sst s4  }
0xd: {  	[smem:$0x3FB3] =	sst s5  }
0xe: {  	[smem:$0x3FB4] =	sst s6  }
0xf: {  	[smem:$0x3FB5] =	sst s7  }
0x10: {  	[smem:$0x3FB6] =	sst s8  }
0x11: {  	[smem:$0x3FB7] =	sst s9;
	s0 =	simm.s32 @!p0 $0x0  }
0x12: {  	s1 =	sld [smem:$0x3F9D];
	s0 =	simm.s32 @p0 $0x1  }
0x13: {  	[smem:$0x3FB8] =	sst s0;
	s0 =	simm.s32 @!p1 $0x0  }
0x14: {  	s2 =	sld [smem:$0x3F9C];
	s0 =	simm.s32 @p1 $0x1  }
0x15: {  	[smem:$0x3FB9] =	sst s0;
	s0 =	simm.s32 @!p2 $0x0  }
0x16: {  	s3 =	sld [smem:$0x3FDB];
	s0 =	simm.s32 @p2 $0x1  }
0x17: {  	s4 =	simm.s32 $0x1BF5;
	[smem:$0x3FBB] =	sst s0  }
0x18: {  	s0 =	sld [smem:$0x3F9E];
	_ =	swait.ge [sflag:s4], $0x0  }
0x19: {  	s7 =	sld [smem:$0x3F9F]  }
0x1a: {  	s8 =	sadd.s32 $0xFFFFE003, lr  }
0x1b: {  	s9 =	sadd.s32 $0xFFFFFEF7, lr;
	s5 =	simm.s32 $0xFFFFFFFF;
	p2 =	slt.u32 s8, $0xFFFFF086  }
0x1c: {  	p1 =	slt.u32 s9, $0xF7A;
	s5 =	simm.s32 @!p2 $0x0  }
0x1d: {  	s5 =	simm.s32 @p1 $0x1;
	p0 =	seq.s32 s7, s2  }
0x1e: {  	s7 =	smul.u32 @!p0 $0xF7A, s2;
	p2 =	seq.s32 @!p0 s5, $0x0  }
0x1f: {  	s9 =	smul.u32 $0xF7A, s1;
	s8 =	simm.s32 @!p0 $0x1BF5;
	p2 =	por !p2, p0  }
0x20: {  	[sflag:s8] =	ssyncset.s32 @!p0 $0xFFFFF086;
	s6 =	sadd.s32 @!p0 s3, s7;
	s7 =	simm.s32 @!p0 $0x108  }
0x21: {  	s3 =	sadd.s32 s3, s9;
	s6 =	sadd.s32 @!p0 $0x88, s6;
	s7 =	simm.s32 @p2 $0x1082  }
0x22: {  	[simem:s7], [sflag:s8] =	dma.local @!p0 [hbm:s6], $0xF7A  }
0x23: {  	s9 =	sor.u32 $0xD0000000, s2;
	s6 =	simm.s32 $0x108;
	_ =	swait.ge @!p0 [sflag:s8], $0x0  }
0x24: {  	s3 =	sadd.s32 $0x88, s3;
	s6 =	simm.s32 @!p1 $0x1082;
	[sflag:s4] =	ssyncset.s32 $0xFFFFF086  }
0x25: {  	[simem:s6], [sflag:s4] =	dma.local [hbm:s3], $0xF7A  }
0x26: {  	[smem:$0x3F9F] =	sst s1;
	(tag) =	ssettag s2;
	_ =	strace s9  }
0x27: {  	s1 =	sld [smem:$0x3FAF]  }
0x28: {  	s2 =	sld [smem:$0x3FB0]  }
0x29: {  	s4 =	sld [smem:$0x3FB2]  }
0x2a: {  	p0 =	seq.s32 s5, $0x0;
	s5 =	sld [smem:$0x3FB3]  }
0x2b: {  	s6 =	sld [smem:$0x3FB4]  }
0x2c: {  	s7 =	sld [smem:$0x3FB5]  }
0x2d: {  	s3 =	simm.s32 $0x108;
	s8 =	sld [smem:$0x3FB6]  }
0x2e: {  	s3 =	simm.s32 @!p0 $0x1082;
	s9 =	sld [smem:$0x3FB7]  }
0x2f: {  	lr =	sadd.s32 s0, s3;
	s0 =	sld [smem:$0x3FAE]  }
0x30: {  	s3 =	sld [smem:$0x3FB1]  }
0x31: {  	[smem:$0x3FBA] =	sst s10  }
0x32: {  	s10 =	sld [smem:$0x3FB8];
	_ =	sdelay $0x3  }
0x33: {  	p0 =	seq.s32 s10, $0x1;
	s10 =	sld [smem:$0x3FBA];
	_ =	sdelay $0x3  }
0x34: {  	[smem:$0x3FBA] =	sst s10  }
0x35: {  	s10 =	sld [smem:$0x3FB9];
	_ =	sdelay $0x3  }
0x36: {  	p1 =	seq.s32 s10, $0x1;
	s10 =	sld [smem:$0x3FBA];
	_ =	sdelay $0x3  }
0x37: {  	[smem:$0x3FBA] =	sst s10  }
0x38: {  	s10 =	sld [smem:$0x3FBB]  }
0x39: {  	_ = 	snop;
	(pc) =	sbr.ind lr, $3  }
0x3a: {  	_ = 	snop  }
0x3b: {  	_ = 	snop  }
0x3c: {  	p2 =	seq.s32 s10, $0x1;
	s10 =	sld [smem:$0x3FBA]  }
0x3d: {  	_ =	shalt  }
0x3e: {  	_ =	shalt  }
0x3f: {  	_ =	shalt  }
0x40: {  	_ =	shalt  }
0x41: {  	_ =	shalt  }
0x42: {  	_ =	shalt  }
0x43: {  	_ =	shalt  }
0x44: {  	_ =	shalt  }
0x45: {  	_ =	shalt  }
0x46: {  	_ =	shalt  }
0x47: {  	_ =	shalt  }
0x48: {  	_ =	shalt  }
0x49: {  	_ =	shalt  }
0x4a: {  	_ =	shalt  }
0x4b: {  	_ =	shalt  }
0x4c: {  	_ =	shalt  }
0x4d: {  	_ =	shalt  }
0x4e: {  	_ =	shalt  }
0x4f: {  	_ =	shalt  }
0x50: {  	_ =	shalt  }
0x51: {  	_ =	shalt  }
0x52: {  	_ =	shalt  }
0x53: {  	_ =	shalt  }
0x54: {  	_ =	shalt  }
0x55: {  	_ =	shalt  }
0x56: {  	_ =	shalt  }
0x57: {  	_ =	shalt  }
0x58: {  	_ =	shalt  }
0x59: {  	_ =	shalt  }
0x5a: {  	_ =	shalt  }
0x5b: {  	_ =	shalt  }
0x5c: {  	_ =	shalt  }
0x5d: {  	_ =	shalt  }
0x5e: {  	_ =	shalt  }
0x5f: {  	_ =	shalt  }
0x60: {  	_ =	shalt  }
0x61: {  	_ =	shalt  }
0x62: {  	_ =	shalt  }
0x63: {  	_ =	shalt  }
0x64: {  	_ =	shalt  }
0x65: {  	_ =	shalt  }
0x66: {  	_ =	shalt  }
0x67: {  	_ =	shalt  }
0x68: {  	_ =	shalt  }
0x69: {  	_ =	shalt  }
0x6a: {  	_ =	shalt  }
0x6b: {  	_ =	shalt  }
0x6c: {  	_ =	shalt  }
0x6d: {  	_ =	shalt  }
0x6e: {  	_ =	shalt  }
0x6f: {  	_ =	shalt  }
0x70: {  	_ =	shalt  }
0x71: {  	_ =	shalt  }
0x72: {  	_ =	shalt  }
0x73: {  	_ =	shalt  }
0x74: {  	_ =	shalt  }
0x75: {  	_ =	shalt  }
0x76: {  	_ =	shalt  }
0x77: {  	_ =	shalt  }
0x78: {  	_ =	shalt  }
0x79: {  	_ =	shalt  }
0x7a: {  	_ =	shalt  }
0x7b: {  	_ =	shalt  }
0x7c: {  	_ =	shalt  }
0x7d: {  	_ =	shalt  }
0x7e: {  	_ =	shalt  }
0x7f: {  	_ =	shalt  }
0x80: {  	_ =	shalt  }
0x81: {  	_ =	shalt  }
0x82: {  	_ =	shalt  }
0x83: {  	_ =	shalt  }
0x84: {  	_ =	shalt  }
0x85: {  	_ =	shalt  }
0x86: {  	_ =	shalt  }
0x87: {  	_ =	shalt  }
.Lfunc_end0:
.L_simem_size_0:
called_computation_lowered:
.L_overlay_start_0:
0x88: {  	s2 =	sld [smem:$0x3FD9]  }
0x89: {  	s3 =	sld [smem:$0x3FFE];
	_ =	sdelay $0x1  }
0x8a: {  	s1 =	srdreg.scid  }
0x8b: {  	s0 =	sand.u32 $0x1, s1  }
0x8c: {  	s17 =	sshll.u32 s0, $0xA;
	s2 =	sadd.s32 s3, s2  }
0x8d: {  	s2 =	sadd.s32 s2, s17  }
0x8e: {  	[smem:$0x3FC6] =	sst s2  }
0x8f: {  	_ = 	snop  }
0x90: {  	s2 =	sld [smem:$0x3FC9];
	(tm) =	ssettm $0x1  }
0x91: {  	s18 =	sld [smem:$0x3FFB];
	_ =	sdelay $0x3  }
0x92: {  	_ =	strace s18  }
0x93: {  	s3 =	sld [smem:$0x3FFC];
	_ =	sdelay $0x3  }
0x94: {  	_ =	strace s3  }
0x95: {  	s3 =	sld [smem:$0x3FFD];
	_ =	sdelay $0x3  }
0x96: {  	_ =	strace s3  }
0x97: {  	_ =	strace $0x8FFFFFFF  }
0x98: {  	s19 =	sld [smem:$0x3FDB];
	_ =	sdelay $0x1  }
0x99: {  	s4 =	simm.s32 $_scs_section_size  }
0x9a: {  	s5 =	simm.s32 $_size__tile_overlayer_lowered;
	s6 =	simm.s32 $_tile_overlayer_lowered  }
0x9b: {  	s22 =	simm.s32 $0x1BFF;
	s21 =	sshll.u32 s6, $0x1;
	s3 =	sadd.s32 s4, s19  }
0x9c: {  	s7 =	simm.s32 $0x0;
	s20 =	sshll.u32 s5, $0x1;
	s5 =	sadd.s32 s21, s3  }
0x9d: {  	[timem:s7], [sflag:s22] =	dma.local [hbm:s5], s20  }
0x9e: {  	_ =	swait.ge [sflag:s22], s20  }
0x9f: {  	s4 =	ssub.s32 $0x0, s20;
	[sflag:s22] =	ssyncset.done $0x0  }
0xa0: {  	[sflag:s22] =	ssyncadd.s32 s4;
	_ =	sdelay $0x1  }
0xa1: {  	s23 =	simm.s32 $0x1B8B  }
0xa2: {  	_ =	swait.ge [sflag:s23], $0x1  }
0xa3: {  	[sflag:s23] =	ssyncset.done $0x0  }
0xa4: {  	s25 =	simm.s32 $0x1B8E;
	s24 =	sld [smem:$0x3FFE];
	[sflag:s23] =	ssyncadd.s32 $0xFFFFFFFF  }
0xa5: {  	s26 =	simm.s32 $execute0_lowered;
	[smem:$0x3FD2] =	sst s25  }
0xa6: {  	s5 =	sshll.u32 s26, $0x1;
	_ =	strace $0x80000046;
	[dreg:$0x1] =	wrdreg $0xFFFFFFFF  }
0xa7: {  	s28 =	simm.s32 $_size_execute0_lowered;
	s3 =	sadd.s32 s3, s5;
	[dreg:$0x0] =	wrdreg $0x0  }
0xa8: {  	s5 =	sshll.u32 s28, $0x1;
	[dreg:$0x2] =	wrdreg s3  }
0xa9: {  	[dreg:$0x3] =	wrdreg s5  }
0xaa: {  	[dreg:$0x4] =	wrdreg $0xC0  }
0xab: {  	_ =	task [dreg:s7], $0x5FFFF  }
0xac: {  	[dreg:$0x1] =	wrdreg $0xFFFFFFFF  }
0xad: {  	[dreg:$0x0] =	wrdreg $0x60  }
0xae: {  	[dreg:$0x2] =	wrdreg s2  }
0xaf: {  	[dreg:$0x3] =	wrdreg s24  }
0xb0: {  	[dreg:$0x4] =	wrdreg $0x9  }
0xb1: {  	_ =	task.clear_ibuf [dreg:s7], $0x5FFFF;
	_ =	strace $0x90000046  }
0xb2: {  	s29 =	simm.s32 $0x9;
	_ =	strace $0x80000048  }
0xb3: {  	_ =	swait.ge [sflag:s29], $0x1  }
0xb4: {  	[sflag:s29] =	ssyncadd.s32 $0xFFFFFFFF  }
0xb5: {  	_ =	strace $0x90000048  }
0xb6: {  	_ =	sfence  }
0xb7: {  	s30 =	sld [smem:$0x0];
	_ =	sdelay $0x2  }
0xb8: {  	s31 =	sshll.u32 s1, $0xD;
	s1 =	sshrl.u32 s1, $0x2  }
0xb9: {  	s3 =	sand.u32 $0x4000, s31;
	s1 =	sadd.s32 s1, s30  }
0xba: {  	s0 =	sor.u32 s3, s0;
	s1 =	sshll.u32 s1, $0x11  }
0xbb: {  	s0 =	sor.u32 s1, s0  }
0xbc: {  	s0 =	sadd.s32 $0x8F2B, s0  }
0xbd: {  	[sflag:s0] =	ssyncadd.remote.s32 $0x1  }
0xbe: {  	_ =	sfence.sel $0xFFFF  }
0xbf: {  	[dreg:$0x0] =	wrdreg $0xFFFFFFFF;
	(pc) =	sbr.abs _section_cstart, $3  }
0xc0: {  	[dreg:$0x1] =	wrdreg $0xFFFFFFFF  }
0xc1: {  	_ =	task.clear_ibuf [dreg:s7], $0x2FFFF;
	_ =	strace $0x9FFFFFFF  }
0xc2: {  	(tm) =	ssettm $0x7FFFFFFF  }
0xc3: {  	_ =	shalt  }
tec
execute0_lowered:
.L_overlay_start_1:
0x0: {  	(tag) =	ssettag $0x1  }
0x1: {  	s0 =	stileid.u32  }
0x2: {  	s1 =	srdreg.scid;
	s6 =	rddreg [dreg:$0x1];
	s12 =	simm.s32 $0xC00  }
0x3: {  	s13 =	simm.s32 $0x24000;
	s14 =	simm.s32 $0x1800;
	s15 =	simm.s32 $0x6000  }
0x4: {  	s16 =	simm.s32 $0x1;
	s17 =	simm.s32 $0xA800;
	s18 =	simm.s32 $0xC880  }
0x5: {  	s19 =	simm.s32 $0xE900;
	s20 =	simm.s32 $0x10980;
	s21 =	simm.s32 $0x12A00  }
0x6: {  	s22 =	simm.s32 $0x14A80;
	s23 =	simm.s32 $0x2;
	s24 =	simm.s32 $0x16B00  }
0x7: {  	s25 =	simm.s32 $0x3;
	s26 =	simm.s32 $0x0;
	s5 =	sshrl.u32 s0, $0x2  }
0x8: {  	s2 =	sshll.u32 s0, $0x1;
	s1 =	sand.u32 $0x1, s1;
	s8 =	smul.u32 $0xC00, s5  }
0x9: {  	s3 =	sand.u32 $0x6, s2;
	s2 =	rddreg [dreg:$0x0];
	s9 =	smul.u32 $0xD80000, s5  }
0xa: {  	s5 =	smul.u32 $0x24000, s5;
	s4 =	sor.u32 s1, s3;
	s3 =	simm.s32 $0x0  }
0xb: {  	v0 =	vlaneseq.u32;
	s1 =	ssub.s32 $0x2, s1;
	s7 =	smul.u32 $0x180, s4;
	[smem:$0x7FF] =	sst s3  }
0xc: {  	v1 =	vimm.f32 $-Inf;
	v2 =	vadd.s32 $0x101, v0;
	v3 =	vadd.s32 $0x202, v0;
	s10 =	smul.u32 $0x1B0000, s4;
	s4 =	sadd.s32 $0x600, s6;
	s30 =	sshrl.u32 s1, $0x1  }
0xd: {  	v4 =	vadd.s32 $0x303, v0;
	v5 =	vadd.s32 $0x404, v0;
	v6 =	vadd.s32 $0x505, v0;
	s31 =	sshrl.u32 s5, $0x3;
	_ =	strace $0x80000047;
	s7 =	sadd.s32 s8, s7  }
0xe: {  	v7 =	vadd.s32 $0x606, v0;
	v8 =	vadd.s32 $0x707, v0;
	v9 =	vadd.s32 $0x808, v0;
	s1 =	ssub.s32 s1, s30;
	s11 =	sadd.s32 s7, s6;
	s6 =	sadd.s32 s9, s10  }
0xf: {  	v10 =	vadd.s32 $0x909, v0;
	v11 =	vadd.s32 $0xA0A, v0;
	v12 =	vadd.s32 $0xB0B, v0;
	s7 =	sadd.s32 s4, s31;
	s9 =	sshrl.u32 s6, $0x3;
	s10 =	sadd.s32 $0x12600, s11  }
0x10: {  	v13 =	vadd.s32 $0xC0C, v0;
	v14 =	vadd.s32 $0xD0D, v0;
	v15 =	vadd.s32 $0xE0E, v0;
	s11 =	smax.u32 s1, $0x1;
	s8 =	sadd.s32 s2, s9;
	s9 =	sadd.s32 $0xD8000, s6  }
.LBB2_1:
0x11: {  	s1 =	simm.s32 $0x0  }
0x12: {  	[tilespmem:s1+$0x14A80] =	vst v1  }
0x13: {  	[tilespmem:s1+$0xA800] =	vst v1  }
0x14: {  	[tilespmem:s1+$0xC880] =	vst v1  }
0x15: {  	[tilespmem:s1+$0xE900] =	vst v1  }
0x16: {  	s28 =	simm.s32 $0x40;
	[tilespmem:s1+$0x10980] =	vst v1  }
.LBB2_2:
0x17: {  	p0 =	sne.s32 s28, $0x81C0;
	[tilespmem:s1+$0x12A00] =	vst v1;
	s1 =	sshra.s32 s28, $0x2;
	s28 =	sadd.s32 $0x40, s28  }
.Ltmp0:
0x18: {  	[tilespmem:s1+$0x14A80] =	vst v1;
	(pc) =	sbr.rel @p0 .LBB2_2-.Ltmp0, $4  }
0x19: {  	[tilespmem:s1+$0xA800] =	vst v1  }
0x1a: {  	[tilespmem:s1+$0xC880] =	vst v1  }
0x1b: {  	[tilespmem:s1+$0xE900] =	vst v1  }
0x1c: {  	[tilespmem:s1+$0x10980] =	vst v1  }
0x1d: {  	[tilespmem:s1+$0x12A00] =	vst v1;
	s28 =	simm.s32 $0x0  }
0x1e: {  	[tilespmem:s28], [sflag:$0x1] =	stream.linear.gather [hbm4b:s7+s28], $0xC00, $0x38;
	[tilespmem:$0x17700] =	vst v63  }
0x1f: {  	s29 =	simm.s32 $0x0  }
0x20: {  	[tilespmem:s14], [sflag:$0x1] =	stream.strided.gather [hbm4b:s8+s12], $0x4800, s13, s12, $0x38;
	[tilespmem:$0x17700] =	vst v63  }
.LBB2_4:
0x21: {  	s1 =	smul.u32 $0xC00, s29;
	_ =	sdelay $0x1  }
0x22: {  	s30 =	smov.u32 s29;
	s29 =	sadd.s32 s5, s1  }
0x23: {  	s1 =	sadd.s32 s1, s9;
	s29 =	sshrl.u32 s29, $0x3  }
0x24: {  	s1 =	sshrl.u32 s1, $0x3;
	s29 =	sadd.s32 s4, s29  }
0x25: {  	[tilespmem:s12], [sflag:$0x2] =	stream.linear.gather [hbm4b:s29+s28], $0xC00, $0x38;
	[tilespmem:$0x17700] =	vst v63  }
0x26: {  	s1 =	sadd.s32 s2, s1  }
0x27: {  	[tilespmem:s15], [sflag:$0x2] =	stream.strided.gather [hbm4b:s1+s12], $0x4800, s13, s12, $0x38;
	[tilespmem:$0x17700] =	vst v63  }
0x28: {  	_ =	swait.ge [sflag:s16], $0xC00  }
0x29: {  	[sflag:s16] =	ssyncset.done $0x0  }
0x2a: {  	[sflag:s16] =	ssyncadd.s32 $0xFFFFF400  }
0x2b: {  	_ =	swait.ge [sflag:s16], $0x4800  }
0x2c: {  	[sflag:s16] =	ssyncset.done $0x0  }
0x2d: {  	s31 =	simm.s32 $0x0;
	s29 =	simm.s32 $0xC0;
	[sflag:s16] =	ssyncadd.s32 $0xFFFFB800  }
.LBB2_5:
0x2e: {  	v16 =	vld [tilespmem:s29+$0xFFFFFF40]  }
0x2f: {  	s1 =	sshra.s32 s31, $0x2  }
0x30: {  	v17 =	vld [tilespmem:s1+$0x1800]  }
0x31: {  	v18 =	vld [tilespmem:s1+$0x2400]  }
0x32: {  	v19 =	vld [tilespmem:s1+$0x3000]  }
0x33: {  	v20 =	vld [tilespmem:s1+$0x3C00]  }
0x34: {  	v21 =	vld [tilespmem:s1+$0x4800]  }
0x35: {  	v22 =	vld [tilespmem:s1+$0x5400]  }
0x36: {  	v23 =	vld.idx.msk [tilespmem:v16+s17+$0x0], $0xffff  }
0x37: {  	v24 =	vld.idx.msk [tilespmem:v16+s18+$0x0], $0xffff  }
0x38: {  	v25 =	vld.idx.msk [tilespmem:v16+s19+$0x0], $0xffff  }
0x39: {  	v26 =	vld.idx.msk [tilespmem:v16+s20+$0x0], $0xffff  }
0x3a: {  	v27 =	vld.idx.msk [tilespmem:v16+s21+$0x0], $0xffff  }
0x3b: {  	v28 =	vld.idx.msk [tilespmem:v16+s22+$0x0], $0xffff;
	v17 =	vmax.f32 v23, v17  }
0x3c: {  	[tilespmem:v16+s17+$0x0] =	vst.idx.msk $0xffff, v17;
	v17 =	vmax.f32 v24, v18  }
0x3d: {  	[tilespmem:v16+s18+$0x0] =	vst.idx.msk $0xffff, v17;
	v17 =	vmax.f32 v25, v19  }
0x3e: {  	[tilespmem:v16+s19+$0x0] =	vst.idx.msk $0xffff, v17;
	v17 =	vmax.f32 v26, v20  }
0x3f: {  	[tilespmem:v16+s20+$0x0] =	vst.idx.msk $0xffff, v17;
	v17 =	vmax.f32 v27, v21  }
0x40: {  	[tilespmem:v16+s21+$0x0] =	vst.idx.msk $0xffff, v17;
	v17 =	vmax.f32 v28, v22  }
0x41: {  	[tilespmem:v16+s22+$0x0] =	vst.idx.msk $0xffff, v17  }
0x42: {  	v16 =	vld [tilespmem:s29+$0xFFFFFF50];
	_ =	sdelay $0x1  }
0x43: {  	v17 =	vld [tilespmem:s1+$0x1810]  }
0x44: {  	v35 =	vld [tilespmem:s1+$0x2410]  }
0x45: {  	v36 =	vld [tilespmem:s1+$0x3010]  }
0x46: {  	v37 =	vld [tilespmem:s1+$0x3C10]  }
0x47: {  	v38 =	vld [tilespmem:s1+$0x4810]  }
0x48: {  	v39 =	vld [tilespmem:s1+$0x5410]  }
0x49: {  	v40 =	vld.idx.msk [tilespmem:v16+s17+$0x0], $0xffff  }
0x4a: {  	v41 =	vld.idx.msk [tilespmem:v16+s18+$0x0], $0xffff  }
0x4b: {  	v42 =	vld.idx.msk [tilespmem:v16+s19+$0x0], $0xffff  }
0x4c: {  	v43 =	vld.idx.msk [tilespmem:v16+s20+$0x0], $0xffff  }
0x4d: {  	v44 =	vld.idx.msk [tilespmem:v16+s21+$0x0], $0xffff  }
0x4e: {  	v45 =	vld.idx.msk [tilespmem:v16+s22+$0x0], $0xffff;
	v17 =	vmax.f32 v40, v17  }
0x4f: {  	[tilespmem:v16+s17+$0x0] =	vst.idx.msk $0xffff, v17;
	v17 =	vmax.f32 v41, v35  }
0x50: {  	[tilespmem:v16+s18+$0x0] =	vst.idx.msk $0xffff, v17;
	v17 =	vmax.f32 v42, v36  }
0x51: {  	[tilespmem:v16+s19+$0x0] =	vst.idx.msk $0xffff, v17;
	v17 =	vmax.f32 v43, v37  }
0x52: {  	[tilespmem:v16+s20+$0x0] =	vst.idx.msk $0xffff, v17;
	v17 =	vmax.f32 v44, v38  }
0x53: {  	[tilespmem:v16+s21+$0x0] =	vst.idx.msk $0xffff, v17;
	v17 =	vmax.f32 v45, v39  }
0x54: {  	[tilespmem:v16+s22+$0x0] =	vst.idx.msk $0xffff, v17  }
0x55: {  	v16 =	vld [tilespmem:s29+$0xFFFFFF60];
	_ =	sdelay $0x1  }
0x56: {  	v17 =	vld [tilespmem:s1+$0x1820]  }
0x57: {  	v46 =	vld [tilespmem:s1+$0x2420]  }
0x58: {  	v47 =	vld [tilespmem:s1+$0x3020]  }
0x59: {  	v48 =	vld [tilespmem:s1+$0x3C20]  }
0x5a: {  	v49 =	vld [tilespmem:s1+$0x4820]  }
0x5b: {  	v50 =	vld [tilespmem:s1+$0x5420]  }
0x5c: {  	v51 =	vld.idx.msk [tilespmem:v16+s17+$0x0], $0xffff  }
0x5d: {  	v52 =	vld.idx.msk [tilespmem:v16+s18+$0x0], $0xffff  }
0x5e: {  	v53 =	vld.idx.msk [tilespmem:v16+s19+$0x0], $0xffff  }
0x5f: {  	v54 =	vld.idx.msk [tilespmem:v16+s20+$0x0], $0xffff  }
0x60: {  	v55 =	vld.idx.msk [tilespmem:v16+s21+$0x0], $0xffff  }
0x61: {  	v56 =	vld.idx.msk [tilespmem:v16+s22+$0x0], $0xffff;
	v17 =	vmax.f32 v51, v17  }
0x62: {  	[tilespmem:v16+s17+$0x0] =	vst.idx.msk $0xffff, v17;
	v17 =	vmax.f32 v52, v46  }
0x63: {  	[tilespmem:v16+s18+$0x0] =	vst.idx.msk $0xffff, v17;
	v17 =	vmax.f32 v53, v47  }
0x64: {  	[tilespmem:v16+s19+$0x0] =	vst.idx.msk $0xffff, v17;
	v17 =	vmax.f32 v54, v48  }
0x65: {  	[tilespmem:v16+s20+$0x0] =	vst.idx.msk $0xffff, v17;
	v17 =	vmax.f32 v55, v49  }
0x66: {  	[tilespmem:v16+s21+$0x0] =	vst.idx.msk $0xffff, v17;
	v17 =	vmax.f32 v56, v50  }
0x67: {  	[tilespmem:v16+s22+$0x0] =	vst.idx.msk $0xffff, v17  }
0x68: {  	v16 =	vld [tilespmem:s29+$0xFFFFFF70];
	_ =	sdelay $0x1  }
0x69: {  	v17 =	vld [tilespmem:s1+$0x1830]  }
0x6a: {  	v57 =	vld [tilespmem:s1+$0x2430]  }
0x6b: {  	v58 =	vld [tilespmem:s1+$0x3030]  }
0x6c: {  	v59 =	vld [tilespmem:s1+$0x3C30]  }
0x6d: {  	v60 =	vld [tilespmem:s1+$0x4830]  }
0x6e: {  	v61 =	vld [tilespmem:s1+$0x5430]  }
0x6f: {  	v62 =	vld.idx.msk [tilespmem:v16+s17+$0x0], $0xffff  }
0x70: {  	v63 =	vld.idx.msk [tilespmem:v16+s18+$0x0], $0xffff  }
0x71: {  	v32 =	vld.idx.msk [tilespmem:v16+s19+$0x0], $0xffff  }
0x72: {  	v33 =	vld.idx.msk [tilespmem:v16+s20+$0x0], $0xffff  }
0x73: {  	v34 =	vld.idx.msk [tilespmem:v16+s21+$0x0], $0xffff  }
0x74: {  	v35 =	vld.idx.msk [tilespmem:v16+s22+$0x0], $0xffff;
	v17 =	vmax.f32 v62, v17  }
0x75: {  	[tilespmem:v16+s17+$0x0] =	vst.idx.msk $0xffff, v17;
	v17 =	vmax.f32 v63, v57  }
0x76: {  	[tilespmem:v16+s18+$0x0] =	vst.idx.msk $0xffff, v17;
	v17 =	vmax.f32 v32, v58  }
0x77: {  	[tilespmem:v16+s19+$0x0] =	vst.idx.msk $0xffff, v17;
	v17 =	vmax.f32 v33, v59  }
0x78: {  	[tilespmem:v16+s20+$0x0] =	vst.idx.msk $0xffff, v17;
	v17 =	vmax.f32 v34, v60  }
0x79: {  	[tilespmem:v16+s21+$0x0] =	vst.idx.msk $0xffff, v17;
	v17 =	vmax.f32 v35, v61  }
0x7a: {  	[tilespmem:v16+s22+$0x0] =	vst.idx.msk $0xffff, v17  }
0x7b: {  	v16 =	vld [tilespmem:s29+$0xFFFFFF80];
	_ =	sdelay $0x1  }
0x7c: {  	v17 =	vld [tilespmem:s1+$0x1840]  }
0x7d: {  	v36 =	vld [tilespmem:s1+$0x2440]  }
0x7e: {  	v37 =	vld [tilespmem:s1+$0x3040]  }
0x7f: {  	v38 =	vld [tilespmem:s1+$0x3C40]  }
0x80: {  	v39 =	vld [tilespmem:s1+$0x4840]  }
0x81: {  	v40 =	vld [tilespmem:s1+$0x5440]  }
0x82: {  	v41 =	vld.idx.msk [tilespmem:v16+s17+$0x0], $0xffff  }
0x83: {  	v42 =	vld.idx.msk [tilespmem:v16+s18+$0x0], $0xffff  }
0x84: {  	v43 =	vld.idx.msk [tilespmem:v16+s19+$0x0], $0xffff  }
0x85: {  	v44 =	vld.idx.msk [tilespmem:v16+s20+$0x0], $0xffff  }
0x86: {  	v45 =	vld.idx.msk [tilespmem:v16+s21+$0x0], $0xffff  }
0x87: {  	v46 =	vld.idx.msk [tilespmem:v16+s22+$0x0], $0xffff;
	v17 =	vmax.f32 v41, v17  }
0x88: {  	[tilespmem:v16+s17+$0x0] =	vst.idx.msk $0xffff, v17;
	v17 =	vmax.f32 v42, v36  }
0x89: {  	[tilespmem:v16+s18+$0x0] =	vst.idx.msk $0xffff, v17;
	v17 =	vmax.f32 v43, v37  }
0x8a: {  	[tilespmem:v16+s19+$0x0] =	vst.idx.msk $0xffff, v17;
	v17 =	vmax.f32 v44, v38  }
0x8b: {  	[tilespmem:v16+s20+$0x0] =	vst.idx.msk $0xffff, v17;
	v17 =	vmax.f32 v45, v39  }
0x8c: {  	[tilespmem:v16+s21+$0x0] =	vst.idx.msk $0xffff, v17;
	v17 =	vmax.f32 v46, v40  }
0x8d: {  	[tilespmem:v16+s22+$0x0] =	vst.idx.msk $0xffff, v17  }
0x8e: {  	v16 =	vld [tilespmem:s29+$0xFFFFFF90];
	_ =	sdelay $0x1  }
0x8f: {  	v17 =	vld [tilespmem:s1+$0x1850]  }
0x90: {  	v47 =	vld [tilespmem:s1+$0x2450]  }
0x91: {  	v48 =	vld [tilespmem:s1+$0x3050]  }
0x92: {  	v49 =	vld [tilespmem:s1+$0x3C50]  }
0x93: {  	v50 =	vld [tilespmem:s1+$0x4850]  }
0x94: {  	v51 =	vld [tilespmem:s1+$0x5450]  }
0x95: {  	v52 =	vld.idx.msk [tilespmem:v16+s17+$0x0], $0xffff  }
0x96: {  	v53 =	vld.idx.msk [tilespmem:v16+s18+$0x0], $0xffff  }
0x97: {  	v54 =	vld.idx.msk [tilespmem:v16+s19+$0x0], $0xffff  }
0x98: {  	v55 =	vld.idx.msk [tilespmem:v16+s20+$0x0], $0xffff  }
0x99: {  	v56 =	vld.idx.msk [tilespmem:v16+s21+$0x0], $0xffff  }
0x9a: {  	v57 =	vld.idx.msk [tilespmem:v16+s22+$0x0], $0xffff;
	v17 =	vmax.f32 v52, v17  }
0x9b: {  	[tilespmem:v16+s17+$0x0] =	vst.idx.msk $0xffff, v17;
	v17 =	vmax.f32 v53, v47  }
0x9c: {  	[tilespmem:v16+s18+$0x0] =	vst.idx.msk $0xffff, v17;
	v17 =	vmax.f32 v54, v48  }
0x9d: {  	[tilespmem:v16+s19+$0x0] =	vst.idx.msk $0xffff, v17;
	v17 =	vmax.f32 v55, v49  }
0x9e: {  	[tilespmem:v16+s20+$0x0] =	vst.idx.msk $0xffff, v17;
	v17 =	vmax.f32 v56, v50  }
0x9f: {  	[tilespmem:v16+s21+$0x0] =	vst.idx.msk $0xffff, v17;
	v17 =	vmax.f32 v57, v51  }
0xa0: {  	[tilespmem:v16+s22+$0x0] =	vst.idx.msk $0xffff, v17  }
0xa1: {  	v16 =	vld [tilespmem:s29+$0xFFFFFFA0];
	_ =	sdelay $0x1  }
0xa2: {  	v17 =	vld [tilespmem:s1+$0x1860]  }
0xa3: {  	v58 =	vld [tilespmem:s1+$0x2460]  }
0xa4: {  	v59 =	vld [tilespmem:s1+$0x3060]  }
0xa5: {  	v60 =	vld [tilespmem:s1+$0x3C60]  }
0xa6: {  	v61 =	vld [tilespmem:s1+$0x4860]  }
0xa7: {  	v62 =	vld [tilespmem:s1+$0x5460]  }
0xa8: {  	v63 =	vld.idx.msk [tilespmem:v16+s17+$0x0], $0xffff  }
0xa9: {  	v32 =	vld.idx.msk [tilespmem:v16+s18+$0x0], $0xffff  }
0xaa: {  	v33 =	vld.idx.msk [tilespmem:v16+s19+$0x0], $0xffff  }
0xab: {  	v34 =	vld.idx.msk [tilespmem:v16+s20+$0x0], $0xffff  }
0xac: {  	v35 =	vld.idx.msk [tilespmem:v16+s21+$0x0], $0xffff  }
0xad: {  	v36 =	vld.idx.msk [tilespmem:v16+s22+$0x0], $0xffff;
	v17 =	vmax.f32 v63, v17  }
0xae: {  	[tilespmem:v16+s17+$0x0] =	vst.idx.msk $0xffff, v17;
	v17 =	vmax.f32 v32, v58  }
0xaf: {  	[tilespmem:v16+s18+$0x0] =	vst.idx.msk $0xffff, v17;
	v17 =	vmax.f32 v33, v59  }
0xb0: {  	[tilespmem:v16+s19+$0x0] =	vst.idx.msk $0xffff, v17;
	v17 =	vmax.f32 v34, v60  }
0xb1: {  	[tilespmem:v16+s20+$0x0] =	vst.idx.msk $0xffff, v17;
	v17 =	vmax.f32 v35, v61  }
0xb2: {  	[tilespmem:v16+s21+$0x0] =	vst.idx.msk $0xffff, v17;
	v17 =	vmax.f32 v36, v62  }
0xb3: {  	[tilespmem:v16+s22+$0x0] =	vst.idx.msk $0xffff, v17  }
0xb4: {  	v16 =	vld [tilespmem:s29+$0xFFFFFFB0];
	_ =	sdelay $0x1  }
0xb5: {  	v17 =	vld [tilespmem:s1+$0x1870]  }
0xb6: {  	v37 =	vld [tilespmem:s1+$0x2470]  }
0xb7: {  	v38 =	vld [tilespmem:s1+$0x3070]  }
0xb8: {  	v39 =	vld [tilespmem:s1+$0x3C70]  }
0xb9: {  	v40 =	vld [tilespmem:s1+$0x4870]  }
0xba: {  	v41 =	vld [tilespmem:s1+$0x5470]  }
0xbb: {  	v42 =	vld.idx.msk [tilespmem:v16+s17+$0x0], $0xffff  }
0xbc: {  	v43 =	vld.idx.msk [tilespmem:v16+s18+$0x0], $0xffff  }
0xbd: {  	v44 =	vld.idx.msk [tilespmem:v16+s19+$0x0], $0xffff  }
0xbe: {  	v45 =	vld.idx.msk [tilespmem:v16+s20+$0x0], $0xffff  }
0xbf: {  	v46 =	vld.idx.msk [tilespmem:v16+s21+$0x0], $0xffff  }
0xc0: {  	v47 =	vld.idx.msk [tilespmem:v16+s22+$0x0], $0xffff;
	v17 =	vmax.f32 v42, v17  }
0xc1: {  	[tilespmem:v16+s17+$0x0] =	vst.idx.msk $0xffff, v17;
	v17 =	vmax.f32 v43, v37  }
0xc2: {  	[tilespmem:v16+s18+$0x0] =	vst.idx.msk $0xffff, v17;
	v17 =	vmax.f32 v44, v38  }
0xc3: {  	[tilespmem:v16+s19+$0x0] =	vst.idx.msk $0xffff, v17;
	v17 =	vmax.f32 v45, v39  }
0xc4: {  	[tilespmem:v16+s20+$0x0] =	vst.idx.msk $0xffff, v17;
	v17 =	vmax.f32 v46, v40  }
0xc5: {  	[tilespmem:v16+s21+$0x0] =	vst.idx.msk $0xffff, v17;
	v17 =	vmax.f32 v47, v41  }
0xc6: {  	[tilespmem:v16+s22+$0x0] =	vst.idx.msk $0xffff, v17  }
0xc7: {  	v16 =	vld [tilespmem:s29+$0xFFFFFFC0];
	_ =	sdelay $0x1  }
0xc8: {  	v17 =	vld [tilespmem:s1+$0x1C00]  }
0xc9: {  	v48 =	vld [tilespmem:s1+$0x2800]  }
0xca: {  	v49 =	vld [tilespmem:s1+$0x3400]  }
0xcb: {  	v50 =	vld [tilespmem:s1+$0x4000]  }
0xcc: {  	v51 =	vld [tilespmem:s1+$0x4C00]  }
0xcd: {  	v52 =	vld [tilespmem:s1+$0x5800]  }
0xce: {  	v53 =	vld.idx.msk [tilespmem:v16+s17+$0x0], $0xffff  }
0xcf: {  	v54 =	vld.idx.msk [tilespmem:v16+s18+$0x0], $0xffff  }
0xd0: {  	v55 =	vld.idx.msk [tilespmem:v16+s19+$0x0], $0xffff  }
0xd1: {  	v56 =	vld.idx.msk [tilespmem:v16+s20+$0x0], $0xffff  }
0xd2: {  	v57 =	vld.idx.msk [tilespmem:v16+s21+$0x0], $0xffff  }
0xd3: {  	v58 =	vld.idx.msk [tilespmem:v16+s22+$0x0], $0xffff;
	v17 =	vmax.f32 v53, v17  }
0xd4: {  	[tilespmem:v16+s17+$0x0] =	vst.idx.msk $0xffff, v17;
	v17 =	vmax.f32 v54, v48  }
0xd5: {  	[tilespmem:v16+s18+$0x0] =	vst.idx.msk $0xffff, v17;
	v17 =	vmax.f32 v55, v49  }
0xd6: {  	[tilespmem:v16+s19+$0x0] =	vst.idx.msk $0xffff, v17;
	v17 =	vmax.f32 v56, v50  }
0xd7: {  	[tilespmem:v16+s20+$0x0] =	vst.idx.msk $0xffff, v17;
	v17 =	vmax.f32 v57, v51  }
0xd8: {  	[tilespmem:v16+s21+$0x0] =	vst.idx.msk $0xffff, v17;
	v17 =	vmax.f32 v58, v52  }
0xd9: {  	[tilespmem:v16+s22+$0x0] =	vst.idx.msk $0xffff, v17  }
0xda: {  	v16 =	vld [tilespmem:s29+$0xFFFFFFD0];
	_ =	sdelay $0x1  }
0xdb: {  	v17 =	vld [tilespmem:s1+$0x1C10]  }
0xdc: {  	v59 =	vld [tilespmem:s1+$0x2810]  }
0xdd: {  	v60 =	vld [tilespmem:s1+$0x3410]  }
0xde: {  	v61 =	vld [tilespmem:s1+$0x4010]  }
0xdf: {  	v62 =	vld [tilespmem:s1+$0x4C10]  }
0xe0: {  	v63 =	vld [tilespmem:s1+$0x5810]  }
0xe1: {  	v32 =	vld.idx.msk [tilespmem:v16+s17+$0x0], $0xffff  }
0xe2: {  	v33 =	vld.idx.msk [tilespmem:v16+s18+$0x0], $0xffff  }
0xe3: {  	v34 =	vld.idx.msk [tilespmem:v16+s19+$0x0], $0xffff  }
0xe4: {  	v35 =	vld.idx.msk [tilespmem:v16+s20+$0x0], $0xffff  }
0xe5: {  	v36 =	vld.idx.msk [tilespmem:v16+s21+$0x0], $0xffff  }
0xe6: {  	v37 =	vld.idx.msk [tilespmem:v16+s22+$0x0], $0xffff;
	v17 =	vmax.f32 v32, v17  }
0xe7: {  	[tilespmem:v16+s17+$0x0] =	vst.idx.msk $0xffff, v17;
	v17 =	vmax.f32 v33, v59  }
0xe8: {  	[tilespmem:v16+s18+$0x0] =	vst.idx.msk $0xffff, v17;
	v17 =	vmax.f32 v34, v60  }
0xe9: {  	[tilespmem:v16+s19+$0x0] =	vst.idx.msk $0xffff, v17;
	v17 =	vmax.f32 v35, v61  }
0xea: {  	[tilespmem:v16+s20+$0x0] =	vst.idx.msk $0xffff, v17;
	v17 =	vmax.f32 v36, v62  }
0xeb: {  	[tilespmem:v16+s21+$0x0] =	vst.idx.msk $0xffff, v17;
	v17 =	vmax.f32 v37, v63  }
0xec: {  	[tilespmem:v16+s22+$0x0] =	vst.idx.msk $0xffff, v17  }
0xed: {  	v16 =	vld [tilespmem:s29+$0xFFFFFFE0];
	_ =	sdelay $0x1  }
0xee: {  	v17 =	vld [tilespmem:s1+$0x1C20]  }
0xef: {  	v38 =	vld [tilespmem:s1+$0x2820]  }
0xf0: {  	v39 =	vld [tilespmem:s1+$0x3420]  }
0xf1: {  	v40 =	vld [tilespmem:s1+$0x4020]  }
0xf2: {  	v41 =	vld [tilespmem:s1+$0x4C20]  }
0xf3: {  	v42 =	vld [tilespmem:s1+$0x5820]  }
0xf4: {  	v43 =	vld.idx.msk [tilespmem:v16+s17+$0x0], $0xffff  }
0xf5: {  	v44 =	vld.idx.msk [tilespmem:v16+s18+$0x0], $0xffff  }
0xf6: {  	v45 =	vld.idx.msk [tilespmem:v16+s19+$0x0], $0xffff  }
0xf7: {  	v46 =	vld.idx.msk [tilespmem:v16+s20+$0x0], $0xffff  }
0xf8: {  	v47 =	vld.idx.msk [tilespmem:v16+s21+$0x0], $0xffff  }
0xf9: {  	v48 =	vld.idx.msk [tilespmem:v16+s22+$0x0], $0xffff;
	v17 =	vmax.f32 v43, v17  }
0xfa: {  	[tilespmem:v16+s17+$0x0] =	vst.idx.msk $0xffff, v17;
	v17 =	vmax.f32 v44, v38  }
0xfb: {  	[tilespmem:v16+s18+$0x0] =	vst.idx.msk $0xffff, v17;
	v17 =	vmax.f32 v45, v39  }
0xfc: {  	[tilespmem:v16+s19+$0x0] =	vst.idx.msk $0xffff, v17;
	v17 =	vmax.f32 v46, v40  }
0xfd: {  	[tilespmem:v16+s20+$0x0] =	vst.idx.msk $0xffff, v17;
	v17 =	vmax.f32 v47, v41  }
0xfe: {  	[tilespmem:v16+s21+$0x0] =	vst.idx.msk $0xffff, v17;
	v17 =	vmax.f32 v48, v42  }
0xff: {  	[tilespmem:v16+s22+$0x0] =	vst.idx.msk $0xffff, v17  }
0x100: {  	v16 =	vld [tilespmem:s29+$0xFFFFFFF0];
	_ =	sdelay $0x1  }
0x101: {  	v17 =	vld [tilespmem:s1+$0x1C30]  }
0x102: {  	v49 =	vld [tilespmem:s1+$0x2830]  }
0x103: {  	v50 =	vld [tilespmem:s1+$0x3430]  }
0x104: {  	v51 =	vld [tilespmem:s1+$0x4030]  }
0x105: {  	v52 =	vld [tilespmem:s1+$0x4C30]  }
0x106: {  	v53 =	vld [tilespmem:s1+$0x5830]  }
0x107: {  	v54 =	vld.idx.msk [tilespmem:v16+s17+$0x0], $0xffff  }
0x108: {  	v55 =	vld.idx.msk [tilespmem:v16+s18+$0x0], $0xffff  }
0x109: {  	v56 =	vld.idx.msk [tilespmem:v16+s19+$0x0], $0xffff  }
0x10a: {  	v57 =	vld.idx.msk [tilespmem:v16+s20+$0x0], $0xffff  }
0x10b: {  	v58 =	vld.idx.msk [tilespmem:v16+s21+$0x0], $0xffff  }
0x10c: {  	v59 =	vld.idx.msk [tilespmem:v16+s22+$0x0], $0xffff;
	v17 =	vmax.f32 v54, v17  }
0x10d: {  	[tilespmem:v16+s17+$0x0] =	vst.idx.msk $0xffff, v17;
	v17 =	vmax.f32 v55, v49  }
0x10e: {  	[tilespmem:v16+s18+$0x0] =	vst.idx.msk $0xffff, v17;
	v17 =	vmax.f32 v56, v50  }
0x10f: {  	[tilespmem:v16+s19+$0x0] =	vst.idx.msk $0xffff, v17;
	v17 =	vmax.f32 v57, v51  }
0x110: {  	[tilespmem:v16+s20+$0x0] =	vst.idx.msk $0xffff, v17;
	v17 =	vmax.f32 v58, v52  }
0x111: {  	[tilespmem:v16+s21+$0x0] =	vst.idx.msk $0xffff, v17;
	v17 =	vmax.f32 v59, v53  }
0x112: {  	[tilespmem:v16+s22+$0x0] =	vst.idx.msk $0xffff, v17  }
0x113: {  	v16 =	vld [tilespmem:s29+$0x0];
	_ =	sdelay $0x1  }
0x114: {  	v17 =	vld [tilespmem:s1+$0x1C40]  }
0x115: {  	v60 =	vld [tilespmem:s1+$0x2840]  }
0x116: {  	v61 =	vld [tilespmem:s1+$0x3440]  }
0x117: {  	v62 =	vld [tilespmem:s1+$0x4040]  }
0x118: {  	v63 =	vld [tilespmem:s1+$0x4C40]  }
0x119: {  	v32 =	vld [tilespmem:s1+$0x5840]  }
0x11a: {  	v33 =	vld.idx.msk [tilespmem:v16+s17+$0x0], $0xffff  }
0x11b: {  	v34 =	vld.idx.msk [tilespmem:v16+s18+$0x0], $0xffff  }
0x11c: {  	v35 =	vld.idx.msk [tilespmem:v16+s19+$0x0], $0xffff  }
0x11d: {  	v36 =	vld.idx.msk [tilespmem:v16+s20+$0x0], $0xffff  }
0x11e: {  	v37 =	vld.idx.msk [tilespmem:v16+s21+$0x0], $0xffff  }
0x11f: {  	v38 =	vld.idx.msk [tilespmem:v16+s22+$0x0], $0xffff;
	v17 =	vmax.f32 v33, v17  }
0x120: {  	[tilespmem:v16+s17+$0x0] =	vst.idx.msk $0xffff, v17;
	v17 =	vmax.f32 v34, v60  }
0x121: {  	[tilespmem:v16+s18+$0x0] =	vst.idx.msk $0xffff, v17;
	v17 =	vmax.f32 v35, v61  }
0x122: {  	[tilespmem:v16+s19+$0x0] =	vst.idx.msk $0xffff, v17;
	v17 =	vmax.f32 v36, v62  }
0x123: {  	[tilespmem:v16+s20+$0x0] =	vst.idx.msk $0xffff, v17;
	v17 =	vmax.f32 v37, v63  }
0x124: {  	[tilespmem:v16+s21+$0x0] =	vst.idx.msk $0xffff, v17;
	v17 =	vmax.f32 v38, v32  }
0x125: {  	[tilespmem:v16+s22+$0x0] =	vst.idx.msk $0xffff, v17  }
0x126: {  	v16 =	vld [tilespmem:s29+$0x10];
	_ =	sdelay $0x1  }
0x127: {  	v17 =	vld [tilespmem:s1+$0x1C50]  }
0x128: {  	v39 =	vld [tilespmem:s1+$0x2850]  }
0x129: {  	v40 =	vld [tilespmem:s1+$0x3450]  }
0x12a: {  	v41 =	vld [tilespmem:s1+$0x4050]  }
0x12b: {  	v42 =	vld [tilespmem:s1+$0x4C50]  }
0x12c: {  	v43 =	vld [tilespmem:s1+$0x5850]  }
0x12d: {  	v44 =	vld.idx.msk [tilespmem:v16+s17+$0x0], $0xffff  }
0x12e: {  	v45 =	vld.idx.msk [tilespmem:v16+s18+$0x0], $0xffff  }
0x12f: {  	v46 =	vld.idx.msk [tilespmem:v16+s19+$0x0], $0xffff  }
0x130: {  	v47 =	vld.idx.msk [tilespmem:v16+s20+$0x0], $0xffff  }
0x131: {  	v48 =	vld.idx.msk [tilespmem:v16+s21+$0x0], $0xffff  }
0x132: {  	v49 =	vld.idx.msk [tilespmem:v16+s22+$0x0], $0xffff;
	v17 =	vmax.f32 v44, v17  }
0x133: {  	[tilespmem:v16+s17+$0x0] =	vst.idx.msk $0xffff, v17;
	v17 =	vmax.f32 v45, v39  }
0x134: {  	[tilespmem:v16+s18+$0x0] =	vst.idx.msk $0xffff, v17;
	v17 =	vmax.f32 v46, v40  }
0x135: {  	[tilespmem:v16+s19+$0x0] =	vst.idx.msk $0xffff, v17;
	v17 =	vmax.f32 v47, v41  }
0x136: {  	[tilespmem:v16+s20+$0x0] =	vst.idx.msk $0xffff, v17;
	v17 =	vmax.f32 v48, v42  }
0x137: {  	[tilespmem:v16+s21+$0x0] =	vst.idx.msk $0xffff, v17;
	v17 =	vmax.f32 v49, v43  }
0x138: {  	[tilespmem:v16+s22+$0x0] =	vst.idx.msk $0xffff, v17  }
0x139: {  	v16 =	vld [tilespmem:s29+$0x20];
	_ =	sdelay $0x1  }
0x13a: {  	v17 =	vld [tilespmem:s1+$0x1C60]  }
0x13b: {  	v50 =	vld [tilespmem:s1+$0x2860]  }
0x13c: {  	v51 =	vld [tilespmem:s1+$0x3460]  }
0x13d: {  	v52 =	vld [tilespmem:s1+$0x4060]  }
0x13e: {  	v53 =	vld [tilespmem:s1+$0x4C60]  }
0x13f: {  	v54 =	vld [tilespmem:s1+$0x5860]  }
0x140: {  	v55 =	vld.idx.msk [tilespmem:v16+s17+$0x0], $0xffff  }
0x141: {  	v56 =	vld.idx.msk [tilespmem:v16+s18+$0x0], $0xffff  }
0x142: {  	v57 =	vld.idx.msk [tilespmem:v16+s19+$0x0], $0xffff  }
0x143: {  	v58 =	vld.idx.msk [tilespmem:v16+s20+$0x0], $0xffff  }
0x144: {  	v59 =	vld.idx.msk [tilespmem:v16+s21+$0x0], $0xffff  }
0x145: {  	v60 =	vld.idx.msk [tilespmem:v16+s22+$0x0], $0xffff;
	v17 =	vmax.f32 v55, v17  }
0x146: {  	[tilespmem:v16+s17+$0x0] =	vst.idx.msk $0xffff, v17;
	v17 =	vmax.f32 v56, v50  }
0x147: {  	[tilespmem:v16+s18+$0x0] =	vst.idx.msk $0xffff, v17;
	v17 =	vmax.f32 v57, v51  }
0x148: {  	[tilespmem:v16+s19+$0x0] =	vst.idx.msk $0xffff, v17;
	v17 =	vmax.f32 v58, v52  }
0x149: {  	[tilespmem:v16+s20+$0x0] =	vst.idx.msk $0xffff, v17;
	v17 =	vmax.f32 v59, v53  }
0x14a: {  	[tilespmem:v16+s21+$0x0] =	vst.idx.msk $0xffff, v17;
	v17 =	vmax.f32 v60, v54  }
0x14b: {  	[tilespmem:v16+s22+$0x0] =	vst.idx.msk $0xffff, v17  }
0x14c: {  	v16 =	vld [tilespmem:s29+$0x30];
	_ =	sdelay $0x1  }
0x14d: {  	v17 =	vld [tilespmem:s1+$0x1C70]  }
0x14e: {  	v61 =	vld [tilespmem:s1+$0x2870]  }
0x14f: {  	v62 =	vld [tilespmem:s1+$0x3470]  }
0x150: {  	v63 =	vld [tilespmem:s1+$0x4070]  }
0x151: {  	v32 =	vld [tilespmem:s1+$0x4C70]  }
0x152: {  	v33 =	vld [tilespmem:s1+$0x5870]  }
0x153: {  	v34 =	vld.idx.msk [tilespmem:v16+s17+$0x0], $0xffff  }
0x154: {  	v35 =	vld.idx.msk [tilespmem:v16+s18+$0x0], $0xffff  }
0x155: {  	v36 =	vld.idx.msk [tilespmem:v16+s19+$0x0], $0xffff  }
0x156: {  	v37 =	vld.idx.msk [tilespmem:v16+s20+$0x0], $0xffff  }
0x157: {  	v38 =	vld.idx.msk [tilespmem:v16+s21+$0x0], $0xffff  }
0x158: {  	v39 =	vld.idx.msk [tilespmem:v16+s22+$0x0], $0xffff;
	v17 =	vmax.f32 v34, v17  }
0x159: {  	[tilespmem:v16+s17+$0x0] =	vst.idx.msk $0xffff, v17;
	v17 =	vmax.f32 v35, v61  }
0x15a: {  	[tilespmem:v16+s18+$0x0] =	vst.idx.msk $0xffff, v17;
	v17 =	vmax.f32 v36, v62  }
0x15b: {  	[tilespmem:v16+s19+$0x0] =	vst.idx.msk $0xffff, v17;
	v17 =	vmax.f32 v37, v63  }
0x15c: {  	[tilespmem:v16+s20+$0x0] =	vst.idx.msk $0xffff, v17;
	v17 =	vmax.f32 v38, v32  }
0x15d: {  	[tilespmem:v16+s21+$0x0] =	vst.idx.msk $0xffff, v17;
	v17 =	vmax.f32 v39, v33  }
0x15e: {  	[tilespmem:v16+s22+$0x0] =	vst.idx.msk $0xffff, v17  }
0x15f: {  	v16 =	vld [tilespmem:s29+$0x40];
	_ =	sdelay $0x1  }
0x160: {  	v17 =	vld [tilespmem:s1+$0x2000]  }
0x161: {  	v40 =	vld [tilespmem:s1+$0x2C00]  }
0x162: {  	v41 =	vld [tilespmem:s1+$0x3800]  }
0x163: {  	v42 =	vld [tilespmem:s1+$0x4400]  }
0x164: {  	v43 =	vld [tilespmem:s1+$0x5000]  }
0x165: {  	v44 =	vld [tilespmem:s1+$0x5C00]  }
0x166: {  	v45 =	vld.idx.msk [tilespmem:v16+s17+$0x0], $0xffff  }
0x167: {  	v46 =	vld.idx.msk [tilespmem:v16+s18+$0x0], $0xffff  }
0x168: {  	v47 =	vld.idx.msk [tilespmem:v16+s19+$0x0], $0xffff  }
0x169: {  	v48 =	vld.idx.msk [tilespmem:v16+s20+$0x0], $0xffff  }
0x16a: {  	v49 =	vld.idx.msk [tilespmem:v16+s21+$0x0], $0xffff  }
0x16b: {  	v50 =	vld.idx.msk [tilespmem:v16+s22+$0x0], $0xffff;
	v17 =	vmax.f32 v45, v17  }
0x16c: {  	[tilespmem:v16+s17+$0x0] =	vst.idx.msk $0xffff, v17;
	v17 =	vmax.f32 v46, v40  }
0x16d: {  	[tilespmem:v16+s18+$0x0] =	vst.idx.msk $0xffff, v17;
	v17 =	vmax.f32 v47, v41  }
0x16e: {  	[tilespmem:v16+s19+$0x0] =	vst.idx.msk $0xffff, v17;
	v17 =	vmax.f32 v48, v42  }
0x16f: {  	[tilespmem:v16+s20+$0x0] =	vst.idx.msk $0xffff, v17;
	v17 =	vmax.f32 v49, v43  }
0x170: {  	[tilespmem:v16+s21+$0x0] =	vst.idx.msk $0xffff, v17;
	v17 =	vmax.f32 v50, v44  }
0x171: {  	[tilespmem:v16+s22+$0x0] =	vst.idx.msk $0xffff, v17  }
0x172: {  	v16 =	vld [tilespmem:s29+$0x50];
	_ =	sdelay $0x1  }
0x173: {  	v17 =	vld [tilespmem:s1+$0x2010]  }
0x174: {  	v51 =	vld [tilespmem:s1+$0x2C10]  }
0x175: {  	v52 =	vld [tilespmem:s1+$0x3810]  }
0x176: {  	v53 =	vld [tilespmem:s1+$0x4410]  }
0x177: {  	v54 =	vld [tilespmem:s1+$0x5010]  }
0x178: {  	v55 =	vld [tilespmem:s1+$0x5C10]  }
0x179: {  	v56 =	vld.idx.msk [tilespmem:v16+s17+$0x0], $0xffff  }
0x17a: {  	v57 =	vld.idx.msk [tilespmem:v16+s18+$0x0], $0xffff  }
0x17b: {  	v58 =	vld.idx.msk [tilespmem:v16+s19+$0x0], $0xffff  }
0x17c: {  	v59 =	vld.idx.msk [tilespmem:v16+s20+$0x0], $0xffff  }
0x17d: {  	v60 =	vld.idx.msk [tilespmem:v16+s21+$0x0], $0xffff  }
0x17e: {  	v61 =	vld.idx.msk [tilespmem:v16+s22+$0x0], $0xffff;
	v17 =	vmax.f32 v56, v17  }
0x17f: {  	[tilespmem:v16+s17+$0x0] =	vst.idx.msk $0xffff, v17;
	v17 =	vmax.f32 v57, v51  }
0x180: {  	[tilespmem:v16+s18+$0x0] =	vst.idx.msk $0xffff, v17;
	v17 =	vmax.f32 v58, v52  }
0x181: {  	[tilespmem:v16+s19+$0x0] =	vst.idx.msk $0xffff, v17;
	v17 =	vmax.f32 v59, v53  }
0x182: {  	[tilespmem:v16+s20+$0x0] =	vst.idx.msk $0xffff, v17;
	v17 =	vmax.f32 v60, v54  }
0x183: {  	[tilespmem:v16+s21+$0x0] =	vst.idx.msk $0xffff, v17;
	v17 =	vmax.f32 v61, v55  }
0x184: {  	[tilespmem:v16+s22+$0x0] =	vst.idx.msk $0xffff, v17  }
0x185: {  	v16 =	vld [tilespmem:s29+$0x60];
	_ =	sdelay $0x1  }
0x186: {  	v17 =	vld [tilespmem:s1+$0x2020]  }
0x187: {  	v62 =	vld [tilespmem:s1+$0x2C20]  }
0x188: {  	v63 =	vld [tilespmem:s1+$0x3820]  }
0x189: {  	v32 =	vld [tilespmem:s1+$0x4420]  }
0x18a: {  	v33 =	vld [tilespmem:s1+$0x5020]  }
0x18b: {  	v34 =	vld [tilespmem:s1+$0x5C20]  }
0x18c: {  	v35 =	vld.idx.msk [tilespmem:v16+s17+$0x0], $0xffff  }
0x18d: {  	v36 =	vld.idx.msk [tilespmem:v16+s18+$0x0], $0xffff  }
0x18e: {  	v37 =	vld.idx.msk [tilespmem:v16+s19+$0x0], $0xffff  }
0x18f: {  	v38 =	vld.idx.msk [tilespmem:v16+s20+$0x0], $0xffff  }
0x190: {  	v39 =	vld.idx.msk [tilespmem:v16+s21+$0x0], $0xffff  }
0x191: {  	v40 =	vld.idx.msk [tilespmem:v16+s22+$0x0], $0xffff;
	v17 =	vmax.f32 v35, v17  }
0x192: {  	[tilespmem:v16+s17+$0x0] =	vst.idx.msk $0xffff, v17;
	v17 =	vmax.f32 v36, v62  }
0x193: {  	[tilespmem:v16+s18+$0x0] =	vst.idx.msk $0xffff, v17;
	v17 =	vmax.f32 v37, v63  }
0x194: {  	[tilespmem:v16+s19+$0x0] =	vst.idx.msk $0xffff, v17;
	v17 =	vmax.f32 v38, v32  }
0x195: {  	[tilespmem:v16+s20+$0x0] =	vst.idx.msk $0xffff, v17;
	v17 =	vmax.f32 v39, v33  }
0x196: {  	[tilespmem:v16+s21+$0x0] =	vst.idx.msk $0xffff, v17;
	v17 =	vmax.f32 v40, v34  }
0x197: {  	[tilespmem:v16+s22+$0x0] =	vst.idx.msk $0xffff, v17  }
0x198: {  	v16 =	vld [tilespmem:s29+$0x70];
	_ =	sdelay $0x1  }
0x199: {  	v17 =	vld [tilespmem:s1+$0x2030]  }
0x19a: {  	v41 =	vld [tilespmem:s1+$0x2C30]  }
0x19b: {  	v42 =	vld [tilespmem:s1+$0x3830]  }
0x19c: {  	v43 =	vld [tilespmem:s1+$0x4430]  }
0x19d: {  	v44 =	vld [tilespmem:s1+$0x5030]  }
0x19e: {  	v45 =	vld [tilespmem:s1+$0x5C30]  }
0x19f: {  	v46 =	vld.idx.msk [tilespmem:v16+s17+$0x0], $0xffff  }
0x1a0: {  	v47 =	vld.idx.msk [tilespmem:v16+s18+$0x0], $0xffff  }
0x1a1: {  	v48 =	vld.idx.msk [tilespmem:v16+s19+$0x0], $0xffff  }
0x1a2: {  	v49 =	vld.idx.msk [tilespmem:v16+s20+$0x0], $0xffff  }
0x1a3: {  	v50 =	vld.idx.msk [tilespmem:v16+s21+$0x0], $0xffff  }
0x1a4: {  	v51 =	vld.idx.msk [tilespmem:v16+s22+$0x0], $0xffff;
	v17 =	vmax.f32 v46, v17  }
0x1a5: {  	[tilespmem:v16+s17+$0x0] =	vst.idx.msk $0xffff, v17;
	v17 =	vmax.f32 v47, v41  }
0x1a6: {  	[tilespmem:v16+s18+$0x0] =	vst.idx.msk $0xffff, v17;
	v17 =	vmax.f32 v48, v42  }
0x1a7: {  	[tilespmem:v16+s19+$0x0] =	vst.idx.msk $0xffff, v17;
	v17 =	vmax.f32 v49, v43  }
0x1a8: {  	[tilespmem:v16+s20+$0x0] =	vst.idx.msk $0xffff, v17;
	v17 =	vmax.f32 v50, v44  }
0x1a9: {  	[tilespmem:v16+s21+$0x0] =	vst.idx.msk $0xffff, v17;
	v17 =	vmax.f32 v51, v45  }
0x1aa: {  	[tilespmem:v16+s22+$0x0] =	vst.idx.msk $0xffff, v17  }
0x1ab: {  	v16 =	vld [tilespmem:s29+$0x80];
	_ =	sdelay $0x1  }
0x1ac: {  	v17 =	vld [tilespmem:s1+$0x2040]  }
0x1ad: {  	v52 =	vld [tilespmem:s1+$0x2C40]  }
0x1ae: {  	v53 =	vld [tilespmem:s1+$0x3840]  }
0x1af: {  	v54 =	vld [tilespmem:s1+$0x4440]  }
0x1b0: {  	v55 =	vld [tilespmem:s1+$0x5040]  }
0x1b1: {  	v56 =	vld [tilespmem:s1+$0x5C40]  }
0x1b2: {  	v57 =	vld.idx.msk [tilespmem:v16+s17+$0x0], $0xffff  }
0x1b3: {  	v58 =	vld.idx.msk [tilespmem:v16+s18+$0x0], $0xffff  }
0x1b4: {  	v59 =	vld.idx.msk [tilespmem:v16+s19+$0x0], $0xffff  }
0x1b5: {  	v60 =	vld.idx.msk [tilespmem:v16+s20+$0x0], $0xffff  }
0x1b6: {  	v61 =	vld.idx.msk [tilespmem:v16+s21+$0x0], $0xffff  }
0x1b7: {  	v62 =	vld.idx.msk [tilespmem:v16+s22+$0x0], $0xffff;
	v17 =	vmax.f32 v57, v17  }
0x1b8: {  	[tilespmem:v16+s17+$0x0] =	vst.idx.msk $0xffff, v17;
	v17 =	vmax.f32 v58, v52  }
0x1b9: {  	[tilespmem:v16+s18+$0x0] =	vst.idx.msk $0xffff, v17;
	v17 =	vmax.f32 v59, v53  }
0x1ba: {  	[tilespmem:v16+s19+$0x0] =	vst.idx.msk $0xffff, v17;
	v17 =	vmax.f32 v60, v54  }
0x1bb: {  	[tilespmem:v16+s20+$0x0] =	vst.idx.msk $0xffff, v17;
	v17 =	vmax.f32 v61, v55  }
0x1bc: {  	[tilespmem:v16+s21+$0x0] =	vst.idx.msk $0xffff, v17;
	v17 =	vmax.f32 v62, v56  }
0x1bd: {  	[tilespmem:v16+s22+$0x0] =	vst.idx.msk $0xffff, v17  }
0x1be: {  	v16 =	vld [tilespmem:s29+$0x90];
	_ =	sdelay $0x1  }
0x1bf: {  	v17 =	vld [tilespmem:s1+$0x2050]  }
0x1c0: {  	v63 =	vld [tilespmem:s1+$0x2C50]  }
0x1c1: {  	v32 =	vld [tilespmem:s1+$0x3850]  }
0x1c2: {  	v33 =	vld [tilespmem:s1+$0x4450]  }
0x1c3: {  	v34 =	vld [tilespmem:s1+$0x5050]  }
0x1c4: {  	v35 =	vld [tilespmem:s1+$0x5C50]  }
0x1c5: {  	v36 =	vld.idx.msk [tilespmem:v16+s17+$0x0], $0xffff  }
0x1c6: {  	v37 =	vld.idx.msk [tilespmem:v16+s18+$0x0], $0xffff  }
0x1c7: {  	v38 =	vld.idx.msk [tilespmem:v16+s19+$0x0], $0xffff  }
0x1c8: {  	v39 =	vld.idx.msk [tilespmem:v16+s20+$0x0], $0xffff  }
0x1c9: {  	v40 =	vld.idx.msk [tilespmem:v16+s21+$0x0], $0xffff  }
0x1ca: {  	v41 =	vld.idx.msk [tilespmem:v16+s22+$0x0], $0xffff;
	v17 =	vmax.f32 v36, v17  }
0x1cb: {  	[tilespmem:v16+s17+$0x0] =	vst.idx.msk $0xffff, v17;
	v17 =	vmax.f32 v37, v63  }
0x1cc: {  	[tilespmem:v16+s18+$0x0] =	vst.idx.msk $0xffff, v17;
	v17 =	vmax.f32 v38, v32  }
0x1cd: {  	[tilespmem:v16+s19+$0x0] =	vst.idx.msk $0xffff, v17;
	v17 =	vmax.f32 v39, v33  }
0x1ce: {  	[tilespmem:v16+s20+$0x0] =	vst.idx.msk $0xffff, v17;
	v17 =	vmax.f32 v40, v34  }
0x1cf: {  	[tilespmem:v16+s21+$0x0] =	vst.idx.msk $0xffff, v17;
	v17 =	vmax.f32 v41, v35  }
0x1d0: {  	[tilespmem:v16+s22+$0x0] =	vst.idx.msk $0xffff, v17  }
0x1d1: {  	v16 =	vld [tilespmem:s29+$0xA0];
	_ =	sdelay $0x1  }
0x1d2: {  	v17 =	vld [tilespmem:s1+$0x2060]  }
0x1d3: {  	v42 =	vld [tilespmem:s1+$0x2C60]  }
0x1d4: {  	v43 =	vld [tilespmem:s1+$0x3860]  }
0x1d5: {  	v44 =	vld [tilespmem:s1+$0x4460]  }
0x1d6: {  	v45 =	vld [tilespmem:s1+$0x5060]  }
0x1d7: {  	v46 =	vld [tilespmem:s1+$0x5C60]  }
0x1d8: {  	v47 =	vld.idx.msk [tilespmem:v16+s17+$0x0], $0xffff  }
0x1d9: {  	v48 =	vld.idx.msk [tilespmem:v16+s18+$0x0], $0xffff  }
0x1da: {  	v49 =	vld.idx.msk [tilespmem:v16+s19+$0x0], $0xffff  }
0x1db: {  	v50 =	vld.idx.msk [tilespmem:v16+s20+$0x0], $0xffff  }
0x1dc: {  	v51 =	vld.idx.msk [tilespmem:v16+s21+$0x0], $0xffff  }
0x1dd: {  	v52 =	vld.idx.msk [tilespmem:v16+s22+$0x0], $0xffff;
	v17 =	vmax.f32 v47, v17  }
0x1de: {  	[tilespmem:v16+s17+$0x0] =	vst.idx.msk $0xffff, v17;
	v17 =	vmax.f32 v48, v42  }
0x1df: {  	[tilespmem:v16+s18+$0x0] =	vst.idx.msk $0xffff, v17;
	v17 =	vmax.f32 v49, v43  }
0x1e0: {  	[tilespmem:v16+s19+$0x0] =	vst.idx.msk $0xffff, v17;
	v17 =	vmax.f32 v50, v44  }
0x1e1: {  	[tilespmem:v16+s20+$0x0] =	vst.idx.msk $0xffff, v17;
	v17 =	vmax.f32 v51, v45  }
0x1e2: {  	[tilespmem:v16+s21+$0x0] =	vst.idx.msk $0xffff, v17;
	v17 =	vmax.f32 v52, v46  }
0x1e3: {  	[tilespmem:v16+s22+$0x0] =	vst.idx.msk $0xffff, v17  }
0x1e4: {  	v16 =	vld [tilespmem:s29+$0xB0];
	_ =	sdelay $0x1  }
0x1e5: {  	v17 =	vld [tilespmem:s1+$0x2070]  }
0x1e6: {  	v53 =	vld [tilespmem:s1+$0x2C70]  }
0x1e7: {  	v54 =	vld [tilespmem:s1+$0x3870]  }
0x1e8: {  	v55 =	vld [tilespmem:s1+$0x4470]  }
0x1e9: {  	v56 =	vld [tilespmem:s1+$0x5070]  }
0x1ea: {  	v57 =	vld [tilespmem:s1+$0x5C70]  }
0x1eb: {  	v58 =	vld.idx.msk [tilespmem:v16+s17+$0x0], $0xffff  }
0x1ec: {  	v59 =	vld.idx.msk [tilespmem:v16+s18+$0x0], $0xffff  }
0x1ed: {  	v60 =	vld.idx.msk [tilespmem:v16+s19+$0x0], $0xffff  }
0x1ee: {  	v61 =	vld.idx.msk [tilespmem:v16+s20+$0x0], $0xffff  }
0x1ef: {  	v62 =	vld.idx.msk [tilespmem:v16+s21+$0x0], $0xffff  }
0x1f0: {  	v63 =	vld.idx.msk [tilespmem:v16+s22+$0x0], $0xffff;
	v17 =	vmax.f32 v58, v17  }
0x1f1: {  	p0 =	sne.s32 s31, $0xE00;
	[tilespmem:v16+s17+$0x0] =	vst.idx.msk $0xffff, v17;
	v17 =	vmax.f32 v59, v53  }
.Ltmp1:
0x1f2: {  	[tilespmem:v16+s18+$0x0] =	vst.idx.msk $0xffff, v17;
	v17 =	vmax.f32 v60, v54;
	(pc) =	sbr.rel @p0 .LBB2_5-.Ltmp1, $4  }
0x1f3: {  	[tilespmem:v16+s19+$0x0] =	vst.idx.msk $0xffff, v17;
	v17 =	vmax.f32 v61, v55  }
0x1f4: {  	[tilespmem:v16+s20+$0x0] =	vst.idx.msk $0xffff, v17;
	v17 =	vmax.f32 v62, v56  }
0x1f5: {  	[tilespmem:v16+s21+$0x0] =	vst.idx.msk $0xffff, v17;
	v17 =	vmax.f32 v63, v57  }
0x1f6: {  	s31 =	sadd.s32 $0x200, s31;
	s29 =	sadd.s32 $0x180, s29;
	[tilespmem:v16+s22+$0x0] =	vst.idx.msk $0xffff, v17  }
0x1f7: {  	s29 =	sadd.s32 $0x1, s30;
	p0 =	seq.s32 s30, $0x2F  }
0x1f8: {  	s1 =	smul.u32 @!p0 $0xC00, s29;
	_ =	sdelay $0x1  }
0x1f9: {  	s30 =	sadd.s32 @!p0 s5, s1  }
0x1fa: {  	s31 =	simm.s32 @!p0 $0x0;
	s1 =	sadd.s32 @!p0 s6, s1;
	s30 =	sshrl.u32 @!p0 s30, $0x3  }
0x1fb: {  	s0 =	simm.s32 @!p0 $0x1800;
	s1 =	sshrl.u32 @!p0 s1, $0x3;
	s30 =	sadd.s32 @!p0 s4, s30  }
0x1fc: {  	[tilespmem:s31], [sflag:$0x1] =	stream.linear.gather @!p0 [hbm4b:s30+s31], $0xC00, $0x38;
	[tilespmem:$0x17700] =	vst v63  }
0x1fd: {  	s1 =	sadd.s32 @!p0 s2, s1;
	s30 =	simm.s32 @!p0 $0xC00;
	s31 =	simm.s32 @!p0 $0x24000  }
0x1fe: {  	[tilespmem:s0], [sflag:$0x1] =	stream.strided.gather @!p0 [hbm4b:s1+s30], $0x4800, s31, s30, $0x38;
	[tilespmem:$0x17700] =	vst v63  }
0x1ff: {  	_ =	swait.ge [sflag:s23], $0xC00  }
0x200: {  	[sflag:s23] =	ssyncset.done $0x0  }
0x201: {  	[sflag:s23] =	ssyncadd.s32 $0xFFFFF400  }
0x202: {  	_ =	swait.ge [sflag:s23], $0x4800  }
0x203: {  	[sflag:s23] =	ssyncset.done $0x0  }
0x204: {  	s30 =	simm.s32 $0xCC0;
	s31 =	simm.s32 $0x0;
	[sflag:s23] =	ssyncadd.s32 $0xFFFFB800  }
.LBB2_7:
0x205: {  	v16 =	vld [tilespmem:s30+$0xFFFFFF40];
	_ =	sdelay $0x2  }
0x206: {  	s1 =	sshra.s32 s31, $0x2  }
0x207: {  	v17 =	vld [tilespmem:s1+$0x6000]  }
0x208: {  	v18 =	vld [tilespmem:s1+$0x6C00];
	v16 =	vadd.s32 $0x1010, v16  }
0x209: {  	v19 =	vld [tilespmem:s1+$0x7800]  }
0x20a: {  	v20 =	vld [tilespmem:s1+$0x8400]  }
0x20b: {  	v21 =	vld [tilespmem:s1+$0x9000]  }
0x20c: {  	v22 =	vld [tilespmem:s1+$0x9C00]  }
0x20d: {  	v23 =	vld.idx.msk [tilespmem:v16+s17+$0x0], $0xffff  }
0x20e: {  	v24 =	vld.idx.msk [tilespmem:v16+s18+$0x0], $0xffff  }
0x20f: {  	v25 =	vld.idx.msk [tilespmem:v16+s19+$0x0], $0xffff  }
0x210: {  	v26 =	vld.idx.msk [tilespmem:v16+s20+$0x0], $0xffff  }
0x211: {  	v27 =	vld.idx.msk [tilespmem:v16+s21+$0x0], $0xffff  }
0x212: {  	v28 =	vld.idx.msk [tilespmem:v16+s22+$0x0], $0xffff;
	v17 =	vmax.f32 v23, v17  }
0x213: {  	[tilespmem:v16+s17+$0x0] =	vst.idx.msk $0xffff, v17;
	v17 =	vmax.f32 v24, v18  }
0x214: {  	[tilespmem:v16+s18+$0x0] =	vst.idx.msk $0xffff, v17;
	v17 =	vmax.f32 v25, v19  }
0x215: {  	[tilespmem:v16+s19+$0x0] =	vst.idx.msk $0xffff, v17;
	v17 =	vmax.f32 v26, v20  }
0x216: {  	[tilespmem:v16+s20+$0x0] =	vst.idx.msk $0xffff, v17;
	v17 =	vmax.f32 v27, v21  }
0x217: {  	[tilespmem:v16+s21+$0x0] =	vst.idx.msk $0xffff, v17;
	v17 =	vmax.f32 v28, v22  }
0x218: {  	[tilespmem:v16+s22+$0x0] =	vst.idx.msk $0xffff, v17  }
0x219: {  	v16 =	vld [tilespmem:s30+$0xFFFFFF50];
	_ =	sdelay $0x3  }
0x21a: {  	v17 =	vld [tilespmem:s1+$0x6010]  }
0x21b: {  	v35 =	vld [tilespmem:s1+$0x6C10];
	v16 =	vadd.s32 $0x1010, v16  }
0x21c: {  	v36 =	vld [tilespmem:s1+$0x7810]  }
0x21d: {  	v37 =	vld [tilespmem:s1+$0x8410]  }
0x21e: {  	v38 =	vld [tilespmem:s1+$0x9010]  }
0x21f: {  	v39 =	vld [tilespmem:s1+$0x9C10]  }
0x220: {  	v40 =	vld.idx.msk [tilespmem:v16+s17+$0x0], $0xffff  }
0x221: {  	v41 =	vld.idx.msk [tilespmem:v16+s18+$0x0], $0xffff  }
0x222: {  	v42 =	vld.idx.msk [tilespmem:v16+s19+$0x0], $0xffff  }
0x223: {  	v43 =	vld.idx.msk [tilespmem:v16+s20+$0x0], $0xffff  }
0x224: {  	v44 =	vld.idx.msk [tilespmem:v16+s21+$0x0], $0xffff  }
0x225: {  	v45 =	vld.idx.msk [tilespmem:v16+s22+$0x0], $0xffff;
	v17 =	vmax.f32 v40, v17  }
0x226: {  	[tilespmem:v16+s17+$0x0] =	vst.idx.msk $0xffff, v17;
	v17 =	vmax.f32 v41, v35  }
0x227: {  	[tilespmem:v16+s18+$0x0] =	vst.idx.msk $0xffff, v17;
	v17 =	vmax.f32 v42, v36  }
0x228: {  	[tilespmem:v16+s19+$0x0] =	vst.idx.msk $0xffff, v17;
	v17 =	vmax.f32 v43, v37  }
0x229: {  	[tilespmem:v16+s20+$0x0] =	vst.idx.msk $0xffff, v17;
	v17 =	vmax.f32 v44, v38  }
0x22a: {  	[tilespmem:v16+s21+$0x0] =	vst.idx.msk $0xffff, v17;
	v17 =	vmax.f32 v45, v39  }
0x22b: {  	[tilespmem:v16+s22+$0x0] =	vst.idx.msk $0xffff, v17  }
0x22c: {  	v16 =	vld [tilespmem:s30+$0xFFFFFF60];
	_ =	sdelay $0x3  }
0x22d: {  	v17 =	vld [tilespmem:s1+$0x6020]  }
0x22e: {  	v46 =	vld [tilespmem:s1+$0x6C20];
	v16 =	vadd.s32 $0x1010, v16  }
0x22f: {  	v47 =	vld [tilespmem:s1+$0x7820]  }
0x230: {  	v48 =	vld [tilespmem:s1+$0x8420]  }
0x231: {  	v49 =	vld [tilespmem:s1+$0x9020]  }
0x232: {  	v50 =	vld [tilespmem:s1+$0x9C20]  }
0x233: {  	v51 =	vld.idx.msk [tilespmem:v16+s17+$0x0], $0xffff  }
0x234: {  	v52 =	vld.idx.msk [tilespmem:v16+s18+$0x0], $0xffff  }
0x235: {  	v53 =	vld.idx.msk [tilespmem:v16+s19+$0x0], $0xffff  }
0x236: {  	v54 =	vld.idx.msk [tilespmem:v16+s20+$0x0], $0xffff  }
0x237: {  	v55 =	vld.idx.msk [tilespmem:v16+s21+$0x0], $0xffff  }
0x238: {  	v56 =	vld.idx.msk [tilespmem:v16+s22+$0x0], $0xffff;
	v17 =	vmax.f32 v51, v17  }
0x239: {  	[tilespmem:v16+s17+$0x0] =	vst.idx.msk $0xffff, v17;
	v17 =	vmax.f32 v52, v46  }
0x23a: {  	[tilespmem:v16+s18+$0x0] =	vst.idx.msk $0xffff, v17;
	v17 =	vmax.f32 v53, v47  }
0x23b: {  	[tilespmem:v16+s19+$0x0] =	vst.idx.msk $0xffff, v17;
	v17 =	vmax.f32 v54, v48  }
0x23c: {  	[tilespmem:v16+s20+$0x0] =	vst.idx.msk $0xffff, v17;
	v17 =	vmax.f32 v55, v49  }
0x23d: {  	[tilespmem:v16+s21+$0x0] =	vst.idx.msk $0xffff, v17;
	v17 =	vmax.f32 v56, v50  }
0x23e: {  	[tilespmem:v16+s22+$0x0] =	vst.idx.msk $0xffff, v17  }
0x23f: {  	v16 =	vld [tilespmem:s30+$0xFFFFFF70];
	_ =	sdelay $0x3  }
0x240: {  	v17 =	vld [tilespmem:s1+$0x6030]  }
0x241: {  	v57 =	vld [tilespmem:s1+$0x6C30];
	v16 =	vadd.s32 $0x1010, v16  }
0x242: {  	v58 =	vld [tilespmem:s1+$0x7830]  }
0x243: {  	v59 =	vld [tilespmem:s1+$0x8430]  }
0x244: {  	v60 =	vld [tilespmem:s1+$0x9030]  }
0x245: {  	v61 =	vld [tilespmem:s1+$0x9C30]  }
0x246: {  	v62 =	vld.idx.msk [tilespmem:v16+s17+$0x0], $0xffff  }
0x247: {  	v63 =	vld.idx.msk [tilespmem:v16+s18+$0x0], $0xffff  }
0x248: {  	v32 =	vld.idx.msk [tilespmem:v16+s19+$0x0], $0xffff  }
0x249: {  	v33 =	vld.idx.msk [tilespmem:v16+s20+$0x0], $0xffff  }
0x24a: {  	v34 =	vld.idx.msk [tilespmem:v16+s21+$0x0], $0xffff  }
0x24b: {  	v35 =	vld.idx.msk [tilespmem:v16+s22+$0x0], $0xffff;
	v17 =	vmax.f32 v62, v17  }
0x24c: {  	[tilespmem:v16+s17+$0x0] =	vst.idx.msk $0xffff, v17;
	v17 =	vmax.f32 v63, v57  }
0x24d: {  	[tilespmem:v16+s18+$0x0] =	vst.idx.msk $0xffff, v17;
	v17 =	vmax.f32 v32, v58  }
0x24e: {  	[tilespmem:v16+s19+$0x0] =	vst.idx.msk $0xffff, v17;
	v17 =	vmax.f32 v33, v59  }
0x24f: {  	[tilespmem:v16+s20+$0x0] =	vst.idx.msk $0xffff, v17;
	v17 =	vmax.f32 v34, v60  }
0x250: {  	[tilespmem:v16+s21+$0x0] =	vst.idx.msk $0xffff, v17;
	v17 =	vmax.f32 v35, v61  }
0x251: {  	[tilespmem:v16+s22+$0x0] =	vst.idx.msk $0xffff, v17  }
0x252: {  	v16 =	vld [tilespmem:s30+$0xFFFFFF80];
	_ =	sdelay $0x3  }
0x253: {  	v17 =	vld [tilespmem:s1+$0x6040]  }
0x254: {  	v36 =	vld [tilespmem:s1+$0x6C40];
	v16 =	vadd.s32 $0x1010, v16  }
0x255: {  	v37 =	vld [tilespmem:s1+$0x7840]  }
0x256: {  	v38 =	vld [tilespmem:s1+$0x8440]  }
0x257: {  	v39 =	vld [tilespmem:s1+$0x9040]  }
0x258: {  	v40 =	vld [tilespmem:s1+$0x9C40]  }
0x259: {  	v41 =	vld.idx.msk [tilespmem:v16+s17+$0x0], $0xffff  }
0x25a: {  	v42 =	vld.idx.msk [tilespmem:v16+s18+$0x0], $0xffff  }
0x25b: {  	v43 =	vld.idx.msk [tilespmem:v16+s19+$0x0], $0xffff  }
0x25c: {  	v44 =	vld.idx.msk [tilespmem:v16+s20+$0x0], $0xffff  }
0x25d: {  	v45 =	vld.idx.msk [tilespmem:v16+s21+$0x0], $0xffff  }
0x25e: {  	v46 =	vld.idx.msk [tilespmem:v16+s22+$0x0], $0xffff;
	v17 =	vmax.f32 v41, v17  }
0x25f: {  	[tilespmem:v16+s17+$0x0] =	vst.idx.msk $0xffff, v17;
	v17 =	vmax.f32 v42, v36  }
0x260: {  	[tilespmem:v16+s18+$0x0] =	vst.idx.msk $0xffff, v17;
	v17 =	vmax.f32 v43, v37  }
0x261: {  	[tilespmem:v16+s19+$0x0] =	vst.idx.msk $0xffff, v17;
	v17 =	vmax.f32 v44, v38  }
0x262: {  	[tilespmem:v16+s20+$0x0] =	vst.idx.msk $0xffff, v17;
	v17 =	vmax.f32 v45, v39  }
0x263: {  	[tilespmem:v16+s21+$0x0] =	vst.idx.msk $0xffff, v17;
	v17 =	vmax.f32 v46, v40  }
0x264: {  	[tilespmem:v16+s22+$0x0] =	vst.idx.msk $0xffff, v17  }
0x265: {  	v16 =	vld [tilespmem:s30+$0xFFFFFF90];
	_ =	sdelay $0x3  }
0x266: {  	v17 =	vld [tilespmem:s1+$0x6050]  }
0x267: {  	v47 =	vld [tilespmem:s1+$0x6C50];
	v16 =	vadd.s32 $0x1010, v16  }
0x268: {  	v48 =	vld [tilespmem:s1+$0x7850]  }
0x269: {  	v49 =	vld [tilespmem:s1+$0x8450]  }
0x26a: {  	v50 =	vld [tilespmem:s1+$0x9050]  }
0x26b: {  	v51 =	vld [tilespmem:s1+$0x9C50]  }
0x26c: {  	v52 =	vld.idx.msk [tilespmem:v16+s17+$0x0], $0xffff  }
0x26d: {  	v53 =	vld.idx.msk [tilespmem:v16+s18+$0x0], $0xffff  }
0x26e: {  	v54 =	vld.idx.msk [tilespmem:v16+s19+$0x0], $0xffff  }
0x26f: {  	v55 =	vld.idx.msk [tilespmem:v16+s20+$0x0], $0xffff  }
0x270: {  	v56 =	vld.idx.msk [tilespmem:v16+s21+$0x0], $0xffff  }
0x271: {  	v57 =	vld.idx.msk [tilespmem:v16+s22+$0x0], $0xffff;
	v17 =	vmax.f32 v52, v17  }
0x272: {  	[tilespmem:v16+s17+$0x0] =	vst.idx.msk $0xffff, v17;
	v17 =	vmax.f32 v53, v47  }
0x273: {  	[tilespmem:v16+s18+$0x0] =	vst.idx.msk $0xffff, v17;
	v17 =	vmax.f32 v54, v48  }
0x274: {  	[tilespmem:v16+s19+$0x0] =	vst.idx.msk $0xffff, v17;
	v17 =	vmax.f32 v55, v49  }
0x275: {  	[tilespmem:v16+s20+$0x0] =	vst.idx.msk $0xffff, v17;
	v17 =	vmax.f32 v56, v50  }
0x276: {  	[tilespmem:v16+s21+$0x0] =	vst.idx.msk $0xffff, v17;
	v17 =	vmax.f32 v57, v51  }
0x277: {  	[tilespmem:v16+s22+$0x0] =	vst.idx.msk $0xffff, v17  }
0x278: {  	v16 =	vld [tilespmem:s30+$0xFFFFFFA0];
	_ =	sdelay $0x3  }
0x279: {  	v17 =	vld [tilespmem:s1+$0x6060]  }
0x27a: {  	v58 =	vld [tilespmem:s1+$0x6C60];
	v16 =	vadd.s32 $0x1010, v16  }
0x27b: {  	v59 =	vld [tilespmem:s1+$0x7860]  }
0x27c: {  	v60 =	vld [tilespmem:s1+$0x8460]  }
0x27d: {  	v61 =	vld [tilespmem:s1+$0x9060]  }
0x27e: {  	v62 =	vld [tilespmem:s1+$0x9C60]  }
0x27f: {  	v63 =	vld.idx.msk [tilespmem:v16+s17+$0x0], $0xffff  }
0x280: {  	v32 =	vld.idx.msk [tilespmem:v16+s18+$0x0], $0xffff  }
0x281: {  	v33 =	vld.idx.msk [tilespmem:v16+s19+$0x0], $0xffff  }
0x282: {  	v34 =	vld.idx.msk [tilespmem:v16+s20+$0x0], $0xffff  }
0x283: {  	v35 =	vld.idx.msk [tilespmem:v16+s21+$0x0], $0xffff  }
0x284: {  	v36 =	vld.idx.msk [tilespmem:v16+s22+$0x0], $0xffff;
	v17 =	vmax.f32 v63, v17  }
0x285: {  	[tilespmem:v16+s17+$0x0] =	vst.idx.msk $0xffff, v17;
	v17 =	vmax.f32 v32, v58  }
0x286: {  	[tilespmem:v16+s18+$0x0] =	vst.idx.msk $0xffff, v17;
	v17 =	vmax.f32 v33, v59  }
0x287: {  	[tilespmem:v16+s19+$0x0] =	vst.idx.msk $0xffff, v17;
	v17 =	vmax.f32 v34, v60  }
0x288: {  	[tilespmem:v16+s20+$0x0] =	vst.idx.msk $0xffff, v17;
	v17 =	vmax.f32 v35, v61  }
0x289: {  	[tilespmem:v16+s21+$0x0] =	vst.idx.msk $0xffff, v17;
	v17 =	vmax.f32 v36, v62  }
0x28a: {  	[tilespmem:v16+s22+$0x0] =	vst.idx.msk $0xffff, v17  }
0x28b: {  	v16 =	vld [tilespmem:s30+$0xFFFFFFB0];
	_ =	sdelay $0x3  }
0x28c: {  	v17 =	vld [tilespmem:s1+$0x6070]  }
0x28d: {  	v37 =	vld [tilespmem:s1+$0x6C70];
	v16 =	vadd.s32 $0x1010, v16  }
0x28e: {  	v38 =	vld [tilespmem:s1+$0x7870]  }
0x28f: {  	v39 =	vld [tilespmem:s1+$0x8470]  }
0x290: {  	v40 =	vld [tilespmem:s1+$0x9070]  }
0x291: {  	v41 =	vld [tilespmem:s1+$0x9C70]  }
0x292: {  	v42 =	vld.idx.msk [tilespmem:v16+s17+$0x0], $0xffff  }
0x293: {  	v43 =	vld.idx.msk [tilespmem:v16+s18+$0x0], $0xffff  }
0x294: {  	v44 =	vld.idx.msk [tilespmem:v16+s19+$0x0], $0xffff  }
0x295: {  	v45 =	vld.idx.msk [tilespmem:v16+s20+$0x0], $0xffff  }
0x296: {  	v46 =	vld.idx.msk [tilespmem:v16+s21+$0x0], $0xffff  }
0x297: {  	v47 =	vld.idx.msk [tilespmem:v16+s22+$0x0], $0xffff;
	v17 =	vmax.f32 v42, v17  }
0x298: {  	[tilespmem:v16+s17+$0x0] =	vst.idx.msk $0xffff, v17;
	v17 =	vmax.f32 v43, v37  }
0x299: {  	[tilespmem:v16+s18+$0x0] =	vst.idx.msk $0xffff, v17;
	v17 =	vmax.f32 v44, v38  }
0x29a: {  	[tilespmem:v16+s19+$0x0] =	vst.idx.msk $0xffff, v17;
	v17 =	vmax.f32 v45, v39  }
0x29b: {  	[tilespmem:v16+s20+$0x0] =	vst.idx.msk $0xffff, v17;
	v17 =	vmax.f32 v46, v40  }
0x29c: {  	[tilespmem:v16+s21+$0x0] =	vst.idx.msk $0xffff, v17;
	v17 =	vmax.f32 v47, v41  }
0x29d: {  	[tilespmem:v16+s22+$0x0] =	vst.idx.msk $0xffff, v17  }
0x29e: {  	v16 =	vld [tilespmem:s30+$0xFFFFFFC0];
	_ =	sdelay $0x3  }
0x29f: {  	v17 =	vld [tilespmem:s1+$0x6400]  }
0x2a0: {  	v48 =	vld [tilespmem:s1+$0x7000];
	v16 =	vadd.s32 $0x1010, v16  }
0x2a1: {  	v49 =	vld [tilespmem:s1+$0x7C00]  }
0x2a2: {  	v50 =	vld [tilespmem:s1+$0x8800]  }
0x2a3: {  	v51 =	vld [tilespmem:s1+$0x9400]  }
0x2a4: {  	v52 =	vld [tilespmem:s1+$0xA000]  }
0x2a5: {  	v53 =	vld.idx.msk [tilespmem:v16+s17+$0x0], $0xffff  }
0x2a6: {  	v54 =	vld.idx.msk [tilespmem:v16+s18+$0x0], $0xffff  }
0x2a7: {  	v55 =	vld.idx.msk [tilespmem:v16+s19+$0x0], $0xffff  }
0x2a8: {  	v56 =	vld.idx.msk [tilespmem:v16+s20+$0x0], $0xffff  }
0x2a9: {  	v57 =	vld.idx.msk [tilespmem:v16+s21+$0x0], $0xffff  }
0x2aa: {  	v58 =	vld.idx.msk [tilespmem:v16+s22+$0x0], $0xffff;
	v17 =	vmax.f32 v53, v17  }
0x2ab: {  	[tilespmem:v16+s17+$0x0] =	vst.idx.msk $0xffff, v17;
	v17 =	vmax.f32 v54, v48  }
0x2ac: {  	[tilespmem:v16+s18+$0x0] =	vst.idx.msk $0xffff, v17;
	v17 =	vmax.f32 v55, v49  }
0x2ad: {  	[tilespmem:v16+s19+$0x0] =	vst.idx.msk $0xffff, v17;
	v17 =	vmax.f32 v56, v50  }
0x2ae: {  	[tilespmem:v16+s20+$0x0] =	vst.idx.msk $0xffff, v17;
	v17 =	vmax.f32 v57, v51  }
0x2af: {  	[tilespmem:v16+s21+$0x0] =	vst.idx.msk $0xffff, v17;
	v17 =	vmax.f32 v58, v52  }
0x2b0: {  	[tilespmem:v16+s22+$0x0] =	vst.idx.msk $0xffff, v17  }
0x2b1: {  	v16 =	vld [tilespmem:s30+$0xFFFFFFD0];
	_ =	sdelay $0x3  }
0x2b2: {  	v17 =	vld [tilespmem:s1+$0x6410]  }
0x2b3: {  	v59 =	vld [tilespmem:s1+$0x7010];
	v16 =	vadd.s32 $0x1010, v16  }
0x2b4: {  	v60 =	vld [tilespmem:s1+$0x7C10]  }
0x2b5: {  	v61 =	vld [tilespmem:s1+$0x8810]  }
0x2b6: {  	v62 =	vld [tilespmem:s1+$0x9410]  }
0x2b7: {  	v63 =	vld [tilespmem:s1+$0xA010]  }
0x2b8: {  	v32 =	vld.idx.msk [tilespmem:v16+s17+$0x0], $0xffff  }
0x2b9: {  	v33 =	vld.idx.msk [tilespmem:v16+s18+$0x0], $0xffff  }
0x2ba: {  	v34 =	vld.idx.msk [tilespmem:v16+s19+$0x0], $0xffff  }
0x2bb: {  	v35 =	vld.idx.msk [tilespmem:v16+s20+$0x0], $0xffff  }
0x2bc: {  	v36 =	vld.idx.msk [tilespmem:v16+s21+$0x0], $0xffff  }
0x2bd: {  	v37 =	vld.idx.msk [tilespmem:v16+s22+$0x0], $0xffff;
	v17 =	vmax.f32 v32, v17  }
0x2be: {  	[tilespmem:v16+s17+$0x0] =	vst.idx.msk $0xffff, v17;
	v17 =	vmax.f32 v33, v59  }
0x2bf: {  	[tilespmem:v16+s18+$0x0] =	vst.idx.msk $0xffff, v17;
	v17 =	vmax.f32 v34, v60  }
0x2c0: {  	[tilespmem:v16+s19+$0x0] =	vst.idx.msk $0xffff, v17;
	v17 =	vmax.f32 v35, v61  }
0x2c1: {  	[tilespmem:v16+s20+$0x0] =	vst.idx.msk $0xffff, v17;
	v17 =	vmax.f32 v36, v62  }
0x2c2: {  	[tilespmem:v16+s21+$0x0] =	vst.idx.msk $0xffff, v17;
	v17 =	vmax.f32 v37, v63  }
0x2c3: {  	[tilespmem:v16+s22+$0x0] =	vst.idx.msk $0xffff, v17  }
0x2c4: {  	v16 =	vld [tilespmem:s30+$0xFFFFFFE0];
	_ =	sdelay $0x3  }
0x2c5: {  	v17 =	vld [tilespmem:s1+$0x6420]  }
0x2c6: {  	v38 =	vld [tilespmem:s1+$0x7020];
	v16 =	vadd.s32 $0x1010, v16  }
0x2c7: {  	v39 =	vld [tilespmem:s1+$0x7C20]  }
0x2c8: {  	v40 =	vld [tilespmem:s1+$0x8820]  }
0x2c9: {  	v41 =	vld [tilespmem:s1+$0x9420]  }
0x2ca: {  	v42 =	vld [tilespmem:s1+$0xA020]  }
0x2cb: {  	v43 =	vld.idx.msk [tilespmem:v16+s17+$0x0], $0xffff  }
0x2cc: {  	v44 =	vld.idx.msk [tilespmem:v16+s18+$0x0], $0xffff  }
0x2cd: {  	v45 =	vld.idx.msk [tilespmem:v16+s19+$0x0], $0xffff  }
0x2ce: {  	v46 =	vld.idx.msk [tilespmem:v16+s20+$0x0], $0xffff  }
0x2cf: {  	v47 =	vld.idx.msk [tilespmem:v16+s21+$0x0], $0xffff  }
0x2d0: {  	v48 =	vld.idx.msk [tilespmem:v16+s22+$0x0], $0xffff;
	v17 =	vmax.f32 v43, v17  }
0x2d1: {  	[tilespmem:v16+s17+$0x0] =	vst.idx.msk $0xffff, v17;
	v17 =	vmax.f32 v44, v38  }
0x2d2: {  	[tilespmem:v16+s18+$0x0] =	vst.idx.msk $0xffff, v17;
	v17 =	vmax.f32 v45, v39  }
0x2d3: {  	[tilespmem:v16+s19+$0x0] =	vst.idx.msk $0xffff, v17;
	v17 =	vmax.f32 v46, v40  }
0x2d4: {  	[tilespmem:v16+s20+$0x0] =	vst.idx.msk $0xffff, v17;
	v17 =	vmax.f32 v47, v41  }
0x2d5: {  	[tilespmem:v16+s21+$0x0] =	vst.idx.msk $0xffff, v17;
	v17 =	vmax.f32 v48, v42  }
0x2d6: {  	[tilespmem:v16+s22+$0x0] =	vst.idx.msk $0xffff, v17  }
0x2d7: {  	v16 =	vld [tilespmem:s30+$0xFFFFFFF0];
	_ =	sdelay $0x3  }
0x2d8: {  	v17 =	vld [tilespmem:s1+$0x6430]  }
0x2d9: {  	v49 =	vld [tilespmem:s1+$0x7030];
	v16 =	vadd.s32 $0x1010, v16  }
0x2da: {  	v50 =	vld [tilespmem:s1+$0x7C30]  }
0x2db: {  	v51 =	vld [tilespmem:s1+$0x8830]  }
0x2dc: {  	v52 =	vld [tilespmem:s1+$0x9430]  }
0x2dd: {  	v53 =	vld [tilespmem:s1+$0xA030]  }
0x2de: {  	v54 =	vld.idx.msk [tilespmem:v16+s17+$0x0], $0xffff  }
0x2df: {  	v55 =	vld.idx.msk [tilespmem:v16+s18+$0x0], $0xffff  }
0x2e0: {  	v56 =	vld.idx.msk [tilespmem:v16+s19+$0x0], $0xffff  }
0x2e1: {  	v57 =	vld.idx.msk [tilespmem:v16+s20+$0x0], $0xffff  }
0x2e2: {  	v58 =	vld.idx.msk [tilespmem:v16+s21+$0x0], $0xffff  }
0x2e3: {  	v59 =	vld.idx.msk [tilespmem:v16+s22+$0x0], $0xffff;
	v17 =	vmax.f32 v54, v17  }
0x2e4: {  	[tilespmem:v16+s17+$0x0] =	vst.idx.msk $0xffff, v17;
	v17 =	vmax.f32 v55, v49  }
0x2e5: {  	[tilespmem:v16+s18+$0x0] =	vst.idx.msk $0xffff, v17;
	v17 =	vmax.f32 v56, v50  }
0x2e6: {  	[tilespmem:v16+s19+$0x0] =	vst.idx.msk $0xffff, v17;
	v17 =	vmax.f32 v57, v51  }
0x2e7: {  	[tilespmem:v16+s20+$0x0] =	vst.idx.msk $0xffff, v17;
	v17 =	vmax.f32 v58, v52  }
0x2e8: {  	[tilespmem:v16+s21+$0x0] =	vst.idx.msk $0xffff, v17;
	v17 =	vmax.f32 v59, v53  }
0x2e9: {  	[tilespmem:v16+s22+$0x0] =	vst.idx.msk $0xffff, v17  }
0x2ea: {  	v16 =	vld [tilespmem:s30+$0x0];
	_ =	sdelay $0x3  }
0x2eb: {  	v17 =	vld [tilespmem:s1+$0x6440]  }
0x2ec: {  	v60 =	vld [tilespmem:s1+$0x7040];
	v16 =	vadd.s32 $0x1010, v16  }
0x2ed: {  	v61 =	vld [tilespmem:s1+$0x7C40]  }
0x2ee: {  	v62 =	vld [tilespmem:s1+$0x8840]  }
0x2ef: {  	v63 =	vld [tilespmem:s1+$0x9440]  }
0x2f0: {  	v32 =	vld [tilespmem:s1+$0xA040]  }
0x2f1: {  	v33 =	vld.idx.msk [tilespmem:v16+s17+$0x0], $0xffff  }
0x2f2: {  	v34 =	vld.idx.msk [tilespmem:v16+s18+$0x0], $0xffff  }
0x2f3: {  	v35 =	vld.idx.msk [tilespmem:v16+s19+$0x0], $0xffff  }
0x2f4: {  	v36 =	vld.idx.msk [tilespmem:v16+s20+$0x0], $0xffff  }
0x2f5: {  	v37 =	vld.idx.msk [tilespmem:v16+s21+$0x0], $0xffff  }
0x2f6: {  	v38 =	vld.idx.msk [tilespmem:v16+s22+$0x0], $0xffff;
	v17 =	vmax.f32 v33, v17  }
0x2f7: {  	[tilespmem:v16+s17+$0x0] =	vst.idx.msk $0xffff, v17;
	v17 =	vmax.f32 v34, v60  }
0x2f8: {  	[tilespmem:v16+s18+$0x0] =	vst.idx.msk $0xffff, v17;
	v17 =	vmax.f32 v35, v61  }
0x2f9: {  	[tilespmem:v16+s19+$0x0] =	vst.idx.msk $0xffff, v17;
	v17 =	vmax.f32 v36, v62  }
0x2fa: {  	[tilespmem:v16+s20+$0x0] =	vst.idx.msk $0xffff, v17;
	v17 =	vmax.f32 v37, v63  }
0x2fb: {  	[tilespmem:v16+s21+$0x0] =	vst.idx.msk $0xffff, v17;
	v17 =	vmax.f32 v38, v32  }
0x2fc: {  	[tilespmem:v16+s22+$0x0] =	vst.idx.msk $0xffff, v17  }
0x2fd: {  	v16 =	vld [tilespmem:s30+$0x10];
	_ =	sdelay $0x3  }
0x2fe: {  	v17 =	vld [tilespmem:s1+$0x6450]  }
0x2ff: {  	v39 =	vld [tilespmem:s1+$0x7050];
	v16 =	vadd.s32 $0x1010, v16  }
0x300: {  	v40 =	vld [tilespmem:s1+$0x7C50]  }
0x301: {  	v41 =	vld [tilespmem:s1+$0x8850]  }
0x302: {  	v42 =	vld [tilespmem:s1+$0x9450]  }
0x303: {  	v43 =	vld [tilespmem:s1+$0xA050]  }
0x304: {  	v44 =	vld.idx.msk [tilespmem:v16+s17+$0x0], $0xffff  }
0x305: {  	v45 =	vld.idx.msk [tilespmem:v16+s18+$0x0], $0xffff  }
0x306: {  	v46 =	vld.idx.msk [tilespmem:v16+s19+$0x0], $0xffff  }
0x307: {  	v47 =	vld.idx.msk [tilespmem:v16+s20+$0x0], $0xffff  }
0x308: {  	v48 =	vld.idx.msk [tilespmem:v16+s21+$0x0], $0xffff  }
0x309: {  	v49 =	vld.idx.msk [tilespmem:v16+s22+$0x0], $0xffff;
	v17 =	vmax.f32 v44, v17  }
0x30a: {  	[tilespmem:v16+s17+$0x0] =	vst.idx.msk $0xffff, v17;
	v17 =	vmax.f32 v45, v39  }
0x30b: {  	[tilespmem:v16+s18+$0x0] =	vst.idx.msk $0xffff, v17;
	v17 =	vmax.f32 v46, v40  }
0x30c: {  	[tilespmem:v16+s19+$0x0] =	vst.idx.msk $0xffff, v17;
	v17 =	vmax.f32 v47, v41  }
0x30d: {  	[tilespmem:v16+s20+$0x0] =	vst.idx.msk $0xffff, v17;
	v17 =	vmax.f32 v48, v42  }
0x30e: {  	[tilespmem:v16+s21+$0x0] =	vst.idx.msk $0xffff, v17;
	v17 =	vmax.f32 v49, v43  }
0x30f: {  	[tilespmem:v16+s22+$0x0] =	vst.idx.msk $0xffff, v17  }
0x310: {  	v16 =	vld [tilespmem:s30+$0x20];
	_ =	sdelay $0x3  }
0x311: {  	v17 =	vld [tilespmem:s1+$0x6460]  }
0x312: {  	v50 =	vld [tilespmem:s1+$0x7060];
	v16 =	vadd.s32 $0x1010, v16  }
0x313: {  	v51 =	vld [tilespmem:s1+$0x7C60]  }
0x314: {  	v52 =	vld [tilespmem:s1+$0x8860]  }
0x315: {  	v53 =	vld [tilespmem:s1+$0x9460]  }
0x316: {  	v54 =	vld [tilespmem:s1+$0xA060]  }
0x317: {  	v55 =	vld.idx.msk [tilespmem:v16+s17+$0x0], $0xffff  }
0x318: {  	v56 =	vld.idx.msk [tilespmem:v16+s18+$0x0], $0xffff  }
0x319: {  	v57 =	vld.idx.msk [tilespmem:v16+s19+$0x0], $0xffff  }
0x31a: {  	v58 =	vld.idx.msk [tilespmem:v16+s20+$0x0], $0xffff  }
0x31b: {  	v59 =	vld.idx.msk [tilespmem:v16+s21+$0x0], $0xffff  }
0x31c: {  	v60 =	vld.idx.msk [tilespmem:v16+s22+$0x0], $0xffff;
	v17 =	vmax.f32 v55, v17  }
0x31d: {  	[tilespmem:v16+s17+$0x0] =	vst.idx.msk $0xffff, v17;
	v17 =	vmax.f32 v56, v50  }
0x31e: {  	[tilespmem:v16+s18+$0x0] =	vst.idx.msk $0xffff, v17;
	v17 =	vmax.f32 v57, v51  }
0x31f: {  	[tilespmem:v16+s19+$0x0] =	vst.idx.msk $0xffff, v17;
	v17 =	vmax.f32 v58, v52  }
0x320: {  	[tilespmem:v16+s20+$0x0] =	vst.idx.msk $0xffff, v17;
	v17 =	vmax.f32 v59, v53  }
0x321: {  	[tilespmem:v16+s21+$0x0] =	vst.idx.msk $0xffff, v17;
	v17 =	vmax.f32 v60, v54  }
0x322: {  	[tilespmem:v16+s22+$0x0] =	vst.idx.msk $0xffff, v17  }
0x323: {  	v16 =	vld [tilespmem:s30+$0x30];
	_ =	sdelay $0x3  }
0x324: {  	v17 =	vld [tilespmem:s1+$0x6470]  }
0x325: {  	v61 =	vld [tilespmem:s1+$0x7070];
	v16 =	vadd.s32 $0x1010, v16  }
0x326: {  	v62 =	vld [tilespmem:s1+$0x7C70]  }
0x327: {  	v63 =	vld [tilespmem:s1+$0x8870]  }
0x328: {  	v32 =	vld [tilespmem:s1+$0x9470]  }
0x329: {  	v33 =	vld [tilespmem:s1+$0xA070]  }
0x32a: {  	v34 =	vld.idx.msk [tilespmem:v16+s17+$0x0], $0xffff  }
0x32b: {  	v35 =	vld.idx.msk [tilespmem:v16+s18+$0x0], $0xffff  }
0x32c: {  	v36 =	vld.idx.msk [tilespmem:v16+s19+$0x0], $0xffff  }
0x32d: {  	v37 =	vld.idx.msk [tilespmem:v16+s20+$0x0], $0xffff  }
0x32e: {  	v38 =	vld.idx.msk [tilespmem:v16+s21+$0x0], $0xffff  }
0x32f: {  	v39 =	vld.idx.msk [tilespmem:v16+s22+$0x0], $0xffff;
	v17 =	vmax.f32 v34, v17  }
0x330: {  	[tilespmem:v16+s17+$0x0] =	vst.idx.msk $0xffff, v17;
	v17 =	vmax.f32 v35, v61  }
0x331: {  	[tilespmem:v16+s18+$0x0] =	vst.idx.msk $0xffff, v17;
	v17 =	vmax.f32 v36, v62  }
0x332: {  	[tilespmem:v16+s19+$0x0] =	vst.idx.msk $0xffff, v17;
	v17 =	vmax.f32 v37, v63  }
0x333: {  	[tilespmem:v16+s20+$0x0] =	vst.idx.msk $0xffff, v17;
	v17 =	vmax.f32 v38, v32  }
0x334: {  	[tilespmem:v16+s21+$0x0] =	vst.idx.msk $0xffff, v17;
	v17 =	vmax.f32 v39, v33  }
0x335: {  	[tilespmem:v16+s22+$0x0] =	vst.idx.msk $0xffff, v17  }
0x336: {  	v16 =	vld [tilespmem:s30+$0x40];
	_ =	sdelay $0x3  }
0x337: {  	v17 =	vld [tilespmem:s1+$0x6800]  }
0x338: {  	v40 =	vld [tilespmem:s1+$0x7400];
	v16 =	vadd.s32 $0x1010, v16  }
0x339: {  	v41 =	vld [tilespmem:s1+$0x8000]  }
0x33a: {  	v42 =	vld [tilespmem:s1+$0x8C00]  }
0x33b: {  	v43 =	vld [tilespmem:s1+$0x9800]  }
0x33c: {  	v44 =	vld [tilespmem:s1+$0xA400]  }
0x33d: {  	v45 =	vld.idx.msk [tilespmem:v16+s17+$0x0], $0xffff  }
0x33e: {  	v46 =	vld.idx.msk [tilespmem:v16+s18+$0x0], $0xffff  }
0x33f: {  	v47 =	vld.idx.msk [tilespmem:v16+s19+$0x0], $0xffff  }
0x340: {  	v48 =	vld.idx.msk [tilespmem:v16+s20+$0x0], $0xffff  }
0x341: {  	v49 =	vld.idx.msk [tilespmem:v16+s21+$0x0], $0xffff  }
0x342: {  	v50 =	vld.idx.msk [tilespmem:v16+s22+$0x0], $0xffff;
	v17 =	vmax.f32 v45, v17  }
0x343: {  	[tilespmem:v16+s17+$0x0] =	vst.idx.msk $0xffff, v17;
	v17 =	vmax.f32 v46, v40  }
0x344: {  	[tilespmem:v16+s18+$0x0] =	vst.idx.msk $0xffff, v17;
	v17 =	vmax.f32 v47, v41  }
0x345: {  	[tilespmem:v16+s19+$0x0] =	vst.idx.msk $0xffff, v17;
	v17 =	vmax.f32 v48, v42  }
0x346: {  	[tilespmem:v16+s20+$0x0] =	vst.idx.msk $0xffff, v17;
	v17 =	vmax.f32 v49, v43  }
0x347: {  	[tilespmem:v16+s21+$0x0] =	vst.idx.msk $0xffff, v17;
	v17 =	vmax.f32 v50, v44  }
0x348: {  	[tilespmem:v16+s22+$0x0] =	vst.idx.msk $0xffff, v17  }
0x349: {  	v16 =	vld [tilespmem:s30+$0x50];
	_ =	sdelay $0x3  }
0x34a: {  	v17 =	vld [tilespmem:s1+$0x6810]  }
0x34b: {  	v51 =	vld [tilespmem:s1+$0x7410];
	v16 =	vadd.s32 $0x1010, v16  }
0x34c: {  	v52 =	vld [tilespmem:s1+$0x8010]  }
0x34d: {  	v53 =	vld [tilespmem:s1+$0x8C10]  }
0x34e: {  	v54 =	vld [tilespmem:s1+$0x9810]  }
0x34f: {  	v55 =	vld [tilespmem:s1+$0xA410]  }
0x350: {  	v56 =	vld.idx.msk [tilespmem:v16+s17+$0x0], $0xffff  }
0x351: {  	v57 =	vld.idx.msk [tilespmem:v16+s18+$0x0], $0xffff  }
0x352: {  	v58 =	vld.idx.msk [tilespmem:v16+s19+$0x0], $0xffff  }
0x353: {  	v59 =	vld.idx.msk [tilespmem:v16+s20+$0x0], $0xffff  }
0x354: {  	v60 =	vld.idx.msk [tilespmem:v16+s21+$0x0], $0xffff  }
0x355: {  	v61 =	vld.idx.msk [tilespmem:v16+s22+$0x0], $0xffff;
	v17 =	vmax.f32 v56, v17  }
0x356: {  	[tilespmem:v16+s17+$0x0] =	vst.idx.msk $0xffff, v17;
	v17 =	vmax.f32 v57, v51  }
0x357: {  	[tilespmem:v16+s18+$0x0] =	vst.idx.msk $0xffff, v17;
	v17 =	vmax.f32 v58, v52  }
0x358: {  	[tilespmem:v16+s19+$0x0] =	vst.idx.msk $0xffff, v17;
	v17 =	vmax.f32 v59, v53  }
0x359: {  	[tilespmem:v16+s20+$0x0] =	vst.idx.msk $0xffff, v17;
	v17 =	vmax.f32 v60, v54  }
0x35a: {  	[tilespmem:v16+s21+$0x0] =	vst.idx.msk $0xffff, v17;
	v17 =	vmax.f32 v61, v55  }
0x35b: {  	[tilespmem:v16+s22+$0x0] =	vst.idx.msk $0xffff, v17  }
0x35c: {  	v16 =	vld [tilespmem:s30+$0x60];
	_ =	sdelay $0x3  }
0x35d: {  	v17 =	vld [tilespmem:s1+$0x6820]  }
0x35e: {  	v62 =	vld [tilespmem:s1+$0x7420];
	v16 =	vadd.s32 $0x1010, v16  }
0x35f: {  	v63 =	vld [tilespmem:s1+$0x8020]  }
0x360: {  	v32 =	vld [tilespmem:s1+$0x8C20]  }
0x361: {  	v33 =	vld [tilespmem:s1+$0x9820]  }
0x362: {  	v34 =	vld [tilespmem:s1+$0xA420]  }
0x363: {  	v35 =	vld.idx.msk [tilespmem:v16+s17+$0x0], $0xffff  }
0x364: {  	v36 =	vld.idx.msk [tilespmem:v16+s18+$0x0], $0xffff  }
0x365: {  	v37 =	vld.idx.msk [tilespmem:v16+s19+$0x0], $0xffff  }
0x366: {  	v38 =	vld.idx.msk [tilespmem:v16+s20+$0x0], $0xffff  }
0x367: {  	v39 =	vld.idx.msk [tilespmem:v16+s21+$0x0], $0xffff  }
0x368: {  	v40 =	vld.idx.msk [tilespmem:v16+s22+$0x0], $0xffff;
	v17 =	vmax.f32 v35, v17  }
0x369: {  	[tilespmem:v16+s17+$0x0] =	vst.idx.msk $0xffff, v17;
	v17 =	vmax.f32 v36, v62  }
0x36a: {  	[tilespmem:v16+s18+$0x0] =	vst.idx.msk $0xffff, v17;
	v17 =	vmax.f32 v37, v63  }
0x36b: {  	[tilespmem:v16+s19+$0x0] =	vst.idx.msk $0xffff, v17;
	v17 =	vmax.f32 v38, v32  }
0x36c: {  	[tilespmem:v16+s20+$0x0] =	vst.idx.msk $0xffff, v17;
	v17 =	vmax.f32 v39, v33  }
0x36d: {  	[tilespmem:v16+s21+$0x0] =	vst.idx.msk $0xffff, v17;
	v17 =	vmax.f32 v40, v34  }
0x36e: {  	[tilespmem:v16+s22+$0x0] =	vst.idx.msk $0xffff, v17  }
0x36f: {  	v16 =	vld [tilespmem:s30+$0x70];
	_ =	sdelay $0x3  }
0x370: {  	v17 =	vld [tilespmem:s1+$0x6830]  }
0x371: {  	v41 =	vld [tilespmem:s1+$0x7430];
	v16 =	vadd.s32 $0x1010, v16  }
0x372: {  	v42 =	vld [tilespmem:s1+$0x8030]  }
0x373: {  	v43 =	vld [tilespmem:s1+$0x8C30]  }
0x374: {  	v44 =	vld [tilespmem:s1+$0x9830]  }
0x375: {  	v45 =	vld [tilespmem:s1+$0xA430]  }
0x376: {  	v46 =	vld.idx.msk [tilespmem:v16+s17+$0x0], $0xffff  }
0x377: {  	v47 =	vld.idx.msk [tilespmem:v16+s18+$0x0], $0xffff  }
0x378: {  	v48 =	vld.idx.msk [tilespmem:v16+s19+$0x0], $0xffff  }
0x379: {  	v49 =	vld.idx.msk [tilespmem:v16+s20+$0x0], $0xffff  }
0x37a: {  	v50 =	vld.idx.msk [tilespmem:v16+s21+$0x0], $0xffff  }
0x37b: {  	v51 =	vld.idx.msk [tilespmem:v16+s22+$0x0], $0xffff;
	v17 =	vmax.f32 v46, v17  }
0x37c: {  	[tilespmem:v16+s17+$0x0] =	vst.idx.msk $0xffff, v17;
	v17 =	vmax.f32 v47, v41  }
0x37d: {  	[tilespmem:v16+s18+$0x0] =	vst.idx.msk $0xffff, v17;
	v17 =	vmax.f32 v48, v42  }
0x37e: {  	[tilespmem:v16+s19+$0x0] =	vst.idx.msk $0xffff, v17;
	v17 =	vmax.f32 v49, v43  }
0x37f: {  	[tilespmem:v16+s20+$0x0] =	vst.idx.msk $0xffff, v17;
	v17 =	vmax.f32 v50, v44  }
0x380: {  	[tilespmem:v16+s21+$0x0] =	vst.idx.msk $0xffff, v17;
	v17 =	vmax.f32 v51, v45  }
0x381: {  	[tilespmem:v16+s22+$0x0] =	vst.idx.msk $0xffff, v17  }
0x382: {  	v16 =	vld [tilespmem:s30+$0x80];
	_ =	sdelay $0x3  }
0x383: {  	v17 =	vld [tilespmem:s1+$0x6840]  }
0x384: {  	v52 =	vld [tilespmem:s1+$0x7440];
	v16 =	vadd.s32 $0x1010, v16  }
0x385: {  	v53 =	vld [tilespmem:s1+$0x8040]  }
0x386: {  	v54 =	vld [tilespmem:s1+$0x8C40]  }
0x387: {  	v55 =	vld [tilespmem:s1+$0x9840]  }
0x388: {  	v56 =	vld [tilespmem:s1+$0xA440]  }
0x389: {  	v57 =	vld.idx.msk [tilespmem:v16+s17+$0x0], $0xffff  }
0x38a: {  	v58 =	vld.idx.msk [tilespmem:v16+s18+$0x0], $0xffff  }
0x38b: {  	v59 =	vld.idx.msk [tilespmem:v16+s19+$0x0], $0xffff  }
0x38c: {  	v60 =	vld.idx.msk [tilespmem:v16+s20+$0x0], $0xffff  }
0x38d: {  	v61 =	vld.idx.msk [tilespmem:v16+s21+$0x0], $0xffff  }
0x38e: {  	v62 =	vld.idx.msk [tilespmem:v16+s22+$0x0], $0xffff;
	v17 =	vmax.f32 v57, v17  }
0x38f: {  	[tilespmem:v16+s17+$0x0] =	vst.idx.msk $0xffff, v17;
	v17 =	vmax.f32 v58, v52  }
0x390: {  	[tilespmem:v16+s18+$0x0] =	vst.idx.msk $0xffff, v17;
	v17 =	vmax.f32 v59, v53  }
0x391: {  	[tilespmem:v16+s19+$0x0] =	vst.idx.msk $0xffff, v17;
	v17 =	vmax.f32 v60, v54  }
0x392: {  	[tilespmem:v16+s20+$0x0] =	vst.idx.msk $0xffff, v17;
	v17 =	vmax.f32 v61, v55  }
0x393: {  	[tilespmem:v16+s21+$0x0] =	vst.idx.msk $0xffff, v17;
	v17 =	vmax.f32 v62, v56  }
0x394: {  	[tilespmem:v16+s22+$0x0] =	vst.idx.msk $0xffff, v17  }
0x395: {  	v16 =	vld [tilespmem:s30+$0x90];
	_ =	sdelay $0x3  }
0x396: {  	v17 =	vld [tilespmem:s1+$0x6850]  }
0x397: {  	v63 =	vld [tilespmem:s1+$0x7450];
	v16 =	vadd.s32 $0x1010, v16  }
0x398: {  	v32 =	vld [tilespmem:s1+$0x8050]  }
0x399: {  	v33 =	vld [tilespmem:s1+$0x8C50]  }
0x39a: {  	v34 =	vld [tilespmem:s1+$0x9850]  }
0x39b: {  	v35 =	vld [tilespmem:s1+$0xA450]  }
0x39c: {  	v36 =	vld.idx.msk [tilespmem:v16+s17+$0x0], $0xffff  }
0x39d: {  	v37 =	vld.idx.msk [tilespmem:v16+s18+$0x0], $0xffff  }
0x39e: {  	v38 =	vld.idx.msk [tilespmem:v16+s19+$0x0], $0xffff  }
0x39f: {  	v39 =	vld.idx.msk [tilespmem:v16+s20+$0x0], $0xffff  }
0x3a0: {  	v40 =	vld.idx.msk [tilespmem:v16+s21+$0x0], $0xffff  }
0x3a1: {  	v41 =	vld.idx.msk [tilespmem:v16+s22+$0x0], $0xffff;
	v17 =	vmax.f32 v36, v17  }
0x3a2: {  	[tilespmem:v16+s17+$0x0] =	vst.idx.msk $0xffff, v17;
	v17 =	vmax.f32 v37, v63  }
0x3a3: {  	[tilespmem:v16+s18+$0x0] =	vst.idx.msk $0xffff, v17;
	v17 =	vmax.f32 v38, v32  }
0x3a4: {  	[tilespmem:v16+s19+$0x0] =	vst.idx.msk $0xffff, v17;
	v17 =	vmax.f32 v39, v33  }
0x3a5: {  	[tilespmem:v16+s20+$0x0] =	vst.idx.msk $0xffff, v17;
	v17 =	vmax.f32 v40, v34  }
0x3a6: {  	[tilespmem:v16+s21+$0x0] =	vst.idx.msk $0xffff, v17;
	v17 =	vmax.f32 v41, v35  }
0x3a7: {  	[tilespmem:v16+s22+$0x0] =	vst.idx.msk $0xffff, v17  }
0x3a8: {  	v16 =	vld [tilespmem:s30+$0xA0];
	_ =	sdelay $0x3  }
0x3a9: {  	v17 =	vld [tilespmem:s1+$0x6860]  }
0x3aa: {  	v42 =	vld [tilespmem:s1+$0x7460];
	v16 =	vadd.s32 $0x1010, v16  }
0x3ab: {  	v43 =	vld [tilespmem:s1+$0x8060]  }
0x3ac: {  	v44 =	vld [tilespmem:s1+$0x8C60]  }
0x3ad: {  	v45 =	vld [tilespmem:s1+$0x9860]  }
0x3ae: {  	v46 =	vld [tilespmem:s1+$0xA460]  }
0x3af: {  	v47 =	vld.idx.msk [tilespmem:v16+s17+$0x0], $0xffff  }
0x3b0: {  	v48 =	vld.idx.msk [tilespmem:v16+s18+$0x0], $0xffff  }
0x3b1: {  	v49 =	vld.idx.msk [tilespmem:v16+s19+$0x0], $0xffff  }
0x3b2: {  	v50 =	vld.idx.msk [tilespmem:v16+s20+$0x0], $0xffff  }
0x3b3: {  	v51 =	vld.idx.msk [tilespmem:v16+s21+$0x0], $0xffff  }
0x3b4: {  	v52 =	vld.idx.msk [tilespmem:v16+s22+$0x0], $0xffff;
	v17 =	vmax.f32 v47, v17  }
0x3b5: {  	[tilespmem:v16+s17+$0x0] =	vst.idx.msk $0xffff, v17;
	v17 =	vmax.f32 v48, v42  }
0x3b6: {  	[tilespmem:v16+s18+$0x0] =	vst.idx.msk $0xffff, v17;
	v17 =	vmax.f32 v49, v43  }
0x3b7: {  	[tilespmem:v16+s19+$0x0] =	vst.idx.msk $0xffff, v17;
	v17 =	vmax.f32 v50, v44  }
0x3b8: {  	[tilespmem:v16+s20+$0x0] =	vst.idx.msk $0xffff, v17;
	v17 =	vmax.f32 v51, v45  }
0x3b9: {  	[tilespmem:v16+s21+$0x0] =	vst.idx.msk $0xffff, v17;
	v17 =	vmax.f32 v52, v46  }
0x3ba: {  	[tilespmem:v16+s22+$0x0] =	vst.idx.msk $0xffff, v17  }
0x3bb: {  	v16 =	vld [tilespmem:s30+$0xB0];
	_ =	sdelay $0x3  }
0x3bc: {  	v17 =	vld [tilespmem:s1+$0x6870]  }
0x3bd: {  	v53 =	vld [tilespmem:s1+$0x7470];
	v16 =	vadd.s32 $0x1010, v16  }
0x3be: {  	v54 =	vld [tilespmem:s1+$0x8070]  }
0x3bf: {  	v55 =	vld [tilespmem:s1+$0x8C70]  }
0x3c0: {  	v56 =	vld [tilespmem:s1+$0x9870]  }
0x3c1: {  	v57 =	vld [tilespmem:s1+$0xA470]  }
0x3c2: {  	v58 =	vld.idx.msk [tilespmem:v16+s17+$0x0], $0xffff  }
0x3c3: {  	v59 =	vld.idx.msk [tilespmem:v16+s18+$0x0], $0xffff  }
0x3c4: {  	v60 =	vld.idx.msk [tilespmem:v16+s19+$0x0], $0xffff  }
0x3c5: {  	v61 =	vld.idx.msk [tilespmem:v16+s20+$0x0], $0xffff  }
0x3c6: {  	v62 =	vld.idx.msk [tilespmem:v16+s21+$0x0], $0xffff  }
0x3c7: {  	v63 =	vld.idx.msk [tilespmem:v16+s22+$0x0], $0xffff;
	v17 =	vmax.f32 v58, v17  }
0x3c8: {  	p0 =	seq.s32 s31, $0xE00;
	[tilespmem:v16+s17+$0x0] =	vst.idx.msk $0xffff, v17;
	v17 =	vmax.f32 v59, v53  }
.Ltmp2:
0x3c9: {  	[tilespmem:v16+s18+$0x0] =	vst.idx.msk $0xffff, v17;
	v17 =	vmax.f32 v60, v54;
	(pc) =	sbr.rel @!p0 .LBB2_7-.Ltmp2, $4  }
0x3ca: {  	[tilespmem:v16+s19+$0x0] =	vst.idx.msk $0xffff, v17;
	v17 =	vmax.f32 v61, v55  }
0x3cb: {  	[tilespmem:v16+s20+$0x0] =	vst.idx.msk $0xffff, v17;
	v17 =	vmax.f32 v62, v56  }
0x3cc: {  	[tilespmem:v16+s21+$0x0] =	vst.idx.msk $0xffff, v17;
	v17 =	vmax.f32 v63, v57  }
0x3cd: {  	s31 =	sadd.s32 $0x200, s31;
	s30 =	sadd.s32 $0x180, s30;
	[tilespmem:v16+s22+$0x0] =	vst.idx.msk $0xffff, v17  }
0x3ce: {  	p0 =	seq.s32 s29, $0x30  }
.Ltmp3:
0x3cf: {  	_ = 	snop;
	(pc) =	sbr.rel @!p0 .LBB2_4-.Ltmp3, $1  }
0x3d0: {  	_ =	sdelay $0x3  }
0x3d1: {  	s1 =	simm.s32 $0x0  }
0x3d2: {  	v18 =	vadd.s32 s1, v2  }
0x3d3: {  	v17 =	vor.u32 s1, v0  }
0x3d4: {  	v19 =	vadd.s32 s1, v3  }
0x3d5: {  	v20 =	vadd.s32 s1, v4  }
0x3d6: {  	v21 =	vadd.s32 s1, v5  }
0x3d7: {  	v22 =	vadd.s32 s1, v6;
	v16 =	vld.idx.msk [tilespmem:v18+s17+$0x0], $0xffff  }
0x3d8: {  	v23 =	vadd.s32 s1, v7;
	v29 =	vld.idx.msk [tilespmem:v17+s17+$0x0], $0xffff  }
0x3d9: {  	v24 =	vadd.s32 s1, v8;
	v30 =	vld.idx.msk [tilespmem:v19+s17+$0x0], $0xffff  }
0x3da: {  	v25 =	vadd.s32 s1, v9;
	v31 =	vld.idx.msk [tilespmem:v20+s17+$0x0], $0xffff  }
0x3db: {  	v26 =	vadd.s32 s1, v10;
	v32 =	vld.idx.msk [tilespmem:v21+s17+$0x0], $0xffff  }
0x3dc: {  	v27 =	vadd.s32 s1, v11;
	v33 =	vld.idx.msk [tilespmem:v22+s17+$0x0], $0xffff  }
0x3dd: {  	v28 =	vadd.s32 s1, v12;
	v34 =	vld.idx.msk [tilespmem:v23+s17+$0x0], $0xffff;
	v16 =	vmax.f32 v29, v16  }
0x3de: {  	v35 =	vld.idx.msk [tilespmem:v24+s17+$0x0], $0xffff;
	v29 =	vadd.s32 s1, v13;
	v16 =	vmax.f32 v16, v30  }
0x3df: {  	v36 =	vld.idx.msk [tilespmem:v25+s17+$0x0], $0xffff;
	v30 =	vadd.s32 s1, v14;
	v37 =	vmax.f32 v16, v31  }
0x3e0: {  	v38 =	vld.idx.msk [tilespmem:v26+s17+$0x0], $0xffff;
	v31 =	vadd.s32 s1, v15;
	v16 =	vadd.s32 $0xF0F, v0;
	v37 =	vmax.f32 v37, v32  }
0x3e1: {  	v39 =	vld.idx.msk [tilespmem:v27+s17+$0x0], $0xffff;
	v32 =	vadd.s32 s1, v16;
	v33 =	vmax.f32 v37, v33  }
0x3e2: {  	v63 =	vld.idx.msk [tilespmem:v28+s17+$0x0], $0xffff;
	v33 =	vmax.f32 v33, v34  }
0x3e3: {  	v40 =	vld.idx.msk [tilespmem:v29+s17+$0x0], $0xffff;
	v33 =	vmax.f32 v33, v35  }
0x3e4: {  	v41 =	vld.idx.msk [tilespmem:v30+s17+$0x0], $0xffff;
	v33 =	vmax.f32 v33, v36  }
0x3e5: {  	v42 =	vld.idx.msk [tilespmem:v31+s17+$0x0], $0xffff;
	v33 =	vmax.f32 v33, v38  }
0x3e6: {  	v43 =	vld.idx.msk [tilespmem:v32+s17+$0x0], $0xffff;
	v33 =	vmax.f32 v33, v39  }
0x3e7: {  	v33 =	vmax.f32 v33, v63  }
0x3e8: {  	v33 =	vmax.f32 v33, v40  }
0x3e9: {  	v33 =	vmax.f32 v33, v41  }
0x3ea: {  	v33 =	vmax.f32 v33, v42  }
0x3eb: {  	s28 =	simm.s32 $0x16B00;
	v33 =	vmax.f32 v33, v43  }
0x3ec: {  	[tilespmem:s28+$0x0] =	vst v33  }
0x3ed: {  	v33 =	vld.idx.msk [tilespmem:v17+s18+$0x0], $0xffff  }
0x3ee: {  	v44 =	vld.idx.msk [tilespmem:v18+s18+$0x0], $0xffff  }
0x3ef: {  	v45 =	vld.idx.msk [tilespmem:v19+s18+$0x0], $0xffff  }
0x3f0: {  	v46 =	vld.idx.msk [tilespmem:v20+s18+$0x0], $0xffff  }
0x3f1: {  	v47 =	vld.idx.msk [tilespmem:v21+s18+$0x0], $0xffff  }
0x3f2: {  	v48 =	vld.idx.msk [tilespmem:v22+s18+$0x0], $0xffff  }
0x3f3: {  	v49 =	vld.idx.msk [tilespmem:v23+s18+$0x0], $0xffff;
	v33 =	vmax.f32 v33, v44  }
0x3f4: {  	v50 =	vld.idx.msk [tilespmem:v24+s18+$0x0], $0xffff;
	v33 =	vmax.f32 v33, v45  }
0x3f5: {  	v51 =	vld.idx.msk [tilespmem:v25+s18+$0x0], $0xffff;
	v33 =	vmax.f32 v33, v46  }
0x3f6: {  	v52 =	vld.idx.msk [tilespmem:v26+s18+$0x0], $0xffff;
	v33 =	vmax.f32 v33, v47  }
0x3f7: {  	v53 =	vld.idx.msk [tilespmem:v27+s18+$0x0], $0xffff;
	v33 =	vmax.f32 v33, v48  }
0x3f8: {  	v54 =	vld.idx.msk [tilespmem:v28+s18+$0x0], $0xffff;
	v33 =	vmax.f32 v33, v49  }
0x3f9: {  	v55 =	vld.idx.msk [tilespmem:v29+s18+$0x0], $0xffff;
	v33 =	vmax.f32 v33, v50  }
0x3fa: {  	v56 =	vld.idx.msk [tilespmem:v30+s18+$0x0], $0xffff;
	v33 =	vmax.f32 v33, v51  }
0x3fb: {  	v57 =	vld.idx.msk [tilespmem:v31+s18+$0x0], $0xffff;
	v33 =	vmax.f32 v33, v52  }
0x3fc: {  	v58 =	vld.idx.msk [tilespmem:v32+s18+$0x0], $0xffff;
	v33 =	vmax.f32 v33, v53  }
0x3fd: {  	v33 =	vmax.f32 v33, v54  }
0x3fe: {  	v33 =	vmax.f32 v33, v55  }
0x3ff: {  	v33 =	vmax.f32 v33, v56  }
0x400: {  	v33 =	vmax.f32 v33, v57  }
0x401: {  	s29 =	sand.u32 $0xF0, s1;
	v33 =	vmax.f32 v33, v58  }
0x402: {  	[tilespmem:s29+$0x16C00] =	vst v33  }
0x403: {  	v33 =	vld.idx.msk [tilespmem:v17+s19+$0x0], $0xffff  }
0x404: {  	v59 =	vld.idx.msk [tilespmem:v18+s19+$0x0], $0xffff  }
0x405: {  	v60 =	vld.idx.msk [tilespmem:v19+s19+$0x0], $0xffff  }
0x406: {  	v61 =	vld.idx.msk [tilespmem:v20+s19+$0x0], $0xffff  }
0x407: {  	v62 =	vld.idx.msk [tilespmem:v21+s19+$0x0], $0xffff  }
0x408: {  	v63 =	vld.idx.msk [tilespmem:v22+s19+$0x0], $0xffff  }
0x409: {  	v42 =	vld.idx.msk [tilespmem:v23+s19+$0x0], $0xffff;
	v33 =	vmax.f32 v33, v59  }
0x40a: {  	v43 =	vld.idx.msk [tilespmem:v24+s19+$0x0], $0xffff;
	v33 =	vmax.f32 v33, v60  }
0x40b: {  	v44 =	vld.idx.msk [tilespmem:v25+s19+$0x0], $0xffff;
	v33 =	vmax.f32 v33, v61  }
0x40c: {  	v45 =	vld.idx.msk [tilespmem:v26+s19+$0x0], $0xffff;
	v33 =	vmax.f32 v33, v62  }
0x40d: {  	v46 =	vld.idx.msk [tilespmem:v27+s19+$0x0], $0xffff;
	v33 =	vmax.f32 v33, v63  }
0x40e: {  	v47 =	vld.idx.msk [tilespmem:v28+s19+$0x0], $0xffff;
	v33 =	vmax.f32 v33, v42  }
0x40f: {  	v48 =	vld.idx.msk [tilespmem:v29+s19+$0x0], $0xffff;
	v33 =	vmax.f32 v33, v43  }
0x410: {  	v49 =	vld.idx.msk [tilespmem:v30+s19+$0x0], $0xffff;
	v33 =	vmax.f32 v33, v44  }
0x411: {  	v50 =	vld.idx.msk [tilespmem:v31+s19+$0x0], $0xffff;
	v33 =	vmax.f32 v33, v45  }
0x412: {  	v51 =	vld.idx.msk [tilespmem:v32+s19+$0x0], $0xffff;
	v33 =	vmax.f32 v33, v46  }
0x413: {  	v33 =	vmax.f32 v33, v47  }
0x414: {  	v33 =	vmax.f32 v33, v48  }
0x415: {  	v33 =	vmax.f32 v33, v49  }
0x416: {  	v33 =	vmax.f32 v33, v50  }
0x417: {  	v33 =	vmax.f32 v33, v51  }
0x418: {  	[tilespmem:s29+$0x16D00] =	vst v33  }
0x419: {  	v33 =	vld.idx.msk [tilespmem:v17+s20+$0x0], $0xffff  }
0x41a: {  	v52 =	vld.idx.msk [tilespmem:v18+s20+$0x0], $0xffff  }
0x41b: {  	v53 =	vld.idx.msk [tilespmem:v19+s20+$0x0], $0xffff  }
0x41c: {  	v54 =	vld.idx.msk [tilespmem:v20+s20+$0x0], $0xffff  }
0x41d: {  	v55 =	vld.idx.msk [tilespmem:v21+s20+$0x0], $0xffff  }
0x41e: {  	v56 =	vld.idx.msk [tilespmem:v22+s20+$0x0], $0xffff  }
0x41f: {  	v57 =	vld.idx.msk [tilespmem:v23+s20+$0x0], $0xffff;
	v33 =	vmax.f32 v33, v52  }
0x420: {  	v58 =	vld.idx.msk [tilespmem:v24+s20+$0x0], $0xffff;
	v33 =	vmax.f32 v33, v53  }
0x421: {  	v59 =	vld.idx.msk [tilespmem:v25+s20+$0x0], $0xffff;
	v33 =	vmax.f32 v33, v54  }
0x422: {  	v60 =	vld.idx.msk [tilespmem:v26+s20+$0x0], $0xffff;
	v33 =	vmax.f32 v33, v55  }
0x423: {  	v61 =	vld.idx.msk [tilespmem:v27+s20+$0x0], $0xffff;
	v33 =	vmax.f32 v33, v56  }
0x424: {  	v62 =	vld.idx.msk [tilespmem:v28+s20+$0x0], $0xffff;
	v33 =	vmax.f32 v33, v57  }
0x425: {  	v63 =	vld.idx.msk [tilespmem:v29+s20+$0x0], $0xffff;
	v33 =	vmax.f32 v33, v58  }
0x426: {  	v41 =	vld.idx.msk [tilespmem:v30+s20+$0x0], $0xffff;
	v33 =	vmax.f32 v33, v59  }
0x427: {  	v42 =	vld.idx.msk [tilespmem:v31+s20+$0x0], $0xffff;
	v33 =	vmax.f32 v33, v60  }
0x428: {  	v43 =	vld.idx.msk [tilespmem:v32+s20+$0x0], $0xffff;
	v33 =	vmax.f32 v33, v61  }
0x429: {  	v33 =	vmax.f32 v33, v62  }
0x42a: {  	v33 =	vmax.f32 v33, v63  }
0x42b: {  	v33 =	vmax.f32 v33, v41  }
0x42c: {  	v33 =	vmax.f32 v33, v42  }
0x42d: {  	v33 =	vmax.f32 v33, v43  }
0x42e: {  	[tilespmem:s29+$0x16E00] =	vst v33  }
0x42f: {  	v33 =	vld.idx.msk [tilespmem:v18+s21+$0x0], $0xffff  }
0x430: {  	v44 =	vld.idx.msk [tilespmem:v17+s21+$0x0], $0xffff  }
0x431: {  	v45 =	vld.idx.msk [tilespmem:v19+s21+$0x0], $0xffff  }
0x432: {  	v46 =	vld.idx.msk [tilespmem:v20+s21+$0x0], $0xffff  }
0x433: {  	v47 =	vld.idx.msk [tilespmem:v21+s21+$0x0], $0xffff  }
0x434: {  	v48 =	vld.idx.msk [tilespmem:v22+s21+$0x0], $0xffff  }
0x435: {  	v49 =	vld.idx.msk [tilespmem:v23+s21+$0x0], $0xffff;
	v33 =	vmax.f32 v44, v33  }
0x436: {  	v50 =	vld.idx.msk [tilespmem:v24+s21+$0x0], $0xffff;
	v33 =	vmax.f32 v33, v45  }
0x437: {  	v51 =	vld.idx.msk [tilespmem:v25+s21+$0x0], $0xffff;
	v33 =	vmax.f32 v33, v46  }
0x438: {  	v52 =	vld.idx.msk [tilespmem:v26+s21+$0x0], $0xffff;
	v33 =	vmax.f32 v33, v47  }
0x439: {  	v53 =	vld.idx.msk [tilespmem:v27+s21+$0x0], $0xffff;
	v33 =	vmax.f32 v33, v48  }
0x43a: {  	v54 =	vld.idx.msk [tilespmem:v28+s21+$0x0], $0xffff;
	v33 =	vmax.f32 v33, v49  }
0x43b: {  	v55 =	vld.idx.msk [tilespmem:v29+s21+$0x0], $0xffff;
	v33 =	vmax.f32 v33, v50  }
0x43c: {  	v56 =	vld.idx.msk [tilespmem:v30+s21+$0x0], $0xffff;
	v33 =	vmax.f32 v33, v51  }
0x43d: {  	v57 =	vld.idx.msk [tilespmem:v31+s21+$0x0], $0xffff;
	v33 =	vmax.f32 v33, v52  }
0x43e: {  	v58 =	vld.idx.msk [tilespmem:v32+s21+$0x0], $0xffff;
	v33 =	vmax.f32 v33, v53  }
0x43f: {  	v33 =	vmax.f32 v33, v54  }
0x440: {  	v33 =	vmax.f32 v33, v55  }
0x441: {  	v33 =	vmax.f32 v33, v56  }
0x442: {  	v33 =	vmax.f32 v33, v57  }
0x443: {  	v33 =	vmax.f32 v33, v58  }
0x444: {  	[tilespmem:s29+$0x16F00] =	vst v33  }
0x445: {  	v18 =	vld.idx.msk [tilespmem:v18+s22+$0x0], $0xffff  }
0x446: {  	v17 =	vld.idx.msk [tilespmem:v17+s22+$0x0], $0xffff  }
0x447: {  	v19 =	vld.idx.msk [tilespmem:v19+s22+$0x0], $0xffff  }
0x448: {  	v20 =	vld.idx.msk [tilespmem:v20+s22+$0x0], $0xffff  }
0x449: {  	v21 =	vld.idx.msk [tilespmem:v21+s22+$0x0], $0xffff  }
0x44a: {  	v22 =	vld.idx.msk [tilespmem:v22+s22+$0x0], $0xffff  }
0x44b: {  	v23 =	vld.idx.msk [tilespmem:v23+s22+$0x0], $0xffff;
	v17 =	vmax.f32 v17, v18  }
0x44c: {  	v18 =	vld.idx.msk [tilespmem:v24+s22+$0x0], $0xffff;
	v17 =	vmax.f32 v17, v19  }
0x44d: {  	v19 =	vld.idx.msk [tilespmem:v25+s22+$0x0], $0xffff;
	v17 =	vmax.f32 v17, v20  }
0x44e: {  	v20 =	vld.idx.msk [tilespmem:v26+s22+$0x0], $0xffff;
	v17 =	vmax.f32 v17, v21  }
0x44f: {  	v21 =	vld.idx.msk [tilespmem:v27+s22+$0x0], $0xffff;
	v17 =	vmax.f32 v17, v22  }
0x450: {  	v22 =	vld.idx.msk [tilespmem:v28+s22+$0x0], $0xffff;
	v17 =	vmax.f32 v17, v23  }
0x451: {  	v23 =	vld.idx.msk [tilespmem:v29+s22+$0x0], $0xffff;
	v17 =	vmax.f32 v17, v18  }
0x452: {  	v18 =	vld.idx.msk [tilespmem:v30+s22+$0x0], $0xffff;
	v17 =	vmax.f32 v17, v19  }
0x453: {  	v19 =	vld.idx.msk [tilespmem:v31+s22+$0x0], $0xffff;
	v17 =	vmax.f32 v17, v20  }
0x454: {  	v20 =	vld.idx.msk [tilespmem:v32+s22+$0x0], $0xffff;
	v17 =	vmax.f32 v17, v21  }
0x455: {  	s0 =	simm.s32 $0x1010;
	v17 =	vmax.f32 v17, v22  }
0x456: {  	v26 =	vor.u32 s0, v0;
	v17 =	vmax.f32 v17, v23  }
0x457: {  	v27 =	vadd.s32 s0, v2;
	v17 =	vmax.f32 v17, v18  }
0x458: {  	v28 =	vadd.s32 s0, v3;
	v17 =	vmax.f32 v17, v19  }
0x459: {  	v29 =	vadd.s32 s0, v4;
	v17 =	vmax.f32 v17, v20  }
0x45a: {  	v30 =	vadd.s32 s0, v5;
	[tilespmem:s29+$0x17000] =	vst v17  }
0x45b: {  	v31 =	vadd.s32 s0, v6;
	v21 =	vld.idx.msk [tilespmem:v26+s17+$0x0], $0xffff  }
0x45c: {  	v32 =	vadd.s32 s0, v7;
	v23 =	vld.idx.msk [tilespmem:v27+s17+$0x0], $0xffff  }
0x45d: {  	v22 =	vadd.s32 s0, v8;
	v24 =	vld.idx.msk [tilespmem:v28+s17+$0x0], $0xffff  }
0x45e: {  	v17 =	vadd.s32 s0, v9;
	v25 =	vld.idx.msk [tilespmem:v29+s17+$0x0], $0xffff  }
0x45f: {  	v18 =	vadd.s32 s0, v10;
	v33 =	vld.idx.msk [tilespmem:v30+s17+$0x0], $0xffff  }
0x460: {  	v19 =	vadd.s32 s0, v11;
	v59 =	vld.idx.msk [tilespmem:v31+s17+$0x0], $0xffff  }
0x461: {  	v20 =	vadd.s32 s0, v12;
	v60 =	vld.idx.msk [tilespmem:v32+s17+$0x0], $0xffff;
	v23 =	vmax.f32 v21, v23  }
0x462: {  	v61 =	vld.idx.msk [tilespmem:v22+s17+$0x0], $0xffff;
	v21 =	vadd.s32 s0, v13;
	v24 =	vmax.f32 v23, v24  }
0x463: {  	v62 =	vld.idx.msk [tilespmem:v17+s17+$0x0], $0xffff;
	v23 =	vadd.s32 s0, v14;
	v25 =	vmax.f32 v24, v25  }
0x464: {  	v63 =	vld.idx.msk [tilespmem:v18+s17+$0x0], $0xffff;
	v24 =	vadd.s32 s0, v15;
	v33 =	vmax.f32 v25, v33  }
0x465: {  	v42 =	vld.idx.msk [tilespmem:v19+s17+$0x0], $0xffff;
	v25 =	vadd.s32 s0, v16;
	v33 =	vmax.f32 v33, v59  }
0x466: {  	v43 =	vld.idx.msk [tilespmem:v20+s17+$0x0], $0xffff;
	v33 =	vmax.f32 v33, v60  }
0x467: {  	v44 =	vld.idx.msk [tilespmem:v21+s17+$0x0], $0xffff;
	v33 =	vmax.f32 v33, v61  }
0x468: {  	v45 =	vld.idx.msk [tilespmem:v23+s17+$0x0], $0xffff;
	v33 =	vmax.f32 v33, v62  }
0x469: {  	v46 =	vld.idx.msk [tilespmem:v24+s17+$0x0], $0xffff;
	v33 =	vmax.f32 v33, v63  }
0x46a: {  	v47 =	vld.idx.msk [tilespmem:v25+s17+$0x0], $0xffff;
	v33 =	vmax.f32 v33, v42  }
0x46b: {  	v33 =	vmax.f32 v33, v43  }
0x46c: {  	v33 =	vmax.f32 v33, v44  }
0x46d: {  	v33 =	vmax.f32 v33, v45  }
0x46e: {  	v33 =	vmax.f32 v33, v46  }
0x46f: {  	v33 =	vmax.f32 v33, v47  }
0x470: {  	[tilespmem:s29+$0x17100] =	vst v33  }
0x471: {  	v33 =	vld.idx.msk [tilespmem:v26+s18+$0x0], $0xffff  }
0x472: {  	v48 =	vld.idx.msk [tilespmem:v27+s18+$0x0], $0xffff  }
0x473: {  	v49 =	vld.idx.msk [tilespmem:v28+s18+$0x0], $0xffff  }
0x474: {  	v50 =	vld.idx.msk [tilespmem:v29+s18+$0x0], $0xffff  }
0x475: {  	v51 =	vld.idx.msk [tilespmem:v30+s18+$0x0], $0xffff  }
0x476: {  	v52 =	vld.idx.msk [tilespmem:v31+s18+$0x0], $0xffff  }
0x477: {  	v53 =	vld.idx.msk [tilespmem:v32+s18+$0x0], $0xffff;
	v33 =	vmax.f32 v33, v48  }
0x478: {  	v54 =	vld.idx.msk [tilespmem:v22+s18+$0x0], $0xffff;
	v33 =	vmax.f32 v33, v49  }
0x479: {  	v55 =	vld.idx.msk [tilespmem:v17+s18+$0x0], $0xffff;
	v33 =	vmax.f32 v33, v50  }
0x47a: {  	v56 =	vld.idx.msk [tilespmem:v18+s18+$0x0], $0xffff;
	v33 =	vmax.f32 v33, v51  }
0x47b: {  	v57 =	vld.idx.msk [tilespmem:v19+s18+$0x0], $0xffff;
	v33 =	vmax.f32 v33, v52  }
0x47c: {  	v58 =	vld.idx.msk [tilespmem:v20+s18+$0x0], $0xffff;
	v33 =	vmax.f32 v33, v53  }
0x47d: {  	v59 =	vld.idx.msk [tilespmem:v21+s18+$0x0], $0xffff;
	v33 =	vmax.f32 v33, v54  }
0x47e: {  	v60 =	vld.idx.msk [tilespmem:v23+s18+$0x0], $0xffff;
	v33 =	vmax.f32 v33, v55  }
0x47f: {  	v61 =	vld.idx.msk [tilespmem:v24+s18+$0x0], $0xffff;
	v33 =	vmax.f32 v33, v56  }
0x480: {  	v62 =	vld.idx.msk [tilespmem:v25+s18+$0x0], $0xffff;
	v33 =	vmax.f32 v33, v57  }
0x481: {  	v33 =	vmax.f32 v33, v58  }
0x482: {  	v33 =	vmax.f32 v33, v59  }
0x483: {  	v33 =	vmax.f32 v33, v60  }
0x484: {  	v33 =	vmax.f32 v33, v61  }
0x485: {  	v33 =	vmax.f32 v33, v62  }
0x486: {  	[tilespmem:s29+$0x17200] =	vst v33  }
0x487: {  	v33 =	vld.idx.msk [tilespmem:v26+s19+$0x0], $0xffff  }
0x488: {  	v63 =	vld.idx.msk [tilespmem:v27+s19+$0x0], $0xffff  }
0x489: {  	v42 =	vld.idx.msk [tilespmem:v28+s19+$0x0], $0xffff  }
0x48a: {  	v43 =	vld.idx.msk [tilespmem:v29+s19+$0x0], $0xffff  }
0x48b: {  	v44 =	vld.idx.msk [tilespmem:v30+s19+$0x0], $0xffff  }
0x48c: {  	v45 =	vld.idx.msk [tilespmem:v31+s19+$0x0], $0xffff  }
0x48d: {  	v46 =	vld.idx.msk [tilespmem:v32+s19+$0x0], $0xffff;
	v33 =	vmax.f32 v33, v63  }
0x48e: {  	v47 =	vld.idx.msk [tilespmem:v22+s19+$0x0], $0xffff;
	v33 =	vmax.f32 v33, v42  }
0x48f: {  	v48 =	vld.idx.msk [tilespmem:v17+s19+$0x0], $0xffff;
	v33 =	vmax.f32 v33, v43  }
0x490: {  	v49 =	vld.idx.msk [tilespmem:v18+s19+$0x0], $0xffff;
	v33 =	vmax.f32 v33, v44  }
0x491: {  	v50 =	vld.idx.msk [tilespmem:v19+s19+$0x0], $0xffff;
	v33 =	vmax.f32 v33, v45  }
0x492: {  	v51 =	vld.idx.msk [tilespmem:v20+s19+$0x0], $0xffff;
	v33 =	vmax.f32 v33, v46  }
0x493: {  	v52 =	vld.idx.msk [tilespmem:v21+s19+$0x0], $0xffff;
	v33 =	vmax.f32 v33, v47  }
0x494: {  	v53 =	vld.idx.msk [tilespmem:v23+s19+$0x0], $0xffff;
	v33 =	vmax.f32 v33, v48  }
0x495: {  	v54 =	vld.idx.msk [tilespmem:v24+s19+$0x0], $0xffff;
	v33 =	vmax.f32 v33, v49  }
0x496: {  	v55 =	vld.idx.msk [tilespmem:v25+s19+$0x0], $0xffff;
	v33 =	vmax.f32 v33, v50  }
0x497: {  	v33 =	vmax.f32 v33, v51  }
0x498: {  	v33 =	vmax.f32 v33, v52  }
0x499: {  	v33 =	vmax.f32 v33, v53  }
0x49a: {  	v33 =	vmax.f32 v33, v54  }
0x49b: {  	v33 =	vmax.f32 v33, v55  }
0x49c: {  	[tilespmem:s29+$0x17300] =	vst v33  }
0x49d: {  	v33 =	vld.idx.msk [tilespmem:v26+s20+$0x0], $0xffff  }
0x49e: {  	v56 =	vld.idx.msk [tilespmem:v27+s20+$0x0], $0xffff  }
0x49f: {  	v57 =	vld.idx.msk [tilespmem:v28+s20+$0x0], $0xffff  }
0x4a0: {  	v58 =	vld.idx.msk [tilespmem:v29+s20+$0x0], $0xffff  }
0x4a1: {  	v59 =	vld.idx.msk [tilespmem:v30+s20+$0x0], $0xffff  }
0x4a2: {  	v60 =	vld.idx.msk [tilespmem:v31+s20+$0x0], $0xffff  }
0x4a3: {  	v61 =	vld.idx.msk [tilespmem:v32+s20+$0x0], $0xffff;
	v33 =	vmax.f32 v33, v56  }
0x4a4: {  	v62 =	vld.idx.msk [tilespmem:v22+s20+$0x0], $0xffff;
	v33 =	vmax.f32 v33, v57  }
0x4a5: {  	v63 =	vld.idx.msk [tilespmem:v17+s20+$0x0], $0xffff;
	v33 =	vmax.f32 v33, v58  }
0x4a6: {  	v42 =	vld.idx.msk [tilespmem:v18+s20+$0x0], $0xffff;
	v33 =	vmax.f32 v33, v59  }
0x4a7: {  	v43 =	vld.idx.msk [tilespmem:v19+s20+$0x0], $0xffff;
	v33 =	vmax.f32 v33, v60  }
0x4a8: {  	v44 =	vld.idx.msk [tilespmem:v20+s20+$0x0], $0xffff;
	v33 =	vmax.f32 v33, v61  }
0x4a9: {  	v45 =	vld.idx.msk [tilespmem:v21+s20+$0x0], $0xffff;
	v33 =	vmax.f32 v33, v62  }
0x4aa: {  	v46 =	vld.idx.msk [tilespmem:v23+s20+$0x0], $0xffff;
	v33 =	vmax.f32 v33, v63  }
0x4ab: {  	v47 =	vld.idx.msk [tilespmem:v24+s20+$0x0], $0xffff;
	v33 =	vmax.f32 v33, v42  }
0x4ac: {  	v48 =	vld.idx.msk [tilespmem:v25+s20+$0x0], $0xffff;
	v33 =	vmax.f32 v33, v43  }
0x4ad: {  	v33 =	vmax.f32 v33, v44  }
0x4ae: {  	v33 =	vmax.f32 v33, v45  }
0x4af: {  	v33 =	vmax.f32 v33, v46  }
0x4b0: {  	v33 =	vmax.f32 v33, v47  }
0x4b1: {  	v33 =	vmax.f32 v33, v48  }
0x4b2: {  	[tilespmem:s29+$0x17400] =	vst v33  }
0x4b3: {  	v33 =	vld.idx.msk [tilespmem:v26+s21+$0x0], $0xffff  }
0x4b4: {  	v49 =	vld.idx.msk [tilespmem:v27+s21+$0x0], $0xffff  }
0x4b5: {  	v50 =	vld.idx.msk [tilespmem:v28+s21+$0x0], $0xffff  }
0x4b6: {  	v51 =	vld.idx.msk [tilespmem:v29+s21+$0x0], $0xffff  }
0x4b7: {  	v52 =	vld.idx.msk [tilespmem:v30+s21+$0x0], $0xffff  }
0x4b8: {  	v53 =	vld.idx.msk [tilespmem:v31+s21+$0x0], $0xffff  }
0x4b9: {  	v54 =	vld.idx.msk [tilespmem:v32+s21+$0x0], $0xffff;
	v33 =	vmax.f32 v33, v49  }
0x4ba: {  	v55 =	vld.idx.msk [tilespmem:v22+s21+$0x0], $0xffff;
	v33 =	vmax.f32 v33, v50  }
0x4bb: {  	v56 =	vld.idx.msk [tilespmem:v17+s21+$0x0], $0xffff;
	v33 =	vmax.f32 v33, v51  }
0x4bc: {  	v57 =	vld.idx.msk [tilespmem:v18+s21+$0x0], $0xffff;
	v33 =	vmax.f32 v33, v52  }
0x4bd: {  	v58 =	vld.idx.msk [tilespmem:v19+s21+$0x0], $0xffff;
	v33 =	vmax.f32 v33, v53  }
0x4be: {  	v59 =	vld.idx.msk [tilespmem:v20+s21+$0x0], $0xffff;
	v33 =	vmax.f32 v33, v54  }
0x4bf: {  	v60 =	vld.idx.msk [tilespmem:v21+s21+$0x0], $0xffff;
	v33 =	vmax.f32 v33, v55  }
0x4c0: {  	v61 =	vld.idx.msk [tilespmem:v23+s21+$0x0], $0xffff;
	v33 =	vmax.f32 v33, v56  }
0x4c1: {  	v62 =	vld.idx.msk [tilespmem:v24+s21+$0x0], $0xffff;
	v33 =	vmax.f32 v33, v57  }
0x4c2: {  	v63 =	vld.idx.msk [tilespmem:v25+s21+$0x0], $0xffff;
	v33 =	vmax.f32 v33, v58  }
0x4c3: {  	v33 =	vmax.f32 v33, v59  }
0x4c4: {  	v33 =	vmax.f32 v33, v60  }
0x4c5: {  	v33 =	vmax.f32 v33, v61  }
0x4c6: {  	v33 =	vmax.f32 v33, v62  }
0x4c7: {  	v33 =	vmax.f32 v33, v63  }
0x4c8: {  	[tilespmem:s29+$0x17500] =	vst v33  }
0x4c9: {  	v34 =	vld.idx.msk [tilespmem:v26+s22+$0x0], $0xffff  }
0x4ca: {  	v35 =	vld.idx.msk [tilespmem:v27+s22+$0x0], $0xffff  }
0x4cb: {  	v33 =	vld.idx.msk [tilespmem:v28+s22+$0x0], $0xffff  }
0x4cc: {  	v29 =	vld.idx.msk [tilespmem:v29+s22+$0x0], $0xffff  }
0x4cd: {  	v28 =	vld.idx.msk [tilespmem:v30+s22+$0x0], $0xffff  }
0x4ce: {  	v27 =	vld.idx.msk [tilespmem:v31+s22+$0x0], $0xffff  }
0x4cf: {  	s30 =	simm.s32 $0x10;
	v26 =	vld.idx.msk [tilespmem:v32+s22+$0x0], $0xffff  }
.LBB2_10:
0x4d0: {  	p0 =	sne.s32 s30, $0xF0  }
0x4d1: {  	v30 =	vmax.f32 v34, v35;
	v22 =	vld.idx.msk [tilespmem:v22+s22+$0x0], $0xffff;
	s28 =	sadd.s32 $0x10, s28;
	s1 =	smov.u32 s30;
	s30 =	sadd.s32 $0x10, s30  }
0x4d2: {  	v30 =	vmax.f32 v30, v33;
	v17 =	vld.idx.msk [tilespmem:v17+s22+$0x0], $0xffff  }
0x4d3: {  	v29 =	vmax.f32 v30, v29;
	v18 =	vld.idx.msk [tilespmem:v18+s22+$0x0], $0xffff  }
0x4d4: {  	v28 =	vmax.f32 v29, v28;
	v19 =	vld.idx.msk [tilespmem:v19+s22+$0x0], $0xffff  }
0x4d5: {  	v27 =	vmax.f32 v28, v27;
	v20 =	vld.idx.msk [tilespmem:v20+s22+$0x0], $0xffff  }
0x4d6: {  	v26 =	vmax.f32 v27, v26;
	v21 =	vld.idx.msk [tilespmem:v21+s22+$0x0], $0xffff  }
0x4d7: {  	v22 =	vmax.f32 v26, v22;
	v23 =	vld.idx.msk [tilespmem:v23+s22+$0x0], $0xffff  }
0x4d8: {  	v17 =	vmax.f32 v22, v17;
	v22 =	vld.idx.msk [tilespmem:v24+s22+$0x0], $0xffff  }
0x4d9: {  	v17 =	vmax.f32 v17, v18;
	v24 =	vld.idx.msk [tilespmem:v25+s22+$0x0], $0xffff  }
0x4da: {  	v17 =	vmax.f32 v17, v19  }
0x4db: {  	v19 =	vmax.f32 v17, v20  }
0x4dc: {  	v18 =	vadd.s32 s1, v2;
	v17 =	vor.u32 s1, v0;
	v19 =	vmax.f32 v19, v21  }
0x4dd: {  	v20 =	vmax.f32 v19, v23  }
0x4de: {  	v19 =	vadd.s32 s1, v3;
	v21 =	vmax.f32 v20, v22  }
0x4df: {  	v20 =	vadd.s32 s1, v4;
	v22 =	vmax.f32 v21, v24  }
0x4e0: {  	v21 =	vadd.s32 s1, v5;
	[tilespmem:s29+$0x17600] =	vst v22  }
0x4e1: {  	v22 =	vadd.s32 s1, v6;
	v29 =	vld.idx.msk [tilespmem:v18+s17+$0x0], $0xffff  }
0x4e2: {  	v23 =	vadd.s32 s1, v7;
	v30 =	vld.idx.msk [tilespmem:v17+s17+$0x0], $0xffff  }
0x4e3: {  	v31 =	vld.idx.msk [tilespmem:v19+s17+$0x0], $0xffff  }
0x4e4: {  	v25 =	vadd.s32 s1, v8;
	v32 =	vld.idx.msk [tilespmem:v20+s17+$0x0], $0xffff  }
0x4e5: {  	v26 =	vadd.s32 s1, v9;
	v33 =	vld.idx.msk [tilespmem:v21+s17+$0x0], $0xffff  }
0x4e6: {  	v27 =	vadd.s32 s1, v10;
	v34 =	vld.idx.msk [tilespmem:v22+s17+$0x0], $0xffff  }
0x4e7: {  	v28 =	vadd.s32 s1, v11;
	v35 =	vld.idx.msk [tilespmem:v23+s17+$0x0], $0xffff  }
0x4e8: {  	v24 =	vadd.s32 s1, v12  }
0x4e9: {  	v36 =	vld.idx.msk [tilespmem:v25+s17+$0x0], $0xffff  }
0x4ea: {  	v30 =	vmax.f32 v30, v29;
	v29 =	vadd.s32 s1, v13;
	v37 =	vld.idx.msk [tilespmem:v26+s17+$0x0], $0xffff  }
0x4eb: {  	v31 =	vmax.f32 v30, v31;
	v30 =	vadd.s32 s1, v14;
	v38 =	vld.idx.msk [tilespmem:v27+s17+$0x0], $0xffff  }
0x4ec: {  	v32 =	vmax.f32 v31, v32;
	v31 =	vadd.s32 s1, v15;
	v39 =	vld.idx.msk [tilespmem:v28+s17+$0x0], $0xffff  }
0x4ed: {  	v33 =	vmax.f32 v32, v33;
	v32 =	vadd.s32 s1, v16;
	v40 =	vld.idx.msk [tilespmem:v24+s17+$0x0], $0xffff  }
0x4ee: {  	v33 =	vmax.f32 v33, v34  }
0x4ef: {  	v33 =	vmax.f32 v33, v35;
	v34 =	vld.idx.msk [tilespmem:v29+s17+$0x0], $0xffff  }
0x4f0: {  	v33 =	vmax.f32 v33, v36;
	v35 =	vld.idx.msk [tilespmem:v30+s17+$0x0], $0xffff  }
0x4f1: {  	v33 =	vmax.f32 v33, v37;
	v36 =	vld.idx.msk [tilespmem:v31+s17+$0x0], $0xffff  }
0x4f2: {  	v33 =	vmax.f32 v33, v38;
	v37 =	vld.idx.msk [tilespmem:v32+s17+$0x0], $0xffff  }
0x4f3: {  	v33 =	vmax.f32 v33, v39  }
0x4f4: {  	v33 =	vmax.f32 v33, v40  }
0x4f5: {  	v33 =	vmax.f32 v33, v34  }
0x4f6: {  	v33 =	vmax.f32 v33, v35  }
0x4f7: {  	v33 =	vmax.f32 v33, v36  }
0x4f8: {  	v33 =	vmax.f32 v33, v37  }
0x4f9: {  	[tilespmem:s28+$0x0] =	vst v33  }
0x4fa: {  	v33 =	vld.idx.msk [tilespmem:v17+s18+$0x0], $0xffff;
	_ =	sdelay $0x1  }
0x4fb: {  	v34 =	vld.idx.msk [tilespmem:v18+s18+$0x0], $0xffff  }
0x4fc: {  	v35 =	vld.idx.msk [tilespmem:v19+s18+$0x0], $0xffff  }
0x4fd: {  	v36 =	vld.idx.msk [tilespmem:v20+s18+$0x0], $0xffff  }
0x4fe: {  	v37 =	vld.idx.msk [tilespmem:v21+s18+$0x0], $0xffff  }
0x4ff: {  	v38 =	vld.idx.msk [tilespmem:v22+s18+$0x0], $0xffff  }
0x500: {  	v39 =	vld.idx.msk [tilespmem:v23+s18+$0x0], $0xffff  }
0x501: {  	v33 =	vmax.f32 v33, v34;
	v34 =	vld.idx.msk [tilespmem:v25+s18+$0x0], $0xffff  }
0x502: {  	v33 =	vmax.f32 v33, v35;
	v35 =	vld.idx.msk [tilespmem:v26+s18+$0x0], $0xffff  }
0x503: {  	v33 =	vmax.f32 v33, v36;
	v36 =	vld.idx.msk [tilespmem:v27+s18+$0x0], $0xffff  }
0x504: {  	v33 =	vmax.f32 v33, v37;
	v37 =	vld.idx.msk [tilespmem:v28+s18+$0x0], $0xffff  }
0x505: {  	v33 =	vmax.f32 v33, v38;
	v38 =	vld.idx.msk [tilespmem:v24+s18+$0x0], $0xffff  }
0x506: {  	v33 =	vmax.f32 v33, v39;
	v39 =	vld.idx.msk [tilespmem:v29+s18+$0x0], $0xffff  }
0x507: {  	v33 =	vmax.f32 v33, v34;
	v34 =	vld.idx.msk [tilespmem:v30+s18+$0x0], $0xffff  }
0x508: {  	v33 =	vmax.f32 v33, v35;
	v35 =	vld.idx.msk [tilespmem:v31+s18+$0x0], $0xffff  }
0x509: {  	v33 =	vmax.f32 v33, v36;
	v36 =	vld.idx.msk [tilespmem:v32+s18+$0x0], $0xffff  }
0x50a: {  	v33 =	vmax.f32 v33, v37  }
0x50b: {  	v33 =	vmax.f32 v33, v38  }
0x50c: {  	v33 =	vmax.f32 v33, v39  }
0x50d: {  	v33 =	vmax.f32 v33, v34  }
0x50e: {  	v33 =	vmax.f32 v33, v35  }
0x50f: {  	s29 =	sand.u32 $0xF0, s1;
	v33 =	vmax.f32 v33, v36  }
0x510: {  	[tilespmem:s29+$0x16C00] =	vst v33  }
0x511: {  	v33 =	vld.idx.msk [tilespmem:v17+s19+$0x0], $0xffff  }
0x512: {  	v34 =	vld.idx.msk [tilespmem:v18+s19+$0x0], $0xffff  }
0x513: {  	v35 =	vld.idx.msk [tilespmem:v19+s19+$0x0], $0xffff  }
0x514: {  	v36 =	vld.idx.msk [tilespmem:v20+s19+$0x0], $0xffff  }
0x515: {  	v37 =	vld.idx.msk [tilespmem:v21+s19+$0x0], $0xffff  }
0x516: {  	v38 =	vld.idx.msk [tilespmem:v22+s19+$0x0], $0xffff  }
0x517: {  	v39 =	vld.idx.msk [tilespmem:v23+s19+$0x0], $0xffff  }
0x518: {  	v33 =	vmax.f32 v33, v34;
	v34 =	vld.idx.msk [tilespmem:v25+s19+$0x0], $0xffff  }
0x519: {  	v33 =	vmax.f32 v33, v35;
	v35 =	vld.idx.msk [tilespmem:v26+s19+$0x0], $0xffff  }
0x51a: {  	v33 =	vmax.f32 v33, v36;
	v36 =	vld.idx.msk [tilespmem:v27+s19+$0x0], $0xffff  }
0x51b: {  	v33 =	vmax.f32 v33, v37;
	v37 =	vld.idx.msk [tilespmem:v28+s19+$0x0], $0xffff  }
0x51c: {  	v33 =	vmax.f32 v33, v38;
	v38 =	vld.idx.msk [tilespmem:v24+s19+$0x0], $0xffff  }
0x51d: {  	v33 =	vmax.f32 v33, v39;
	v39 =	vld.idx.msk [tilespmem:v29+s19+$0x0], $0xffff  }
0x51e: {  	v33 =	vmax.f32 v33, v34;
	v34 =	vld.idx.msk [tilespmem:v30+s19+$0x0], $0xffff  }
0x51f: {  	v33 =	vmax.f32 v33, v35;
	v35 =	vld.idx.msk [tilespmem:v31+s19+$0x0], $0xffff  }
0x520: {  	v33 =	vmax.f32 v33, v36;
	v36 =	vld.idx.msk [tilespmem:v32+s19+$0x0], $0xffff  }
0x521: {  	v33 =	vmax.f32 v33, v37  }
0x522: {  	v33 =	vmax.f32 v33, v38  }
0x523: {  	v33 =	vmax.f32 v33, v39  }
0x524: {  	v33 =	vmax.f32 v33, v34  }
0x525: {  	v33 =	vmax.f32 v33, v35  }
0x526: {  	v33 =	vmax.f32 v33, v36  }
0x527: {  	[tilespmem:s29+$0x16D00] =	vst v33  }
0x528: {  	v33 =	vld.idx.msk [tilespmem:v17+s20+$0x0], $0xffff  }
0x529: {  	v34 =	vld.idx.msk [tilespmem:v18+s20+$0x0], $0xffff  }
0x52a: {  	v35 =	vld.idx.msk [tilespmem:v19+s20+$0x0], $0xffff  }
0x52b: {  	v36 =	vld.idx.msk [tilespmem:v20+s20+$0x0], $0xffff  }
0x52c: {  	v37 =	vld.idx.msk [tilespmem:v21+s20+$0x0], $0xffff  }
0x52d: {  	v38 =	vld.idx.msk [tilespmem:v22+s20+$0x0], $0xffff  }
0x52e: {  	v39 =	vld.idx.msk [tilespmem:v23+s20+$0x0], $0xffff  }
0x52f: {  	v33 =	vmax.f32 v33, v34;
	v34 =	vld.idx.msk [tilespmem:v25+s20+$0x0], $0xffff  }
0x530: {  	v33 =	vmax.f32 v33, v35;
	v35 =	vld.idx.msk [tilespmem:v26+s20+$0x0], $0xffff  }
0x531: {  	v33 =	vmax.f32 v33, v36;
	v36 =	vld.idx.msk [tilespmem:v27+s20+$0x0], $0xffff  }
0x532: {  	v33 =	vmax.f32 v33, v37;
	v37 =	vld.idx.msk [tilespmem:v28+s20+$0x0], $0xffff  }
0x533: {  	v33 =	vmax.f32 v33, v38;
	v38 =	vld.idx.msk [tilespmem:v24+s20+$0x0], $0xffff  }
0x534: {  	v33 =	vmax.f32 v33, v39;
	v39 =	vld.idx.msk [tilespmem:v29+s20+$0x0], $0xffff  }
0x535: {  	v33 =	vmax.f32 v33, v34;
	v34 =	vld.idx.msk [tilespmem:v30+s20+$0x0], $0xffff  }
0x536: {  	v33 =	vmax.f32 v33, v35;
	v35 =	vld.idx.msk [tilespmem:v31+s20+$0x0], $0xffff  }
0x537: {  	v33 =	vmax.f32 v33, v36;
	v36 =	vld.idx.msk [tilespmem:v32+s20+$0x0], $0xffff  }
0x538: {  	v33 =	vmax.f32 v33, v37  }
0x539: {  	v33 =	vmax.f32 v33, v38  }
0x53a: {  	v33 =	vmax.f32 v33, v39  }
0x53b: {  	v33 =	vmax.f32 v33, v34  }
0x53c: {  	v33 =	vmax.f32 v33, v35  }
0x53d: {  	v33 =	vmax.f32 v33, v36  }
0x53e: {  	[tilespmem:s29+$0x16E00] =	vst v33  }
0x53f: {  	v33 =	vld.idx.msk [tilespmem:v18+s21+$0x0], $0xffff  }
0x540: {  	v34 =	vld.idx.msk [tilespmem:v17+s21+$0x0], $0xffff  }
0x541: {  	v35 =	vld.idx.msk [tilespmem:v19+s21+$0x0], $0xffff  }
0x542: {  	v36 =	vld.idx.msk [tilespmem:v20+s21+$0x0], $0xffff  }
0x543: {  	v37 =	vld.idx.msk [tilespmem:v21+s21+$0x0], $0xffff  }
0x544: {  	v38 =	vld.idx.msk [tilespmem:v22+s21+$0x0], $0xffff  }
0x545: {  	v39 =	vld.idx.msk [tilespmem:v23+s21+$0x0], $0xffff  }
0x546: {  	v33 =	vmax.f32 v34, v33;
	v34 =	vld.idx.msk [tilespmem:v25+s21+$0x0], $0xffff  }
0x547: {  	v33 =	vmax.f32 v33, v35;
	v35 =	vld.idx.msk [tilespmem:v26+s21+$0x0], $0xffff  }
0x548: {  	v33 =	vmax.f32 v33, v36;
	v36 =	vld.idx.msk [tilespmem:v27+s21+$0x0], $0xffff  }
0x549: {  	v33 =	vmax.f32 v33, v37;
	v37 =	vld.idx.msk [tilespmem:v28+s21+$0x0], $0xffff  }
0x54a: {  	v33 =	vmax.f32 v33, v38;
	v38 =	vld.idx.msk [tilespmem:v24+s21+$0x0], $0xffff  }
0x54b: {  	v33 =	vmax.f32 v33, v39;
	v39 =	vld.idx.msk [tilespmem:v29+s21+$0x0], $0xffff  }
0x54c: {  	v33 =	vmax.f32 v33, v34;
	v34 =	vld.idx.msk [tilespmem:v30+s21+$0x0], $0xffff  }
0x54d: {  	v33 =	vmax.f32 v33, v35;
	v35 =	vld.idx.msk [tilespmem:v31+s21+$0x0], $0xffff  }
0x54e: {  	v33 =	vmax.f32 v33, v36;
	v36 =	vld.idx.msk [tilespmem:v32+s21+$0x0], $0xffff  }
0x54f: {  	v33 =	vmax.f32 v33, v37  }
0x550: {  	v33 =	vmax.f32 v33, v38  }
0x551: {  	v33 =	vmax.f32 v33, v39  }
0x552: {  	v33 =	vmax.f32 v33, v34  }
0x553: {  	v33 =	vmax.f32 v33, v35  }
0x554: {  	v33 =	vmax.f32 v33, v36  }
0x555: {  	[tilespmem:s29+$0x16F00] =	vst v33  }
0x556: {  	v18 =	vld.idx.msk [tilespmem:v18+s22+$0x0], $0xffff  }
0x557: {  	v17 =	vld.idx.msk [tilespmem:v17+s22+$0x0], $0xffff  }
0x558: {  	v19 =	vld.idx.msk [tilespmem:v19+s22+$0x0], $0xffff  }
0x559: {  	v20 =	vld.idx.msk [tilespmem:v20+s22+$0x0], $0xffff  }
0x55a: {  	v21 =	vld.idx.msk [tilespmem:v21+s22+$0x0], $0xffff  }
0x55b: {  	v22 =	vld.idx.msk [tilespmem:v22+s22+$0x0], $0xffff  }
0x55c: {  	v23 =	vld.idx.msk [tilespmem:v23+s22+$0x0], $0xffff  }
0x55d: {  	v17 =	vmax.f32 v17, v18;
	v18 =	vld.idx.msk [tilespmem:v25+s22+$0x0], $0xffff  }
0x55e: {  	v17 =	vmax.f32 v17, v19;
	v19 =	vld.idx.msk [tilespmem:v26+s22+$0x0], $0xffff  }
0x55f: {  	v17 =	vmax.f32 v17, v20;
	v20 =	vld.idx.msk [tilespmem:v27+s22+$0x0], $0xffff  }
0x560: {  	v17 =	vmax.f32 v17, v21;
	v21 =	vld.idx.msk [tilespmem:v28+s22+$0x0], $0xffff  }
0x561: {  	v17 =	vmax.f32 v17, v22;
	v22 =	vld.idx.msk [tilespmem:v24+s22+$0x0], $0xffff  }
0x562: {  	v17 =	vmax.f32 v17, v23;
	v23 =	vld.idx.msk [tilespmem:v29+s22+$0x0], $0xffff  }
0x563: {  	v17 =	vmax.f32 v17, v18;
	v18 =	vld.idx.msk [tilespmem:v30+s22+$0x0], $0xffff  }
0x564: {  	v17 =	vmax.f32 v17, v19;
	v19 =	vld.idx.msk [tilespmem:v31+s22+$0x0], $0xffff  }
0x565: {  	v17 =	vmax.f32 v17, v20;
	v20 =	vld.idx.msk [tilespmem:v32+s22+$0x0], $0xffff  }
0x566: {  	v17 =	vmax.f32 v17, v21  }
0x567: {  	s0 =	sadd.s32 $0x1010, s1;
	v17 =	vmax.f32 v17, v22  }
0x568: {  	v26 =	vor.u32 s0, v0;
	v17 =	vmax.f32 v17, v23  }
0x569: {  	v27 =	vadd.s32 s0, v2;
	v17 =	vmax.f32 v17, v18  }
0x56a: {  	v28 =	vadd.s32 s0, v3;
	v17 =	vmax.f32 v17, v19  }
0x56b: {  	v29 =	vadd.s32 s0, v4;
	v17 =	vmax.f32 v17, v20  }
0x56c: {  	v30 =	vadd.s32 s0, v5;
	[tilespmem:s29+$0x17000] =	vst v17  }
0x56d: {  	v31 =	vadd.s32 s0, v6;
	v21 =	vld.idx.msk [tilespmem:v26+s17+$0x0], $0xffff  }
0x56e: {  	v32 =	vadd.s32 s0, v7;
	v23 =	vld.idx.msk [tilespmem:v27+s17+$0x0], $0xffff  }
0x56f: {  	v22 =	vadd.s32 s0, v8;
	v24 =	vld.idx.msk [tilespmem:v28+s17+$0x0], $0xffff  }
0x570: {  	v17 =	vadd.s32 s0, v9;
	v25 =	vld.idx.msk [tilespmem:v29+s17+$0x0], $0xffff  }
0x571: {  	v18 =	vadd.s32 s0, v10;
	v33 =	vld.idx.msk [tilespmem:v30+s17+$0x0], $0xffff  }
0x572: {  	v19 =	vadd.s32 s0, v11;
	v34 =	vld.idx.msk [tilespmem:v31+s17+$0x0], $0xffff  }
0x573: {  	v20 =	vadd.s32 s0, v12;
	v35 =	vld.idx.msk [tilespmem:v32+s17+$0x0], $0xffff  }
0x574: {  	v23 =	vmax.f32 v21, v23;
	v21 =	vadd.s32 s0, v13;
	v36 =	vld.idx.msk [tilespmem:v22+s17+$0x0], $0xffff  }
0x575: {  	v24 =	vmax.f32 v23, v24;
	v23 =	vadd.s32 s0, v14;
	v37 =	vld.idx.msk [tilespmem:v17+s17+$0x0], $0xffff  }
0x576: {  	v25 =	vmax.f32 v24, v25;
	v24 =	vadd.s32 s0, v15;
	v38 =	vld.idx.msk [tilespmem:v18+s17+$0x0], $0xffff  }
0x577: {  	v33 =	vmax.f32 v25, v33;
	v25 =	vadd.s32 s0, v16;
	v39 =	vld.idx.msk [tilespmem:v19+s17+$0x0], $0xffff  }
0x578: {  	v33 =	vmax.f32 v33, v34;
	v34 =	vld.idx.msk [tilespmem:v20+s17+$0x0], $0xffff  }
0x579: {  	v33 =	vmax.f32 v33, v35;
	v35 =	vld.idx.msk [tilespmem:v21+s17+$0x0], $0xffff  }
0x57a: {  	v33 =	vmax.f32 v33, v36;
	v36 =	vld.idx.msk [tilespmem:v23+s17+$0x0], $0xffff  }
0x57b: {  	v33 =	vmax.f32 v33, v37;
	v37 =	vld.idx.msk [tilespmem:v24+s17+$0x0], $0xffff  }
0x57c: {  	v33 =	vmax.f32 v33, v38;
	v38 =	vld.idx.msk [tilespmem:v25+s17+$0x0], $0xffff  }
0x57d: {  	v33 =	vmax.f32 v33, v39  }
0x57e: {  	v33 =	vmax.f32 v33, v34  }
0x57f: {  	v33 =	vmax.f32 v33, v35  }
0x580: {  	v33 =	vmax.f32 v33, v36  }
0x581: {  	v33 =	vmax.f32 v33, v37  }
0x582: {  	v33 =	vmax.f32 v33, v38  }
0x583: {  	[tilespmem:s29+$0x17100] =	vst v33  }
0x584: {  	v33 =	vld.idx.msk [tilespmem:v26+s18+$0x0], $0xffff  }
0x585: {  	v34 =	vld.idx.msk [tilespmem:v27+s18+$0x0], $0xffff  }
0x586: {  	v35 =	vld.idx.msk [tilespmem:v28+s18+$0x0], $0xffff  }
0x587: {  	v36 =	vld.idx.msk [tilespmem:v29+s18+$0x0], $0xffff  }
0x588: {  	v37 =	vld.idx.msk [tilespmem:v30+s18+$0x0], $0xffff  }
0x589: {  	v38 =	vld.idx.msk [tilespmem:v31+s18+$0x0], $0xffff  }
0x58a: {  	v39 =	vld.idx.msk [tilespmem:v32+s18+$0x0], $0xffff  }
0x58b: {  	v33 =	vmax.f32 v33, v34;
	v34 =	vld.idx.msk [tilespmem:v22+s18+$0x0], $0xffff  }
0x58c: {  	v33 =	vmax.f32 v33, v35;
	v35 =	vld.idx.msk [tilespmem:v17+s18+$0x0], $0xffff  }
0x58d: {  	v33 =	vmax.f32 v33, v36;
	v36 =	vld.idx.msk [tilespmem:v18+s18+$0x0], $0xffff  }
0x58e: {  	v33 =	vmax.f32 v33, v37;
	v37 =	vld.idx.msk [tilespmem:v19+s18+$0x0], $0xffff  }
0x58f: {  	v33 =	vmax.f32 v33, v38;
	v38 =	vld.idx.msk [tilespmem:v20+s18+$0x0], $0xffff  }
0x590: {  	v33 =	vmax.f32 v33, v39;
	v39 =	vld.idx.msk [tilespmem:v21+s18+$0x0], $0xffff  }
0x591: {  	v33 =	vmax.f32 v33, v34;
	v34 =	vld.idx.msk [tilespmem:v23+s18+$0x0], $0xffff  }
0x592: {  	v33 =	vmax.f32 v33, v35;
	v35 =	vld.idx.msk [tilespmem:v24+s18+$0x0], $0xffff  }
0x593: {  	v33 =	vmax.f32 v33, v36;
	v36 =	vld.idx.msk [tilespmem:v25+s18+$0x0], $0xffff  }
0x594: {  	v33 =	vmax.f32 v33, v37  }
0x595: {  	v33 =	vmax.f32 v33, v38  }
0x596: {  	v33 =	vmax.f32 v33, v39  }
0x597: {  	v33 =	vmax.f32 v33, v34  }
0x598: {  	v33 =	vmax.f32 v33, v35  }
0x599: {  	v33 =	vmax.f32 v33, v36  }
0x59a: {  	[tilespmem:s29+$0x17200] =	vst v33  }
0x59b: {  	v33 =	vld.idx.msk [tilespmem:v26+s19+$0x0], $0xffff  }
0x59c: {  	v34 =	vld.idx.msk [tilespmem:v27+s19+$0x0], $0xffff  }
0x59d: {  	v35 =	vld.idx.msk [tilespmem:v28+s19+$0x0], $0xffff  }
0x59e: {  	v36 =	vld.idx.msk [tilespmem:v29+s19+$0x0], $0xffff  }
0x59f: {  	v37 =	vld.idx.msk [tilespmem:v30+s19+$0x0], $0xffff  }
0x5a0: {  	v38 =	vld.idx.msk [tilespmem:v31+s19+$0x0], $0xffff  }
0x5a1: {  	v39 =	vld.idx.msk [tilespmem:v32+s19+$0x0], $0xffff  }
0x5a2: {  	v33 =	vmax.f32 v33, v34;
	v34 =	vld.idx.msk [tilespmem:v22+s19+$0x0], $0xffff  }
0x5a3: {  	v33 =	vmax.f32 v33, v35;
	v35 =	vld.idx.msk [tilespmem:v17+s19+$0x0], $0xffff  }
0x5a4: {  	v33 =	vmax.f32 v33, v36;
	v36 =	vld.idx.msk [tilespmem:v18+s19+$0x0], $0xffff  }
0x5a5: {  	v33 =	vmax.f32 v33, v37;
	v37 =	vld.idx.msk [tilespmem:v19+s19+$0x0], $0xffff  }
0x5a6: {  	v33 =	vmax.f32 v33, v38;
	v38 =	vld.idx.msk [tilespmem:v20+s19+$0x0], $0xffff  }
0x5a7: {  	v33 =	vmax.f32 v33, v39;
	v39 =	vld.idx.msk [tilespmem:v21+s19+$0x0], $0xffff  }
0x5a8: {  	v33 =	vmax.f32 v33, v34;
	v34 =	vld.idx.msk [tilespmem:v23+s19+$0x0], $0xffff  }
0x5a9: {  	v33 =	vmax.f32 v33, v35;
	v35 =	vld.idx.msk [tilespmem:v24+s19+$0x0], $0xffff  }
0x5aa: {  	v33 =	vmax.f32 v33, v36;
	v36 =	vld.idx.msk [tilespmem:v25+s19+$0x0], $0xffff  }
0x5ab: {  	v33 =	vmax.f32 v33, v37  }
0x5ac: {  	v33 =	vmax.f32 v33, v38  }
0x5ad: {  	v33 =	vmax.f32 v33, v39  }
0x5ae: {  	v33 =	vmax.f32 v33, v34  }
0x5af: {  	v33 =	vmax.f32 v33, v35  }
0x5b0: {  	v33 =	vmax.f32 v33, v36  }
0x5b1: {  	[tilespmem:s29+$0x17300] =	vst v33  }
0x5b2: {  	v33 =	vld.idx.msk [tilespmem:v26+s20+$0x0], $0xffff  }
0x5b3: {  	v34 =	vld.idx.msk [tilespmem:v27+s20+$0x0], $0xffff  }
0x5b4: {  	v35 =	vld.idx.msk [tilespmem:v28+s20+$0x0], $0xffff  }
0x5b5: {  	v36 =	vld.idx.msk [tilespmem:v29+s20+$0x0], $0xffff  }
0x5b6: {  	v37 =	vld.idx.msk [tilespmem:v30+s20+$0x0], $0xffff  }
0x5b7: {  	v38 =	vld.idx.msk [tilespmem:v31+s20+$0x0], $0xffff  }
0x5b8: {  	v39 =	vld.idx.msk [tilespmem:v32+s20+$0x0], $0xffff  }
0x5b9: {  	v33 =	vmax.f32 v33, v34;
	v34 =	vld.idx.msk [tilespmem:v22+s20+$0x0], $0xffff  }
0x5ba: {  	v33 =	vmax.f32 v33, v35;
	v35 =	vld.idx.msk [tilespmem:v17+s20+$0x0], $0xffff  }
0x5bb: {  	v33 =	vmax.f32 v33, v36;
	v36 =	vld.idx.msk [tilespmem:v18+s20+$0x0], $0xffff  }
0x5bc: {  	v33 =	vmax.f32 v33, v37;
	v37 =	vld.idx.msk [tilespmem:v19+s20+$0x0], $0xffff  }
0x5bd: {  	v33 =	vmax.f32 v33, v38;
	v38 =	vld.idx.msk [tilespmem:v20+s20+$0x0], $0xffff  }
0x5be: {  	v33 =	vmax.f32 v33, v39;
	v39 =	vld.idx.msk [tilespmem:v21+s20+$0x0], $0xffff  }
0x5bf: {  	v33 =	vmax.f32 v33, v34;
	v34 =	vld.idx.msk [tilespmem:v23+s20+$0x0], $0xffff  }
0x5c0: {  	v33 =	vmax.f32 v33, v35;
	v35 =	vld.idx.msk [tilespmem:v24+s20+$0x0], $0xffff  }
0x5c1: {  	v33 =	vmax.f32 v33, v36;
	v36 =	vld.idx.msk [tilespmem:v25+s20+$0x0], $0xffff  }
0x5c2: {  	v33 =	vmax.f32 v33, v37  }
0x5c3: {  	v33 =	vmax.f32 v33, v38  }
0x5c4: {  	v33 =	vmax.f32 v33, v39  }
0x5c5: {  	v33 =	vmax.f32 v33, v34  }
0x5c6: {  	v33 =	vmax.f32 v33, v35  }
0x5c7: {  	v33 =	vmax.f32 v33, v36  }
0x5c8: {  	[tilespmem:s29+$0x17400] =	vst v33  }
0x5c9: {  	v33 =	vld.idx.msk [tilespmem:v26+s21+$0x0], $0xffff  }
0x5ca: {  	v34 =	vld.idx.msk [tilespmem:v27+s21+$0x0], $0xffff  }
0x5cb: {  	v35 =	vld.idx.msk [tilespmem:v28+s21+$0x0], $0xffff  }
0x5cc: {  	v36 =	vld.idx.msk [tilespmem:v29+s21+$0x0], $0xffff  }
0x5cd: {  	v37 =	vld.idx.msk [tilespmem:v30+s21+$0x0], $0xffff  }
0x5ce: {  	v38 =	vld.idx.msk [tilespmem:v31+s21+$0x0], $0xffff  }
0x5cf: {  	v39 =	vld.idx.msk [tilespmem:v32+s21+$0x0], $0xffff  }
0x5d0: {  	v33 =	vmax.f32 v33, v34;
	v34 =	vld.idx.msk [tilespmem:v22+s21+$0x0], $0xffff  }
0x5d1: {  	v33 =	vmax.f32 v33, v35;
	v35 =	vld.idx.msk [tilespmem:v17+s21+$0x0], $0xffff  }
0x5d2: {  	v33 =	vmax.f32 v33, v36;
	v36 =	vld.idx.msk [tilespmem:v18+s21+$0x0], $0xffff  }
0x5d3: {  	v33 =	vmax.f32 v33, v37;
	v37 =	vld.idx.msk [tilespmem:v19+s21+$0x0], $0xffff  }
0x5d4: {  	v33 =	vmax.f32 v33, v38;
	v38 =	vld.idx.msk [tilespmem:v20+s21+$0x0], $0xffff  }
0x5d5: {  	v33 =	vmax.f32 v33, v39;
	v39 =	vld.idx.msk [tilespmem:v21+s21+$0x0], $0xffff  }
0x5d6: {  	v33 =	vmax.f32 v33, v34;
	v34 =	vld.idx.msk [tilespmem:v23+s21+$0x0], $0xffff  }
0x5d7: {  	v33 =	vmax.f32 v33, v35;
	v35 =	vld.idx.msk [tilespmem:v24+s21+$0x0], $0xffff  }
0x5d8: {  	v33 =	vmax.f32 v33, v36;
	v36 =	vld.idx.msk [tilespmem:v25+s21+$0x0], $0xffff  }
0x5d9: {  	v33 =	vmax.f32 v33, v37  }
0x5da: {  	v33 =	vmax.f32 v33, v38  }
0x5db: {  	v33 =	vmax.f32 v33, v39  }
0x5dc: {  	v33 =	vmax.f32 v33, v34  }
0x5dd: {  	v33 =	vmax.f32 v33, v35  }
0x5de: {  	v33 =	vmax.f32 v33, v36  }
0x5df: {  	[tilespmem:s29+$0x17500] =	vst v33  }
0x5e0: {  	v34 =	vld.idx.msk [tilespmem:v26+s22+$0x0], $0xffff  }
0x5e1: {  	v35 =	vld.idx.msk [tilespmem:v27+s22+$0x0], $0xffff  }
.Ltmp4:
0x5e2: {  	v33 =	vld.idx.msk [tilespmem:v28+s22+$0x0], $0xffff;
	(pc) =	sbr.rel @p0 .LBB2_10-.Ltmp4, $4  }
0x5e3: {  	v29 =	vld.idx.msk [tilespmem:v29+s22+$0x0], $0xffff  }
0x5e4: {  	v28 =	vld.idx.msk [tilespmem:v30+s22+$0x0], $0xffff  }
0x5e5: {  	v27 =	vld.idx.msk [tilespmem:v31+s22+$0x0], $0xffff  }
0x5e6: {  	v26 =	vld.idx.msk [tilespmem:v32+s22+$0x0], $0xffff  }
0x5e7: {  	_ =	sdelay $0x2  }
0x5e8: {  	v16 =	vmax.f32 v34, v35  }
0x5e9: {  	v22 =	vld.idx.msk [tilespmem:v22+s22+$0x0], $0xffff;
	v16 =	vmax.f32 v16, v33  }
0x5ea: {  	v17 =	vld.idx.msk [tilespmem:v17+s22+$0x0], $0xffff;
	v16 =	vmax.f32 v16, v29  }
0x5eb: {  	v18 =	vld.idx.msk [tilespmem:v18+s22+$0x0], $0xffff;
	v16 =	vmax.f32 v16, v28  }
0x5ec: {  	v19 =	vld.idx.msk [tilespmem:v19+s22+$0x0], $0xffff;
	v16 =	vmax.f32 v16, v27  }
0x5ed: {  	v20 =	vld.idx.msk [tilespmem:v20+s22+$0x0], $0xffff;
	v16 =	vmax.f32 v16, v26  }
0x5ee: {  	v21 =	vld.idx.msk [tilespmem:v21+s22+$0x0], $0xffff;
	v16 =	vmax.f32 v16, v22  }
0x5ef: {  	v62 =	vld.idx.msk [tilespmem:v23+s22+$0x0], $0xffff;
	v16 =	vmax.f32 v16, v17  }
0x5f0: {  	v17 =	vld.idx.msk [tilespmem:v24+s22+$0x0], $0xffff;
	v16 =	vmax.f32 v16, v18  }
0x5f1: {  	v63 =	vld.idx.msk [tilespmem:v25+s22+$0x0], $0xffff;
	v16 =	vmax.f32 v16, v19  }
0x5f2: {  	v16 =	vmax.f32 v16, v20  }
0x5f3: {  	v16 =	vmax.f32 v16, v21  }
0x5f4: {  	v16 =	vmax.f32 v16, v62  }
0x5f5: {  	s26 =	sadd.s32 $0x1, s26;
	v16 =	vmax.f32 v16, v17  }
0x5f6: {  	p0 =	sne.s32 s26, s11;
	v16 =	vmax.f32 v16, v63  }
.Ltmp5:
0x5f7: {  	[tilespmem:s29+$0x17600] =	vst v16;
	(pc) =	sbr.rel @p0 .LBB2_1-.Ltmp5, $4  }
0x5f8: {  	[hbm4b:s10+s3] =	stream.linear.scatter [tilespmem:s24], [sflag:$0x3], $0xC00, $0x38;
	[tilespmem:$0x17700] =	vst v63  }
0x5f9: {  	_ =	swait.ge [sflag:s25], $0xC00  }
0x5fa: {  	[sflag:s25] =	ssyncset.done $0x0  }
0x5fb: {  	[sflag:s25] =	ssyncadd.s32 $0xFFFFF400  }
0x5fc: {  	_ =	sfence.sel $0x180000  }
0x5fd: {  	[bflag:$0x0] =	sbarrier.arrive $0xFFFF  }
0x5fe: {  	_ =	strace $0x90000047  }
0x5ff: {  	s0 =	stileid.u32;
	[bflag:$0x2] =	sbarrier.arrive $0xFFFF  }
0x600: {  	p0 =	sne.s32 s0, $0x0;
	s0 =	rddreg [dreg:$0x2]  }
0x601: {  	s0 =	sadd.s32 @!p0 $0x100000, s0  }
0x602: {  	[sflag:s0] =	ssyncadd.tile.s32 @!p0 $0x1;
	_ =	shalt  }
.Lfunc_end2:
_tile_overlayer_lowered:
.L_overlay_start_2:
0x603: {  	(tag) =	ssettag $0x2  }
0x604: {  	s0 =	rddreg [dreg:$0x0];
	s2 =	stileid.u32  }
0x605: {  	s1 =	rddreg [dreg:$0x1];
	p0 =	sne.s32 s2, $0x0  }
0x606: {  	s3 =	rddreg [dreg:$0x2];
	[bflag:$0x3] =	sbarrier.arrive $0xFFFF;
	s2 =	simm.s32 @!p0 $0x1C03  }
0x607: {  	[timem:s3], [sflag:s2] =	dma.local @!p0 [hbm:s0], s1  }
0x608: {  	s0 =	simm.s32 @!p0 $0x3  }
0x609: {  	_ =	swait.ge @!p0 [sflag:s0], s1  }
0x60a: {  	s1 =	ssub.s32 @!p0 $0x0, s1;
	[sflag:s0] =	ssyncset.done @!p0 $0x0  }
0x60b: {  	[sflag:s0] =	ssyncadd.s32 @!p0 s1  }
0x60c: {  	[bflag:$0x3] =	sbarrier.arrive $0xFFFF  }
0x60d: {  	_ =	shalt  }

</sc_bundles>
